<compile_context>
chip_gen: v7x
topology: tpu7x:2x2x1
jax: 0.10.2.dev20260603
libtpu: 0.0.44.dev20260713+nightly
codegen_flags: <defaults>
</compile_context>

<pallas_src>
import functools

import jax
import jax.numpy as jnp
from jax.experimental import pallas as pl
from jax.experimental.pallas import tpu as pltpu
from jax.experimental.pallas import tpu_sc as plsc

_NS = 16
_K = 80
_G = 64



def _pad_nodes(N):
    return ((N + 8 * _NS - 1) // (8 * _NS)) * (8 * _NS)


_P = 5


@functools.partial(jax.jit, static_argnums=(2, 3, 4, 5))
def _sc_agg(x, ei_flat, N, E, D, with_deg=False):
    per_tile = E // _NS
    n_chunks = per_tile // _K
    NP = _pad_nodes(N)
    NPd = ((N + 16 * _NS - 1) // (16 * _NS)) * (16 * _NS)
    striped = NPd // _NS
    stripe = NP // _NS
    mesh = plsc.VectorSubcoreMesh(core_axis_name="c", subcore_axis_name="s")

    cpp = n_chunks // _P

    _NB = 3
    main_iters = (cpp - _NB) // _NB

    out_type = [jax.ShapeDtypeStruct((2 * NP, D), jnp.float32)]
    scratch = [
        pltpu.VMEM((cpp, _K), jnp.int32),
        pltpu.VMEM((cpp, _K), jnp.int32),
        pltpu.VMEM((_K, D), jnp.float32),
        pltpu.VMEM((_K, D), jnp.float32),
        pltpu.VMEM((_K, D), jnp.float32),
        pltpu.VMEM_SHARED((NP, D), jnp.float32),
    ]
    if with_deg:
        out_type.append(jax.ShapeDtypeStruct((2 * NPd,), jnp.float32))
        scratch.append(pltpu.VMEM((_K,), jnp.float32))
        scratch.append(pltpu.VMEM_SHARED((NPd,), jnp.float32))
    scratch += [pltpu.SemaphoreType.DMA] * _NB

    @functools.partial(pl.kernel, mesh=mesh, scratch_types=scratch,
                       out_type=tuple(out_type) if with_deg else out_type[0])
    def body(*refs):
        if with_deg:
            (x_hbm, ei_hbm, z_hbm, z1_hbm, ones_hbm, out_hbm, dout_hbm,
             gidx, sidx, rows0, rows1, rows2, acc, ones_v, dacc,
             sem0, sem1, sem2) = refs
        else:
            (x_hbm, ei_hbm, z_hbm, out_hbm, gidx, sidx, rows0, rows1, rows2,
             acc, sem0, sem1, sem2) = refs
        c = jax.lax.axis_index("c")
        s = jax.lax.axis_index("s")
        pltpu.sync_copy(z_hbm.at[pl.ds(s * stripe, stripe)],
                        acc.at[pl.ds(s * stripe, stripe)])
        if with_deg:
            pltpu.sync_copy(z1_hbm.at[pl.ds(s * striped, striped)],
                            dacc.at[pl.ds(s * striped, striped)])
            pltpu.sync_copy(ones_hbm, ones_v)
        plsc.subcore_barrier()

        rows = (rows0, rows1, rows2)
        sems = (sem0, sem1, sem2)

        def chunk_step(i, b):
            pltpu.make_async_copy(x_hbm.at[gidx.at[i]], rows[b],
                                  sems[b]).wait()
            pltpu.sync_copy(rows[b], acc.at[sidx.at[i]], add=True)
            if with_deg:
                pltpu.sync_copy(ones_v, dacc.at[sidx.at[i]], add=True)

        for ph in range(_P):
            grow = (c * _NS + s) * _P + ph
            srow = ((1 - c) * _NS + s) * _P + ph
            pltpu.sync_copy(ei_hbm.at[grow], gidx)
            pltpu.sync_copy(ei_hbm.at[srow], sidx)
            for b in range(_NB):
                pltpu.async_copy(x_hbm.at[gidx.at[b]], rows[b], sems[b])

            def step(j, carry):
                for b in range(_NB):
                    i = _NB * j + b
                    chunk_step(i, b)
                    pltpu.async_copy(x_hbm.at[gidx.at[i + _NB]], rows[b],
                                     sems[b])
                return carry

            jax.lax.fori_loop(0, main_iters, step, 0)
            for i in range(_NB * main_iters, cpp):
                b = i % _NB
                chunk_step(i, b)
                if i + _NB < cpp:
                    pltpu.async_copy(x_hbm.at[gidx.at[i + _NB]], rows[b],
                                     sems[b])

        plsc.subcore_barrier()
        pltpu.sync_copy(acc.at[pl.ds(s * stripe, stripe)],
                        out_hbm.at[pl.ds(c * NP + s * stripe, stripe)])
        if with_deg:
            pltpu.sync_copy(dacc.at[pl.ds(s * striped, striped)],
                            dout_hbm.at[pl.ds(c * NPd + s * striped, striped)])

    zeros = jnp.zeros((NP, D), jnp.float32)
    ei_r = ei_flat.reshape(2 * _NS * _P, cpp, _K)
    if with_deg:
        return body(x, ei_r, zeros, jnp.zeros((NPd,), jnp.float32),
                    jnp.ones((_K,), jnp.float32))
    return body(x, ei_r, zeros)



def _tc_layer_body(x_ref, aggd_ref, aggs_ref, cntd_ref, cnts_ref,
                   ws_ref, wd_ref, wt_ref, bs_ref, bd_ref, bt_ref, o_ref):
    dn = (((1,), (1,)), ((), ()))
    hi = jax.lax.Precision.HIGHEST
    x = x_ref[...]
    md = aggd_ref[...] / jnp.maximum(cntd_ref[...], 1.0)
    ms = aggs_ref[...] / jnp.maximum(cnts_ref[...], 1.0)
    acc = jax.lax.dot_general(x, ws_ref[...], dn, precision=hi,
                              preferred_element_type=jnp.float32)
    acc = acc + 0.5 * jax.lax.dot_general(md, wd_ref[...], dn, precision=hi,
                                          preferred_element_type=jnp.float32)
    acc = acc + 0.5 * jax.lax.dot_general(ms, wt_ref[...], dn, precision=hi,
                                          preferred_element_type=jnp.float32)
    acc = acc + bs_ref[...] + 0.5 * bd_ref[...] + 0.5 * bt_ref[...]
    o_ref[...] = jnp.maximum(acc, 0.0)


def _tc_layer(x, aggd, aggs, cntd, cnts, Wself, bself, Wstd, bstd, Wdts, bdts):
    N, D = x.shape
    H = Wself.shape[0]
    BR = 1000
    grid = (N // BR,)
    full = lambda shp: pl.BlockSpec(shp, lambda i: (0, 0))
    return pl.pallas_call(
        _tc_layer_body,
        grid=grid,
        in_specs=[
            pl.BlockSpec((BR, D), lambda i: (i, 0)),
            pl.BlockSpec((BR, D), lambda i: (i, 0)),
            pl.BlockSpec((BR, D), lambda i: (i, 0)),
            pl.BlockSpec((BR, 1), lambda i: (i, 0)),
            pl.BlockSpec((BR, 1), lambda i: (i, 0)),
            full((H, D)), full((H, D)), full((H, D)),
            full((1, H)), full((1, H)), full((1, H)),
        ],
        out_specs=pl.BlockSpec((BR, H), lambda i: (i, 0)),
        out_shape=jax.ShapeDtypeStruct((N, H), jnp.float32),
    )(x, aggd, aggs, cntd, cnts, Wself, Wstd, Wdts,
      bself.reshape(1, H), bstd.reshape(1, H), bdts.reshape(1, H))


def _tc_layer3_head_body(x_ref, aggd_ref, aggs_ref, cntd_ref, cnts_ref,
                         ws_ref, wd_ref, wt_ref, bs_ref, bd_ref, bt_ref,
                         b_ref, w1_ref, b1_ref, w2_ref, b2_ref,
                         o_ref, pool_ref):
    i = pl.program_id(0)

    @pl.when(i == 0)
    def _():
        pool_ref[...] = jnp.full(pool_ref.shape, -jnp.inf, jnp.float32)

    dn = (((1,), (1,)), ((), ()))
    hi = jax.lax.Precision.HIGHEST
    x = x_ref[...]
    md = aggd_ref[...] / jnp.maximum(cntd_ref[...], 1.0)
    ms = aggs_ref[...] / jnp.maximum(cnts_ref[...], 1.0)
    acc = jax.lax.dot_general(x, ws_ref[...], dn, precision=hi,
                              preferred_element_type=jnp.float32)
    acc = acc + 0.5 * jax.lax.dot_general(md, wd_ref[...], dn, precision=hi,
                                          preferred_element_type=jnp.float32)
    acc = acc + 0.5 * jax.lax.dot_general(ms, wt_ref[...], dn, precision=hi,
                                          preferred_element_type=jnp.float32)
    acc = acc + bs_ref[...] + 0.5 * bd_ref[...] + 0.5 * bt_ref[...]
    h = jnp.maximum(acc, 0.0)

    bids = b_ref[...]

    def upd(g, carry):
        m = bids == g
        v = jnp.max(jnp.where(m, h, -jnp.inf), axis=0, keepdims=True)
        pool_ref[pl.ds(g, 1), :] = jnp.maximum(pool_ref[pl.ds(g, 1), :], v)
        return carry

    jax.lax.fori_loop(0, _G, upd, 0)

    @pl.when(i == pl.num_programs(0) - 1)
    def _():
        t = jax.lax.dot_general(pool_ref[...], w1_ref[...], dn,
                                precision=jax.lax.Precision.HIGHEST,
                                preferred_element_type=jnp.float32) + b1_ref[...]
        t = jnp.maximum(t, 0.0)
        p = t * w2_ref[...]
        o_ref[...] = jnp.sum(p, axis=1, keepdims=True) + b2_ref[0, 0]


def _tc_layer3_head(x, aggd, aggs, cntd, cnts, Wself, bself, Wstd, bstd,
                    Wdts, bdts, batch, W1, b1, W2, b2):
    N, D = x.shape
    H = Wself.shape[0]
    BR = 1000
    grid = (N // BR,)
    batch2 = batch.reshape(N, 1)
    full = lambda shp: pl.BlockSpec(shp, lambda i: tuple(0 for _ in shp))
    return pl.pallas_call(
        _tc_layer3_head_body,
        grid=grid,
        in_specs=[
            pl.BlockSpec((BR, D), lambda i: (i, 0)),
            pl.BlockSpec((BR, D), lambda i: (i, 0)),
            pl.BlockSpec((BR, D), lambda i: (i, 0)),
            pl.BlockSpec((BR, 1), lambda i: (i, 0)),
            pl.BlockSpec((BR, 1), lambda i: (i, 0)),
            full((H, D)), full((H, D)), full((H, D)),
            full((1, H)), full((1, H)), full((1, H)),
            pl.BlockSpec((BR, 1), lambda i: (i, 0)),
            full(W1.shape), full((1, W1.shape[0])),
            full(W2.shape), full((1, 1)),
        ],
        out_specs=pl.BlockSpec((_G, 1), lambda i: (0, 0)),
        out_shape=jax.ShapeDtypeStruct((_G, 1), jnp.float32),
        scratch_shapes=[pltpu.VMEM((_G, H), jnp.float32)],
    )(x, aggd, aggs, cntd, cnts, Wself, Wstd, Wdts,
      bself.reshape(1, H), bstd.reshape(1, H), bdts.reshape(1, H),
      batch2, W1, b1.reshape(1, -1), W2, b2.reshape(1, 1))



def kernel(x, edge_index, batch,
           W_self1, b_self1, W_std1, b_std1, W_dts1, b_dts1,
           W_self2, b_self2, W_std2, b_std2, W_dts2, b_dts2,
           W_self3, b_self3, W_std3, b_std3, W_dts3, b_dts3,
           W_lin1, b_lin1, W_lin2, b_lin2):
    N, D = x.shape
    E = edge_index.shape[1]
    ei_flat = edge_index.reshape(-1)

    NP = _pad_nodes(N)
    NPd = ((N + 16 * _NS - 1) // (16 * _NS)) * (16 * _NS)

    agg_flat, cnt_flat = _sc_agg(x, ei_flat, N, E, D, True)
    cntd = cnt_flat[:N].reshape(N, 1)
    cnts = cnt_flat[NPd:NPd + N].reshape(N, 1)
    aggd, aggs = agg_flat[:N], agg_flat[NP:NP + N]
    h = _tc_layer(x, aggd, aggs, cntd, cnts, W_self1, b_self1, W_std1, b_std1,
                  W_dts1, b_dts1)

    agg_flat = _sc_agg(h, ei_flat, N, E, D)
    aggd, aggs = agg_flat[:N], agg_flat[NP:NP + N]
    h = _tc_layer(h, aggd, aggs, cntd, cnts, W_self2, b_self2, W_std2, b_std2,
                  W_dts2, b_dts2)

    agg_flat = _sc_agg(h, ei_flat, N, E, D)
    aggd, aggs = agg_flat[:N], agg_flat[NP:NP + N]
    return _tc_layer3_head(h, aggd, aggs, cntd, cnts, W_self3, b_self3,
                           W_std3, b_std3, W_dts3, b_dts3,
                           batch, W_lin1, b_lin1, W_lin2, b_lin2)

# --- scband reference (transcript-rebuilt; emitter-appended) ---
"""Pipeline reference for scband-gnnhomo-83382495084843 (READ-ONLY COPY).

The authoritative reference and input builder live on the scoring server;
editing this copy changes nothing except your own understanding.
"""

import jax, jax.numpy as jnp
import numpy as np

N = 10000
E = 320000
D = 128
H = 128
G = 64


def _lin(x, W, b):
    return x @ W.T + b


def _sage_mean(x, src_idx, dst_idx, num_nodes):
    # PyG SAGEConv mean aggregation: gather messages from src, scatter-mean onto dst
    msg = jnp.take(x, src_idx, axis=0)
    agg = jax.ops.segment_sum(msg, dst_idx, num_segments=num_nodes)
    cnt = jax.ops.segment_sum(jnp.ones((src_idx.shape[0],), jnp.float32), dst_idx, num_segments=num_nodes)
    return agg / jnp.maximum(cnt, 1.0)[:, None]


def _dir_sage(x, ei, Wself, bself, Wstd, bstd, Wdts, bdts, alpha=0.5):
    # DirSageConv: lin_self(x) + (1-alpha)*SAGE(src->dst) + alpha*SAGE(dst->src)
    h_self = _lin(x, Wself, bself)
    # flow='source_to_target': message x[src] aggregated at dst
    h_std = _lin(_sage_mean(x, ei[0], ei[1], x.shape[0]), Wstd, bstd)
    # flow='target_to_source': message x[dst] aggregated at src
    h_dts = _lin(_sage_mean(x, ei[1], ei[0], x.shape[0]), Wdts, bdts)
    return h_self + (1.0 - alpha) * h_std + alpha * h_dts


def setup_inputs(seed: int = 0):
    key = jax.random.key(seed)
    ks = jax.random.split(key, 32)
    inp = {}
    inp["x"] = jax.random.normal(ks[0], (N, D), jnp.float32)
    inp["edge_index"] = jax.random.randint(ks[1], (2, E), 0, N, dtype=jnp.int32)
    inp["batch"] = jnp.sort(jax.random.randint(ks[2], (N,), 0, G, dtype=jnp.int32))
    dims = [(D, H), (H, H), (H, H)]
    k = 3
    for li, (din, dout) in enumerate(dims, start=1):
        for pname in ["self", "std", "dts"]:
            inp["W_%s%d" % (pname, li)] = jax.random.normal(ks[k], (dout, din), jnp.float32) * 0.05
            k += 1
            inp["b_%s%d" % (pname, li)] = jax.random.normal(ks[k], (dout,), jnp.float32) * 0.05
            k += 1
    inp["W_lin1"] = jax.random.normal(ks[k], (5, H), jnp.float32) * 0.05; k += 1
    inp["b_lin1"] = jax.random.normal(ks[k], (5,), jnp.float32) * 0.05; k += 1
    inp["W_lin2"] = jax.random.normal(ks[k], (1, 5), jnp.float32) * 0.05; k += 1
    inp["b_lin2"] = jax.random.normal(ks[k], (1,), jnp.float32) * 0.05
    return inp


def reference(x, edge_index, batch,
              W_self1, b_self1, W_std1, b_std1, W_dts1, b_dts1,
              W_self2, b_self2, W_std2, b_std2, W_dts2, b_dts2,
              W_self3, b_self3, W_std3, b_std3, W_dts3, b_dts3,
              W_lin1, b_lin1, W_lin2, b_lin2):
    h = jax.nn.relu(_dir_sage(x, edge_index, W_self1, b_self1, W_std1, b_std1, W_dts1, b_dts1))
    h = jax.nn.relu(_dir_sage(h, edge_index, W_self2, b_self2, W_std2, b_std2, W_dts2, b_dts2))
    h = jax.nn.relu(_dir_sage(h, edge_index, W_self3, b_self3, W_std3, b_std3, W_dts3, b_dts3))
    pooled = jax.ops.segment_max(h, batch, num_segments=G)
    out = jax.nn.relu(_lin(pooled, W_lin1, b_lin1))
    out = _lin(out, W_lin2, b_lin2)
    return out

if __name__ == "__main__":
    import jax
    _d = setup_inputs()
    print(jax.jit(kernel)(*tuple(_d.values())))

</pallas_src>

<mosaic_0001>
#map = affine_map<(d0, d1) -> (0, 0)>
#map1 = affine_map<(d0, d1) -> (0, 0, 0)>
#map2 = affine_map<(d0, d1) -> (0)>
module attributes {stable_mosaic.version = 14 : i64} {
  func.func @body(%arg0: i32, %arg1: i32, %arg2: memref<10000x128xf32, #tpu.memory_space<hbm>>, %arg3: memref<160x50x80xi32, #tpu.memory_space<hbm>>, %arg4: memref<10112x128xf32, #tpu.memory_space<hbm>>, %arg5: memref<10240xf32, #tpu.memory_space<hbm>>, %arg6: memref<80xf32, #tpu.memory_space<hbm>>, %arg7: memref<20224x128xf32, #tpu.memory_space<hbm>>, %arg8: memref<20480xf32, #tpu.memory_space<hbm>>, %arg9: memref<50x80xi32, #tpu.memory_space<vmem>>, %arg10: memref<50x80xi32, #tpu.memory_space<vmem>>, %arg11: memref<80x128xf32, #tpu.memory_space<vmem>>, %arg12: memref<80x128xf32, #tpu.memory_space<vmem>>, %arg13: memref<80x128xf32, #tpu.memory_space<vmem>>, %arg14: memref<10112x128xf32, #tpu.memory_space<vmem_shared>>, %arg15: memref<80xf32, #tpu.memory_space<vmem>>, %arg16: memref<10240xf32, #tpu.memory_space<vmem_shared>>, %arg17: memref<!tpu.dma_semaphore, #tpu.memory_space<semaphore_mem>>, %arg18: memref<!tpu.dma_semaphore, #tpu.memory_space<semaphore_mem>>, %arg19: memref<!tpu.dma_semaphore, #tpu.memory_space<semaphore_mem>>) attributes {dimension_semantics = [#tpu.dimension_semantics<core_parallel>, #tpu.dimension_semantics<subcore_parallel>], iteration_bounds = array<i64: 2, 16>, scalar_prefetch = 0 : i64, scratch_operands = 11 : i64, tpu.core_type = #tpu.core_type<sc_vector_subcore>, window_params = [{transform_indices = #map}, {transform_indices = #map1}, {transform_indices = #map}, {transform_indices = #map2}, {transform_indices = #map2}, {transform_indices = #map}, {transform_indices = #map2}]} {
    %mul3A = arith.constant 632 : i32
    %mul3A_0 = arith.muli %arg1, %mul3A : i32
    %mul3A_1 = arith.constant 632 : i32
    %mul3A_2 = arith.muli %arg1, %mul3A_1 : i32
    "tpu.region"() ({
      %run_scoped3A_526 = tpu.sem_alloc : memref<!tpu.dma_semaphore, #tpu.memory_space<semaphore_mem>>
      %dma_start3A_527 = arith.constant 0 : i32
      %dma_start3A_528 = tpu.memref_slice %arg14[%mul3A_2, %dma_start3A_527] : memref<10112x128xf32, #tpu.memory_space<vmem_shared>> -> memref<632x128xf32, #tpu.memory_space<vmem_shared>>
      %dma_start3A_529 = arith.constant 0 : i32
      %dma_start3A_530 = tpu.memref_slice %arg4[%mul3A_0, %dma_start3A_529] : memref<10112x128xf32, #tpu.memory_space<hbm>> -> memref<632x128xf32, #tpu.memory_space<hbm>>
      tpu.enqueue_dma source(%dma_start3A_530 : memref<632x128xf32, #tpu.memory_space<hbm>>) target(%dma_start3A_528 : memref<632x128xf32, #tpu.memory_space<vmem_shared>>) target_semaphore(%run_scoped3A_526 : memref<!tpu.dma_semaphore, #tpu.memory_space<semaphore_mem>>)
      %dma_wait3A_531 = arith.constant 0 : i32
      %dma_wait3A_532 = tpu.memref_slice %arg14[%mul3A_2, %dma_wait3A_531] : memref<10112x128xf32, #tpu.memory_space<vmem_shared>> -> memref<632x128xf32, #tpu.memory_space<vmem_shared>>
      %dma_wait3A_533 = arith.constant 0 : i32
      %dma_wait3A_534 = tpu.memref_slice %arg4[%mul3A_0, %dma_wait3A_533] : memref<10112x128xf32, #tpu.memory_space<hbm>> -> memref<632x128xf32, #tpu.memory_space<hbm>>
      tpu.wait_dma2 semaphore(%run_scoped3A_526 : memref<!tpu.dma_semaphore, #tpu.memory_space<semaphore_mem>>) src(%dma_wait3A_534 : memref<632x128xf32, #tpu.memory_space<hbm>>) dst(%dma_wait3A_532 : memref<632x128xf32, #tpu.memory_space<vmem_shared>>)
      tpu.yield
    }) : () -> ()
    %mul3A_3 = arith.constant 640 : i32
    %mul3A_4 = arith.muli %arg1, %mul3A_3 : i32
    %mul3A_5 = arith.constant 640 : i32
    %mul3A_6 = arith.muli %arg1, %mul3A_5 : i32
    "tpu.region"() ({
      %run_scoped3A_526 = tpu.sem_alloc : memref<!tpu.dma_semaphore, #tpu.memory_space<semaphore_mem>>
      %dma_start3A_527 = tpu.memref_slice %arg16[%mul3A_6] : memref<10240xf32, #tpu.memory_space<vmem_shared>> -> memref<640xf32, #tpu.memory_space<vmem_shared>>
      %dma_start3A_528 = tpu.memref_slice %arg5[%mul3A_4] : memref<10240xf32, #tpu.memory_space<hbm>> -> memref<640xf32, #tpu.memory_space<hbm>>
      tpu.enqueue_dma source(%dma_start3A_528 : memref<640xf32, #tpu.memory_space<hbm>>) target(%dma_start3A_527 : memref<640xf32, #tpu.memory_space<vmem_shared>>) target_semaphore(%run_scoped3A_526 : memref<!tpu.dma_semaphore, #tpu.memory_space<semaphore_mem>>)
      %dma_wait3A_529 = tpu.memref_slice %arg16[%mul3A_6] : memref<10240xf32, #tpu.memory_space<vmem_shared>> -> memref<640xf32, #tpu.memory_space<vmem_shared>>
      %dma_wait3A_530 = tpu.memref_slice %arg5[%mul3A_4] : memref<10240xf32, #tpu.memory_space<hbm>> -> memref<640xf32, #tpu.memory_space<hbm>>
      tpu.wait_dma2 semaphore(%run_scoped3A_526 : memref<!tpu.dma_semaphore, #tpu.memory_space<semaphore_mem>>) src(%dma_wait3A_530 : memref<640xf32, #tpu.memory_space<hbm>>) dst(%dma_wait3A_529 : memref<640xf32, #tpu.memory_space<vmem_shared>>)
      tpu.yield
    }) : () -> ()
    "tpu.region"() ({
      %run_scoped3A_526 = tpu.sem_alloc : memref<!tpu.dma_semaphore, #tpu.memory_space<semaphore_mem>>
      tpu.enqueue_dma source(%arg6 : memref<80xf32, #tpu.memory_space<hbm>>) target(%arg15 : memref<80xf32, #tpu.memory_space<vmem>>) target_semaphore(%run_scoped3A_526 : memref<!tpu.dma_semaphore, #tpu.memory_space<semaphore_mem>>)
      tpu.wait_dma2 semaphore(%run_scoped3A_526 : memref<!tpu.dma_semaphore, #tpu.memory_space<semaphore_mem>>) src(%arg6 : memref<80xf32, #tpu.memory_space<hbm>>) dst(%arg15 : memref<80xf32, #tpu.memory_space<vmem>>)
      tpu.yield
    }) : () -> ()
    %barrier3A = arith.constant 0 : index
    tpu.barrier barrier_id(%barrier3A)
    %mul3A_7 = arith.constant 16 : i32
    %mul3A_8 = arith.muli %arg0, %mul3A_7 : i32
    %add3A = arith.addi %mul3A_8, %arg1 : i32
    %mul3A_9 = arith.constant 5 : i32
    %mul3A_10 = arith.muli %add3A, %mul3A_9 : i32
    %add3A_11 = arith.constant 0 : i32
    %add3A_12 = arith.addi %mul3A_10, %add3A_11 : i32
    %sub3A = arith.constant 1 : i32
    %sub3A_13 = arith.subi %sub3A, %arg0 : i32
    %mul3A_14 = arith.constant 16 : i32
    %mul3A_15 = arith.muli %sub3A_13, %mul3A_14 : i32
    %add3A_16 = arith.addi %mul3A_15, %arg1 : i32
    %mul3A_17 = arith.constant 5 : i32
    %mul3A_18 = arith.muli %add3A_16, %mul3A_17 : i32
    %add3A_19 = arith.constant 0 : i32
    %add3A_20 = arith.addi %mul3A_18, %add3A_19 : i32
    "tpu.region"() ({
      %run_scoped3A_526 = tpu.sem_alloc : memref<!tpu.dma_semaphore, #tpu.memory_space<semaphore_mem>>
      %dma_start3A_527 = arith.constant 0 : i32
      %dma_start3A_528 = arith.constant 0 : i32
      %dma_start3A_529 = tpu.memref_slice %arg3[%add3A_12, %dma_start3A_527, %dma_start3A_528] : memref<160x50x80xi32, #tpu.memory_space<hbm>> -> memref<1x50x80xi32, #tpu.memory_space<hbm>>
      %dma_start3A_530 = tpu.memref_squeeze %dma_start3A_529 : memref<1x50x80xi32, #tpu.memory_space<hbm>> -> memref<50x80xi32, #tpu.memory_space<hbm>>
      %dma_start3A_531 = arith.constant 0 : i32
      %dma_start3A_532 = arith.constant 0 : i32
      %dma_start3A_533 = tpu.memref_slice %arg3[%add3A_12, %dma_start3A_531, %dma_start3A_532] : memref<160x50x80xi32, #tpu.memory_space<hbm>> -> memref<1x50x80xi32, #tpu.memory_space<hbm>>
      %dma_start3A_534 = tpu.memref_squeeze %dma_start3A_533 : memref<1x50x80xi32, #tpu.memory_space<hbm>> -> memref<50x80xi32, #tpu.memory_space<hbm>>
      tpu.enqueue_dma source(%dma_start3A_534 : memref<50x80xi32, #tpu.memory_space<hbm>>) target(%arg9 : memref<50x80xi32, #tpu.memory_space<vmem>>) target_semaphore(%run_scoped3A_526 : memref<!tpu.dma_semaphore, #tpu.memory_space<semaphore_mem>>)
      %dma_wait3A_535 = arith.constant 0 : i32
      %dma_wait3A_536 = arith.constant 0 : i32
      %dma_wait3A_537 = tpu.memref_slice %arg3[%add3A_12, %dma_wait3A_535, %dma_wait3A_536] : memref<160x50x80xi32, #tpu.memory_space<hbm>> -> memref<1x50x80xi32, #tpu.memory_space<hbm>>
      %dma_wait3A_538 = tpu.memref_squeeze %dma_wait3A_537 : memref<1x50x80xi32, #tpu.memory_space<hbm>> -> memref<50x80xi32, #tpu.memory_space<hbm>>
      %dma_wait3A_539 = arith.constant 0 : i32
      %dma_wait3A_540 = arith.constant 0 : i32
      %dma_wait3A_541 = tpu.memref_slice %arg3[%add3A_12, %dma_wait3A_539, %dma_wait3A_540] : memref<160x50x80xi32, #tpu.memory_space<hbm>> -> memref<1x50x80xi32, #tpu.memory_space<hbm>>
      %dma_wait3A_542 = tpu.memref_squeeze %dma_wait3A_541 : memref<1x50x80xi32, #tpu.memory_space<hbm>> -> memref<50x80xi32, #tpu.memory_space<hbm>>
      tpu.wait_dma2 semaphore(%run_scoped3A_526 : memref<!tpu.dma_semaphore, #tpu.memory_space<semaphore_mem>>) src(%dma_wait3A_542 : memref<50x80xi32, #tpu.memory_space<hbm>>) dst(%arg9 : memref<50x80xi32, #tpu.memory_space<vmem>>)
      tpu.yield
    }) : () -> ()
    "tpu.region"() ({
      %run_scoped3A_526 = tpu.sem_alloc : memref<!tpu.dma_semaphore, #tpu.memory_space<semaphore_mem>>
      %dma_start3A_527 = arith.constant 0 : i32
      %dma_start3A_528 = arith.constant 0 : i32
      %dma_start3A_529 = tpu.memref_slice %arg3[%add3A_20, %dma_start3A_527, %dma_start3A_528] : memref<160x50x80xi32, #tpu.memory_space<hbm>> -> memref<1x50x80xi32, #tpu.memory_space<hbm>>
      %dma_start3A_530 = tpu.memref_squeeze %dma_start3A_529 : memref<1x50x80xi32, #tpu.memory_space<hbm>> -> memref<50x80xi32, #tpu.memory_space<hbm>>
      %dma_start3A_531 = arith.constant 0 : i32
      %dma_start3A_532 = arith.constant 0 : i32
      %dma_start3A_533 = tpu.memref_slice %arg3[%add3A_20, %dma_start3A_531, %dma_start3A_532] : memref<160x50x80xi32, #tpu.memory_space<hbm>> -> memref<1x50x80xi32, #tpu.memory_space<hbm>>
      %dma_start3A_534 = tpu.memref_squeeze %dma_start3A_533 : memref<1x50x80xi32, #tpu.memory_space<hbm>> -> memref<50x80xi32, #tpu.memory_space<hbm>>
      tpu.enqueue_dma source(%dma_start3A_534 : memref<50x80xi32, #tpu.memory_space<hbm>>) target(%arg10 : memref<50x80xi32, #tpu.memory_space<vmem>>) target_semaphore(%run_scoped3A_526 : memref<!tpu.dma_semaphore, #tpu.memory_space<semaphore_mem>>)
      %dma_wait3A_535 = arith.constant 0 : i32
      %dma_wait3A_536 = arith.constant 0 : i32
      %dma_wait3A_537 = tpu.memref_slice %arg3[%add3A_20, %dma_wait3A_535, %dma_wait3A_536] : memref<160x50x80xi32, #tpu.memory_space<hbm>> -> memref<1x50x80xi32, #tpu.memory_space<hbm>>
      %dma_wait3A_538 = tpu.memref_squeeze %dma_wait3A_537 : memref<1x50x80xi32, #tpu.memory_space<hbm>> -> memref<50x80xi32, #tpu.memory_space<hbm>>
      %dma_wait3A_539 = arith.constant 0 : i32
      %dma_wait3A_540 = arith.constant 0 : i32
      %dma_wait3A_541 = tpu.memref_slice %arg3[%add3A_20, %dma_wait3A_539, %dma_wait3A_540] : memref<160x50x80xi32, #tpu.memory_space<hbm>> -> memref<1x50x80xi32, #tpu.memory_space<hbm>>
      %dma_wait3A_542 = tpu.memref_squeeze %dma_wait3A_541 : memref<1x50x80xi32, #tpu.memory_space<hbm>> -> memref<50x80xi32, #tpu.memory_space<hbm>>
      tpu.wait_dma2 semaphore(%run_scoped3A_526 : memref<!tpu.dma_semaphore, #tpu.memory_space<semaphore_mem>>) src(%dma_wait3A_542 : memref<50x80xi32, #tpu.memory_space<hbm>>) dst(%arg10 : memref<50x80xi32, #tpu.memory_space<vmem>>)
      tpu.yield
    }) : () -> ()
    %dma_start3A = arith.constant 0 : i32
    %dma_start3A_21 = arith.constant 0 : i32
    %dma_start3A_22 = tpu.memref_slice %arg9[%dma_start3A, %dma_start3A_21] : memref<50x80xi32, #tpu.memory_space<vmem>> -> memref<1x80xi32, #tpu.memory_space<vmem>>
    %dma_start3A_23 = tpu.memref_squeeze %dma_start3A_22 : memref<1x80xi32, #tpu.memory_space<vmem>> -> memref<80xi32, #tpu.memory_space<vmem>>
    %dma_start3A_24 = arith.constant 0 : i32
    %dma_start3A_25 = arith.constant 0 : i32
    %dma_start3A_26 = tpu.memref_slice %arg2[%dma_start3A_24, %dma_start3A_25] : memref<10000x128xf32, #tpu.memory_space<hbm>> -> memref<10000x128xf32, #tpu.memory_space<hbm>>
    tpu.enqueue_indirect_dma source(%dma_start3A_26 : memref<10000x128xf32, #tpu.memory_space<hbm>>) target(%arg11 : memref<80x128xf32, #tpu.memory_space<vmem>>) offsets(%dma_start3A_23 : memref<80xi32, #tpu.memory_space<vmem>>) semaphore(%arg17 : memref<!tpu.dma_semaphore, #tpu.memory_space<semaphore_mem>>)
    %dma_start3A_27 = arith.constant 1 : i32
    %dma_start3A_28 = arith.constant 0 : i32
    %dma_start3A_29 = tpu.memref_slice %arg9[%dma_start3A_27, %dma_start3A_28] : memref<50x80xi32, #tpu.memory_space<vmem>> -> memref<1x80xi32, #tpu.memory_space<vmem>>
    %dma_start3A_30 = tpu.memref_squeeze %dma_start3A_29 : memref<1x80xi32, #tpu.memory_space<vmem>> -> memref<80xi32, #tpu.memory_space<vmem>>
    %dma_start3A_31 = arith.constant 0 : i32
    %dma_start3A_32 = arith.constant 0 : i32
    %dma_start3A_33 = tpu.memref_slice %arg2[%dma_start3A_31, %dma_start3A_32] : memref<10000x128xf32, #tpu.memory_space<hbm>> -> memref<10000x128xf32, #tpu.memory_space<hbm>>
    tpu.enqueue_indirect_dma source(%dma_start3A_33 : memref<10000x128xf32, #tpu.memory_space<hbm>>) target(%arg12 : memref<80x128xf32, #tpu.memory_space<vmem>>) offsets(%dma_start3A_30 : memref<80xi32, #tpu.memory_space<vmem>>) semaphore(%arg18 : memref<!tpu.dma_semaphore, #tpu.memory_space<semaphore_mem>>)
    %dma_start3A_34 = arith.constant 2 : i32
    %dma_start3A_35 = arith.constant 0 : i32
    %dma_start3A_36 = tpu.memref_slice %arg9[%dma_start3A_34, %dma_start3A_35] : memref<50x80xi32, #tpu.memory_space<vmem>> -> memref<1x80xi32, #tpu.memory_space<vmem>>
    %dma_start3A_37 = tpu.memref_squeeze %dma_start3A_36 : memref<1x80xi32, #tpu.memory_space<vmem>> -> memref<80xi32, #tpu.memory_space<vmem>>
    %dma_start3A_38 = arith.constant 0 : i32
    %dma_start3A_39 = arith.constant 0 : i32
    %dma_start3A_40 = tpu.memref_slice %arg2[%dma_start3A_38, %dma_start3A_39] : memref<10000x128xf32, #tpu.memory_space<hbm>> -> memref<10000x128xf32, #tpu.memory_space<hbm>>
    tpu.enqueue_indirect_dma source(%dma_start3A_40 : memref<10000x128xf32, #tpu.memory_space<hbm>>) target(%arg13 : memref<80x128xf32, #tpu.memory_space<vmem>>) offsets(%dma_start3A_37 : memref<80xi32, #tpu.memory_space<vmem>>) semaphore(%arg19 : memref<!tpu.dma_semaphore, #tpu.memory_space<semaphore_mem>>)
    %scan3A = arith.constant 0 : i32
    %scan3A_41 = arith.constant 0 : i32
    %scan3A_42 = arith.constant 15 : i32
    %scan3A_43 = arith.addi %scan3A_41, %scan3A_42 : i32
    %scan3A_44 = arith.constant 1 : i32
    scf.for %scan3A_526 = %scan3A_41 to %scan3A_43 step %scan3A_44  : i32 {
      %mul3A_527 = arith.constant 3 : i32
      %mul3A_528 = arith.muli %mul3A_527, %scan3A_526 : i32
      %add3A_529 = arith.constant 0 : i32
      %add3A_530 = arith.addi %mul3A_528, %add3A_529 : i32
      %dma_wait3A_531 = arith.constant 0 : i32
      %dma_wait3A_532 = tpu.memref_slice %arg9[%add3A_530, %dma_wait3A_531] : memref<50x80xi32, #tpu.memory_space<vmem>> -> memref<1x80xi32, #tpu.memory_space<vmem>>
      %dma_wait3A_533 = tpu.memref_squeeze %dma_wait3A_532 : memref<1x80xi32, #tpu.memory_space<vmem>> -> memref<80xi32, #tpu.memory_space<vmem>>
      %dma_wait3A_534 = arith.constant 0 : i32
      %dma_wait3A_535 = arith.constant 0 : i32
      %dma_wait3A_536 = tpu.memref_slice %arg2[%dma_wait3A_534, %dma_wait3A_535] : memref<10000x128xf32, #tpu.memory_space<hbm>> -> memref<10000x128xf32, #tpu.memory_space<hbm>>
      tpu.wait_indirect_dma semaphore(%arg17 : memref<!tpu.dma_semaphore, #tpu.memory_space<semaphore_mem>>) src(%dma_wait3A_536 : memref<10000x128xf32, #tpu.memory_space<hbm>>) dst(%arg11 : memref<80x128xf32, #tpu.memory_space<vmem>>)
      "tpu.region"() ({
        %run_scoped3A_581 = tpu.sem_alloc : memref<!tpu.dma_semaphore, #tpu.memory_space<semaphore_mem>>
        %dma_start3A_582 = arith.constant 0 : i32
        %dma_start3A_583 = tpu.memref_slice %arg10[%add3A_530, %dma_start3A_582] : memref<50x80xi32, #tpu.memory_space<vmem>> -> memref<1x80xi32, #tpu.memory_space<vmem>>
        %dma_start3A_584 = tpu.memref_squeeze %dma_start3A_583 : memref<1x80xi32, #tpu.memory_space<vmem>> -> memref<80xi32, #tpu.memory_space<vmem>>
        %dma_start3A_585 = arith.constant 0 : i32
        %dma_start3A_586 = arith.constant 0 : i32
        %dma_start3A_587 = tpu.memref_slice %arg14[%dma_start3A_585, %dma_start3A_586] : memref<10112x128xf32, #tpu.memory_space<vmem_shared>> -> memref<10112x128xf32, #tpu.memory_space<vmem_shared>>
        tpu.enqueue_indirect_dma source(%arg11 : memref<80x128xf32, #tpu.memory_space<vmem>>) target(%dma_start3A_587 : memref<10112x128xf32, #tpu.memory_space<vmem_shared>>) offsets(%dma_start3A_584 : memref<80xi32, #tpu.memory_space<vmem>>) semaphore(%run_scoped3A_581 : memref<!tpu.dma_semaphore, #tpu.memory_space<semaphore_mem>>) {add = true}
        %dma_wait3A_588 = arith.constant 0 : i32
        %dma_wait3A_589 = tpu.memref_slice %arg10[%add3A_530, %dma_wait3A_588] : memref<50x80xi32, #tpu.memory_space<vmem>> -> memref<1x80xi32, #tpu.memory_space<vmem>>
        %dma_wait3A_590 = tpu.memref_squeeze %dma_wait3A_589 : memref<1x80xi32, #tpu.memory_space<vmem>> -> memref<80xi32, #tpu.memory_space<vmem>>
        %dma_wait3A_591 = arith.constant 0 : i32
        %dma_wait3A_592 = arith.constant 0 : i32
        %dma_wait3A_593 = tpu.memref_slice %arg14[%dma_wait3A_591, %dma_wait3A_592] : memref<10112x128xf32, #tpu.memory_space<vmem_shared>> -> memref<10112x128xf32, #tpu.memory_space<vmem_shared>>
        tpu.wait_indirect_dma semaphore(%run_scoped3A_581 : memref<!tpu.dma_semaphore, #tpu.memory_space<semaphore_mem>>) src(%arg11 : memref<80x128xf32, #tpu.memory_space<vmem>>) dst(%dma_wait3A_593 : memref<10112x128xf32, #tpu.memory_space<vmem_shared>>)
        tpu.yield
      }) : () -> ()
      "tpu.region"() ({
        %run_scoped3A_581 = tpu.sem_alloc : memref<!tpu.dma_semaphore, #tpu.memory_space<semaphore_mem>>
        %dma_start3A_582 = arith.constant 0 : i32
        %dma_start3A_583 = tpu.memref_slice %arg10[%add3A_530, %dma_start3A_582] : memref<50x80xi32, #tpu.memory_space<vmem>> -> memref<1x80xi32, #tpu.memory_space<vmem>>
        %dma_start3A_584 = tpu.memref_squeeze %dma_start3A_583 : memref<1x80xi32, #tpu.memory_space<vmem>> -> memref<80xi32, #tpu.memory_space<vmem>>
        %dma_start3A_585 = arith.constant 0 : i32
        %dma_start3A_586 = tpu.memref_slice %arg16[%dma_start3A_585] : memref<10240xf32, #tpu.memory_space<vmem_shared>> -> memref<10240xf32, #tpu.memory_space<vmem_shared>>
        tpu.enqueue_indirect_dma source(%arg15 : memref<80xf32, #tpu.memory_space<vmem>>) target(%dma_start3A_586 : memref<10240xf32, #tpu.memory_space<vmem_shared>>) offsets(%dma_start3A_584 : memref<80xi32, #tpu.memory_space<vmem>>) semaphore(%run_scoped3A_581 : memref<!tpu.dma_semaphore, #tpu.memory_space<semaphore_mem>>) {add = true}
        %dma_wait3A_587 = arith.constant 0 : i32
        %dma_wait3A_588 = tpu.memref_slice %arg10[%add3A_530, %dma_wait3A_587] : memref<50x80xi32, #tpu.memory_space<vmem>> -> memref<1x80xi32, #tpu.memory_space<vmem>>
        %dma_wait3A_589 = tpu.memref_squeeze %dma_wait3A_588 : memref<1x80xi32, #tpu.memory_space<vmem>> -> memref<80xi32, #tpu.memory_space<vmem>>
        %dma_wait3A_590 = arith.constant 0 : i32
        %dma_wait3A_591 = tpu.memref_slice %arg16[%dma_wait3A_590] : memref<10240xf32, #tpu.memory_space<vmem_shared>> -> memref<10240xf32, #tpu.memory_space<vmem_shared>>
        tpu.wait_indirect_dma semaphore(%run_scoped3A_581 : memref<!tpu.dma_semaphore, #tpu.memory_space<semaphore_mem>>) src(%arg15 : memref<80xf32, #tpu.memory_space<vmem>>) dst(%dma_wait3A_591 : memref<10240xf32, #tpu.memory_space<vmem_shared>>)
        tpu.yield
      }) : () -> ()
      %add3A_537 = arith.constant 3 : i32
      %add3A_538 = arith.addi %add3A_530, %add3A_537 : i32
      %dma_start3A_539 = arith.constant 0 : i32
      %dma_start3A_540 = tpu.memref_slice %arg9[%add3A_538, %dma_start3A_539] : memref<50x80xi32, #tpu.memory_space<vmem>> -> memref<1x80xi32, #tpu.memory_space<vmem>>
      %dma_start3A_541 = tpu.memref_squeeze %dma_start3A_540 : memref<1x80xi32, #tpu.memory_space<vmem>> -> memref<80xi32, #tpu.memory_space<vmem>>
      %dma_start3A_542 = arith.constant 0 : i32
      %dma_start3A_543 = arith.constant 0 : i32
      %dma_start3A_544 = tpu.memref_slice %arg2[%dma_start3A_542, %dma_start3A_543] : memref<10000x128xf32, #tpu.memory_space<hbm>> -> memref<10000x128xf32, #tpu.memory_space<hbm>>
      tpu.enqueue_indirect_dma source(%dma_start3A_544 : memref<10000x128xf32, #tpu.memory_space<hbm>>) target(%arg11 : memref<80x128xf32, #tpu.memory_space<vmem>>) offsets(%dma_start3A_541 : memref<80xi32, #tpu.memory_space<vmem>>) semaphore(%arg17 : memref<!tpu.dma_semaphore, #tpu.memory_space<semaphore_mem>>)
      %mul3A_545 = arith.constant 3 : i32
      %mul3A_546 = arith.muli %mul3A_545, %scan3A_526 : i32
      %add3A_547 = arith.constant 1 : i32
      %add3A_548 = arith.addi %mul3A_546, %add3A_547 : i32
      %dma_wait3A_549 = arith.constant 0 : i32
      %dma_wait3A_550 = tpu.memref_slice %arg9[%add3A_548, %dma_wait3A_549] : memref<50x80xi32, #tpu.memory_space<vmem>> -> memref<1x80xi32, #tpu.memory_space<vmem>>
      %dma_wait3A_551 = tpu.memref_squeeze %dma_wait3A_550 : memref<1x80xi32, #tpu.memory_space<vmem>> -> memref<80xi32, #tpu.memory_space<vmem>>
      %dma_wait3A_552 = arith.constant 0 : i32
      %dma_wait3A_553 = arith.constant 0 : i32
      %dma_wait3A_554 = tpu.memref_slice %arg2[%dma_wait3A_552, %dma_wait3A_553] : memref<10000x128xf32, #tpu.memory_space<hbm>> -> memref<10000x128xf32, #tpu.memory_space<hbm>>
      tpu.wait_indirect_dma semaphore(%arg18 : memref<!tpu.dma_semaphore, #tpu.memory_space<semaphore_mem>>) src(%dma_wait3A_554 : memref<10000x128xf32, #tpu.memory_space<hbm>>) dst(%arg12 : memref<80x128xf32, #tpu.memory_space<vmem>>)
      "tpu.region"() ({
        %run_scoped3A_581 = tpu.sem_alloc : memref<!tpu.dma_semaphore, #tpu.memory_space<semaphore_mem>>
        %dma_start3A_582 = arith.constant 0 : i32
        %dma_start3A_583 = tpu.memref_slice %arg10[%add3A_548, %dma_start3A_582] : memref<50x80xi32, #tpu.memory_space<vmem>> -> memref<1x80xi32, #tpu.memory_space<vmem>>
        %dma_start3A_584 = tpu.memref_squeeze %dma_start3A_583 : memref<1x80xi32, #tpu.memory_space<vmem>> -> memref<80xi32, #tpu.memory_space<vmem>>
        %dma_start3A_585 = arith.constant 0 : i32
        %dma_start3A_586 = arith.constant 0 : i32
        %dma_start3A_587 = tpu.memref_slice %arg14[%dma_start3A_585, %dma_start3A_586] : memref<10112x128xf32, #tpu.memory_space<vmem_shared>> -> memref<10112x128xf32, #tpu.memory_space<vmem_shared>>
        tpu.enqueue_indirect_dma source(%arg12 : memref<80x128xf32, #tpu.memory_space<vmem>>) target(%dma_start3A_587 : memref<10112x128xf32, #tpu.memory_space<vmem_shared>>) offsets(%dma_start3A_584 : memref<80xi32, #tpu.memory_space<vmem>>) semaphore(%run_scoped3A_581 : memref<!tpu.dma_semaphore, #tpu.memory_space<semaphore_mem>>) {add = true}
        %dma_wait3A_588 = arith.constant 0 : i32
        %dma_wait3A_589 = tpu.memref_slice %arg10[%add3A_548, %dma_wait3A_588] : memref<50x80xi32, #tpu.memory_space<vmem>> -> memref<1x80xi32, #tpu.memory_space<vmem>>
        %dma_wait3A_590 = tpu.memref_squeeze %dma_wait3A_589 : memref<1x80xi32, #tpu.memory_space<vmem>> -> memref<80xi32, #tpu.memory_space<vmem>>
        %dma_wait3A_591 = arith.constant 0 : i32
        %dma_wait3A_592 = arith.constant 0 : i32
        %dma_wait3A_593 = tpu.memref_slice %arg14[%dma_wait3A_591, %dma_wait3A_592] : memref<10112x128xf32, #tpu.memory_space<vmem_shared>> -> memref<10112x128xf32, #tpu.memory_space<vmem_shared>>
        tpu.wait_indirect_dma semaphore(%run_scoped3A_581 : memref<!tpu.dma_semaphore, #tpu.memory_space<semaphore_mem>>) src(%arg12 : memref<80x128xf32, #tpu.memory_space<vmem>>) dst(%dma_wait3A_593 : memref<10112x128xf32, #tpu.memory_space<vmem_shared>>)
        tpu.yield
      }) : () -> ()
      "tpu.region"() ({
        %run_scoped3A_581 = tpu.sem_alloc : memref<!tpu.dma_semaphore, #tpu.memory_space<semaphore_mem>>
        %dma_start3A_582 = arith.constant 0 : i32
        %dma_start3A_583 = tpu.memref_slice %arg10[%add3A_548, %dma_start3A_582] : memref<50x80xi32, #tpu.memory_space<vmem>> -> memref<1x80xi32, #tpu.memory_space<vmem>>
        %dma_start3A_584 = tpu.memref_squeeze %dma_start3A_583 : memref<1x80xi32, #tpu.memory_space<vmem>> -> memref<80xi32, #tpu.memory_space<vmem>>
        %dma_start3A_585 = arith.constant 0 : i32
        %dma_start3A_586 = tpu.memref_slice %arg16[%dma_start3A_585] : memref<10240xf32, #tpu.memory_space<vmem_shared>> -> memref<10240xf32, #tpu.memory_space<vmem_shared>>
        tpu.enqueue_indirect_dma source(%arg15 : memref<80xf32, #tpu.memory_space<vmem>>) target(%dma_start3A_586 : memref<10240xf32, #tpu.memory_space<vmem_shared>>) offsets(%dma_start3A_584 : memref<80xi32, #tpu.memory_space<vmem>>) semaphore(%run_scoped3A_581 : memref<!tpu.dma_semaphore, #tpu.memory_space<semaphore_mem>>) {add = true}
        %dma_wait3A_587 = arith.constant 0 : i32
        %dma_wait3A_588 = tpu.memref_slice %arg10[%add3A_548, %dma_wait3A_587] : memref<50x80xi32, #tpu.memory_space<vmem>> -> memref<1x80xi32, #tpu.memory_space<vmem>>
        %dma_wait3A_589 = tpu.memref_squeeze %dma_wait3A_588 : memref<1x80xi32, #tpu.memory_space<vmem>> -> memref<80xi32, #tpu.memory_space<vmem>>
        %dma_wait3A_590 = arith.constant 0 : i32
        %dma_wait3A_591 = tpu.memref_slice %arg16[%dma_wait3A_590] : memref<10240xf32, #tpu.memory_space<vmem_shared>> -> memref<10240xf32, #tpu.memory_space<vmem_shared>>
        tpu.wait_indirect_dma semaphore(%run_scoped3A_581 : memref<!tpu.dma_semaphore, #tpu.memory_space<semaphore_mem>>) src(%arg15 : memref<80xf32, #tpu.memory_space<vmem>>) dst(%dma_wait3A_591 : memref<10240xf32, #tpu.memory_space<vmem_shared>>)
        tpu.yield
      }) : () -> ()
      %add3A_555 = arith.constant 3 : i32
      %add3A_556 = arith.addi %add3A_548, %add3A_555 : i32
      %dma_start3A_557 = arith.constant 0 : i32
      %dma_start3A_558 = tpu.memref_slice %arg9[%add3A_556, %dma_start3A_557] : memref<50x80xi32, #tpu.memory_space<vmem>> -> memref<1x80xi32, #tpu.memory_space<vmem>>
      %dma_start3A_559 = tpu.memref_squeeze %dma_start3A_558 : memref<1x80xi32, #tpu.memory_space<vmem>> -> memref<80xi32, #tpu.memory_space<vmem>>
      %dma_start3A_560 = arith.constant 0 : i32
      %dma_start3A_561 = arith.constant 0 : i32
      %dma_start3A_562 = tpu.memref_slice %arg2[%dma_start3A_560, %dma_start3A_561] : memref<10000x128xf32, #tpu.memory_space<hbm>> -> memref<10000x128xf32, #tpu.memory_space<hbm>>
      tpu.enqueue_indirect_dma source(%dma_start3A_562 : memref<10000x128xf32, #tpu.memory_space<hbm>>) target(%arg12 : memref<80x128xf32, #tpu.memory_space<vmem>>) offsets(%dma_start3A_559 : memref<80xi32, #tpu.memory_space<vmem>>) semaphore(%arg18 : memref<!tpu.dma_semaphore, #tpu.memory_space<semaphore_mem>>)
      %mul3A_563 = arith.constant 3 : i32
      %mul3A_564 = arith.muli %mul3A_563, %scan3A_526 : i32
      %add3A_565 = arith.constant 2 : i32
      %add3A_566 = arith.addi %mul3A_564, %add3A_565 : i32
      %dma_wait3A_567 = arith.constant 0 : i32
      %dma_wait3A_568 = tpu.memref_slice %arg9[%add3A_566, %dma_wait3A_567] : memref<50x80xi32, #tpu.memory_space<vmem>> -> memref<1x80xi32, #tpu.memory_space<vmem>>
      %dma_wait3A_569 = tpu.memref_squeeze %dma_wait3A_568 : memref<1x80xi32, #tpu.memory_space<vmem>> -> memref<80xi32, #tpu.memory_space<vmem>>
      %dma_wait3A_570 = arith.constant 0 : i32
      %dma_wait3A_571 = arith.constant 0 : i32
      %dma_wait3A_572 = tpu.memref_slice %arg2[%dma_wait3A_570, %dma_wait3A_571] : memref<10000x128xf32, #tpu.memory_space<hbm>> -> memref<10000x128xf32, #tpu.memory_space<hbm>>
      tpu.wait_indirect_dma semaphore(%arg19 : memref<!tpu.dma_semaphore, #tpu.memory_space<semaphore_mem>>) src(%dma_wait3A_572 : memref<10000x128xf32, #tpu.memory_space<hbm>>) dst(%arg13 : memref<80x128xf32, #tpu.memory_space<vmem>>)
      "tpu.region"() ({
        %run_scoped3A_581 = tpu.sem_alloc : memref<!tpu.dma_semaphore, #tpu.memory_space<semaphore_mem>>
        %dma_start3A_582 = arith.constant 0 : i32
        %dma_start3A_583 = tpu.memref_slice %arg10[%add3A_566, %dma_start3A_582] : memref<50x80xi32, #tpu.memory_space<vmem>> -> memref<1x80xi32, #tpu.memory_space<vmem>>
        %dma_start3A_584 = tpu.memref_squeeze %dma_start3A_583 : memref<1x80xi32, #tpu.memory_space<vmem>> -> memref<80xi32, #tpu.memory_space<vmem>>
        %dma_start3A_585 = arith.constant 0 : i32
        %dma_start3A_586 = arith.constant 0 : i32
        %dma_start3A_587 = tpu.memref_slice %arg14[%dma_start3A_585, %dma_start3A_586] : memref<10112x128xf32, #tpu.memory_space<vmem_shared>> -> memref<10112x128xf32, #tpu.memory_space<vmem_shared>>
        tpu.enqueue_indirect_dma source(%arg13 : memref<80x128xf32, #tpu.memory_space<vmem>>) target(%dma_start3A_587 : memref<10112x128xf32, #tpu.memory_space<vmem_shared>>) offsets(%dma_start3A_584 : memref<80xi32, #tpu.memory_space<vmem>>) semaphore(%run_scoped3A_581 : memref<!tpu.dma_semaphore, #tpu.memory_space<semaphore_mem>>) {add = true}
        %dma_wait3A_588 = arith.constant 0 : i32
        %dma_wait3A_589 = tpu.memref_slice %arg10[%add3A_566, %dma_wait3A_588] : memref<50x80xi32, #tpu.memory_space<vmem>> -> memref<1x80xi32, #tpu.memory_space<vmem>>
        %dma_wait3A_590 = tpu.memref_squeeze %dma_wait3A_589 : memref<1x80xi32, #tpu.memory_space<vmem>> -> memref<80xi32, #tpu.memory_space<vmem>>
        %dma_wait3A_591 = arith.constant 0 : i32
        %dma_wait3A_592 = arith.constant 0 : i32
        %dma_wait3A_593 = tpu.memref_slice %arg14[%dma_wait3A_591, %dma_wait3A_592] : memref<10112x128xf32, #tpu.memory_space<vmem_shared>> -> memref<10112x128xf32, #tpu.memory_space<vmem_shared>>
        tpu.wait_indirect_dma semaphore(%run_scoped3A_581 : memref<!tpu.dma_semaphore, #tpu.memory_space<semaphore_mem>>) src(%arg13 : memref<80x128xf32, #tpu.memory_space<vmem>>) dst(%dma_wait3A_593 : memref<10112x128xf32, #tpu.memory_space<vmem_shared>>)
        tpu.yield
      }) : () -> ()
      "tpu.region"() ({
        %run_scoped3A_581 = tpu.sem_alloc : memref<!tpu.dma_semaphore, #tpu.memory_space<semaphore_mem>>
        %dma_start3A_582 = arith.constant 0 : i32
        %dma_start3A_583 = tpu.memref_slice %arg10[%add3A_566, %dma_start3A_582] : memref<50x80xi32, #tpu.memory_space<vmem>> -> memref<1x80xi32, #tpu.memory_space<vmem>>
        %dma_start3A_584 = tpu.memref_squeeze %dma_start3A_583 : memref<1x80xi32, #tpu.memory_space<vmem>> -> memref<80xi32, #tpu.memory_space<vmem>>
        %dma_start3A_585 = arith.constant 0 : i32
        %dma_start3A_586 = tpu.memref_slice %arg16[%dma_start3A_585] : memref<10240xf32, #tpu.memory_space<vmem_shared>> -> memref<10240xf32, #tpu.memory_space<vmem_shared>>
        tpu.enqueue_indirect_dma source(%arg15 : memref<80xf32, #tpu.memory_space<vmem>>) target(%dma_start3A_586 : memref<10240xf32, #tpu.memory_space<vmem_shared>>) offsets(%dma_start3A_584 : memref<80xi32, #tpu.memory_space<vmem>>) semaphore(%run_scoped3A_581 : memref<!tpu.dma_semaphore, #tpu.memory_space<semaphore_mem>>) {add = true}
        %dma_wait3A_587 = arith.constant 0 : i32
        %dma_wait3A_588 = tpu.memref_slice %arg10[%add3A_566, %dma_wait3A_587] : memref<50x80xi32, #tpu.memory_space<vmem>> -> memref<1x80xi32, #tpu.memory_space<vmem>>
        %dma_wait3A_589 = tpu.memref_squeeze %dma_wait3A_588 : memref<1x80xi32, #tpu.memory_space<vmem>> -> memref<80xi32, #tpu.memory_space<vmem>>
        %dma_wait3A_590 = arith.constant 0 : i32
        %dma_wait3A_591 = tpu.memref_slice %arg16[%dma_wait3A_590] : memref<10240xf32, #tpu.memory_space<vmem_shared>> -> memref<10240xf32, #tpu.memory_space<vmem_shared>>
        tpu.wait_indirect_dma semaphore(%run_scoped3A_581 : memref<!tpu.dma_semaphore, #tpu.memory_space<semaphore_mem>>) src(%arg15 : memref<80xf32, #tpu.memory_space<vmem>>) dst(%dma_wait3A_591 : memref<10240xf32, #tpu.memory_space<vmem_shared>>)
        tpu.yield
      }) : () -> ()
      %add3A_573 = arith.constant 3 : i32
      %add3A_574 = arith.addi %add3A_566, %add3A_573 : i32
      %dma_start3A_575 = arith.constant 0 : i32
      %dma_start3A_576 = tpu.memref_slice %arg9[%add3A_574, %dma_start3A_575] : memref<50x80xi32, #tpu.memory_space<vmem>> -> memref<1x80xi32, #tpu.memory_space<vmem>>
      %dma_start3A_577 = tpu.memref_squeeze %dma_start3A_576 : memref<1x80xi32, #tpu.memory_space<vmem>> -> memref<80xi32, #tpu.memory_space<vmem>>
      %dma_start3A_578 = arith.constant 0 : i32
      %dma_start3A_579 = arith.constant 0 : i32
      %dma_start3A_580 = tpu.memref_slice %arg2[%dma_start3A_578, %dma_start3A_579] : memref<10000x128xf32, #tpu.memory_space<hbm>> -> memref<10000x128xf32, #tpu.memory_space<hbm>>
      tpu.enqueue_indirect_dma source(%dma_start3A_580 : memref<10000x128xf32, #tpu.memory_space<hbm>>) target(%arg13 : memref<80x128xf32, #tpu.memory_space<vmem>>) offsets(%dma_start3A_577 : memref<80xi32, #tpu.memory_space<vmem>>) semaphore(%arg19 : memref<!tpu.dma_semaphore, #tpu.memory_space<semaphore_mem>>)
    }
    %scan3A_45 = arith.constant 15 : i32
    %dma_wait3A = arith.constant 45 : i32
    %dma_wait3A_46 = arith.constant 0 : i32
    %dma_wait3A_47 = tpu.memref_slice %arg9[%dma_wait3A, %dma_wait3A_46] : memref<50x80xi32, #tpu.memory_space<vmem>> -> memref<1x80xi32, #tpu.memory_space<vmem>>
    %dma_wait3A_48 = tpu.memref_squeeze %dma_wait3A_47 : memref<1x80xi32, #tpu.memory_space<vmem>> -> memref<80xi32, #tpu.memory_space<vmem>>
    %dma_wait3A_49 = arith.constant 0 : i32
    %dma_wait3A_50 = arith.constant 0 : i32
    %dma_wait3A_51 = tpu.memref_slice %arg2[%dma_wait3A_49, %dma_wait3A_50] : memref<10000x128xf32, #tpu.memory_space<hbm>> -> memref<10000x128xf32, #tpu.memory_space<hbm>>
    tpu.wait_indirect_dma semaphore(%arg17 : memref<!tpu.dma_semaphore, #tpu.memory_space<semaphore_mem>>) src(%dma_wait3A_51 : memref<10000x128xf32, #tpu.memory_space<hbm>>) dst(%arg11 : memref<80x128xf32, #tpu.memory_space<vmem>>)
    %run_scoped3A = arith.constant 45 : i32
    "tpu.region"() ({
      %run_scoped3A_526 = tpu.sem_alloc : memref<!tpu.dma_semaphore, #tpu.memory_space<semaphore_mem>>
      %dma_start3A_527 = arith.constant 0 : i32
      %dma_start3A_528 = tpu.memref_slice %arg10[%run_scoped3A, %dma_start3A_527] : memref<50x80xi32, #tpu.memory_space<vmem>> -> memref<1x80xi32, #tpu.memory_space<vmem>>
      %dma_start3A_529 = tpu.memref_squeeze %dma_start3A_528 : memref<1x80xi32, #tpu.memory_space<vmem>> -> memref<80xi32, #tpu.memory_space<vmem>>
      %dma_start3A_530 = arith.constant 0 : i32
      %dma_start3A_531 = arith.constant 0 : i32
      %dma_start3A_532 = tpu.memref_slice %arg14[%dma_start3A_530, %dma_start3A_531] : memref<10112x128xf32, #tpu.memory_space<vmem_shared>> -> memref<10112x128xf32, #tpu.memory_space<vmem_shared>>
      tpu.enqueue_indirect_dma source(%arg11 : memref<80x128xf32, #tpu.memory_space<vmem>>) target(%dma_start3A_532 : memref<10112x128xf32, #tpu.memory_space<vmem_shared>>) offsets(%dma_start3A_529 : memref<80xi32, #tpu.memory_space<vmem>>) semaphore(%run_scoped3A_526 : memref<!tpu.dma_semaphore, #tpu.memory_space<semaphore_mem>>) {add = true}
      %dma_wait3A_533 = arith.constant 0 : i32
      %dma_wait3A_534 = tpu.memref_slice %arg10[%run_scoped3A, %dma_wait3A_533] : memref<50x80xi32, #tpu.memory_space<vmem>> -> memref<1x80xi32, #tpu.memory_space<vmem>>
      %dma_wait3A_535 = tpu.memref_squeeze %dma_wait3A_534 : memref<1x80xi32, #tpu.memory_space<vmem>> -> memref<80xi32, #tpu.memory_space<vmem>>
      %dma_wait3A_536 = arith.constant 0 : i32
      %dma_wait3A_537 = arith.constant 0 : i32
      %dma_wait3A_538 = tpu.memref_slice %arg14[%dma_wait3A_536, %dma_wait3A_537] : memref<10112x128xf32, #tpu.memory_space<vmem_shared>> -> memref<10112x128xf32, #tpu.memory_space<vmem_shared>>
      tpu.wait_indirect_dma semaphore(%run_scoped3A_526 : memref<!tpu.dma_semaphore, #tpu.memory_space<semaphore_mem>>) src(%arg11 : memref<80x128xf32, #tpu.memory_space<vmem>>) dst(%dma_wait3A_538 : memref<10112x128xf32, #tpu.memory_space<vmem_shared>>)
      tpu.yield
    }) : () -> ()
    %run_scoped3A_52 = arith.constant 45 : i32
    "tpu.region"() ({
      %run_scoped3A_526 = tpu.sem_alloc : memref<!tpu.dma_semaphore, #tpu.memory_space<semaphore_mem>>
      %dma_start3A_527 = arith.constant 0 : i32
      %dma_start3A_528 = tpu.memref_slice %arg10[%run_scoped3A_52, %dma_start3A_527] : memref<50x80xi32, #tpu.memory_space<vmem>> -> memref<1x80xi32, #tpu.memory_space<vmem>>
      %dma_start3A_529 = tpu.memref_squeeze %dma_start3A_528 : memref<1x80xi32, #tpu.memory_space<vmem>> -> memref<80xi32, #tpu.memory_space<vmem>>
      %dma_start3A_530 = arith.constant 0 : i32
      %dma_start3A_531 = tpu.memref_slice %arg16[%dma_start3A_530] : memref<10240xf32, #tpu.memory_space<vmem_shared>> -> memref<10240xf32, #tpu.memory_space<vmem_shared>>
      tpu.enqueue_indirect_dma source(%arg15 : memref<80xf32, #tpu.memory_space<vmem>>) target(%dma_start3A_531 : memref<10240xf32, #tpu.memory_space<vmem_shared>>) offsets(%dma_start3A_529 : memref<80xi32, #tpu.memory_space<vmem>>) semaphore(%run_scoped3A_526 : memref<!tpu.dma_semaphore, #tpu.memory_space<semaphore_mem>>) {add = true}
      %dma_wait3A_532 = arith.constant 0 : i32
      %dma_wait3A_533 = tpu.memref_slice %arg10[%run_scoped3A_52, %dma_wait3A_532] : memref<50x80xi32, #tpu.memory_space<vmem>> -> memref<1x80xi32, #tpu.memory_space<vmem>>
      %dma_wait3A_534 = tpu.memref_squeeze %dma_wait3A_533 : memref<1x80xi32, #tpu.memory_space<vmem>> -> memref<80xi32, #tpu.memory_space<vmem>>
      %dma_wait3A_535 = arith.constant 0 : i32
      %dma_wait3A_536 = tpu.memref_slice %arg16[%dma_wait3A_535] : memref<10240xf32, #tpu.memory_space<vmem_shared>> -> memref<10240xf32, #tpu.memory_space<vmem_shared>>
      tpu.wait_indirect_dma semaphore(%run_scoped3A_526 : memref<!tpu.dma_semaphore, #tpu.memory_space<semaphore_mem>>) src(%arg15 : memref<80xf32, #tpu.memory_space<vmem>>) dst(%dma_wait3A_536 : memref<10240xf32, #tpu.memory_space<vmem_shared>>)
      tpu.yield
    }) : () -> ()
    %dma_start3A_53 = arith.constant 48 : i32
    %dma_start3A_54 = arith.constant 0 : i32
    %dma_start3A_55 = tpu.memref_slice %arg9[%dma_start3A_53, %dma_start3A_54] : memref<50x80xi32, #tpu.memory_space<vmem>> -> memref<1x80xi32, #tpu.memory_space<vmem>>
    %dma_start3A_56 = tpu.memref_squeeze %dma_start3A_55 : memref<1x80xi32, #tpu.memory_space<vmem>> -> memref<80xi32, #tpu.memory_space<vmem>>
    %dma_start3A_57 = arith.constant 0 : i32
    %dma_start3A_58 = arith.constant 0 : i32
    %dma_start3A_59 = tpu.memref_slice %arg2[%dma_start3A_57, %dma_start3A_58] : memref<10000x128xf32, #tpu.memory_space<hbm>> -> memref<10000x128xf32, #tpu.memory_space<hbm>>
    tpu.enqueue_indirect_dma source(%dma_start3A_59 : memref<10000x128xf32, #tpu.memory_space<hbm>>) target(%arg11 : memref<80x128xf32, #tpu.memory_space<vmem>>) offsets(%dma_start3A_56 : memref<80xi32, #tpu.memory_space<vmem>>) semaphore(%arg17 : memref<!tpu.dma_semaphore, #tpu.memory_space<semaphore_mem>>)
    %dma_wait3A_60 = arith.constant 46 : i32
    %dma_wait3A_61 = arith.constant 0 : i32
    %dma_wait3A_62 = tpu.memref_slice %arg9[%dma_wait3A_60, %dma_wait3A_61] : memref<50x80xi32, #tpu.memory_space<vmem>> -> memref<1x80xi32, #tpu.memory_space<vmem>>
    %dma_wait3A_63 = tpu.memref_squeeze %dma_wait3A_62 : memref<1x80xi32, #tpu.memory_space<vmem>> -> memref<80xi32, #tpu.memory_space<vmem>>
    %dma_wait3A_64 = arith.constant 0 : i32
    %dma_wait3A_65 = arith.constant 0 : i32
    %dma_wait3A_66 = tpu.memref_slice %arg2[%dma_wait3A_64, %dma_wait3A_65] : memref<10000x128xf32, #tpu.memory_space<hbm>> -> memref<10000x128xf32, #tpu.memory_space<hbm>>
    tpu.wait_indirect_dma semaphore(%arg18 : memref<!tpu.dma_semaphore, #tpu.memory_space<semaphore_mem>>) src(%dma_wait3A_66 : memref<10000x128xf32, #tpu.memory_space<hbm>>) dst(%arg12 : memref<80x128xf32, #tpu.memory_space<vmem>>)
    %run_scoped3A_67 = arith.constant 46 : i32
    "tpu.region"() ({
      %run_scoped3A_526 = tpu.sem_alloc : memref<!tpu.dma_semaphore, #tpu.memory_space<semaphore_mem>>
      %dma_start3A_527 = arith.constant 0 : i32
      %dma_start3A_528 = tpu.memref_slice %arg10[%run_scoped3A_67, %dma_start3A_527] : memref<50x80xi32, #tpu.memory_space<vmem>> -> memref<1x80xi32, #tpu.memory_space<vmem>>
      %dma_start3A_529 = tpu.memref_squeeze %dma_start3A_528 : memref<1x80xi32, #tpu.memory_space<vmem>> -> memref<80xi32, #tpu.memory_space<vmem>>
      %dma_start3A_530 = arith.constant 0 : i32
      %dma_start3A_531 = arith.constant 0 : i32
      %dma_start3A_532 = tpu.memref_slice %arg14[%dma_start3A_530, %dma_start3A_531] : memref<10112x128xf32, #tpu.memory_space<vmem_shared>> -> memref<10112x128xf32, #tpu.memory_space<vmem_shared>>
      tpu.enqueue_indirect_dma source(%arg12 : memref<80x128xf32, #tpu.memory_space<vmem>>) target(%dma_start3A_532 : memref<10112x128xf32, #tpu.memory_space<vmem_shared>>) offsets(%dma_start3A_529 : memref<80xi32, #tpu.memory_space<vmem>>) semaphore(%run_scoped3A_526 : memref<!tpu.dma_semaphore, #tpu.memory_space<semaphore_mem>>) {add = true}
      %dma_wait3A_533 = arith.constant 0 : i32
      %dma_wait3A_534 = tpu.memref_slice %arg10[%run_scoped3A_67, %dma_wait3A_533] : memref<50x80xi32, #tpu.memory_space<vmem>> -> memref<1x80xi32, #tpu.memory_space<vmem>>
      %dma_wait3A_535 = tpu.memref_squeeze %dma_wait3A_534 : memref<1x80xi32, #tpu.memory_space<vmem>> -> memref<80xi32, #tpu.memory_space<vmem>>
      %dma_wait3A_536 = arith.constant 0 : i32
      %dma_wait3A_537 = arith.constant 0 : i32
      %dma_wait3A_538 = tpu.memref_slice %arg14[%dma_wait3A_536, %dma_wait3A_537] : memref<10112x128xf32, #tpu.memory_space<vmem_shared>> -> memref<10112x128xf32, #tpu.memory_space<vmem_shared>>
      tpu.wait_indirect_dma semaphore(%run_scoped3A_526 : memref<!tpu.dma_semaphore, #tpu.memory_space<semaphore_mem>>) src(%arg12 : memref<80x128xf32, #tpu.memory_space<vmem>>) dst(%dma_wait3A_538 : memref<10112x128xf32, #tpu.memory_space<vmem_shared>>)
      tpu.yield
    }) : () -> ()
    %run_scoped3A_68 = arith.constant 46 : i32
    "tpu.region"() ({
      %run_scoped3A_526 = tpu.sem_alloc : memref<!tpu.dma_semaphore, #tpu.memory_space<semaphore_mem>>
      %dma_start3A_527 = arith.constant 0 : i32
      %dma_start3A_528 = tpu.memref_slice %arg10[%run_scoped3A_68, %dma_start3A_527] : memref<50x80xi32, #tpu.memory_space<vmem>> -> memref<1x80xi32, #tpu.memory_space<vmem>>
      %dma_start3A_529 = tpu.memref_squeeze %dma_start3A_528 : memref<1x80xi32, #tpu.memory_space<vmem>> -> memref<80xi32, #tpu.memory_space<vmem>>
      %dma_start3A_530 = arith.constant 0 : i32
      %dma_start3A_531 = tpu.memref_slice %arg16[%dma_start3A_530] : memref<10240xf32, #tpu.memory_space<vmem_shared>> -> memref<10240xf32, #tpu.memory_space<vmem_shared>>
      tpu.enqueue_indirect_dma source(%arg15 : memref<80xf32, #tpu.memory_space<vmem>>) target(%dma_start3A_531 : memref<10240xf32, #tpu.memory_space<vmem_shared>>) offsets(%dma_start3A_529 : memref<80xi32, #tpu.memory_space<vmem>>) semaphore(%run_scoped3A_526 : memref<!tpu.dma_semaphore, #tpu.memory_space<semaphore_mem>>) {add = true}
      %dma_wait3A_532 = arith.constant 0 : i32
      %dma_wait3A_533 = tpu.memref_slice %arg10[%run_scoped3A_68, %dma_wait3A_532] : memref<50x80xi32, #tpu.memory_space<vmem>> -> memref<1x80xi32, #tpu.memory_space<vmem>>
      %dma_wait3A_534 = tpu.memref_squeeze %dma_wait3A_533 : memref<1x80xi32, #tpu.memory_space<vmem>> -> memref<80xi32, #tpu.memory_space<vmem>>
      %dma_wait3A_535 = arith.constant 0 : i32
      %dma_wait3A_536 = tpu.memref_slice %arg16[%dma_wait3A_535] : memref<10240xf32, #tpu.memory_space<vmem_shared>> -> memref<10240xf32, #tpu.memory_space<vmem_shared>>
      tpu.wait_indirect_dma semaphore(%run_scoped3A_526 : memref<!tpu.dma_semaphore, #tpu.memory_space<semaphore_mem>>) src(%arg15 : memref<80xf32, #tpu.memory_space<vmem>>) dst(%dma_wait3A_536 : memref<10240xf32, #tpu.memory_space<vmem_shared>>)
      tpu.yield
    }) : () -> ()
    %dma_start3A_69 = arith.constant 49 : i32
    %dma_start3A_70 = arith.constant 0 : i32
    %dma_start3A_71 = tpu.memref_slice %arg9[%dma_start3A_69, %dma_start3A_70] : memref<50x80xi32, #tpu.memory_space<vmem>> -> memref<1x80xi32, #tpu.memory_space<vmem>>
    %dma_start3A_72 = tpu.memref_squeeze %dma_start3A_71 : memref<1x80xi32, #tpu.memory_space<vmem>> -> memref<80xi32, #tpu.memory_space<vmem>>
    %dma_start3A_73 = arith.constant 0 : i32
    %dma_start3A_74 = arith.constant 0 : i32
    %dma_start3A_75 = tpu.memref_slice %arg2[%dma_start3A_73, %dma_start3A_74] : memref<10000x128xf32, #tpu.memory_space<hbm>> -> memref<10000x128xf32, #tpu.memory_space<hbm>>
    tpu.enqueue_indirect_dma source(%dma_start3A_75 : memref<10000x128xf32, #tpu.memory_space<hbm>>) target(%arg12 : memref<80x128xf32, #tpu.memory_space<vmem>>) offsets(%dma_start3A_72 : memref<80xi32, #tpu.memory_space<vmem>>) semaphore(%arg18 : memref<!tpu.dma_semaphore, #tpu.memory_space<semaphore_mem>>)
    %dma_wait3A_76 = arith.constant 47 : i32
    %dma_wait3A_77 = arith.constant 0 : i32
    %dma_wait3A_78 = tpu.memref_slice %arg9[%dma_wait3A_76, %dma_wait3A_77] : memref<50x80xi32, #tpu.memory_space<vmem>> -> memref<1x80xi32, #tpu.memory_space<vmem>>
    %dma_wait3A_79 = tpu.memref_squeeze %dma_wait3A_78 : memref<1x80xi32, #tpu.memory_space<vmem>> -> memref<80xi32, #tpu.memory_space<vmem>>
    %dma_wait3A_80 = arith.constant 0 : i32
    %dma_wait3A_81 = arith.constant 0 : i32
    %dma_wait3A_82 = tpu.memref_slice %arg2[%dma_wait3A_80, %dma_wait3A_81] : memref<10000x128xf32, #tpu.memory_space<hbm>> -> memref<10000x128xf32, #tpu.memory_space<hbm>>
    tpu.wait_indirect_dma semaphore(%arg19 : memref<!tpu.dma_semaphore, #tpu.memory_space<semaphore_mem>>) src(%dma_wait3A_82 : memref<10000x128xf32, #tpu.memory_space<hbm>>) dst(%arg13 : memref<80x128xf32, #tpu.memory_space<vmem>>)
    %run_scoped3A_83 = arith.constant 47 : i32
    "tpu.region"() ({
      %run_scoped3A_526 = tpu.sem_alloc : memref<!tpu.dma_semaphore, #tpu.memory_space<semaphore_mem>>
      %dma_start3A_527 = arith.constant 0 : i32
      %dma_start3A_528 = tpu.memref_slice %arg10[%run_scoped3A_83, %dma_start3A_527] : memref<50x80xi32, #tpu.memory_space<vmem>> -> memref<1x80xi32, #tpu.memory_space<vmem>>
      %dma_start3A_529 = tpu.memref_squeeze %dma_start3A_528 : memref<1x80xi32, #tpu.memory_space<vmem>> -> memref<80xi32, #tpu.memory_space<vmem>>
      %dma_start3A_530 = arith.constant 0 : i32
      %dma_start3A_531 = arith.constant 0 : i32
      %dma_start3A_532 = tpu.memref_slice %arg14[%dma_start3A_530, %dma_start3A_531] : memref<10112x128xf32, #tpu.memory_space<vmem_shared>> -> memref<10112x128xf32, #tpu.memory_space<vmem_shared>>
      tpu.enqueue_indirect_dma source(%arg13 : memref<80x128xf32, #tpu.memory_space<vmem>>) target(%dma_start3A_532 : memref<10112x128xf32, #tpu.memory_space<vmem_shared>>) offsets(%dma_start3A_529 : memref<80xi32, #tpu.memory_space<vmem>>) semaphore(%run_scoped3A_526 : memref<!tpu.dma_semaphore, #tpu.memory_space<semaphore_mem>>) {add = true}
      %dma_wait3A_533 = arith.constant 0 : i32
      %dma_wait3A_534 = tpu.memref_slice %arg10[%run_scoped3A_83, %dma_wait3A_533] : memref<50x80xi32, #tpu.memory_space<vmem>> -> memref<1x80xi32, #tpu.memory_space<vmem>>
      %dma_wait3A_535 = tpu.memref_squeeze %dma_wait3A_534 : memref<1x80xi32, #tpu.memory_space<vmem>> -> memref<80xi32, #tpu.memory_space<vmem>>
      %dma_wait3A_536 = arith.constant 0 : i32
      %dma_wait3A_537 = arith.constant 0 : i32
      %dma_wait3A_538 = tpu.memref_slice %arg14[%dma_wait3A_536, %dma_wait3A_537] : memref<10112x128xf32, #tpu.memory_space<vmem_shared>> -> memref<10112x128xf32, #tpu.memory_space<vmem_shared>>
      tpu.wait_indirect_dma semaphore(%run_scoped3A_526 : memref<!tpu.dma_semaphore, #tpu.memory_space<semaphore_mem>>) src(%arg13 : memref<80x128xf32, #tpu.memory_space<vmem>>) dst(%dma_wait3A_538 : memref<10112x128xf32, #tpu.memory_space<vmem_shared>>)
      tpu.yield
    }) : () -> ()
    %run_scoped3A_84 = arith.constant 47 : i32
    "tpu.region"() ({
      %run_scoped3A_526 = tpu.sem_alloc : memref<!tpu.dma_semaphore, #tpu.memory_space<semaphore_mem>>
      %dma_start3A_527 = arith.constant 0 : i32
      %dma_start3A_528 = tpu.memref_slice %arg10[%run_scoped3A_84, %dma_start3A_527] : memref<50x80xi32, #tpu.memory_space<vmem>> -> memref<1x80xi32, #tpu.memory_space<vmem>>
      %dma_start3A_529 = tpu.memref_squeeze %dma_start3A_528 : memref<1x80xi32, #tpu.memory_space<vmem>> -> memref<80xi32, #tpu.memory_space<vmem>>
      %dma_start3A_530 = arith.constant 0 : i32
      %dma_start3A_531 = tpu.memref_slice %arg16[%dma_start3A_530] : memref<10240xf32, #tpu.memory_space<vmem_shared>> -> memref<10240xf32, #tpu.memory_space<vmem_shared>>
      tpu.enqueue_indirect_dma source(%arg15 : memref<80xf32, #tpu.memory_space<vmem>>) target(%dma_start3A_531 : memref<10240xf32, #tpu.memory_space<vmem_shared>>) offsets(%dma_start3A_529 : memref<80xi32, #tpu.memory_space<vmem>>) semaphore(%run_scoped3A_526 : memref<!tpu.dma_semaphore, #tpu.memory_space<semaphore_mem>>) {add = true}
      %dma_wait3A_532 = arith.constant 0 : i32
      %dma_wait3A_533 = tpu.memref_slice %arg10[%run_scoped3A_84, %dma_wait3A_532] : memref<50x80xi32, #tpu.memory_space<vmem>> -> memref<1x80xi32, #tpu.memory_space<vmem>>
      %dma_wait3A_534 = tpu.memref_squeeze %dma_wait3A_533 : memref<1x80xi32, #tpu.memory_space<vmem>> -> memref<80xi32, #tpu.memory_space<vmem>>
      %dma_wait3A_535 = arith.constant 0 : i32
      %dma_wait3A_536 = tpu.memref_slice %arg16[%dma_wait3A_535] : memref<10240xf32, #tpu.memory_space<vmem_shared>> -> memref<10240xf32, #tpu.memory_space<vmem_shared>>
      tpu.wait_indirect_dma semaphore(%run_scoped3A_526 : memref<!tpu.dma_semaphore, #tpu.memory_space<semaphore_mem>>) src(%arg15 : memref<80xf32, #tpu.memory_space<vmem>>) dst(%dma_wait3A_536 : memref<10240xf32, #tpu.memory_space<vmem_shared>>)
      tpu.yield
    }) : () -> ()
    %dma_wait3A_85 = arith.constant 48 : i32
    %dma_wait3A_86 = arith.constant 0 : i32
    %dma_wait3A_87 = tpu.memref_slice %arg9[%dma_wait3A_85, %dma_wait3A_86] : memref<50x80xi32, #tpu.memory_space<vmem>> -> memref<1x80xi32, #tpu.memory_space<vmem>>
    %dma_wait3A_88 = tpu.memref_squeeze %dma_wait3A_87 : memref<1x80xi32, #tpu.memory_space<vmem>> -> memref<80xi32, #tpu.memory_space<vmem>>
    %dma_wait3A_89 = arith.constant 0 : i32
    %dma_wait3A_90 = arith.constant 0 : i32
    %dma_wait3A_91 = tpu.memref_slice %arg2[%dma_wait3A_89, %dma_wait3A_90] : memref<10000x128xf32, #tpu.memory_space<hbm>> -> memref<10000x128xf32, #tpu.memory_space<hbm>>
    tpu.wait_indirect_dma semaphore(%arg17 : memref<!tpu.dma_semaphore, #tpu.memory_space<semaphore_mem>>) src(%dma_wait3A_91 : memref<10000x128xf32, #tpu.memory_space<hbm>>) dst(%arg11 : memref<80x128xf32, #tpu.memory_space<vmem>>)
    %run_scoped3A_92 = arith.constant 48 : i32
    "tpu.region"() ({
      %run_scoped3A_526 = tpu.sem_alloc : memref<!tpu.dma_semaphore, #tpu.memory_space<semaphore_mem>>
      %dma_start3A_527 = arith.constant 0 : i32
      %dma_start3A_528 = tpu.memref_slice %arg10[%run_scoped3A_92, %dma_start3A_527] : memref<50x80xi32, #tpu.memory_space<vmem>> -> memref<1x80xi32, #tpu.memory_space<vmem>>
      %dma_start3A_529 = tpu.memref_squeeze %dma_start3A_528 : memref<1x80xi32, #tpu.memory_space<vmem>> -> memref<80xi32, #tpu.memory_space<vmem>>
      %dma_start3A_530 = arith.constant 0 : i32
      %dma_start3A_531 = arith.constant 0 : i32
      %dma_start3A_532 = tpu.memref_slice %arg14[%dma_start3A_530, %dma_start3A_531] : memref<10112x128xf32, #tpu.memory_space<vmem_shared>> -> memref<10112x128xf32, #tpu.memory_space<vmem_shared>>
      tpu.enqueue_indirect_dma source(%arg11 : memref<80x128xf32, #tpu.memory_space<vmem>>) target(%dma_start3A_532 : memref<10112x128xf32, #tpu.memory_space<vmem_shared>>) offsets(%dma_start3A_529 : memref<80xi32, #tpu.memory_space<vmem>>) semaphore(%run_scoped3A_526 : memref<!tpu.dma_semaphore, #tpu.memory_space<semaphore_mem>>) {add = true}
      %dma_wait3A_533 = arith.constant 0 : i32
      %dma_wait3A_534 = tpu.memref_slice %arg10[%run_scoped3A_92, %dma_wait3A_533] : memref<50x80xi32, #tpu.memory_space<vmem>> -> memref<1x80xi32, #tpu.memory_space<vmem>>
      %dma_wait3A_535 = tpu.memref_squeeze %dma_wait3A_534 : memref<1x80xi32, #tpu.memory_space<vmem>> -> memref<80xi32, #tpu.memory_space<vmem>>
      %dma_wait3A_536 = arith.constant 0 : i32
      %dma_wait3A_537 = arith.constant 0 : i32
      %dma_wait3A_538 = tpu.memref_slice %arg14[%dma_wait3A_536, %dma_wait3A_537] : memref<10112x128xf32, #tpu.memory_space<vmem_shared>> -> memref<10112x128xf32, #tpu.memory_space<vmem_shared>>
      tpu.wait_indirect_dma semaphore(%run_scoped3A_526 : memref<!tpu.dma_semaphore, #tpu.memory_space<semaphore_mem>>) src(%arg11 : memref<80x128xf32, #tpu.memory_space<vmem>>) dst(%dma_wait3A_538 : memref<10112x128xf32, #tpu.memory_space<vmem_shared>>)
      tpu.yield
    }) : () -> ()
    %run_scoped3A_93 = arith.constant 48 : i32
    "tpu.region"() ({
      %run_scoped3A_526 = tpu.sem_alloc : memref<!tpu.dma_semaphore, #tpu.memory_space<semaphore_mem>>
      %dma_start3A_527 = arith.constant 0 : i32
      %dma_start3A_528 = tpu.memref_slice %arg10[%run_scoped3A_93, %dma_start3A_527] : memref<50x80xi32, #tpu.memory_space<vmem>> -> memref<1x80xi32, #tpu.memory_space<vmem>>
      %dma_start3A_529 = tpu.memref_squeeze %dma_start3A_528 : memref<1x80xi32, #tpu.memory_space<vmem>> -> memref<80xi32, #tpu.memory_space<vmem>>
      %dma_start3A_530 = arith.constant 0 : i32
      %dma_start3A_531 = tpu.memref_slice %arg16[%dma_start3A_530] : memref<10240xf32, #tpu.memory_space<vmem_shared>> -> memref<10240xf32, #tpu.memory_space<vmem_shared>>
      tpu.enqueue_indirect_dma source(%arg15 : memref<80xf32, #tpu.memory_space<vmem>>) target(%dma_start3A_531 : memref<10240xf32, #tpu.memory_space<vmem_shared>>) offsets(%dma_start3A_529 : memref<80xi32, #tpu.memory_space<vmem>>) semaphore(%run_scoped3A_526 : memref<!tpu.dma_semaphore, #tpu.memory_space<semaphore_mem>>) {add = true}
      %dma_wait3A_532 = arith.constant 0 : i32
      %dma_wait3A_533 = tpu.memref_slice %arg10[%run_scoped3A_93, %dma_wait3A_532] : memref<50x80xi32, #tpu.memory_space<vmem>> -> memref<1x80xi32, #tpu.memory_space<vmem>>
      %dma_wait3A_534 = tpu.memref_squeeze %dma_wait3A_533 : memref<1x80xi32, #tpu.memory_space<vmem>> -> memref<80xi32, #tpu.memory_space<vmem>>
      %dma_wait3A_535 = arith.constant 0 : i32
      %dma_wait3A_536 = tpu.memref_slice %arg16[%dma_wait3A_535] : memref<10240xf32, #tpu.memory_space<vmem_shared>> -> memref<10240xf32, #tpu.memory_space<vmem_shared>>
      tpu.wait_indirect_dma semaphore(%run_scoped3A_526 : memref<!tpu.dma_semaphore, #tpu.memory_space<semaphore_mem>>) src(%arg15 : memref<80xf32, #tpu.memory_space<vmem>>) dst(%dma_wait3A_536 : memref<10240xf32, #tpu.memory_space<vmem_shared>>)
      tpu.yield
    }) : () -> ()
    %dma_wait3A_94 = arith.constant 49 : i32
    %dma_wait3A_95 = arith.constant 0 : i32
    %dma_wait3A_96 = tpu.memref_slice %arg9[%dma_wait3A_94, %dma_wait3A_95] : memref<50x80xi32, #tpu.memory_space<vmem>> -> memref<1x80xi32, #tpu.memory_space<vmem>>
    %dma_wait3A_97 = tpu.memref_squeeze %dma_wait3A_96 : memref<1x80xi32, #tpu.memory_space<vmem>> -> memref<80xi32, #tpu.memory_space<vmem>>
    %dma_wait3A_98 = arith.constant 0 : i32
    %dma_wait3A_99 = arith.constant 0 : i32
    %dma_wait3A_100 = tpu.memref_slice %arg2[%dma_wait3A_98, %dma_wait3A_99] : memref<10000x128xf32, #tpu.memory_space<hbm>> -> memref<10000x128xf32, #tpu.memory_space<hbm>>
    tpu.wait_indirect_dma semaphore(%arg18 : memref<!tpu.dma_semaphore, #tpu.memory_space<semaphore_mem>>) src(%dma_wait3A_100 : memref<10000x128xf32, #tpu.memory_space<hbm>>) dst(%arg12 : memref<80x128xf32, #tpu.memory_space<vmem>>)
    %run_scoped3A_101 = arith.constant 49 : i32
    "tpu.region"() ({
      %run_scoped3A_526 = tpu.sem_alloc : memref<!tpu.dma_semaphore, #tpu.memory_space<semaphore_mem>>
      %dma_start3A_527 = arith.constant 0 : i32
      %dma_start3A_528 = tpu.memref_slice %arg10[%run_scoped3A_101, %dma_start3A_527] : memref<50x80xi32, #tpu.memory_space<vmem>> -> memref<1x80xi32, #tpu.memory_space<vmem>>
      %dma_start3A_529 = tpu.memref_squeeze %dma_start3A_528 : memref<1x80xi32, #tpu.memory_space<vmem>> -> memref<80xi32, #tpu.memory_space<vmem>>
      %dma_start3A_530 = arith.constant 0 : i32
      %dma_start3A_531 = arith.constant 0 : i32
      %dma_start3A_532 = tpu.memref_slice %arg14[%dma_start3A_530, %dma_start3A_531] : memref<10112x128xf32, #tpu.memory_space<vmem_shared>> -> memref<10112x128xf32, #tpu.memory_space<vmem_shared>>
      tpu.enqueue_indirect_dma source(%arg12 : memref<80x128xf32, #tpu.memory_space<vmem>>) target(%dma_start3A_532 : memref<10112x128xf32, #tpu.memory_space<vmem_shared>>) offsets(%dma_start3A_529 : memref<80xi32, #tpu.memory_space<vmem>>) semaphore(%run_scoped3A_526 : memref<!tpu.dma_semaphore, #tpu.memory_space<semaphore_mem>>) {add = true}
      %dma_wait3A_533 = arith.constant 0 : i32
      %dma_wait3A_534 = tpu.memref_slice %arg10[%run_scoped3A_101, %dma_wait3A_533] : memref<50x80xi32, #tpu.memory_space<vmem>> -> memref<1x80xi32, #tpu.memory_space<vmem>>
      %dma_wait3A_535 = tpu.memref_squeeze %dma_wait3A_534 : memref<1x80xi32, #tpu.memory_space<vmem>> -> memref<80xi32, #tpu.memory_space<vmem>>
      %dma_wait3A_536 = arith.constant 0 : i32
      %dma_wait3A_537 = arith.constant 0 : i32
      %dma_wait3A_538 = tpu.memref_slice %arg14[%dma_wait3A_536, %dma_wait3A_537] : memref<10112x128xf32, #tpu.memory_space<vmem_shared>> -> memref<10112x128xf32, #tpu.memory_space<vmem_shared>>
      tpu.wait_indirect_dma semaphore(%run_scoped3A_526 : memref<!tpu.dma_semaphore, #tpu.memory_space<semaphore_mem>>) src(%arg12 : memref<80x128xf32, #tpu.memory_space<vmem>>) dst(%dma_wait3A_538 : memref<10112x128xf32, #tpu.memory_space<vmem_shared>>)
      tpu.yield
    }) : () -> ()
    %run_scoped3A_102 = arith.constant 49 : i32
    "tpu.region"() ({
      %run_scoped3A_526 = tpu.sem_alloc : memref<!tpu.dma_semaphore, #tpu.memory_space<semaphore_mem>>
      %dma_start3A_527 = arith.constant 0 : i32
      %dma_start3A_528 = tpu.memref_slice %arg10[%run_scoped3A_102, %dma_start3A_527] : memref<50x80xi32, #tpu.memory_space<vmem>> -> memref<1x80xi32, #tpu.memory_space<vmem>>
      %dma_start3A_529 = tpu.memref_squeeze %dma_start3A_528 : memref<1x80xi32, #tpu.memory_space<vmem>> -> memref<80xi32, #tpu.memory_space<vmem>>
      %dma_start3A_530 = arith.constant 0 : i32
      %dma_start3A_531 = tpu.memref_slice %arg16[%dma_start3A_530] : memref<10240xf32, #tpu.memory_space<vmem_shared>> -> memref<10240xf32, #tpu.memory_space<vmem_shared>>
      tpu.enqueue_indirect_dma source(%arg15 : memref<80xf32, #tpu.memory_space<vmem>>) target(%dma_start3A_531 : memref<10240xf32, #tpu.memory_space<vmem_shared>>) offsets(%dma_start3A_529 : memref<80xi32, #tpu.memory_space<vmem>>) semaphore(%run_scoped3A_526 : memref<!tpu.dma_semaphore, #tpu.memory_space<semaphore_mem>>) {add = true}
      %dma_wait3A_532 = arith.constant 0 : i32
      %dma_wait3A_533 = tpu.memref_slice %arg10[%run_scoped3A_102, %dma_wait3A_532] : memref<50x80xi32, #tpu.memory_space<vmem>> -> memref<1x80xi32, #tpu.memory_space<vmem>>
      %dma_wait3A_534 = tpu.memref_squeeze %dma_wait3A_533 : memref<1x80xi32, #tpu.memory_space<vmem>> -> memref<80xi32, #tpu.memory_space<vmem>>
      %dma_wait3A_535 = arith.constant 0 : i32
      %dma_wait3A_536 = tpu.memref_slice %arg16[%dma_wait3A_535] : memref<10240xf32, #tpu.memory_space<vmem_shared>> -> memref<10240xf32, #tpu.memory_space<vmem_shared>>
      tpu.wait_indirect_dma semaphore(%run_scoped3A_526 : memref<!tpu.dma_semaphore, #tpu.memory_space<semaphore_mem>>) src(%arg15 : memref<80xf32, #tpu.memory_space<vmem>>) dst(%dma_wait3A_536 : memref<10240xf32, #tpu.memory_space<vmem_shared>>)
      tpu.yield
    }) : () -> ()
    %mul3A_103 = arith.constant 16 : i32
    %mul3A_104 = arith.muli %arg0, %mul3A_103 : i32
    %add3A_105 = arith.addi %mul3A_104, %arg1 : i32
    %mul3A_106 = arith.constant 5 : i32
    %mul3A_107 = arith.muli %add3A_105, %mul3A_106 : i32
    %add3A_108 = arith.constant 1 : i32
    %add3A_109 = arith.addi %mul3A_107, %add3A_108 : i32
    %sub3A_110 = arith.constant 1 : i32
    %sub3A_111 = arith.subi %sub3A_110, %arg0 : i32
    %mul3A_112 = arith.constant 16 : i32
    %mul3A_113 = arith.muli %sub3A_111, %mul3A_112 : i32
    %add3A_114 = arith.addi %mul3A_113, %arg1 : i32
    %mul3A_115 = arith.constant 5 : i32
    %mul3A_116 = arith.muli %add3A_114, %mul3A_115 : i32
    %add3A_117 = arith.constant 1 : i32
    %add3A_118 = arith.addi %mul3A_116, %add3A_117 : i32
    "tpu.region"() ({
      %run_scoped3A_526 = tpu.sem_alloc : memref<!tpu.dma_semaphore, #tpu.memory_space<semaphore_mem>>
      %dma_start3A_527 = arith.constant 0 : i32
      %dma_start3A_528 = arith.constant 0 : i32
      %dma_start3A_529 = tpu.memref_slice %arg3[%add3A_109, %dma_start3A_527, %dma_start3A_528] : memref<160x50x80xi32, #tpu.memory_space<hbm>> -> memref<1x50x80xi32, #tpu.memory_space<hbm>>
      %dma_start3A_530 = tpu.memref_squeeze %dma_start3A_529 : memref<1x50x80xi32, #tpu.memory_space<hbm>> -> memref<50x80xi32, #tpu.memory_space<hbm>>
      %dma_start3A_531 = arith.constant 0 : i32
      %dma_start3A_532 = arith.constant 0 : i32
      %dma_start3A_533 = tpu.memref_slice %arg3[%add3A_109, %dma_start3A_531, %dma_start3A_532] : memref<160x50x80xi32, #tpu.memory_space<hbm>> -> memref<1x50x80xi32, #tpu.memory_space<hbm>>
      %dma_start3A_534 = tpu.memref_squeeze %dma_start3A_533 : memref<1x50x80xi32, #tpu.memory_space<hbm>> -> memref<50x80xi32, #tpu.memory_space<hbm>>
      tpu.enqueue_dma source(%dma_start3A_534 : memref<50x80xi32, #tpu.memory_space<hbm>>) target(%arg9 : memref<50x80xi32, #tpu.memory_space<vmem>>) target_semaphore(%run_scoped3A_526 : memref<!tpu.dma_semaphore, #tpu.memory_space<semaphore_mem>>)
      %dma_wait3A_535 = arith.constant 0 : i32
      %dma_wait3A_536 = arith.constant 0 : i32
      %dma_wait3A_537 = tpu.memref_slice %arg3[%add3A_109, %dma_wait3A_535, %dma_wait3A_536] : memref<160x50x80xi32, #tpu.memory_space<hbm>> -> memref<1x50x80xi32, #tpu.memory_space<hbm>>
      %dma_wait3A_538 = tpu.memref_squeeze %dma_wait3A_537 : memref<1x50x80xi32, #tpu.memory_space<hbm>> -> memref<50x80xi32, #tpu.memory_space<hbm>>
      %dma_wait3A_539 = arith.constant 0 : i32
      %dma_wait3A_540 = arith.constant 0 : i32
      %dma_wait3A_541 = tpu.memref_slice %arg3[%add3A_109, %dma_wait3A_539, %dma_wait3A_540] : memref<160x50x80xi32, #tpu.memory_space<hbm>> -> memref<1x50x80xi32, #tpu.memory_space<hbm>>
      %dma_wait3A_542 = tpu.memref_squeeze %dma_wait3A_541 : memref<1x50x80xi32, #tpu.memory_space<hbm>> -> memref<50x80xi32, #tpu.memory_space<hbm>>
      tpu.wait_dma2 semaphore(%run_scoped3A_526 : memref<!tpu.dma_semaphore, #tpu.memory_space<semaphore_mem>>) src(%dma_wait3A_542 : memref<50x80xi32, #tpu.memory_space<hbm>>) dst(%arg9 : memref<50x80xi32, #tpu.memory_space<vmem>>)
      tpu.yield
    }) : () -> ()
    "tpu.region"() ({
      %run_scoped3A_526 = tpu.sem_alloc : memref<!tpu.dma_semaphore, #tpu.memory_space<semaphore_mem>>
      %dma_start3A_527 = arith.constant 0 : i32
      %dma_start3A_528 = arith.constant 0 : i32
      %dma_start3A_529 = tpu.memref_slice %arg3[%add3A_118, %dma_start3A_527, %dma_start3A_528] : memref<160x50x80xi32, #tpu.memory_space<hbm>> -> memref<1x50x80xi32, #tpu.memory_space<hbm>>
      %dma_start3A_530 = tpu.memref_squeeze %dma_start3A_529 : memref<1x50x80xi32, #tpu.memory_space<hbm>> -> memref<50x80xi32, #tpu.memory_space<hbm>>
      %dma_start3A_531 = arith.constant 0 : i32
      %dma_start3A_532 = arith.constant 0 : i32
      %dma_start3A_533 = tpu.memref_slice %arg3[%add3A_118, %dma_start3A_531, %dma_start3A_532] : memref<160x50x80xi32, #tpu.memory_space<hbm>> -> memref<1x50x80xi32, #tpu.memory_space<hbm>>
      %dma_start3A_534 = tpu.memref_squeeze %dma_start3A_533 : memref<1x50x80xi32, #tpu.memory_space<hbm>> -> memref<50x80xi32, #tpu.memory_space<hbm>>
      tpu.enqueue_dma source(%dma_start3A_534 : memref<50x80xi32, #tpu.memory_space<hbm>>) target(%arg10 : memref<50x80xi32, #tpu.memory_space<vmem>>) target_semaphore(%run_scoped3A_526 : memref<!tpu.dma_semaphore, #tpu.memory_space<semaphore_mem>>)
      %dma_wait3A_535 = arith.constant 0 : i32
      %dma_wait3A_536 = arith.constant 0 : i32
      %dma_wait3A_537 = tpu.memref_slice %arg3[%add3A_118, %dma_wait3A_535, %dma_wait3A_536] : memref<160x50x80xi32, #tpu.memory_space<hbm>> -> memref<1x50x80xi32, #tpu.memory_space<hbm>>
      %dma_wait3A_538 = tpu.memref_squeeze %dma_wait3A_537 : memref<1x50x80xi32, #tpu.memory_space<hbm>> -> memref<50x80xi32, #tpu.memory_space<hbm>>
      %dma_wait3A_539 = arith.constant 0 : i32
      %dma_wait3A_540 = arith.constant 0 : i32
      %dma_wait3A_541 = tpu.memref_slice %arg3[%add3A_118, %dma_wait3A_539, %dma_wait3A_540] : memref<160x50x80xi32, #tpu.memory_space<hbm>> -> memref<1x50x80xi32, #tpu.memory_space<hbm>>
      %dma_wait3A_542 = tpu.memref_squeeze %dma_wait3A_541 : memref<1x50x80xi32, #tpu.memory_space<hbm>> -> memref<50x80xi32, #tpu.memory_space<hbm>>
      tpu.wait_dma2 semaphore(%run_scoped3A_526 : memref<!tpu.dma_semaphore, #tpu.memory_space<semaphore_mem>>) src(%dma_wait3A_542 : memref<50x80xi32, #tpu.memory_space<hbm>>) dst(%arg10 : memref<50x80xi32, #tpu.memory_space<vmem>>)
      tpu.yield
    }) : () -> ()
    %dma_start3A_119 = arith.constant 0 : i32
    %dma_start3A_120 = arith.constant 0 : i32
    %dma_start3A_121 = tpu.memref_slice %arg9[%dma_start3A_119, %dma_start3A_120] : memref<50x80xi32, #tpu.memory_space<vmem>> -> memref<1x80xi32, #tpu.memory_space<vmem>>
    %dma_start3A_122 = tpu.memref_squeeze %dma_start3A_121 : memref<1x80xi32, #tpu.memory_space<vmem>> -> memref<80xi32, #tpu.memory_space<vmem>>
    %dma_start3A_123 = arith.constant 0 : i32
    %dma_start3A_124 = arith.constant 0 : i32
    %dma_start3A_125 = tpu.memref_slice %arg2[%dma_start3A_123, %dma_start3A_124] : memref<10000x128xf32, #tpu.memory_space<hbm>> -> memref<10000x128xf32, #tpu.memory_space<hbm>>
    tpu.enqueue_indirect_dma source(%dma_start3A_125 : memref<10000x128xf32, #tpu.memory_space<hbm>>) target(%arg11 : memref<80x128xf32, #tpu.memory_space<vmem>>) offsets(%dma_start3A_122 : memref<80xi32, #tpu.memory_space<vmem>>) semaphore(%arg17 : memref<!tpu.dma_semaphore, #tpu.memory_space<semaphore_mem>>)
    %dma_start3A_126 = arith.constant 1 : i32
    %dma_start3A_127 = arith.constant 0 : i32
    %dma_start3A_128 = tpu.memref_slice %arg9[%dma_start3A_126, %dma_start3A_127] : memref<50x80xi32, #tpu.memory_space<vmem>> -> memref<1x80xi32, #tpu.memory_space<vmem>>
    %dma_start3A_129 = tpu.memref_squeeze %dma_start3A_128 : memref<1x80xi32, #tpu.memory_space<vmem>> -> memref<80xi32, #tpu.memory_space<vmem>>
    %dma_start3A_130 = arith.constant 0 : i32
    %dma_start3A_131 = arith.constant 0 : i32
    %dma_start3A_132 = tpu.memref_slice %arg2[%dma_start3A_130, %dma_start3A_131] : memref<10000x128xf32, #tpu.memory_space<hbm>> -> memref<10000x128xf32, #tpu.memory_space<hbm>>
    tpu.enqueue_indirect_dma source(%dma_start3A_132 : memref<10000x128xf32, #tpu.memory_space<hbm>>) target(%arg12 : memref<80x128xf32, #tpu.memory_space<vmem>>) offsets(%dma_start3A_129 : memref<80xi32, #tpu.memory_space<vmem>>) semaphore(%arg18 : memref<!tpu.dma_semaphore, #tpu.memory_space<semaphore_mem>>)
    %dma_start3A_133 = arith.constant 2 : i32
    %dma_start3A_134 = arith.constant 0 : i32
    %dma_start3A_135 = tpu.memref_slice %arg9[%dma_start3A_133, %dma_start3A_134] : memref<50x80xi32, #tpu.memory_space<vmem>> -> memref<1x80xi32, #tpu.memory_space<vmem>>
    %dma_start3A_136 = tpu.memref_squeeze %dma_start3A_135 : memref<1x80xi32, #tpu.memory_space<vmem>> -> memref<80xi32, #tpu.memory_space<vmem>>
    %dma_start3A_137 = arith.constant 0 : i32
    %dma_start3A_138 = arith.constant 0 : i32
    %dma_start3A_139 = tpu.memref_slice %arg2[%dma_start3A_137, %dma_start3A_138] : memref<10000x128xf32, #tpu.memory_space<hbm>> -> memref<10000x128xf32, #tpu.memory_space<hbm>>
    tpu.enqueue_indirect_dma source(%dma_start3A_139 : memref<10000x128xf32, #tpu.memory_space<hbm>>) target(%arg13 : memref<80x128xf32, #tpu.memory_space<vmem>>) offsets(%dma_start3A_136 : memref<80xi32, #tpu.memory_space<vmem>>) semaphore(%arg19 : memref<!tpu.dma_semaphore, #tpu.memory_space<semaphore_mem>>)
    %scan3A_140 = arith.constant 0 : i32
    %scan3A_141 = arith.constant 0 : i32
    %scan3A_142 = arith.constant 15 : i32
    %scan3A_143 = arith.addi %scan3A_141, %scan3A_142 : i32
    %scan3A_144 = arith.constant 1 : i32
    scf.for %scan3A_526 = %scan3A_141 to %scan3A_143 step %scan3A_144  : i32 {
      %mul3A_527 = arith.constant 3 : i32
      %mul3A_528 = arith.muli %mul3A_527, %scan3A_526 : i32
      %add3A_529 = arith.constant 0 : i32
      %add3A_530 = arith.addi %mul3A_528, %add3A_529 : i32
      %dma_wait3A_531 = arith.constant 0 : i32
      %dma_wait3A_532 = tpu.memref_slice %arg9[%add3A_530, %dma_wait3A_531] : memref<50x80xi32, #tpu.memory_space<vmem>> -> memref<1x80xi32, #tpu.memory_space<vmem>>
      %dma_wait3A_533 = tpu.memref_squeeze %dma_wait3A_532 : memref<1x80xi32, #tpu.memory_space<vmem>> -> memref<80xi32, #tpu.memory_space<vmem>>
      %dma_wait3A_534 = arith.constant 0 : i32
      %dma_wait3A_535 = arith.constant 0 : i32
      %dma_wait3A_536 = tpu.memref_slice %arg2[%dma_wait3A_534, %dma_wait3A_535] : memref<10000x128xf32, #tpu.memory_space<hbm>> -> memref<10000x128xf32, #tpu.memory_space<hbm>>
      tpu.wait_indirect_dma semaphore(%arg17 : memref<!tpu.dma_semaphore, #tpu.memory_space<semaphore_mem>>) src(%dma_wait3A_536 : memref<10000x128xf32, #tpu.memory_space<hbm>>) dst(%arg11 : memref<80x128xf32, #tpu.memory_space<vmem>>)
      "tpu.region"() ({
        %run_scoped3A_581 = tpu.sem_alloc : memref<!tpu.dma_semaphore, #tpu.memory_space<semaphore_mem>>
        %dma_start3A_582 = arith.constant 0 : i32
        %dma_start3A_583 = tpu.memref_slice %arg10[%add3A_530, %dma_start3A_582] : memref<50x80xi32, #tpu.memory_space<vmem>> -> memref<1x80xi32, #tpu.memory_space<vmem>>
        %dma_start3A_584 = tpu.memref_squeeze %dma_start3A_583 : memref<1x80xi32, #tpu.memory_space<vmem>> -> memref<80xi32, #tpu.memory_space<vmem>>
        %dma_start3A_585 = arith.constant 0 : i32
        %dma_start3A_586 = arith.constant 0 : i32
        %dma_start3A_587 = tpu.memref_slice %arg14[%dma_start3A_585, %dma_start3A_586] : memref<10112x128xf32, #tpu.memory_space<vmem_shared>> -> memref<10112x128xf32, #tpu.memory_space<vmem_shared>>
        tpu.enqueue_indirect_dma source(%arg11 : memref<80x128xf32, #tpu.memory_space<vmem>>) target(%dma_start3A_587 : memref<10112x128xf32, #tpu.memory_space<vmem_shared>>) offsets(%dma_start3A_584 : memref<80xi32, #tpu.memory_space<vmem>>) semaphore(%run_scoped3A_581 : memref<!tpu.dma_semaphore, #tpu.memory_space<semaphore_mem>>) {add = true}
        %dma_wait3A_588 = arith.constant 0 : i32
        %dma_wait3A_589 = tpu.memref_slice %arg10[%add3A_530, %dma_wait3A_588] : memref<50x80xi32, #tpu.memory_space<vmem>> -> memref<1x80xi32, #tpu.memory_space<vmem>>
        %dma_wait3A_590 = tpu.memref_squeeze %dma_wait3A_589 : memref<1x80xi32, #tpu.memory_space<vmem>> -> memref<80xi32, #tpu.memory_space<vmem>>
        %dma_wait3A_591 = arith.constant 0 : i32
        %dma_wait3A_592 = arith.constant 0 : i32
        %dma_wait3A_593 = tpu.memref_slice %arg14[%dma_wait3A_591, %dma_wait3A_592] : memref<10112x128xf32, #tpu.memory_space<vmem_shared>> -> memref<10112x128xf32, #tpu.memory_space<vmem_shared>>
        tpu.wait_indirect_dma semaphore(%run_scoped3A_581 : memref<!tpu.dma_semaphore, #tpu.memory_space<semaphore_mem>>) src(%arg11 : memref<80x128xf32, #tpu.memory_space<vmem>>) dst(%dma_wait3A_593 : memref<10112x128xf32, #tpu.memory_space<vmem_shared>>)
        tpu.yield
      }) : () -> ()
      "tpu.region"() ({
        %run_scoped3A_581 = tpu.sem_alloc : memref<!tpu.dma_semaphore, #tpu.memory_space<semaphore_mem>>
        %dma_start3A_582 = arith.constant 0 : i32
        %dma_start3A_583 = tpu.memref_slice %arg10[%add3A_530, %dma_start3A_582] : memref<50x80xi32, #tpu.memory_space<vmem>> -> memref<1x80xi32, #tpu.memory_space<vmem>>
        %dma_start3A_584 = tpu.memref_squeeze %dma_start3A_583 : memref<1x80xi32, #tpu.memory_space<vmem>> -> memref<80xi32, #tpu.memory_space<vmem>>
        %dma_start3A_585 = arith.constant 0 : i32
        %dma_start3A_586 = tpu.memref_slice %arg16[%dma_start3A_585] : memref<10240xf32, #tpu.memory_space<vmem_shared>> -> memref<10240xf32, #tpu.memory_space<vmem_shared>>
        tpu.enqueue_indirect_dma source(%arg15 : memref<80xf32, #tpu.memory_space<vmem>>) target(%dma_start3A_586 : memref<10240xf32, #tpu.memory_space<vmem_shared>>) offsets(%dma_start3A_584 : memref<80xi32, #tpu.memory_space<vmem>>) semaphore(%run_scoped3A_581 : memref<!tpu.dma_semaphore, #tpu.memory_space<semaphore_mem>>) {add = true}
        %dma_wait3A_587 = arith.constant 0 : i32
        %dma_wait3A_588 = tpu.memref_slice %arg10[%add3A_530, %dma_wait3A_587] : memref<50x80xi32, #tpu.memory_space<vmem>> -> memref<1x80xi32, #tpu.memory_space<vmem>>
        %dma_wait3A_589 = tpu.memref_squeeze %dma_wait3A_588 : memref<1x80xi32, #tpu.memory_space<vmem>> -> memref<80xi32, #tpu.memory_space<vmem>>
        %dma_wait3A_590 = arith.constant 0 : i32
        %dma_wait3A_591 = tpu.memref_slice %arg16[%dma_wait3A_590] : memref<10240xf32, #tpu.memory_space<vmem_shared>> -> memref<10240xf32, #tpu.memory_space<vmem_shared>>
        tpu.wait_indirect_dma semaphore(%run_scoped3A_581 : memref<!tpu.dma_semaphore, #tpu.memory_space<semaphore_mem>>) src(%arg15 : memref<80xf32, #tpu.memory_space<vmem>>) dst(%dma_wait3A_591 : memref<10240xf32, #tpu.memory_space<vmem_shared>>)
        tpu.yield
      }) : () -> ()
      %add3A_537 = arith.constant 3 : i32
      %add3A_538 = arith.addi %add3A_530, %add3A_537 : i32
      %dma_start3A_539 = arith.constant 0 : i32
      %dma_start3A_540 = tpu.memref_slice %arg9[%add3A_538, %dma_start3A_539] : memref<50x80xi32, #tpu.memory_space<vmem>> -> memref<1x80xi32, #tpu.memory_space<vmem>>
      %dma_start3A_541 = tpu.memref_squeeze %dma_start3A_540 : memref<1x80xi32, #tpu.memory_space<vmem>> -> memref<80xi32, #tpu.memory_space<vmem>>
      %dma_start3A_542 = arith.constant 0 : i32
      %dma_start3A_543 = arith.constant 0 : i32
      %dma_start3A_544 = tpu.memref_slice %arg2[%dma_start3A_542, %dma_start3A_543] : memref<10000x128xf32, #tpu.memory_space<hbm>> -> memref<10000x128xf32, #tpu.memory_space<hbm>>
      tpu.enqueue_indirect_dma source(%dma_start3A_544 : memref<10000x128xf32, #tpu.memory_space<hbm>>) target(%arg11 : memref<80x128xf32, #tpu.memory_space<vmem>>) offsets(%dma_start3A_541 : memref<80xi32, #tpu.memory_space<vmem>>) semaphore(%arg17 : memref<!tpu.dma_semaphore, #tpu.memory_space<semaphore_mem>>)
      %mul3A_545 = arith.constant 3 : i32
      %mul3A_546 = arith.muli %mul3A_545, %scan3A_526 : i32
      %add3A_547 = arith.constant 1 : i32
      %add3A_548 = arith.addi %mul3A_546, %add3A_547 : i32
      %dma_wait3A_549 = arith.constant 0 : i32
      %dma_wait3A_550 = tpu.memref_slice %arg9[%add3A_548, %dma_wait3A_549] : memref<50x80xi32, #tpu.memory_space<vmem>> -> memref<1x80xi32, #tpu.memory_space<vmem>>
      %dma_wait3A_551 = tpu.memref_squeeze %dma_wait3A_550 : memref<1x80xi32, #tpu.memory_space<vmem>> -> memref<80xi32, #tpu.memory_space<vmem>>
      %dma_wait3A_552 = arith.constant 0 : i32
      %dma_wait3A_553 = arith.constant 0 : i32
      %dma_wait3A_554 = tpu.memref_slice %arg2[%dma_wait3A_552, %dma_wait3A_553] : memref<10000x128xf32, #tpu.memory_space<hbm>> -> memref<10000x128xf32, #tpu.memory_space<hbm>>
      tpu.wait_indirect_dma semaphore(%arg18 : memref<!tpu.dma_semaphore, #tpu.memory_space<semaphore_mem>>) src(%dma_wait3A_554 : memref<10000x128xf32, #tpu.memory_space<hbm>>) dst(%arg12 : memref<80x128xf32, #tpu.memory_space<vmem>>)
      "tpu.region"() ({
        %run_scoped3A_581 = tpu.sem_alloc : memref<!tpu.dma_semaphore, #tpu.memory_space<semaphore_mem>>
        %dma_start3A_582 = arith.constant 0 : i32
        %dma_start3A_583 = tpu.memref_slice %arg10[%add3A_548, %dma_start3A_582] : memref<50x80xi32, #tpu.memory_space<vmem>> -> memref<1x80xi32, #tpu.memory_space<vmem>>
        %dma_start3A_584 = tpu.memref_squeeze %dma_start3A_583 : memref<1x80xi32, #tpu.memory_space<vmem>> -> memref<80xi32, #tpu.memory_space<vmem>>
        %dma_start3A_585 = arith.constant 0 : i32
        %dma_start3A_586 = arith.constant 0 : i32
        %dma_start3A_587 = tpu.memref_slice %arg14[%dma_start3A_585, %dma_start3A_586] : memref<10112x128xf32, #tpu.memory_space<vmem_shared>> -> memref<10112x128xf32, #tpu.memory_space<vmem_shared>>
        tpu.enqueue_indirect_dma source(%arg12 : memref<80x128xf32, #tpu.memory_space<vmem>>) target(%dma_start3A_587 : memref<10112x128xf32, #tpu.memory_space<vmem_shared>>) offsets(%dma_start3A_584 : memref<80xi32, #tpu.memory_space<vmem>>) semaphore(%run_scoped3A_581 : memref<!tpu.dma_semaphore, #tpu.memory_space<semaphore_mem>>) {add = true}
        %dma_wait3A_588 = arith.constant 0 : i32
        %dma_wait3A_589 = tpu.memref_slice %arg10[%add3A_548, %dma_wait3A_588] : memref<50x80xi32, #tpu.memory_space<vmem>> -> memref<1x80xi32, #tpu.memory_space<vmem>>
        %dma_wait3A_590 = tpu.memref_squeeze %dma_wait3A_589 : memref<1x80xi32, #tpu.memory_space<vmem>> -> memref<80xi32, #tpu.memory_space<vmem>>
        %dma_wait3A_591 = arith.constant 0 : i32
        %dma_wait3A_592 = arith.constant 0 : i32
        %dma_wait3A_593 = tpu.memref_slice %arg14[%dma_wait3A_591, %dma_wait3A_592] : memref<10112x128xf32, #tpu.memory_space<vmem_shared>> -> memref<10112x128xf32, #tpu.memory_space<vmem_shared>>
        tpu.wait_indirect_dma semaphore(%run_scoped3A_581 : memref<!tpu.dma_semaphore, #tpu.memory_space<semaphore_mem>>) src(%arg12 : memref<80x128xf32, #tpu.memory_space<vmem>>) dst(%dma_wait3A_593 : memref<10112x128xf32, #tpu.memory_space<vmem_shared>>)
        tpu.yield
      }) : () -> ()
      "tpu.region"() ({
        %run_scoped3A_581 = tpu.sem_alloc : memref<!tpu.dma_semaphore, #tpu.memory_space<semaphore_mem>>
        %dma_start3A_582 = arith.constant 0 : i32
        %dma_start3A_583 = tpu.memref_slice %arg10[%add3A_548, %dma_start3A_582] : memref<50x80xi32, #tpu.memory_space<vmem>> -> memref<1x80xi32, #tpu.memory_space<vmem>>
        %dma_start3A_584 = tpu.memref_squeeze %dma_start3A_583 : memref<1x80xi32, #tpu.memory_space<vmem>> -> memref<80xi32, #tpu.memory_space<vmem>>
        %dma_start3A_585 = arith.constant 0 : i32
        %dma_start3A_586 = tpu.memref_slice %arg16[%dma_start3A_585] : memref<10240xf32, #tpu.memory_space<vmem_shared>> -> memref<10240xf32, #tpu.memory_space<vmem_shared>>
        tpu.enqueue_indirect_dma source(%arg15 : memref<80xf32, #tpu.memory_space<vmem>>) target(%dma_start3A_586 : memref<10240xf32, #tpu.memory_space<vmem_shared>>) offsets(%dma_start3A_584 : memref<80xi32, #tpu.memory_space<vmem>>) semaphore(%run_scoped3A_581 : memref<!tpu.dma_semaphore, #tpu.memory_space<semaphore_mem>>) {add = true}
        %dma_wait3A_587 = arith.constant 0 : i32
        %dma_wait3A_588 = tpu.memref_slice %arg10[%add3A_548, %dma_wait3A_587] : memref<50x80xi32, #tpu.memory_space<vmem>> -> memref<1x80xi32, #tpu.memory_space<vmem>>
        %dma_wait3A_589 = tpu.memref_squeeze %dma_wait3A_588 : memref<1x80xi32, #tpu.memory_space<vmem>> -> memref<80xi32, #tpu.memory_space<vmem>>
        %dma_wait3A_590 = arith.constant 0 : i32
        %dma_wait3A_591 = tpu.memref_slice %arg16[%dma_wait3A_590] : memref<10240xf32, #tpu.memory_space<vmem_shared>> -> memref<10240xf32, #tpu.memory_space<vmem_shared>>
        tpu.wait_indirect_dma semaphore(%run_scoped3A_581 : memref<!tpu.dma_semaphore, #tpu.memory_space<semaphore_mem>>) src(%arg15 : memref<80xf32, #tpu.memory_space<vmem>>) dst(%dma_wait3A_591 : memref<10240xf32, #tpu.memory_space<vmem_shared>>)
        tpu.yield
      }) : () -> ()
      %add3A_555 = arith.constant 3 : i32
      %add3A_556 = arith.addi %add3A_548, %add3A_555 : i32
      %dma_start3A_557 = arith.constant 0 : i32
      %dma_start3A_558 = tpu.memref_slice %arg9[%add3A_556, %dma_start3A_557] : memref<50x80xi32, #tpu.memory_space<vmem>> -> memref<1x80xi32, #tpu.memory_space<vmem>>
      %dma_start3A_559 = tpu.memref_squeeze %dma_start3A_558 : memref<1x80xi32, #tpu.memory_space<vmem>> -> memref<80xi32, #tpu.memory_space<vmem>>
      %dma_start3A_560 = arith.constant 0 : i32
      %dma_start3A_561 = arith.constant 0 : i32
      %dma_start3A_562 = tpu.memref_slice %arg2[%dma_start3A_560, %dma_start3A_561] : memref<10000x128xf32, #tpu.memory_space<hbm>> -> memref<10000x128xf32, #tpu.memory_space<hbm>>
      tpu.enqueue_indirect_dma source(%dma_start3A_562 : memref<10000x128xf32, #tpu.memory_space<hbm>>) target(%arg12 : memref<80x128xf32, #tpu.memory_space<vmem>>) offsets(%dma_start3A_559 : memref<80xi32, #tpu.memory_space<vmem>>) semaphore(%arg18 : memref<!tpu.dma_semaphore, #tpu.memory_space<semaphore_mem>>)
      %mul3A_563 = arith.constant 3 : i32
      %mul3A_564 = arith.muli %mul3A_563, %scan3A_526 : i32
      %add3A_565 = arith.constant 2 : i32
      %add3A_566 = arith.addi %mul3A_564, %add3A_565 : i32
      %dma_wait3A_567 = arith.constant 0 : i32
      %dma_wait3A_568 = tpu.memref_slice %arg9[%add3A_566, %dma_wait3A_567] : memref<50x80xi32, #tpu.memory_space<vmem>> -> memref<1x80xi32, #tpu.memory_space<vmem>>
      %dma_wait3A_569 = tpu.memref_squeeze %dma_wait3A_568 : memref<1x80xi32, #tpu.memory_space<vmem>> -> memref<80xi32, #tpu.memory_space<vmem>>
      %dma_wait3A_570 = arith.constant 0 : i32
      %dma_wait3A_571 = arith.constant 0 : i32
      %dma_wait3A_572 = tpu.memref_slice %arg2[%dma_wait3A_570, %dma_wait3A_571] : memref<10000x128xf32, #tpu.memory_space<hbm>> -> memref<10000x128xf32, #tpu.memory_space<hbm>>
      tpu.wait_indirect_dma semaphore(%arg19 : memref<!tpu.dma_semaphore, #tpu.memory_space<semaphore_mem>>) src(%dma_wait3A_572 : memref<10000x128xf32, #tpu.memory_space<hbm>>) dst(%arg13 : memref<80x128xf32, #tpu.memory_space<vmem>>)
      "tpu.region"() ({
        %run_scoped3A_581 = tpu.sem_alloc : memref<!tpu.dma_semaphore, #tpu.memory_space<semaphore_mem>>
        %dma_start3A_582 = arith.constant 0 : i32
        %dma_start3A_583 = tpu.memref_slice %arg10[%add3A_566, %dma_start3A_582] : memref<50x80xi32, #tpu.memory_space<vmem>> -> memref<1x80xi32, #tpu.memory_space<vmem>>
        %dma_start3A_584 = tpu.memref_squeeze %dma_start3A_583 : memref<1x80xi32, #tpu.memory_space<vmem>> -> memref<80xi32, #tpu.memory_space<vmem>>
        %dma_start3A_585 = arith.constant 0 : i32
        %dma_start3A_586 = arith.constant 0 : i32
        %dma_start3A_587 = tpu.memref_slice %arg14[%dma_start3A_585, %dma_start3A_586] : memref<10112x128xf32, #tpu.memory_space<vmem_shared>> -> memref<10112x128xf32, #tpu.memory_space<vmem_shared>>
        tpu.enqueue_indirect_dma source(%arg13 : memref<80x128xf32, #tpu.memory_space<vmem>>) target(%dma_start3A_587 : memref<10112x128xf32, #tpu.memory_space<vmem_shared>>) offsets(%dma_start3A_584 : memref<80xi32, #tpu.memory_space<vmem>>) semaphore(%run_scoped3A_581 : memref<!tpu.dma_semaphore, #tpu.memory_space<semaphore_mem>>) {add = true}
        %dma_wait3A_588 = arith.constant 0 : i32
        %dma_wait3A_589 = tpu.memref_slice %arg10[%add3A_566, %dma_wait3A_588] : memref<50x80xi32, #tpu.memory_space<vmem>> -> memref<1x80xi32, #tpu.memory_space<vmem>>
        %dma_wait3A_590 = tpu.memref_squeeze %dma_wait3A_589 : memref<1x80xi32, #tpu.memory_space<vmem>> -> memref<80xi32, #tpu.memory_space<vmem>>
        %dma_wait3A_591 = arith.constant 0 : i32
        %dma_wait3A_592 = arith.constant 0 : i32
        %dma_wait3A_593 = tpu.memref_slice %arg14[%dma_wait3A_591, %dma_wait3A_592] : memref<10112x128xf32, #tpu.memory_space<vmem_shared>> -> memref<10112x128xf32, #tpu.memory_space<vmem_shared>>
        tpu.wait_indirect_dma semaphore(%run_scoped3A_581 : memref<!tpu.dma_semaphore, #tpu.memory_space<semaphore_mem>>) src(%arg13 : memref<80x128xf32, #tpu.memory_space<vmem>>) dst(%dma_wait3A_593 : memref<10112x128xf32, #tpu.memory_space<vmem_shared>>)
        tpu.yield
      }) : () -> ()
      "tpu.region"() ({
        %run_scoped3A_581 = tpu.sem_alloc : memref<!tpu.dma_semaphore, #tpu.memory_space<semaphore_mem>>
        %dma_start3A_582 = arith.constant 0 : i32
        %dma_start3A_583 = tpu.memref_slice %arg10[%add3A_566, %dma_start3A_582] : memref<50x80xi32, #tpu.memory_space<vmem>> -> memref<1x80xi32, #tpu.memory_space<vmem>>
        %dma_start3A_584 = tpu.memref_squeeze %dma_start3A_583 : memref<1x80xi32, #tpu.memory_space<vmem>> -> memref<80xi32, #tpu.memory_space<vmem>>
        %dma_start3A_585 = arith.constant 0 : i32
        %dma_start3A_586 = tpu.memref_slice %arg16[%dma_start3A_585] : memref<10240xf32, #tpu.memory_space<vmem_shared>> -> memref<10240xf32, #tpu.memory_space<vmem_shared>>
        tpu.enqueue_indirect_dma source(%arg15 : memref<80xf32, #tpu.memory_space<vmem>>) target(%dma_start3A_586 : memref<10240xf32, #tpu.memory_space<vmem_shared>>) offsets(%dma_start3A_584 : memref<80xi32, #tpu.memory_space<vmem>>) semaphore(%run_scoped3A_581 : memref<!tpu.dma_semaphore, #tpu.memory_space<semaphore_mem>>) {add = true}
        %dma_wait3A_587 = arith.constant 0 : i32
        %dma_wait3A_588 = tpu.memref_slice %arg10[%add3A_566, %dma_wait3A_587] : memref<50x80xi32, #tpu.memory_space<vmem>> -> memref<1x80xi32, #tpu.memory_space<vmem>>
        %dma_wait3A_589 = tpu.memref_squeeze %dma_wait3A_588 : memref<1x80xi32, #tpu.memory_space<vmem>> -> memref<80xi32, #tpu.memory_space<vmem>>
        %dma_wait3A_590 = arith.constant 0 : i32
        %dma_wait3A_591 = tpu.memref_slice %arg16[%dma_wait3A_590] : memref<10240xf32, #tpu.memory_space<vmem_shared>> -> memref<10240xf32, #tpu.memory_space<vmem_shared>>
        tpu.wait_indirect_dma semaphore(%run_scoped3A_581 : memref<!tpu.dma_semaphore, #tpu.memory_space<semaphore_mem>>) src(%arg15 : memref<80xf32, #tpu.memory_space<vmem>>) dst(%dma_wait3A_591 : memref<10240xf32, #tpu.memory_space<vmem_shared>>)
        tpu.yield
      }) : () -> ()
      %add3A_573 = arith.constant 3 : i32
      %add3A_574 = arith.addi %add3A_566, %add3A_573 : i32
      %dma_start3A_575 = arith.constant 0 : i32
      %dma_start3A_576 = tpu.memref_slice %arg9[%add3A_574, %dma_start3A_575] : memref<50x80xi32, #tpu.memory_space<vmem>> -> memref<1x80xi32, #tpu.memory_space<vmem>>
      %dma_start3A_577 = tpu.memref_squeeze %dma_start3A_576 : memref<1x80xi32, #tpu.memory_space<vmem>> -> memref<80xi32, #tpu.memory_space<vmem>>
      %dma_start3A_578 = arith.constant 0 : i32
      %dma_start3A_579 = arith.constant 0 : i32
      %dma_start3A_580 = tpu.memref_slice %arg2[%dma_start3A_578, %dma_start3A_579] : memref<10000x128xf32, #tpu.memory_space<hbm>> -> memref<10000x128xf32, #tpu.memory_space<hbm>>
      tpu.enqueue_indirect_dma source(%dma_start3A_580 : memref<10000x128xf32, #tpu.memory_space<hbm>>) target(%arg13 : memref<80x128xf32, #tpu.memory_space<vmem>>) offsets(%dma_start3A_577 : memref<80xi32, #tpu.memory_space<vmem>>) semaphore(%arg19 : memref<!tpu.dma_semaphore, #tpu.memory_space<semaphore_mem>>)
    }
    %scan3A_145 = arith.constant 15 : i32
    %dma_wait3A_146 = arith.constant 45 : i32
    %dma_wait3A_147 = arith.constant 0 : i32
    %dma_wait3A_148 = tpu.memref_slice %arg9[%dma_wait3A_146, %dma_wait3A_147] : memref<50x80xi32, #tpu.memory_space<vmem>> -> memref<1x80xi32, #tpu.memory_space<vmem>>
    %dma_wait3A_149 = tpu.memref_squeeze %dma_wait3A_148 : memref<1x80xi32, #tpu.memory_space<vmem>> -> memref<80xi32, #tpu.memory_space<vmem>>
    %dma_wait3A_150 = arith.constant 0 : i32
    %dma_wait3A_151 = arith.constant 0 : i32
    %dma_wait3A_152 = tpu.memref_slice %arg2[%dma_wait3A_150, %dma_wait3A_151] : memref<10000x128xf32, #tpu.memory_space<hbm>> -> memref<10000x128xf32, #tpu.memory_space<hbm>>
    tpu.wait_indirect_dma semaphore(%arg17 : memref<!tpu.dma_semaphore, #tpu.memory_space<semaphore_mem>>) src(%dma_wait3A_152 : memref<10000x128xf32, #tpu.memory_space<hbm>>) dst(%arg11 : memref<80x128xf32, #tpu.memory_space<vmem>>)
    %run_scoped3A_153 = arith.constant 45 : i32
    "tpu.region"() ({
      %run_scoped3A_526 = tpu.sem_alloc : memref<!tpu.dma_semaphore, #tpu.memory_space<semaphore_mem>>
      %dma_start3A_527 = arith.constant 0 : i32
      %dma_start3A_528 = tpu.memref_slice %arg10[%run_scoped3A_153, %dma_start3A_527] : memref<50x80xi32, #tpu.memory_space<vmem>> -> memref<1x80xi32, #tpu.memory_space<vmem>>
      %dma_start3A_529 = tpu.memref_squeeze %dma_start3A_528 : memref<1x80xi32, #tpu.memory_space<vmem>> -> memref<80xi32, #tpu.memory_space<vmem>>
      %dma_start3A_530 = arith.constant 0 : i32
      %dma_start3A_531 = arith.constant 0 : i32
      %dma_start3A_532 = tpu.memref_slice %arg14[%dma_start3A_530, %dma_start3A_531] : memref<10112x128xf32, #tpu.memory_space<vmem_shared>> -> memref<10112x128xf32, #tpu.memory_space<vmem_shared>>
      tpu.enqueue_indirect_dma source(%arg11 : memref<80x128xf32, #tpu.memory_space<vmem>>) target(%dma_start3A_532 : memref<10112x128xf32, #tpu.memory_space<vmem_shared>>) offsets(%dma_start3A_529 : memref<80xi32, #tpu.memory_space<vmem>>) semaphore(%run_scoped3A_526 : memref<!tpu.dma_semaphore, #tpu.memory_space<semaphore_mem>>) {add = true}
      %dma_wait3A_533 = arith.constant 0 : i32
      %dma_wait3A_534 = tpu.memref_slice %arg10[%run_scoped3A_153, %dma_wait3A_533] : memref<50x80xi32, #tpu.memory_space<vmem>> -> memref<1x80xi32, #tpu.memory_space<vmem>>
      %dma_wait3A_535 = tpu.memref_squeeze %dma_wait3A_534 : memref<1x80xi32, #tpu.memory_space<vmem>> -> memref<80xi32, #tpu.memory_space<vmem>>
      %dma_wait3A_536 = arith.constant 0 : i32
      %dma_wait3A_537 = arith.constant 0 : i32
      %dma_wait3A_538 = tpu.memref_slice %arg14[%dma_wait3A_536, %dma_wait3A_537] : memref<10112x128xf32, #tpu.memory_space<vmem_shared>> -> memref<10112x128xf32, #tpu.memory_space<vmem_shared>>
      tpu.wait_indirect_dma semaphore(%run_scoped3A_526 : memref<!tpu.dma_semaphore, #tpu.memory_space<semaphore_mem>>) src(%arg11 : memref<80x128xf32, #tpu.memory_space<vmem>>) dst(%dma_wait3A_538 : memref<10112x128xf32, #tpu.memory_space<vmem_shared>>)
      tpu.yield
    }) : () -> ()
    %run_scoped3A_154 = arith.constant 45 : i32
    "tpu.region"() ({
      %run_scoped3A_526 = tpu.sem_alloc : memref<!tpu.dma_semaphore, #tpu.memory_space<semaphore_mem>>
      %dma_start3A_527 = arith.constant 0 : i32
      %dma_start3A_528 = tpu.memref_slice %arg10[%run_scoped3A_154, %dma_start3A_527] : memref<50x80xi32, #tpu.memory_space<vmem>> -> memref<1x80xi32, #tpu.memory_space<vmem>>
      %dma_start3A_529 = tpu.memref_squeeze %dma_start3A_528 : memref<1x80xi32, #tpu.memory_space<vmem>> -> memref<80xi32, #tpu.memory_space<vmem>>
      %dma_start3A_530 = arith.constant 0 : i32
      %dma_start3A_531 = tpu.memref_slice %arg16[%dma_start3A_530] : memref<10240xf32, #tpu.memory_space<vmem_shared>> -> memref<10240xf32, #tpu.memory_space<vmem_shared>>
      tpu.enqueue_indirect_dma source(%arg15 : memref<80xf32, #tpu.memory_space<vmem>>) target(%dma_start3A_531 : memref<10240xf32, #tpu.memory_space<vmem_shared>>) offsets(%dma_start3A_529 : memref<80xi32, #tpu.memory_space<vmem>>) semaphore(%run_scoped3A_526 : memref<!tpu.dma_semaphore, #tpu.memory_space<semaphore_mem>>) {add = true}
      %dma_wait3A_532 = arith.constant 0 : i32
      %dma_wait3A_533 = tpu.memref_slice %arg10[%run_scoped3A_154, %dma_wait3A_532] : memref<50x80xi32, #tpu.memory_space<vmem>> -> memref<1x80xi32, #tpu.memory_space<vmem>>
      %dma_wait3A_534 = tpu.memref_squeeze %dma_wait3A_533 : memref<1x80xi32, #tpu.memory_space<vmem>> -> memref<80xi32, #tpu.memory_space<vmem>>
      %dma_wait3A_535 = arith.constant 0 : i32
      %dma_wait3A_536 = tpu.memref_slice %arg16[%dma_wait3A_535] : memref<10240xf32, #tpu.memory_space<vmem_shared>> -> memref<10240xf32, #tpu.memory_space<vmem_shared>>
      tpu.wait_indirect_dma semaphore(%run_scoped3A_526 : memref<!tpu.dma_semaphore, #tpu.memory_space<semaphore_mem>>) src(%arg15 : memref<80xf32, #tpu.memory_space<vmem>>) dst(%dma_wait3A_536 : memref<10240xf32, #tpu.memory_space<vmem_shared>>)
      tpu.yield
    }) : () -> ()
    %dma_start3A_155 = arith.constant 48 : i32
    %dma_start3A_156 = arith.constant 0 : i32
    %dma_start3A_157 = tpu.memref_slice %arg9[%dma_start3A_155, %dma_start3A_156] : memref<50x80xi32, #tpu.memory_space<vmem>> -> memref<1x80xi32, #tpu.memory_space<vmem>>
    %dma_start3A_158 = tpu.memref_squeeze %dma_start3A_157 : memref<1x80xi32, #tpu.memory_space<vmem>> -> memref<80xi32, #tpu.memory_space<vmem>>
    %dma_start3A_159 = arith.constant 0 : i32
    %dma_start3A_160 = arith.constant 0 : i32
    %dma_start3A_161 = tpu.memref_slice %arg2[%dma_start3A_159, %dma_start3A_160] : memref<10000x128xf32, #tpu.memory_space<hbm>> -> memref<10000x128xf32, #tpu.memory_space<hbm>>
    tpu.enqueue_indirect_dma source(%dma_start3A_161 : memref<10000x128xf32, #tpu.memory_space<hbm>>) target(%arg11 : memref<80x128xf32, #tpu.memory_space<vmem>>) offsets(%dma_start3A_158 : memref<80xi32, #tpu.memory_space<vmem>>) semaphore(%arg17 : memref<!tpu.dma_semaphore, #tpu.memory_space<semaphore_mem>>)
    %dma_wait3A_162 = arith.constant 46 : i32
    %dma_wait3A_163 = arith.constant 0 : i32
    %dma_wait3A_164 = tpu.memref_slice %arg9[%dma_wait3A_162, %dma_wait3A_163] : memref<50x80xi32, #tpu.memory_space<vmem>> -> memref<1x80xi32, #tpu.memory_space<vmem>>
    %dma_wait3A_165 = tpu.memref_squeeze %dma_wait3A_164 : memref<1x80xi32, #tpu.memory_space<vmem>> -> memref<80xi32, #tpu.memory_space<vmem>>
    %dma_wait3A_166 = arith.constant 0 : i32
    %dma_wait3A_167 = arith.constant 0 : i32
    %dma_wait3A_168 = tpu.memref_slice %arg2[%dma_wait3A_166, %dma_wait3A_167] : memref<10000x128xf32, #tpu.memory_space<hbm>> -> memref<10000x128xf32, #tpu.memory_space<hbm>>
    tpu.wait_indirect_dma semaphore(%arg18 : memref<!tpu.dma_semaphore, #tpu.memory_space<semaphore_mem>>) src(%dma_wait3A_168 : memref<10000x128xf32, #tpu.memory_space<hbm>>) dst(%arg12 : memref<80x128xf32, #tpu.memory_space<vmem>>)
    %run_scoped3A_169 = arith.constant 46 : i32
    "tpu.region"() ({
      %run_scoped3A_526 = tpu.sem_alloc : memref<!tpu.dma_semaphore, #tpu.memory_space<semaphore_mem>>
      %dma_start3A_527 = arith.constant 0 : i32
      %dma_start3A_528 = tpu.memref_slice %arg10[%run_scoped3A_169, %dma_start3A_527] : memref<50x80xi32, #tpu.memory_space<vmem>> -> memref<1x80xi32, #tpu.memory_space<vmem>>
      %dma_start3A_529 = tpu.memref_squeeze %dma_start3A_528 : memref<1x80xi32, #tpu.memory_space<vmem>> -> memref<80xi32, #tpu.memory_space<vmem>>
      %dma_start3A_530 = arith.constant 0 : i32
      %dma_start3A_531 = arith.constant 0 : i32
      %dma_start3A_532 = tpu.memref_slice %arg14[%dma_start3A_530, %dma_start3A_531] : memref<10112x128xf32, #tpu.memory_space<vmem_shared>> -> memref<10112x128xf32, #tpu.memory_space<vmem_shared>>
      tpu.enqueue_indirect_dma source(%arg12 : memref<80x128xf32, #tpu.memory_space<vmem>>) target(%dma_start3A_532 : memref<10112x128xf32, #tpu.memory_space<vmem_shared>>) offsets(%dma_start3A_529 : memref<80xi32, #tpu.memory_space<vmem>>) semaphore(%run_scoped3A_526 : memref<!tpu.dma_semaphore, #tpu.memory_space<semaphore_mem>>) {add = true}
      %dma_wait3A_533 = arith.constant 0 : i32
      %dma_wait3A_534 = tpu.memref_slice %arg10[%run_scoped3A_169, %dma_wait3A_533] : memref<50x80xi32, #tpu.memory_space<vmem>> -> memref<1x80xi32, #tpu.memory_space<vmem>>
      %dma_wait3A_535 = tpu.memref_squeeze %dma_wait3A_534 : memref<1x80xi32, #tpu.memory_space<vmem>> -> memref<80xi32, #tpu.memory_space<vmem>>
      %dma_wait3A_536 = arith.constant 0 : i32
      %dma_wait3A_537 = arith.constant 0 : i32
      %dma_wait3A_538 = tpu.memref_slice %arg14[%dma_wait3A_536, %dma_wait3A_537] : memref<10112x128xf32, #tpu.memory_space<vmem_shared>> -> memref<10112x128xf32, #tpu.memory_space<vmem_shared>>
      tpu.wait_indirect_dma semaphore(%run_scoped3A_526 : memref<!tpu.dma_semaphore, #tpu.memory_space<semaphore_mem>>) src(%arg12 : memref<80x128xf32, #tpu.memory_space<vmem>>) dst(%dma_wait3A_538 : memref<10112x128xf32, #tpu.memory_space<vmem_shared>>)
      tpu.yield
    }) : () -> ()
    %run_scoped3A_170 = arith.constant 46 : i32
    "tpu.region"() ({
      %run_scoped3A_526 = tpu.sem_alloc : memref<!tpu.dma_semaphore, #tpu.memory_space<semaphore_mem>>
      %dma_start3A_527 = arith.constant 0 : i32
      %dma_start3A_528 = tpu.memref_slice %arg10[%run_scoped3A_170, %dma_start3A_527] : memref<50x80xi32, #tpu.memory_space<vmem>> -> memref<1x80xi32, #tpu.memory_space<vmem>>
      %dma_start3A_529 = tpu.memref_squeeze %dma_start3A_528 : memref<1x80xi32, #tpu.memory_space<vmem>> -> memref<80xi32, #tpu.memory_space<vmem>>
      %dma_start3A_530 = arith.constant 0 : i32
      %dma_start3A_531 = tpu.memref_slice %arg16[%dma_start3A_530] : memref<10240xf32, #tpu.memory_space<vmem_shared>> -> memref<10240xf32, #tpu.memory_space<vmem_shared>>
      tpu.enqueue_indirect_dma source(%arg15 : memref<80xf32, #tpu.memory_space<vmem>>) target(%dma_start3A_531 : memref<10240xf32, #tpu.memory_space<vmem_shared>>) offsets(%dma_start3A_529 : memref<80xi32, #tpu.memory_space<vmem>>) semaphore(%run_scoped3A_526 : memref<!tpu.dma_semaphore, #tpu.memory_space<semaphore_mem>>) {add = true}
      %dma_wait3A_532 = arith.constant 0 : i32
      %dma_wait3A_533 = tpu.memref_slice %arg10[%run_scoped3A_170, %dma_wait3A_532] : memref<50x80xi32, #tpu.memory_space<vmem>> -> memref<1x80xi32, #tpu.memory_space<vmem>>
      %dma_wait3A_534 = tpu.memref_squeeze %dma_wait3A_533 : memref<1x80xi32, #tpu.memory_space<vmem>> -> memref<80xi32, #tpu.memory_space<vmem>>
      %dma_wait3A_535 = arith.constant 0 : i32
      %dma_wait3A_536 = tpu.memref_slice %arg16[%dma_wait3A_535] : memref<10240xf32, #tpu.memory_space<vmem_shared>> -> memref<10240xf32, #tpu.memory_space<vmem_shared>>
      tpu.wait_indirect_dma semaphore(%run_scoped3A_526 : memref<!tpu.dma_semaphore, #tpu.memory_space<semaphore_mem>>) src(%arg15 : memref<80xf32, #tpu.memory_space<vmem>>) dst(%dma_wait3A_536 : memref<10240xf32, #tpu.memory_space<vmem_shared>>)
      tpu.yield
    }) : () -> ()
    %dma_start3A_171 = arith.constant 49 : i32
    %dma_start3A_172 = arith.constant 0 : i32
    %dma_start3A_173 = tpu.memref_slice %arg9[%dma_start3A_171, %dma_start3A_172] : memref<50x80xi32, #tpu.memory_space<vmem>> -> memref<1x80xi32, #tpu.memory_space<vmem>>
    %dma_start3A_174 = tpu.memref_squeeze %dma_start3A_173 : memref<1x80xi32, #tpu.memory_space<vmem>> -> memref<80xi32, #tpu.memory_space<vmem>>
    %dma_start3A_175 = arith.constant 0 : i32
    %dma_start3A_176 = arith.constant 0 : i32
    %dma_start3A_177 = tpu.memref_slice %arg2[%dma_start3A_175, %dma_start3A_176] : memref<10000x128xf32, #tpu.memory_space<hbm>> -> memref<10000x128xf32, #tpu.memory_space<hbm>>
    tpu.enqueue_indirect_dma source(%dma_start3A_177 : memref<10000x128xf32, #tpu.memory_space<hbm>>) target(%arg12 : memref<80x128xf32, #tpu.memory_space<vmem>>) offsets(%dma_start3A_174 : memref<80xi32, #tpu.memory_space<vmem>>) semaphore(%arg18 : memref<!tpu.dma_semaphore, #tpu.memory_space<semaphore_mem>>)
    %dma_wait3A_178 = arith.constant 47 : i32
    %dma_wait3A_179 = arith.constant 0 : i32
    %dma_wait3A_180 = tpu.memref_slice %arg9[%dma_wait3A_178, %dma_wait3A_179] : memref<50x80xi32, #tpu.memory_space<vmem>> -> memref<1x80xi32, #tpu.memory_space<vmem>>
    %dma_wait3A_181 = tpu.memref_squeeze %dma_wait3A_180 : memref<1x80xi32, #tpu.memory_space<vmem>> -> memref<80xi32, #tpu.memory_space<vmem>>
    %dma_wait3A_182 = arith.constant 0 : i32
    %dma_wait3A_183 = arith.constant 0 : i32
    %dma_wait3A_184 = tpu.memref_slice %arg2[%dma_wait3A_182, %dma_wait3A_183] : memref<10000x128xf32, #tpu.memory_space<hbm>> -> memref<10000x128xf32, #tpu.memory_space<hbm>>
    tpu.wait_indirect_dma semaphore(%arg19 : memref<!tpu.dma_semaphore, #tpu.memory_space<semaphore_mem>>) src(%dma_wait3A_184 : memref<10000x128xf32, #tpu.memory_space<hbm>>) dst(%arg13 : memref<80x128xf32, #tpu.memory_space<vmem>>)
    %run_scoped3A_185 = arith.constant 47 : i32
    "tpu.region"() ({
      %run_scoped3A_526 = tpu.sem_alloc : memref<!tpu.dma_semaphore, #tpu.memory_space<semaphore_mem>>
      %dma_start3A_527 = arith.constant 0 : i32
      %dma_start3A_528 = tpu.memref_slice %arg10[%run_scoped3A_185, %dma_start3A_527] : memref<50x80xi32, #tpu.memory_space<vmem>> -> memref<1x80xi32, #tpu.memory_space<vmem>>
      %dma_start3A_529 = tpu.memref_squeeze %dma_start3A_528 : memref<1x80xi32, #tpu.memory_space<vmem>> -> memref<80xi32, #tpu.memory_space<vmem>>
      %dma_start3A_530 = arith.constant 0 : i32
      %dma_start3A_531 = arith.constant 0 : i32
      %dma_start3A_532 = tpu.memref_slice %arg14[%dma_start3A_530, %dma_start3A_531] : memref<10112x128xf32, #tpu.memory_space<vmem_shared>> -> memref<10112x128xf32, #tpu.memory_space<vmem_shared>>
      tpu.enqueue_indirect_dma source(%arg13 : memref<80x128xf32, #tpu.memory_space<vmem>>) target(%dma_start3A_532 : memref<10112x128xf32, #tpu.memory_space<vmem_shared>>) offsets(%dma_start3A_529 : memref<80xi32, #tpu.memory_space<vmem>>) semaphore(%run_scoped3A_526 : memref<!tpu.dma_semaphore, #tpu.memory_space<semaphore_mem>>) {add = true}
      %dma_wait3A_533 = arith.constant 0 : i32
      %dma_wait3A_534 = tpu.memref_slice %arg10[%run_scoped3A_185, %dma_wait3A_533] : memref<50x80xi32, #tpu.memory_space<vmem>> -> memref<1x80xi32, #tpu.memory_space<vmem>>
      %dma_wait3A_535 = tpu.memref_squeeze %dma_wait3A_534 : memref<1x80xi32, #tpu.memory_space<vmem>> -> memref<80xi32, #tpu.memory_space<vmem>>
      %dma_wait3A_536 = arith.constant 0 : i32
      %dma_wait3A_537 = arith.constant 0 : i32
      %dma_wait3A_538 = tpu.memref_slice %arg14[%dma_wait3A_536, %dma_wait3A_537] : memref<10112x128xf32, #tpu.memory_space<vmem_shared>> -> memref<10112x128xf32, #tpu.memory_space<vmem_shared>>
      tpu.wait_indirect_dma semaphore(%run_scoped3A_526 : memref<!tpu.dma_semaphore, #tpu.memory_space<semaphore_mem>>) src(%arg13 : memref<80x128xf32, #tpu.memory_space<vmem>>) dst(%dma_wait3A_538 : memref<10112x128xf32, #tpu.memory_space<vmem_shared>>)
      tpu.yield
    }) : () -> ()
    %run_scoped3A_186 = arith.constant 47 : i32
    "tpu.region"() ({
      %run_scoped3A_526 = tpu.sem_alloc : memref<!tpu.dma_semaphore, #tpu.memory_space<semaphore_mem>>
      %dma_start3A_527 = arith.constant 0 : i32
      %dma_start3A_528 = tpu.memref_slice %arg10[%run_scoped3A_186, %dma_start3A_527] : memref<50x80xi32, #tpu.memory_space<vmem>> -> memref<1x80xi32, #tpu.memory_space<vmem>>
      %dma_start3A_529 = tpu.memref_squeeze %dma_start3A_528 : memref<1x80xi32, #tpu.memory_space<vmem>> -> memref<80xi32, #tpu.memory_space<vmem>>
      %dma_start3A_530 = arith.constant 0 : i32
      %dma_start3A_531 = tpu.memref_slice %arg16[%dma_start3A_530] : memref<10240xf32, #tpu.memory_space<vmem_shared>> -> memref<10240xf32, #tpu.memory_space<vmem_shared>>
      tpu.enqueue_indirect_dma source(%arg15 : memref<80xf32, #tpu.memory_space<vmem>>) target(%dma_start3A_531 : memref<10240xf32, #tpu.memory_space<vmem_shared>>) offsets(%dma_start3A_529 : memref<80xi32, #tpu.memory_space<vmem>>) semaphore(%run_scoped3A_526 : memref<!tpu.dma_semaphore, #tpu.memory_space<semaphore_mem>>) {add = true}
      %dma_wait3A_532 = arith.constant 0 : i32
      %dma_wait3A_533 = tpu.memref_slice %arg10[%run_scoped3A_186, %dma_wait3A_532] : memref<50x80xi32, #tpu.memory_space<vmem>> -> memref<1x80xi32, #tpu.memory_space<vmem>>
      %dma_wait3A_534 = tpu.memref_squeeze %dma_wait3A_533 : memref<1x80xi32, #tpu.memory_space<vmem>> -> memref<80xi32, #tpu.memory_space<vmem>>
      %dma_wait3A_535 = arith.constant 0 : i32
      %dma_wait3A_536 = tpu.memref_slice %arg16[%dma_wait3A_535] : memref<10240xf32, #tpu.memory_space<vmem_shared>> -> memref<10240xf32, #tpu.memory_space<vmem_shared>>
      tpu.wait_indirect_dma semaphore(%run_scoped3A_526 : memref<!tpu.dma_semaphore, #tpu.memory_space<semaphore_mem>>) src(%arg15 : memref<80xf32, #tpu.memory_space<vmem>>) dst(%dma_wait3A_536 : memref<10240xf32, #tpu.memory_space<vmem_shared>>)
      tpu.yield
    }) : () -> ()
    %dma_wait3A_187 = arith.constant 48 : i32
    %dma_wait3A_188 = arith.constant 0 : i32
    %dma_wait3A_189 = tpu.memref_slice %arg9[%dma_wait3A_187, %dma_wait3A_188] : memref<50x80xi32, #tpu.memory_space<vmem>> -> memref<1x80xi32, #tpu.memory_space<vmem>>
    %dma_wait3A_190 = tpu.memref_squeeze %dma_wait3A_189 : memref<1x80xi32, #tpu.memory_space<vmem>> -> memref<80xi32, #tpu.memory_space<vmem>>
    %dma_wait3A_191 = arith.constant 0 : i32
    %dma_wait3A_192 = arith.constant 0 : i32
    %dma_wait3A_193 = tpu.memref_slice %arg2[%dma_wait3A_191, %dma_wait3A_192] : memref<10000x128xf32, #tpu.memory_space<hbm>> -> memref<10000x128xf32, #tpu.memory_space<hbm>>
    tpu.wait_indirect_dma semaphore(%arg17 : memref<!tpu.dma_semaphore, #tpu.memory_space<semaphore_mem>>) src(%dma_wait3A_193 : memref<10000x128xf32, #tpu.memory_space<hbm>>) dst(%arg11 : memref<80x128xf32, #tpu.memory_space<vmem>>)
    %run_scoped3A_194 = arith.constant 48 : i32
    "tpu.region"() ({
      %run_scoped3A_526 = tpu.sem_alloc : memref<!tpu.dma_semaphore, #tpu.memory_space<semaphore_mem>>
      %dma_start3A_527 = arith.constant 0 : i32
      %dma_start3A_528 = tpu.memref_slice %arg10[%run_scoped3A_194, %dma_start3A_527] : memref<50x80xi32, #tpu.memory_space<vmem>> -> memref<1x80xi32, #tpu.memory_space<vmem>>
      %dma_start3A_529 = tpu.memref_squeeze %dma_start3A_528 : memref<1x80xi32, #tpu.memory_space<vmem>> -> memref<80xi32, #tpu.memory_space<vmem>>
      %dma_start3A_530 = arith.constant 0 : i32
      %dma_start3A_531 = arith.constant 0 : i32
      %dma_start3A_532 = tpu.memref_slice %arg14[%dma_start3A_530, %dma_start3A_531] : memref<10112x128xf32, #tpu.memory_space<vmem_shared>> -> memref<10112x128xf32, #tpu.memory_space<vmem_shared>>
      tpu.enqueue_indirect_dma source(%arg11 : memref<80x128xf32, #tpu.memory_space<vmem>>) target(%dma_start3A_532 : memref<10112x128xf32, #tpu.memory_space<vmem_shared>>) offsets(%dma_start3A_529 : memref<80xi32, #tpu.memory_space<vmem>>) semaphore(%run_scoped3A_526 : memref<!tpu.dma_semaphore, #tpu.memory_space<semaphore_mem>>) {add = true}
      %dma_wait3A_533 = arith.constant 0 : i32
      %dma_wait3A_534 = tpu.memref_slice %arg10[%run_scoped3A_194, %dma_wait3A_533] : memref<50x80xi32, #tpu.memory_space<vmem>> -> memref<1x80xi32, #tpu.memory_space<vmem>>
      %dma_wait3A_535 = tpu.memref_squeeze %dma_wait3A_534 : memref<1x80xi32, #tpu.memory_space<vmem>> -> memref<80xi32, #tpu.memory_space<vmem>>
      %dma_wait3A_536 = arith.constant 0 : i32
      %dma_wait3A_537 = arith.constant 0 : i32
      %dma_wait3A_538 = tpu.memref_slice %arg14[%dma_wait3A_536, %dma_wait3A_537] : memref<10112x128xf32, #tpu.memory_space<vmem_shared>> -> memref<10112x128xf32, #tpu.memory_space<vmem_shared>>
      tpu.wait_indirect_dma semaphore(%run_scoped3A_526 : memref<!tpu.dma_semaphore, #tpu.memory_space<semaphore_mem>>) src(%arg11 : memref<80x128xf32, #tpu.memory_space<vmem>>) dst(%dma_wait3A_538 : memref<10112x128xf32, #tpu.memory_space<vmem_shared>>)
      tpu.yield
    }) : () -> ()
    %run_scoped3A_195 = arith.constant 48 : i32
    "tpu.region"() ({
      %run_scoped3A_526 = tpu.sem_alloc : memref<!tpu.dma_semaphore, #tpu.memory_space<semaphore_mem>>
      %dma_start3A_527 = arith.constant 0 : i32
      %dma_start3A_528 = tpu.memref_slice %arg10[%run_scoped3A_195, %dma_start3A_527] : memref<50x80xi32, #tpu.memory_space<vmem>> -> memref<1x80xi32, #tpu.memory_space<vmem>>
      %dma_start3A_529 = tpu.memref_squeeze %dma_start3A_528 : memref<1x80xi32, #tpu.memory_space<vmem>> -> memref<80xi32, #tpu.memory_space<vmem>>
      %dma_start3A_530 = arith.constant 0 : i32
      %dma_start3A_531 = tpu.memref_slice %arg16[%dma_start3A_530] : memref<10240xf32, #tpu.memory_space<vmem_shared>> -> memref<10240xf32, #tpu.memory_space<vmem_shared>>
      tpu.enqueue_indirect_dma source(%arg15 : memref<80xf32, #tpu.memory_space<vmem>>) target(%dma_start3A_531 : memref<10240xf32, #tpu.memory_space<vmem_shared>>) offsets(%dma_start3A_529 : memref<80xi32, #tpu.memory_space<vmem>>) semaphore(%run_scoped3A_526 : memref<!tpu.dma_semaphore, #tpu.memory_space<semaphore_mem>>) {add = true}
      %dma_wait3A_532 = arith.constant 0 : i32
      %dma_wait3A_533 = tpu.memref_slice %arg10[%run_scoped3A_195, %dma_wait3A_532] : memref<50x80xi32, #tpu.memory_space<vmem>> -> memref<1x80xi32, #tpu.memory_space<vmem>>
      %dma_wait3A_534 = tpu.memref_squeeze %dma_wait3A_533 : memref<1x80xi32, #tpu.memory_space<vmem>> -> memref<80xi32, #tpu.memory_space<vmem>>
      %dma_wait3A_535 = arith.constant 0 : i32
      %dma_wait3A_536 = tpu.memref_slice %arg16[%dma_wait3A_535] : memref<10240xf32, #tpu.memory_space<vmem_shared>> -> memref<10240xf32, #tpu.memory_space<vmem_shared>>
      tpu.wait_indirect_dma semaphore(%run_scoped3A_526 : memref<!tpu.dma_semaphore, #tpu.memory_space<semaphore_mem>>) src(%arg15 : memref<80xf32, #tpu.memory_space<vmem>>) dst(%dma_wait3A_536 : memref<10240xf32, #tpu.memory_space<vmem_shared>>)
      tpu.yield
    }) : () -> ()
    %dma_wait3A_196 = arith.constant 49 : i32
    %dma_wait3A_197 = arith.constant 0 : i32
    %dma_wait3A_198 = tpu.memref_slice %arg9[%dma_wait3A_196, %dma_wait3A_197] : memref<50x80xi32, #tpu.memory_space<vmem>> -> memref<1x80xi32, #tpu.memory_space<vmem>>
    %dma_wait3A_199 = tpu.memref_squeeze %dma_wait3A_198 : memref<1x80xi32, #tpu.memory_space<vmem>> -> memref<80xi32, #tpu.memory_space<vmem>>
    %dma_wait3A_200 = arith.constant 0 : i32
    %dma_wait3A_201 = arith.constant 0 : i32
    %dma_wait3A_202 = tpu.memref_slice %arg2[%dma_wait3A_200, %dma_wait3A_201] : memref<10000x128xf32, #tpu.memory_space<hbm>> -> memref<10000x128xf32, #tpu.memory_space<hbm>>
    tpu.wait_indirect_dma semaphore(%arg18 : memref<!tpu.dma_semaphore, #tpu.memory_space<semaphore_mem>>) src(%dma_wait3A_202 : memref<10000x128xf32, #tpu.memory_space<hbm>>) dst(%arg12 : memref<80x128xf32, #tpu.memory_space<vmem>>)
    %run_scoped3A_203 = arith.constant 49 : i32
    "tpu.region"() ({
      %run_scoped3A_526 = tpu.sem_alloc : memref<!tpu.dma_semaphore, #tpu.memory_space<semaphore_mem>>
      %dma_start3A_527 = arith.constant 0 : i32
      %dma_start3A_528 = tpu.memref_slice %arg10[%run_scoped3A_203, %dma_start3A_527] : memref<50x80xi32, #tpu.memory_space<vmem>> -> memref<1x80xi32, #tpu.memory_space<vmem>>
      %dma_start3A_529 = tpu.memref_squeeze %dma_start3A_528 : memref<1x80xi32, #tpu.memory_space<vmem>> -> memref<80xi32, #tpu.memory_space<vmem>>
      %dma_start3A_530 = arith.constant 0 : i32
      %dma_start3A_531 = arith.constant 0 : i32
      %dma_start3A_532 = tpu.memref_slice %arg14[%dma_start3A_530, %dma_start3A_531] : memref<10112x128xf32, #tpu.memory_space<vmem_shared>> -> memref<10112x128xf32, #tpu.memory_space<vmem_shared>>
      tpu.enqueue_indirect_dma source(%arg12 : memref<80x128xf32, #tpu.memory_space<vmem>>) target(%dma_start3A_532 : memref<10112x128xf32, #tpu.memory_space<vmem_shared>>) offsets(%dma_start3A_529 : memref<80xi32, #tpu.memory_space<vmem>>) semaphore(%run_scoped3A_526 : memref<!tpu.dma_semaphore, #tpu.memory_space<semaphore_mem>>) {add = true}
      %dma_wait3A_533 = arith.constant 0 : i32
      %dma_wait3A_534 = tpu.memref_slice %arg10[%run_scoped3A_203, %dma_wait3A_533] : memref<50x80xi32, #tpu.memory_space<vmem>> -> memref<1x80xi32, #tpu.memory_space<vmem>>
      %dma_wait3A_535 = tpu.memref_squeeze %dma_wait3A_534 : memref<1x80xi32, #tpu.memory_space<vmem>> -> memref<80xi32, #tpu.memory_space<vmem>>
      %dma_wait3A_536 = arith.constant 0 : i32
      %dma_wait3A_537 = arith.constant 0 : i32
      %dma_wait3A_538 = tpu.memref_slice %arg14[%dma_wait3A_536, %dma_wait3A_537] : memref<10112x128xf32, #tpu.memory_space<vmem_shared>> -> memref<10112x128xf32, #tpu.memory_space<vmem_shared>>
      tpu.wait_indirect_dma semaphore(%run_scoped3A_526 : memref<!tpu.dma_semaphore, #tpu.memory_space<semaphore_mem>>) src(%arg12 : memref<80x128xf32, #tpu.memory_space<vmem>>) dst(%dma_wait3A_538 : memref<10112x128xf32, #tpu.memory_space<vmem_shared>>)
      tpu.yield
    }) : () -> ()
    %run_scoped3A_204 = arith.constant 49 : i32
    "tpu.region"() ({
      %run_scoped3A_526 = tpu.sem_alloc : memref<!tpu.dma_semaphore, #tpu.memory_space<semaphore_mem>>
      %dma_start3A_527 = arith.constant 0 : i32
      %dma_start3A_528 = tpu.memref_slice %arg10[%run_scoped3A_204, %dma_start3A_527] : memref<50x80xi32, #tpu.memory_space<vmem>> -> memref<1x80xi32, #tpu.memory_space<vmem>>
      %dma_start3A_529 = tpu.memref_squeeze %dma_start3A_528 : memref<1x80xi32, #tpu.memory_space<vmem>> -> memref<80xi32, #tpu.memory_space<vmem>>
      %dma_start3A_530 = arith.constant 0 : i32
      %dma_start3A_531 = tpu.memref_slice %arg16[%dma_start3A_530] : memref<10240xf32, #tpu.memory_space<vmem_shared>> -> memref<10240xf32, #tpu.memory_space<vmem_shared>>
      tpu.enqueue_indirect_dma source(%arg15 : memref<80xf32, #tpu.memory_space<vmem>>) target(%dma_start3A_531 : memref<10240xf32, #tpu.memory_space<vmem_shared>>) offsets(%dma_start3A_529 : memref<80xi32, #tpu.memory_space<vmem>>) semaphore(%run_scoped3A_526 : memref<!tpu.dma_semaphore, #tpu.memory_space<semaphore_mem>>) {add = true}
      %dma_wait3A_532 = arith.constant 0 : i32
      %dma_wait3A_533 = tpu.memref_slice %arg10[%run_scoped3A_204, %dma_wait3A_532] : memref<50x80xi32, #tpu.memory_space<vmem>> -> memref<1x80xi32, #tpu.memory_space<vmem>>
      %dma_wait3A_534 = tpu.memref_squeeze %dma_wait3A_533 : memref<1x80xi32, #tpu.memory_space<vmem>> -> memref<80xi32, #tpu.memory_space<vmem>>
      %dma_wait3A_535 = arith.constant 0 : i32
      %dma_wait3A_536 = tpu.memref_slice %arg16[%dma_wait3A_535] : memref<10240xf32, #tpu.memory_space<vmem_shared>> -> memref<10240xf32, #tpu.memory_space<vmem_shared>>
      tpu.wait_indirect_dma semaphore(%run_scoped3A_526 : memref<!tpu.dma_semaphore, #tpu.memory_space<semaphore_mem>>) src(%arg15 : memref<80xf32, #tpu.memory_space<vmem>>) dst(%dma_wait3A_536 : memref<10240xf32, #tpu.memory_space<vmem_shared>>)
      tpu.yield
    }) : () -> ()
    %mul3A_205 = arith.constant 16 : i32
    %mul3A_206 = arith.muli %arg0, %mul3A_205 : i32
    %add3A_207 = arith.addi %mul3A_206, %arg1 : i32
    %mul3A_208 = arith.constant 5 : i32
    %mul3A_209 = arith.muli %add3A_207, %mul3A_208 : i32
    %add3A_210 = arith.constant 2 : i32
    %add3A_211 = arith.addi %mul3A_209, %add3A_210 : i32
    %sub3A_212 = arith.constant 1 : i32
    %sub3A_213 = arith.subi %sub3A_212, %arg0 : i32
    %mul3A_214 = arith.constant 16 : i32
    %mul3A_215 = arith.muli %sub3A_213, %mul3A_214 : i32
    %add3A_216 = arith.addi %mul3A_215, %arg1 : i32
    %mul3A_217 = arith.constant 5 : i32
    %mul3A_218 = arith.muli %add3A_216, %mul3A_217 : i32
    %add3A_219 = arith.constant 2 : i32
    %add3A_220 = arith.addi %mul3A_218, %add3A_219 : i32
    "tpu.region"() ({
      %run_scoped3A_526 = tpu.sem_alloc : memref<!tpu.dma_semaphore, #tpu.memory_space<semaphore_mem>>
      %dma_start3A_527 = arith.constant 0 : i32
      %dma_start3A_528 = arith.constant 0 : i32
      %dma_start3A_529 = tpu.memref_slice %arg3[%add3A_211, %dma_start3A_527, %dma_start3A_528] : memref<160x50x80xi32, #tpu.memory_space<hbm>> -> memref<1x50x80xi32, #tpu.memory_space<hbm>>
      %dma_start3A_530 = tpu.memref_squeeze %dma_start3A_529 : memref<1x50x80xi32, #tpu.memory_space<hbm>> -> memref<50x80xi32, #tpu.memory_space<hbm>>
      %dma_start3A_531 = arith.constant 0 : i32
      %dma_start3A_532 = arith.constant 0 : i32
      %dma_start3A_533 = tpu.memref_slice %arg3[%add3A_211, %dma_start3A_531, %dma_start3A_532] : memref<160x50x80xi32, #tpu.memory_space<hbm>> -> memref<1x50x80xi32, #tpu.memory_space<hbm>>
      %dma_start3A_534 = tpu.memref_squeeze %dma_start3A_533 : memref<1x50x80xi32, #tpu.memory_space<hbm>> -> memref<50x80xi32, #tpu.memory_space<hbm>>
      tpu.enqueue_dma source(%dma_start3A_534 : memref<50x80xi32, #tpu.memory_space<hbm>>) target(%arg9 : memref<50x80xi32, #tpu.memory_space<vmem>>) target_semaphore(%run_scoped3A_526 : memref<!tpu.dma_semaphore, #tpu.memory_space<semaphore_mem>>)
      %dma_wait3A_535 = arith.constant 0 : i32
      %dma_wait3A_536 = arith.constant 0 : i32
      %dma_wait3A_537 = tpu.memref_slice %arg3[%add3A_211, %dma_wait3A_535, %dma_wait3A_536] : memref<160x50x80xi32, #tpu.memory_space<hbm>> -> memref<1x50x80xi32, #tpu.memory_space<hbm>>
      %dma_wait3A_538 = tpu.memref_squeeze %dma_wait3A_537 : memref<1x50x80xi32, #tpu.memory_space<hbm>> -> memref<50x80xi32, #tpu.memory_space<hbm>>
      %dma_wait3A_539 = arith.constant 0 : i32
      %dma_wait3A_540 = arith.constant 0 : i32
      %dma_wait3A_541 = tpu.memref_slice %arg3[%add3A_211, %dma_wait3A_539, %dma_wait3A_540] : memref<160x50x80xi32, #tpu.memory_space<hbm>> -> memref<1x50x80xi32, #tpu.memory_space<hbm>>
      %dma_wait3A_542 = tpu.memref_squeeze %dma_wait3A_541 : memref<1x50x80xi32, #tpu.memory_space<hbm>> -> memref<50x80xi32, #tpu.memory_space<hbm>>
      tpu.wait_dma2 semaphore(%run_scoped3A_526 : memref<!tpu.dma_semaphore, #tpu.memory_space<semaphore_mem>>) src(%dma_wait3A_542 : memref<50x80xi32, #tpu.memory_space<hbm>>) dst(%arg9 : memref<50x80xi32, #tpu.memory_space<vmem>>)
      tpu.yield
    }) : () -> ()
    "tpu.region"() ({
      %run_scoped3A_526 = tpu.sem_alloc : memref<!tpu.dma_semaphore, #tpu.memory_space<semaphore_mem>>
      %dma_start3A_527 = arith.constant 0 : i32
      %dma_start3A_528 = arith.constant 0 : i32
      %dma_start3A_529 = tpu.memref_slice %arg3[%add3A_220, %dma_start3A_527, %dma_start3A_528] : memref<160x50x80xi32, #tpu.memory_space<hbm>> -> memref<1x50x80xi32, #tpu.memory_space<hbm>>
      %dma_start3A_530 = tpu.memref_squeeze %dma_start3A_529 : memref<1x50x80xi32, #tpu.memory_space<hbm>> -> memref<50x80xi32, #tpu.memory_space<hbm>>
      %dma_start3A_531 = arith.constant 0 : i32
      %dma_start3A_532 = arith.constant 0 : i32
      %dma_start3A_533 = tpu.memref_slice %arg3[%add3A_220, %dma_start3A_531, %dma_start3A_532] : memref<160x50x80xi32, #tpu.memory_space<hbm>> -> memref<1x50x80xi32, #tpu.memory_space<hbm>>
      %dma_start3A_534 = tpu.memref_squeeze %dma_start3A_533 : memref<1x50x80xi32, #tpu.memory_space<hbm>> -> memref<50x80xi32, #tpu.memory_space<hbm>>
      tpu.enqueue_dma source(%dma_start3A_534 : memref<50x80xi32, #tpu.memory_space<hbm>>) target(%arg10 : memref<50x80xi32, #tpu.memory_space<vmem>>) target_semaphore(%run_scoped3A_526 : memref<!tpu.dma_semaphore, #tpu.memory_space<semaphore_mem>>)
      %dma_wait3A_535 = arith.constant 0 : i32
      %dma_wait3A_536 = arith.constant 0 : i32
      %dma_wait3A_537 = tpu.memref_slice %arg3[%add3A_220, %dma_wait3A_535, %dma_wait3A_536] : memref<160x50x80xi32, #tpu.memory_space<hbm>> -> memref<1x50x80xi32, #tpu.memory_space<hbm>>
      %dma_wait3A_538 = tpu.memref_squeeze %dma_wait3A_537 : memref<1x50x80xi32, #tpu.memory_space<hbm>> -> memref<50x80xi32, #tpu.memory_space<hbm>>
      %dma_wait3A_539 = arith.constant 0 : i32
      %dma_wait3A_540 = arith.constant 0 : i32
      %dma_wait3A_541 = tpu.memref_slice %arg3[%add3A_220, %dma_wait3A_539, %dma_wait3A_540] : memref<160x50x80xi32, #tpu.memory_space<hbm>> -> memref<1x50x80xi32, #tpu.memory_space<hbm>>
      %dma_wait3A_542 = tpu.memref_squeeze %dma_wait3A_541 : memref<1x50x80xi32, #tpu.memory_space<hbm>> -> memref<50x80xi32, #tpu.memory_space<hbm>>
      tpu.wait_dma2 semaphore(%run_scoped3A_526 : memref<!tpu.dma_semaphore, #tpu.memory_space<semaphore_mem>>) src(%dma_wait3A_542 : memref<50x80xi32, #tpu.memory_space<hbm>>) dst(%arg10 : memref<50x80xi32, #tpu.memory_space<vmem>>)
      tpu.yield
    }) : () -> ()
    %dma_start3A_221 = arith.constant 0 : i32
    %dma_start3A_222 = arith.constant 0 : i32
    %dma_start3A_223 = tpu.memref_slice %arg9[%dma_start3A_221, %dma_start3A_222] : memref<50x80xi32, #tpu.memory_space<vmem>> -> memref<1x80xi32, #tpu.memory_space<vmem>>
    %dma_start3A_224 = tpu.memref_squeeze %dma_start3A_223 : memref<1x80xi32, #tpu.memory_space<vmem>> -> memref<80xi32, #tpu.memory_space<vmem>>
    %dma_start3A_225 = arith.constant 0 : i32
    %dma_start3A_226 = arith.constant 0 : i32
    %dma_start3A_227 = tpu.memref_slice %arg2[%dma_start3A_225, %dma_start3A_226] : memref<10000x128xf32, #tpu.memory_space<hbm>> -> memref<10000x128xf32, #tpu.memory_space<hbm>>
    tpu.enqueue_indirect_dma source(%dma_start3A_227 : memref<10000x128xf32, #tpu.memory_space<hbm>>) target(%arg11 : memref<80x128xf32, #tpu.memory_space<vmem>>) offsets(%dma_start3A_224 : memref<80xi32, #tpu.memory_space<vmem>>) semaphore(%arg17 : memref<!tpu.dma_semaphore, #tpu.memory_space<semaphore_mem>>)
    %dma_start3A_228 = arith.constant 1 : i32
    %dma_start3A_229 = arith.constant 0 : i32
    %dma_start3A_230 = tpu.memref_slice %arg9[%dma_start3A_228, %dma_start3A_229] : memref<50x80xi32, #tpu.memory_space<vmem>> -> memref<1x80xi32, #tpu.memory_space<vmem>>
    %dma_start3A_231 = tpu.memref_squeeze %dma_start3A_230 : memref<1x80xi32, #tpu.memory_space<vmem>> -> memref<80xi32, #tpu.memory_space<vmem>>
    %dma_start3A_232 = arith.constant 0 : i32
    %dma_start3A_233 = arith.constant 0 : i32
    %dma_start3A_234 = tpu.memref_slice %arg2[%dma_start3A_232, %dma_start3A_233] : memref<10000x128xf32, #tpu.memory_space<hbm>> -> memref<10000x128xf32, #tpu.memory_space<hbm>>
    tpu.enqueue_indirect_dma source(%dma_start3A_234 : memref<10000x128xf32, #tpu.memory_space<hbm>>) target(%arg12 : memref<80x128xf32, #tpu.memory_space<vmem>>) offsets(%dma_start3A_231 : memref<80xi32, #tpu.memory_space<vmem>>) semaphore(%arg18 : memref<!tpu.dma_semaphore, #tpu.memory_space<semaphore_mem>>)
    %dma_start3A_235 = arith.constant 2 : i32
    %dma_start3A_236 = arith.constant 0 : i32
    %dma_start3A_237 = tpu.memref_slice %arg9[%dma_start3A_235, %dma_start3A_236] : memref<50x80xi32, #tpu.memory_space<vmem>> -> memref<1x80xi32, #tpu.memory_space<vmem>>
    %dma_start3A_238 = tpu.memref_squeeze %dma_start3A_237 : memref<1x80xi32, #tpu.memory_space<vmem>> -> memref<80xi32, #tpu.memory_space<vmem>>
    %dma_start3A_239 = arith.constant 0 : i32
    %dma_start3A_240 = arith.constant 0 : i32
    %dma_start3A_241 = tpu.memref_slice %arg2[%dma_start3A_239, %dma_start3A_240] : memref<10000x128xf32, #tpu.memory_space<hbm>> -> memref<10000x128xf32, #tpu.memory_space<hbm>>
    tpu.enqueue_indirect_dma source(%dma_start3A_241 : memref<10000x128xf32, #tpu.memory_space<hbm>>) target(%arg13 : memref<80x128xf32, #tpu.memory_space<vmem>>) offsets(%dma_start3A_238 : memref<80xi32, #tpu.memory_space<vmem>>) semaphore(%arg19 : memref<!tpu.dma_semaphore, #tpu.memory_space<semaphore_mem>>)
    %scan3A_242 = arith.constant 0 : i32
    %scan3A_243 = arith.constant 0 : i32
    %scan3A_244 = arith.constant 15 : i32
    %scan3A_245 = arith.addi %scan3A_243, %scan3A_244 : i32
    %scan3A_246 = arith.constant 1 : i32
    scf.for %scan3A_526 = %scan3A_243 to %scan3A_245 step %scan3A_246  : i32 {
      %mul3A_527 = arith.constant 3 : i32
      %mul3A_528 = arith.muli %mul3A_527, %scan3A_526 : i32
      %add3A_529 = arith.constant 0 : i32
      %add3A_530 = arith.addi %mul3A_528, %add3A_529 : i32
      %dma_wait3A_531 = arith.constant 0 : i32
      %dma_wait3A_532 = tpu.memref_slice %arg9[%add3A_530, %dma_wait3A_531] : memref<50x80xi32, #tpu.memory_space<vmem>> -> memref<1x80xi32, #tpu.memory_space<vmem>>
      %dma_wait3A_533 = tpu.memref_squeeze %dma_wait3A_532 : memref<1x80xi32, #tpu.memory_space<vmem>> -> memref<80xi32, #tpu.memory_space<vmem>>
      %dma_wait3A_534 = arith.constant 0 : i32
      %dma_wait3A_535 = arith.constant 0 : i32
      %dma_wait3A_536 = tpu.memref_slice %arg2[%dma_wait3A_534, %dma_wait3A_535] : memref<10000x128xf32, #tpu.memory_space<hbm>> -> memref<10000x128xf32, #tpu.memory_space<hbm>>
      tpu.wait_indirect_dma semaphore(%arg17 : memref<!tpu.dma_semaphore, #tpu.memory_space<semaphore_mem>>) src(%dma_wait3A_536 : memref<10000x128xf32, #tpu.memory_space<hbm>>) dst(%arg11 : memref<80x128xf32, #tpu.memory_space<vmem>>)
      "tpu.region"() ({
        %run_scoped3A_581 = tpu.sem_alloc : memref<!tpu.dma_semaphore, #tpu.memory_space<semaphore_mem>>
        %dma_start3A_582 = arith.constant 0 : i32
        %dma_start3A_583 = tpu.memref_slice %arg10[%add3A_530, %dma_start3A_582] : memref<50x80xi32, #tpu.memory_space<vmem>> -> memref<1x80xi32, #tpu.memory_space<vmem>>
        %dma_start3A_584 = tpu.memref_squeeze %dma_start3A_583 : memref<1x80xi32, #tpu.memory_space<vmem>> -> memref<80xi32, #tpu.memory_space<vmem>>
        %dma_start3A_585 = arith.constant 0 : i32
        %dma_start3A_586 = arith.constant 0 : i32
        %dma_start3A_587 = tpu.memref_slice %arg14[%dma_start3A_585, %dma_start3A_586] : memref<10112x128xf32, #tpu.memory_space<vmem_shared>> -> memref<10112x128xf32, #tpu.memory_space<vmem_shared>>
        tpu.enqueue_indirect_dma source(%arg11 : memref<80x128xf32, #tpu.memory_space<vmem>>) target(%dma_start3A_587 : memref<10112x128xf32, #tpu.memory_space<vmem_shared>>) offsets(%dma_start3A_584 : memref<80xi32, #tpu.memory_space<vmem>>) semaphore(%run_scoped3A_581 : memref<!tpu.dma_semaphore, #tpu.memory_space<semaphore_mem>>) {add = true}
        %dma_wait3A_588 = arith.constant 0 : i32
        %dma_wait3A_589 = tpu.memref_slice %arg10[%add3A_530, %dma_wait3A_588] : memref<50x80xi32, #tpu.memory_space<vmem>> -> memref<1x80xi32, #tpu.memory_space<vmem>>
        %dma_wait3A_590 = tpu.memref_squeeze %dma_wait3A_589 : memref<1x80xi32, #tpu.memory_space<vmem>> -> memref<80xi32, #tpu.memory_space<vmem>>
        %dma_wait3A_591 = arith.constant 0 : i32
        %dma_wait3A_592 = arith.constant 0 : i32
        %dma_wait3A_593 = tpu.memref_slice %arg14[%dma_wait3A_591, %dma_wait3A_592] : memref<10112x128xf32, #tpu.memory_space<vmem_shared>> -> memref<10112x128xf32, #tpu.memory_space<vmem_shared>>
        tpu.wait_indirect_dma semaphore(%run_scoped3A_581 : memref<!tpu.dma_semaphore, #tpu.memory_space<semaphore_mem>>) src(%arg11 : memref<80x128xf32, #tpu.memory_space<vmem>>) dst(%dma_wait3A_593 : memref<10112x128xf32, #tpu.memory_space<vmem_shared>>)
        tpu.yield
      }) : () -> ()
      "tpu.region"() ({
        %run_scoped3A_581 = tpu.sem_alloc : memref<!tpu.dma_semaphore, #tpu.memory_space<semaphore_mem>>
        %dma_start3A_582 = arith.constant 0 : i32
        %dma_start3A_583 = tpu.memref_slice %arg10[%add3A_530, %dma_start3A_582] : memref<50x80xi32, #tpu.memory_space<vmem>> -> memref<1x80xi32, #tpu.memory_space<vmem>>
        %dma_start3A_584 = tpu.memref_squeeze %dma_start3A_583 : memref<1x80xi32, #tpu.memory_space<vmem>> -> memref<80xi32, #tpu.memory_space<vmem>>
        %dma_start3A_585 = arith.constant 0 : i32
        %dma_start3A_586 = tpu.memref_slice %arg16[%dma_start3A_585] : memref<10240xf32, #tpu.memory_space<vmem_shared>> -> memref<10240xf32, #tpu.memory_space<vmem_shared>>
        tpu.enqueue_indirect_dma source(%arg15 : memref<80xf32, #tpu.memory_space<vmem>>) target(%dma_start3A_586 : memref<10240xf32, #tpu.memory_space<vmem_shared>>) offsets(%dma_start3A_584 : memref<80xi32, #tpu.memory_space<vmem>>) semaphore(%run_scoped3A_581 : memref<!tpu.dma_semaphore, #tpu.memory_space<semaphore_mem>>) {add = true}
        %dma_wait3A_587 = arith.constant 0 : i32
        %dma_wait3A_588 = tpu.memref_slice %arg10[%add3A_530, %dma_wait3A_587] : memref<50x80xi32, #tpu.memory_space<vmem>> -> memref<1x80xi32, #tpu.memory_space<vmem>>
        %dma_wait3A_589 = tpu.memref_squeeze %dma_wait3A_588 : memref<1x80xi32, #tpu.memory_space<vmem>> -> memref<80xi32, #tpu.memory_space<vmem>>
        %dma_wait3A_590 = arith.constant 0 : i32
        %dma_wait3A_591 = tpu.memref_slice %arg16[%dma_wait3A_590] : memref<10240xf32, #tpu.memory_space<vmem_shared>> -> memref<10240xf32, #tpu.memory_space<vmem_shared>>
        tpu.wait_indirect_dma semaphore(%run_scoped3A_581 : memref<!tpu.dma_semaphore, #tpu.memory_space<semaphore_mem>>) src(%arg15 : memref<80xf32, #tpu.memory_space<vmem>>) dst(%dma_wait3A_591 : memref<10240xf32, #tpu.memory_space<vmem_shared>>)
        tpu.yield
      }) : () -> ()
      %add3A_537 = arith.constant 3 : i32
      %add3A_538 = arith.addi %add3A_530, %add3A_537 : i32
      %dma_start3A_539 = arith.constant 0 : i32
      %dma_start3A_540 = tpu.memref_slice %arg9[%add3A_538, %dma_start3A_539] : memref<50x80xi32, #tpu.memory_space<vmem>> -> memref<1x80xi32, #tpu.memory_space<vmem>>
      %dma_start3A_541 = tpu.memref_squeeze %dma_start3A_540 : memref<1x80xi32, #tpu.memory_space<vmem>> -> memref<80xi32, #tpu.memory_space<vmem>>
      %dma_start3A_542 = arith.constant 0 : i32
      %dma_start3A_543 = arith.constant 0 : i32
      %dma_start3A_544 = tpu.memref_slice %arg2[%dma_start3A_542, %dma_start3A_543] : memref<10000x128xf32, #tpu.memory_space<hbm>> -> memref<10000x128xf32, #tpu.memory_space<hbm>>
      tpu.enqueue_indirect_dma source(%dma_start3A_544 : memref<10000x128xf32, #tpu.memory_space<hbm>>) target(%arg11 : memref<80x128xf32, #tpu.memory_space<vmem>>) offsets(%dma_start3A_541 : memref<80xi32, #tpu.memory_space<vmem>>) semaphore(%arg17 : memref<!tpu.dma_semaphore, #tpu.memory_space<semaphore_mem>>)
      %mul3A_545 = arith.constant 3 : i32
      %mul3A_546 = arith.muli %mul3A_545, %scan3A_526 : i32
      %add3A_547 = arith.constant 1 : i32
      %add3A_548 = arith.addi %mul3A_546, %add3A_547 : i32
      %dma_wait3A_549 = arith.constant 0 : i32
      %dma_wait3A_550 = tpu.memref_slice %arg9[%add3A_548, %dma_wait3A_549] : memref<50x80xi32, #tpu.memory_space<vmem>> -> memref<1x80xi32, #tpu.memory_space<vmem>>
      %dma_wait3A_551 = tpu.memref_squeeze %dma_wait3A_550 : memref<1x80xi32, #tpu.memory_space<vmem>> -> memref<80xi32, #tpu.memory_space<vmem>>
      %dma_wait3A_552 = arith.constant 0 : i32
      %dma_wait3A_553 = arith.constant 0 : i32
      %dma_wait3A_554 = tpu.memref_slice %arg2[%dma_wait3A_552, %dma_wait3A_553] : memref<10000x128xf32, #tpu.memory_space<hbm>> -> memref<10000x128xf32, #tpu.memory_space<hbm>>
      tpu.wait_indirect_dma semaphore(%arg18 : memref<!tpu.dma_semaphore, #tpu.memory_space<semaphore_mem>>) src(%dma_wait3A_554 : memref<10000x128xf32, #tpu.memory_space<hbm>>) dst(%arg12 : memref<80x128xf32, #tpu.memory_space<vmem>>)
      "tpu.region"() ({
        %run_scoped3A_581 = tpu.sem_alloc : memref<!tpu.dma_semaphore, #tpu.memory_space<semaphore_mem>>
        %dma_start3A_582 = arith.constant 0 : i32
        %dma_start3A_583 = tpu.memref_slice %arg10[%add3A_548, %dma_start3A_582] : memref<50x80xi32, #tpu.memory_space<vmem>> -> memref<1x80xi32, #tpu.memory_space<vmem>>
        %dma_start3A_584 = tpu.memref_squeeze %dma_start3A_583 : memref<1x80xi32, #tpu.memory_space<vmem>> -> memref<80xi32, #tpu.memory_space<vmem>>
        %dma_start3A_585 = arith.constant 0 : i32
        %dma_start3A_586 = arith.constant 0 : i32
        %dma_start3A_587 = tpu.memref_slice %arg14[%dma_start3A_585, %dma_start3A_586] : memref<10112x128xf32, #tpu.memory_space<vmem_shared>> -> memref<10112x128xf32, #tpu.memory_space<vmem_shared>>
        tpu.enqueue_indirect_dma source(%arg12 : memref<80x128xf32, #tpu.memory_space<vmem>>) target(%dma_start3A_587 : memref<10112x128xf32, #tpu.memory_space<vmem_shared>>) offsets(%dma_start3A_584 : memref<80xi32, #tpu.memory_space<vmem>>) semaphore(%run_scoped3A_581 : memref<!tpu.dma_semaphore, #tpu.memory_space<semaphore_mem>>) {add = true}
        %dma_wait3A_588 = arith.constant 0 : i32
        %dma_wait3A_589 = tpu.memref_slice %arg10[%add3A_548, %dma_wait3A_588] : memref<50x80xi32, #tpu.memory_space<vmem>> -> memref<1x80xi32, #tpu.memory_space<vmem>>
        %dma_wait3A_590 = tpu.memref_squeeze %dma_wait3A_589 : memref<1x80xi32, #tpu.memory_space<vmem>> -> memref<80xi32, #tpu.memory_space<vmem>>
        %dma_wait3A_591 = arith.constant 0 : i32
        %dma_wait3A_592 = arith.constant 0 : i32
        %dma_wait3A_593 = tpu.memref_slice %arg14[%dma_wait3A_591, %dma_wait3A_592] : memref<10112x128xf32, #tpu.memory_space<vmem_shared>> -> memref<10112x128xf32, #tpu.memory_space<vmem_shared>>
        tpu.wait_indirect_dma semaphore(%run_scoped3A_581 : memref<!tpu.dma_semaphore, #tpu.memory_space<semaphore_mem>>) src(%arg12 : memref<80x128xf32, #tpu.memory_space<vmem>>) dst(%dma_wait3A_593 : memref<10112x128xf32, #tpu.memory_space<vmem_shared>>)
        tpu.yield
      }) : () -> ()
      "tpu.region"() ({
        %run_scoped3A_581 = tpu.sem_alloc : memref<!tpu.dma_semaphore, #tpu.memory_space<semaphore_mem>>
        %dma_start3A_582 = arith.constant 0 : i32
        %dma_start3A_583 = tpu.memref_slice %arg10[%add3A_548, %dma_start3A_582] : memref<50x80xi32, #tpu.memory_space<vmem>> -> memref<1x80xi32, #tpu.memory_space<vmem>>
        %dma_start3A_584 = tpu.memref_squeeze %dma_start3A_583 : memref<1x80xi32, #tpu.memory_space<vmem>> -> memref<80xi32, #tpu.memory_space<vmem>>
        %dma_start3A_585 = arith.constant 0 : i32
        %dma_start3A_586 = tpu.memref_slice %arg16[%dma_start3A_585] : memref<10240xf32, #tpu.memory_space<vmem_shared>> -> memref<10240xf32, #tpu.memory_space<vmem_shared>>
        tpu.enqueue_indirect_dma source(%arg15 : memref<80xf32, #tpu.memory_space<vmem>>) target(%dma_start3A_586 : memref<10240xf32, #tpu.memory_space<vmem_shared>>) offsets(%dma_start3A_584 : memref<80xi32, #tpu.memory_space<vmem>>) semaphore(%run_scoped3A_581 : memref<!tpu.dma_semaphore, #tpu.memory_space<semaphore_mem>>) {add = true}
        %dma_wait3A_587 = arith.constant 0 : i32
        %dma_wait3A_588 = tpu.memref_slice %arg10[%add3A_548, %dma_wait3A_587] : memref<50x80xi32, #tpu.memory_space<vmem>> -> memref<1x80xi32, #tpu.memory_space<vmem>>
        %dma_wait3A_589 = tpu.memref_squeeze %dma_wait3A_588 : memref<1x80xi32, #tpu.memory_space<vmem>> -> memref<80xi32, #tpu.memory_space<vmem>>
        %dma_wait3A_590 = arith.constant 0 : i32
        %dma_wait3A_591 = tpu.memref_slice %arg16[%dma_wait3A_590] : memref<10240xf32, #tpu.memory_space<vmem_shared>> -> memref<10240xf32, #tpu.memory_space<vmem_shared>>
        tpu.wait_indirect_dma semaphore(%run_scoped3A_581 : memref<!tpu.dma_semaphore, #tpu.memory_space<semaphore_mem>>) src(%arg15 : memref<80xf32, #tpu.memory_space<vmem>>) dst(%dma_wait3A_591 : memref<10240xf32, #tpu.memory_space<vmem_shared>>)
        tpu.yield
      }) : () -> ()
      %add3A_555 = arith.constant 3 : i32
      %add3A_556 = arith.addi %add3A_548, %add3A_555 : i32
      %dma_start3A_557 = arith.constant 0 : i32
      %dma_start3A_558 = tpu.memref_slice %arg9[%add3A_556, %dma_start3A_557] : memref<50x80xi32, #tpu.memory_space<vmem>> -> memref<1x80xi32, #tpu.memory_space<vmem>>
      %dma_start3A_559 = tpu.memref_squeeze %dma_start3A_558 : memref<1x80xi32, #tpu.memory_space<vmem>> -> memref<80xi32, #tpu.memory_space<vmem>>
      %dma_start3A_560 = arith.constant 0 : i32
      %dma_start3A_561 = arith.constant 0 : i32
      %dma_start3A_562 = tpu.memref_slice %arg2[%dma_start3A_560, %dma_start3A_561] : memref<10000x128xf32, #tpu.memory_space<hbm>> -> memref<10000x128xf32, #tpu.memory_space<hbm>>
      tpu.enqueue_indirect_dma source(%dma_start3A_562 : memref<10000x128xf32, #tpu.memory_space<hbm>>) target(%arg12 : memref<80x128xf32, #tpu.memory_space<vmem>>) offsets(%dma_start3A_559 : memref<80xi32, #tpu.memory_space<vmem>>) semaphore(%arg18 : memref<!tpu.dma_semaphore, #tpu.memory_space<semaphore_mem>>)
      %mul3A_563 = arith.constant 3 : i32
      %mul3A_564 = arith.muli %mul3A_563, %scan3A_526 : i32
      %add3A_565 = arith.constant 2 : i32
      %add3A_566 = arith.addi %mul3A_564, %add3A_565 : i32
      %dma_wait3A_567 = arith.constant 0 : i32
      %dma_wait3A_568 = tpu.memref_slice %arg9[%add3A_566, %dma_wait3A_567] : memref<50x80xi32, #tpu.memory_space<vmem>> -> memref<1x80xi32, #tpu.memory_space<vmem>>
      %dma_wait3A_569 = tpu.memref_squeeze %dma_wait3A_568 : memref<1x80xi32, #tpu.memory_space<vmem>> -> memref<80xi32, #tpu.memory_space<vmem>>
      %dma_wait3A_570 = arith.constant 0 : i32
      %dma_wait3A_571 = arith.constant 0 : i32
      %dma_wait3A_572 = tpu.memref_slice %arg2[%dma_wait3A_570, %dma_wait3A_571] : memref<10000x128xf32, #tpu.memory_space<hbm>> -> memref<10000x128xf32, #tpu.memory_space<hbm>>
      tpu.wait_indirect_dma semaphore(%arg19 : memref<!tpu.dma_semaphore, #tpu.memory_space<semaphore_mem>>) src(%dma_wait3A_572 : memref<10000x128xf32, #tpu.memory_space<hbm>>) dst(%arg13 : memref<80x128xf32, #tpu.memory_space<vmem>>)
      "tpu.region"() ({
        %run_scoped3A_581 = tpu.sem_alloc : memref<!tpu.dma_semaphore, #tpu.memory_space<semaphore_mem>>
        %dma_start3A_582 = arith.constant 0 : i32
        %dma_start3A_583 = tpu.memref_slice %arg10[%add3A_566, %dma_start3A_582] : memref<50x80xi32, #tpu.memory_space<vmem>> -> memref<1x80xi32, #tpu.memory_space<vmem>>
        %dma_start3A_584 = tpu.memref_squeeze %dma_start3A_583 : memref<1x80xi32, #tpu.memory_space<vmem>> -> memref<80xi32, #tpu.memory_space<vmem>>
        %dma_start3A_585 = arith.constant 0 : i32
        %dma_start3A_586 = arith.constant 0 : i32
        %dma_start3A_587 = tpu.memref_slice %arg14[%dma_start3A_585, %dma_start3A_586] : memref<10112x128xf32, #tpu.memory_space<vmem_shared>> -> memref<10112x128xf32, #tpu.memory_space<vmem_shared>>
        tpu.enqueue_indirect_dma source(%arg13 : memref<80x128xf32, #tpu.memory_space<vmem>>) target(%dma_start3A_587 : memref<10112x128xf32, #tpu.memory_space<vmem_shared>>) offsets(%dma_start3A_584 : memref<80xi32, #tpu.memory_space<vmem>>) semaphore(%run_scoped3A_581 : memref<!tpu.dma_semaphore, #tpu.memory_space<semaphore_mem>>) {add = true}
        %dma_wait3A_588 = arith.constant 0 : i32
        %dma_wait3A_589 = tpu.memref_slice %arg10[%add3A_566, %dma_wait3A_588] : memref<50x80xi32, #tpu.memory_space<vmem>> -> memref<1x80xi32, #tpu.memory_space<vmem>>
        %dma_wait3A_590 = tpu.memref_squeeze %dma_wait3A_589 : memref<1x80xi32, #tpu.memory_space<vmem>> -> memref<80xi32, #tpu.memory_space<vmem>>
        %dma_wait3A_591 = arith.constant 0 : i32
        %dma_wait3A_592 = arith.constant 0 : i32
        %dma_wait3A_593 = tpu.memref_slice %arg14[%dma_wait3A_591, %dma_wait3A_592] : memref<10112x128xf32, #tpu.memory_space<vmem_shared>> -> memref<10112x128xf32, #tpu.memory_space<vmem_shared>>
        tpu.wait_indirect_dma semaphore(%run_scoped3A_581 : memref<!tpu.dma_semaphore, #tpu.memory_space<semaphore_mem>>) src(%arg13 : memref<80x128xf32, #tpu.memory_space<vmem>>) dst(%dma_wait3A_593 : memref<10112x128xf32, #tpu.memory_space<vmem_shared>>)
        tpu.yield
      }) : () -> ()
      "tpu.region"() ({
        %run_scoped3A_581 = tpu.sem_alloc : memref<!tpu.dma_semaphore, #tpu.memory_space<semaphore_mem>>
        %dma_start3A_582 = arith.constant 0 : i32
        %dma_start3A_583 = tpu.memref_slice %arg10[%add3A_566, %dma_start3A_582] : memref<50x80xi32, #tpu.memory_space<vmem>> -> memref<1x80xi32, #tpu.memory_space<vmem>>
        %dma_start3A_584 = tpu.memref_squeeze %dma_start3A_583 : memref<1x80xi32, #tpu.memory_space<vmem>> -> memref<80xi32, #tpu.memory_space<vmem>>
        %dma_start3A_585 = arith.constant 0 : i32
        %dma_start3A_586 = tpu.memref_slice %arg16[%dma_start3A_585] : memref<10240xf32, #tpu.memory_space<vmem_shared>> -> memref<10240xf32, #tpu.memory_space<vmem_shared>>
        tpu.enqueue_indirect_dma source(%arg15 : memref<80xf32, #tpu.memory_space<vmem>>) target(%dma_start3A_586 : memref<10240xf32, #tpu.memory_space<vmem_shared>>) offsets(%dma_start3A_584 : memref<80xi32, #tpu.memory_space<vmem>>) semaphore(%run_scoped3A_581 : memref<!tpu.dma_semaphore, #tpu.memory_space<semaphore_mem>>) {add = true}
        %dma_wait3A_587 = arith.constant 0 : i32
        %dma_wait3A_588 = tpu.memref_slice %arg10[%add3A_566, %dma_wait3A_587] : memref<50x80xi32, #tpu.memory_space<vmem>> -> memref<1x80xi32, #tpu.memory_space<vmem>>
        %dma_wait3A_589 = tpu.memref_squeeze %dma_wait3A_588 : memref<1x80xi32, #tpu.memory_space<vmem>> -> memref<80xi32, #tpu.memory_space<vmem>>
        %dma_wait3A_590 = arith.constant 0 : i32
        %dma_wait3A_591 = tpu.memref_slice %arg16[%dma_wait3A_590] : memref<10240xf32, #tpu.memory_space<vmem_shared>> -> memref<10240xf32, #tpu.memory_space<vmem_shared>>
        tpu.wait_indirect_dma semaphore(%run_scoped3A_581 : memref<!tpu.dma_semaphore, #tpu.memory_space<semaphore_mem>>) src(%arg15 : memref<80xf32, #tpu.memory_space<vmem>>) dst(%dma_wait3A_591 : memref<10240xf32, #tpu.memory_space<vmem_shared>>)
        tpu.yield
      }) : () -> ()
      %add3A_573 = arith.constant 3 : i32
      %add3A_574 = arith.addi %add3A_566, %add3A_573 : i32
      %dma_start3A_575 = arith.constant 0 : i32
      %dma_start3A_576 = tpu.memref_slice %arg9[%add3A_574, %dma_start3A_575] : memref<50x80xi32, #tpu.memory_space<vmem>> -> memref<1x80xi32, #tpu.memory_space<vmem>>
      %dma_start3A_577 = tpu.memref_squeeze %dma_start3A_576 : memref<1x80xi32, #tpu.memory_space<vmem>> -> memref<80xi32, #tpu.memory_space<vmem>>
      %dma_start3A_578 = arith.constant 0 : i32
      %dma_start3A_579 = arith.constant 0 : i32
      %dma_start3A_580 = tpu.memref_slice %arg2[%dma_start3A_578, %dma_start3A_579] : memref<10000x128xf32, #tpu.memory_space<hbm>> -> memref<10000x128xf32, #tpu.memory_space<hbm>>
      tpu.enqueue_indirect_dma source(%dma_start3A_580 : memref<10000x128xf32, #tpu.memory_space<hbm>>) target(%arg13 : memref<80x128xf32, #tpu.memory_space<vmem>>) offsets(%dma_start3A_577 : memref<80xi32, #tpu.memory_space<vmem>>) semaphore(%arg19 : memref<!tpu.dma_semaphore, #tpu.memory_space<semaphore_mem>>)
    }
    %scan3A_247 = arith.constant 15 : i32
    %dma_wait3A_248 = arith.constant 45 : i32
    %dma_wait3A_249 = arith.constant 0 : i32
    %dma_wait3A_250 = tpu.memref_slice %arg9[%dma_wait3A_248, %dma_wait3A_249] : memref<50x80xi32, #tpu.memory_space<vmem>> -> memref<1x80xi32, #tpu.memory_space<vmem>>
    %dma_wait3A_251 = tpu.memref_squeeze %dma_wait3A_250 : memref<1x80xi32, #tpu.memory_space<vmem>> -> memref<80xi32, #tpu.memory_space<vmem>>
    %dma_wait3A_252 = arith.constant 0 : i32
    %dma_wait3A_253 = arith.constant 0 : i32
    %dma_wait3A_254 = tpu.memref_slice %arg2[%dma_wait3A_252, %dma_wait3A_253] : memref<10000x128xf32, #tpu.memory_space<hbm>> -> memref<10000x128xf32, #tpu.memory_space<hbm>>
    tpu.wait_indirect_dma semaphore(%arg17 : memref<!tpu.dma_semaphore, #tpu.memory_space<semaphore_mem>>) src(%dma_wait3A_254 : memref<10000x128xf32, #tpu.memory_space<hbm>>) dst(%arg11 : memref<80x128xf32, #tpu.memory_space<vmem>>)
    %run_scoped3A_255 = arith.constant 45 : i32
    "tpu.region"() ({
      %run_scoped3A_526 = tpu.sem_alloc : memref<!tpu.dma_semaphore, #tpu.memory_space<semaphore_mem>>
      %dma_start3A_527 = arith.constant 0 : i32
      %dma_start3A_528 = tpu.memref_slice %arg10[%run_scoped3A_255, %dma_start3A_527] : memref<50x80xi32, #tpu.memory_space<vmem>> -> memref<1x80xi32, #tpu.memory_space<vmem>>
      %dma_start3A_529 = tpu.memref_squeeze %dma_start3A_528 : memref<1x80xi32, #tpu.memory_space<vmem>> -> memref<80xi32, #tpu.memory_space<vmem>>
      %dma_start3A_530 = arith.constant 0 : i32
      %dma_start3A_531 = arith.constant 0 : i32
      %dma_start3A_532 = tpu.memref_slice %arg14[%dma_start3A_530, %dma_start3A_531] : memref<10112x128xf32, #tpu.memory_space<vmem_shared>> -> memref<10112x128xf32, #tpu.memory_space<vmem_shared>>
      tpu.enqueue_indirect_dma source(%arg11 : memref<80x128xf32, #tpu.memory_space<vmem>>) target(%dma_start3A_532 : memref<10112x128xf32, #tpu.memory_space<vmem_shared>>) offsets(%dma_start3A_529 : memref<80xi32, #tpu.memory_space<vmem>>) semaphore(%run_scoped3A_526 : memref<!tpu.dma_semaphore, #tpu.memory_space<semaphore_mem>>) {add = true}
      %dma_wait3A_533 = arith.constant 0 : i32
      %dma_wait3A_534 = tpu.memref_slice %arg10[%run_scoped3A_255, %dma_wait3A_533] : memref<50x80xi32, #tpu.memory_space<vmem>> -> memref<1x80xi32, #tpu.memory_space<vmem>>
      %dma_wait3A_535 = tpu.memref_squeeze %dma_wait3A_534 : memref<1x80xi32, #tpu.memory_space<vmem>> -> memref<80xi32, #tpu.memory_space<vmem>>
      %dma_wait3A_536 = arith.constant 0 : i32
      %dma_wait3A_537 = arith.constant 0 : i32
      %dma_wait3A_538 = tpu.memref_slice %arg14[%dma_wait3A_536, %dma_wait3A_537] : memref<10112x128xf32, #tpu.memory_space<vmem_shared>> -> memref<10112x128xf32, #tpu.memory_space<vmem_shared>>
      tpu.wait_indirect_dma semaphore(%run_scoped3A_526 : memref<!tpu.dma_semaphore, #tpu.memory_space<semaphore_mem>>) src(%arg11 : memref<80x128xf32, #tpu.memory_space<vmem>>) dst(%dma_wait3A_538 : memref<10112x128xf32, #tpu.memory_space<vmem_shared>>)
      tpu.yield
    }) : () -> ()
    %run_scoped3A_256 = arith.constant 45 : i32
    "tpu.region"() ({
      %run_scoped3A_526 = tpu.sem_alloc : memref<!tpu.dma_semaphore, #tpu.memory_space<semaphore_mem>>
      %dma_start3A_527 = arith.constant 0 : i32
      %dma_start3A_528 = tpu.memref_slice %arg10[%run_scoped3A_256, %dma_start3A_527] : memref<50x80xi32, #tpu.memory_space<vmem>> -> memref<1x80xi32, #tpu.memory_space<vmem>>
      %dma_start3A_529 = tpu.memref_squeeze %dma_start3A_528 : memref<1x80xi32, #tpu.memory_space<vmem>> -> memref<80xi32, #tpu.memory_space<vmem>>
      %dma_start3A_530 = arith.constant 0 : i32
      %dma_start3A_531 = tpu.memref_slice %arg16[%dma_start3A_530] : memref<10240xf32, #tpu.memory_space<vmem_shared>> -> memref<10240xf32, #tpu.memory_space<vmem_shared>>
      tpu.enqueue_indirect_dma source(%arg15 : memref<80xf32, #tpu.memory_space<vmem>>) target(%dma_start3A_531 : memref<10240xf32, #tpu.memory_space<vmem_shared>>) offsets(%dma_start3A_529 : memref<80xi32, #tpu.memory_space<vmem>>) semaphore(%run_scoped3A_526 : memref<!tpu.dma_semaphore, #tpu.memory_space<semaphore_mem>>) {add = true}
      %dma_wait3A_532 = arith.constant 0 : i32
      %dma_wait3A_533 = tpu.memref_slice %arg10[%run_scoped3A_256, %dma_wait3A_532] : memref<50x80xi32, #tpu.memory_space<vmem>> -> memref<1x80xi32, #tpu.memory_space<vmem>>
      %dma_wait3A_534 = tpu.memref_squeeze %dma_wait3A_533 : memref<1x80xi32, #tpu.memory_space<vmem>> -> memref<80xi32, #tpu.memory_space<vmem>>
      %dma_wait3A_535 = arith.constant 0 : i32
      %dma_wait3A_536 = tpu.memref_slice %arg16[%dma_wait3A_535] : memref<10240xf32, #tpu.memory_space<vmem_shared>> -> memref<10240xf32, #tpu.memory_space<vmem_shared>>
      tpu.wait_indirect_dma semaphore(%run_scoped3A_526 : memref<!tpu.dma_semaphore, #tpu.memory_space<semaphore_mem>>) src(%arg15 : memref<80xf32, #tpu.memory_space<vmem>>) dst(%dma_wait3A_536 : memref<10240xf32, #tpu.memory_space<vmem_shared>>)
      tpu.yield
    }) : () -> ()
    %dma_start3A_257 = arith.constant 48 : i32
    %dma_start3A_258 = arith.constant 0 : i32
    %dma_start3A_259 = tpu.memref_slice %arg9[%dma_start3A_257, %dma_start3A_258] : memref<50x80xi32, #tpu.memory_space<vmem>> -> memref<1x80xi32, #tpu.memory_space<vmem>>
    %dma_start3A_260 = tpu.memref_squeeze %dma_start3A_259 : memref<1x80xi32, #tpu.memory_space<vmem>> -> memref<80xi32, #tpu.memory_space<vmem>>
    %dma_start3A_261 = arith.constant 0 : i32
    %dma_start3A_262 = arith.constant 0 : i32
    %dma_start3A_263 = tpu.memref_slice %arg2[%dma_start3A_261, %dma_start3A_262] : memref<10000x128xf32, #tpu.memory_space<hbm>> -> memref<10000x128xf32, #tpu.memory_space<hbm>>
    tpu.enqueue_indirect_dma source(%dma_start3A_263 : memref<10000x128xf32, #tpu.memory_space<hbm>>) target(%arg11 : memref<80x128xf32, #tpu.memory_space<vmem>>) offsets(%dma_start3A_260 : memref<80xi32, #tpu.memory_space<vmem>>) semaphore(%arg17 : memref<!tpu.dma_semaphore, #tpu.memory_space<semaphore_mem>>)
    %dma_wait3A_264 = arith.constant 46 : i32
    %dma_wait3A_265 = arith.constant 0 : i32
    %dma_wait3A_266 = tpu.memref_slice %arg9[%dma_wait3A_264, %dma_wait3A_265] : memref<50x80xi32, #tpu.memory_space<vmem>> -> memref<1x80xi32, #tpu.memory_space<vmem>>
    %dma_wait3A_267 = tpu.memref_squeeze %dma_wait3A_266 : memref<1x80xi32, #tpu.memory_space<vmem>> -> memref<80xi32, #tpu.memory_space<vmem>>
    %dma_wait3A_268 = arith.constant 0 : i32
    %dma_wait3A_269 = arith.constant 0 : i32
    %dma_wait3A_270 = tpu.memref_slice %arg2[%dma_wait3A_268, %dma_wait3A_269] : memref<10000x128xf32, #tpu.memory_space<hbm>> -> memref<10000x128xf32, #tpu.memory_space<hbm>>
    tpu.wait_indirect_dma semaphore(%arg18 : memref<!tpu.dma_semaphore, #tpu.memory_space<semaphore_mem>>) src(%dma_wait3A_270 : memref<10000x128xf32, #tpu.memory_space<hbm>>) dst(%arg12 : memref<80x128xf32, #tpu.memory_space<vmem>>)
    %run_scoped3A_271 = arith.constant 46 : i32
    "tpu.region"() ({
      %run_scoped3A_526 = tpu.sem_alloc : memref<!tpu.dma_semaphore, #tpu.memory_space<semaphore_mem>>
      %dma_start3A_527 = arith.constant 0 : i32
      %dma_start3A_528 = tpu.memref_slice %arg10[%run_scoped3A_271, %dma_start3A_527] : memref<50x80xi32, #tpu.memory_space<vmem>> -> memref<1x80xi32, #tpu.memory_space<vmem>>
      %dma_start3A_529 = tpu.memref_squeeze %dma_start3A_528 : memref<1x80xi32, #tpu.memory_space<vmem>> -> memref<80xi32, #tpu.memory_space<vmem>>
      %dma_start3A_530 = arith.constant 0 : i32
      %dma_start3A_531 = arith.constant 0 : i32
      %dma_start3A_532 = tpu.memref_slice %arg14[%dma_start3A_530, %dma_start3A_531] : memref<10112x128xf32, #tpu.memory_space<vmem_shared>> -> memref<10112x128xf32, #tpu.memory_space<vmem_shared>>
      tpu.enqueue_indirect_dma source(%arg12 : memref<80x128xf32, #tpu.memory_space<vmem>>) target(%dma_start3A_532 : memref<10112x128xf32, #tpu.memory_space<vmem_shared>>) offsets(%dma_start3A_529 : memref<80xi32, #tpu.memory_space<vmem>>) semaphore(%run_scoped3A_526 : memref<!tpu.dma_semaphore, #tpu.memory_space<semaphore_mem>>) {add = true}
      %dma_wait3A_533 = arith.constant 0 : i32
      %dma_wait3A_534 = tpu.memref_slice %arg10[%run_scoped3A_271, %dma_wait3A_533] : memref<50x80xi32, #tpu.memory_space<vmem>> -> memref<1x80xi32, #tpu.memory_space<vmem>>
      %dma_wait3A_535 = tpu.memref_squeeze %dma_wait3A_534 : memref<1x80xi32, #tpu.memory_space<vmem>> -> memref<80xi32, #tpu.memory_space<vmem>>
      %dma_wait3A_536 = arith.constant 0 : i32
      %dma_wait3A_537 = arith.constant 0 : i32
      %dma_wait3A_538 = tpu.memref_slice %arg14[%dma_wait3A_536, %dma_wait3A_537] : memref<10112x128xf32, #tpu.memory_space<vmem_shared>> -> memref<10112x128xf32, #tpu.memory_space<vmem_shared>>
      tpu.wait_indirect_dma semaphore(%run_scoped3A_526 : memref<!tpu.dma_semaphore, #tpu.memory_space<semaphore_mem>>) src(%arg12 : memref<80x128xf32, #tpu.memory_space<vmem>>) dst(%dma_wait3A_538 : memref<10112x128xf32, #tpu.memory_space<vmem_shared>>)
      tpu.yield
    }) : () -> ()
    %run_scoped3A_272 = arith.constant 46 : i32
    "tpu.region"() ({
      %run_scoped3A_526 = tpu.sem_alloc : memref<!tpu.dma_semaphore, #tpu.memory_space<semaphore_mem>>
      %dma_start3A_527 = arith.constant 0 : i32
      %dma_start3A_528 = tpu.memref_slice %arg10[%run_scoped3A_272, %dma_start3A_527] : memref<50x80xi32, #tpu.memory_space<vmem>> -> memref<1x80xi32, #tpu.memory_space<vmem>>
      %dma_start3A_529 = tpu.memref_squeeze %dma_start3A_528 : memref<1x80xi32, #tpu.memory_space<vmem>> -> memref<80xi32, #tpu.memory_space<vmem>>
      %dma_start3A_530 = arith.constant 0 : i32
      %dma_start3A_531 = tpu.memref_slice %arg16[%dma_start3A_530] : memref<10240xf32, #tpu.memory_space<vmem_shared>> -> memref<10240xf32, #tpu.memory_space<vmem_shared>>
      tpu.enqueue_indirect_dma source(%arg15 : memref<80xf32, #tpu.memory_space<vmem>>) target(%dma_start3A_531 : memref<10240xf32, #tpu.memory_space<vmem_shared>>) offsets(%dma_start3A_529 : memref<80xi32, #tpu.memory_space<vmem>>) semaphore(%run_scoped3A_526 : memref<!tpu.dma_semaphore, #tpu.memory_space<semaphore_mem>>) {add = true}
      %dma_wait3A_532 = arith.constant 0 : i32
      %dma_wait3A_533 = tpu.memref_slice %arg10[%run_scoped3A_272, %dma_wait3A_532] : memref<50x80xi32, #tpu.memory_space<vmem>> -> memref<1x80xi32, #tpu.memory_space<vmem>>
      %dma_wait3A_534 = tpu.memref_squeeze %dma_wait3A_533 : memref<1x80xi32, #tpu.memory_space<vmem>> -> memref<80xi32, #tpu.memory_space<vmem>>
      %dma_wait3A_535 = arith.constant 0 : i32
      %dma_wait3A_536 = tpu.memref_slice %arg16[%dma_wait3A_535] : memref<10240xf32, #tpu.memory_space<vmem_shared>> -> memref<10240xf32, #tpu.memory_space<vmem_shared>>
      tpu.wait_indirect_dma semaphore(%run_scoped3A_526 : memref<!tpu.dma_semaphore, #tpu.memory_space<semaphore_mem>>) src(%arg15 : memref<80xf32, #tpu.memory_space<vmem>>) dst(%dma_wait3A_536 : memref<10240xf32, #tpu.memory_space<vmem_shared>>)
      tpu.yield
    }) : () -> ()
    %dma_start3A_273 = arith.constant 49 : i32
    %dma_start3A_274 = arith.constant 0 : i32
    %dma_start3A_275 = tpu.memref_slice %arg9[%dma_start3A_273, %dma_start3A_274] : memref<50x80xi32, #tpu.memory_space<vmem>> -> memref<1x80xi32, #tpu.memory_space<vmem>>
    %dma_start3A_276 = tpu.memref_squeeze %dma_start3A_275 : memref<1x80xi32, #tpu.memory_space<vmem>> -> memref<80xi32, #tpu.memory_space<vmem>>
    %dma_start3A_277 = arith.constant 0 : i32
    %dma_start3A_278 = arith.constant 0 : i32
    %dma_start3A_279 = tpu.memref_slice %arg2[%dma_start3A_277, %dma_start3A_278] : memref<10000x128xf32, #tpu.memory_space<hbm>> -> memref<10000x128xf32, #tpu.memory_space<hbm>>
    tpu.enqueue_indirect_dma source(%dma_start3A_279 : memref<10000x128xf32, #tpu.memory_space<hbm>>) target(%arg12 : memref<80x128xf32, #tpu.memory_space<vmem>>) offsets(%dma_start3A_276 : memref<80xi32, #tpu.memory_space<vmem>>) semaphore(%arg18 : memref<!tpu.dma_semaphore, #tpu.memory_space<semaphore_mem>>)
    %dma_wait3A_280 = arith.constant 47 : i32
    %dma_wait3A_281 = arith.constant 0 : i32
    %dma_wait3A_282 = tpu.memref_slice %arg9[%dma_wait3A_280, %dma_wait3A_281] : memref<50x80xi32, #tpu.memory_space<vmem>> -> memref<1x80xi32, #tpu.memory_space<vmem>>
    %dma_wait3A_283 = tpu.memref_squeeze %dma_wait3A_282 : memref<1x80xi32, #tpu.memory_space<vmem>> -> memref<80xi32, #tpu.memory_space<vmem>>
    %dma_wait3A_284 = arith.constant 0 : i32
    %dma_wait3A_285 = arith.constant 0 : i32
    %dma_wait3A_286 = tpu.memref_slice %arg2[%dma_wait3A_284, %dma_wait3A_285] : memref<10000x128xf32, #tpu.memory_space<hbm>> -> memref<10000x128xf32, #tpu.memory_space<hbm>>
    tpu.wait_indirect_dma semaphore(%arg19 : memref<!tpu.dma_semaphore, #tpu.memory_space<semaphore_mem>>) src(%dma_wait3A_286 : memref<10000x128xf32, #tpu.memory_space<hbm>>) dst(%arg13 : memref<80x128xf32, #tpu.memory_space<vmem>>)
    %run_scoped3A_287 = arith.constant 47 : i32
    "tpu.region"() ({
      %run_scoped3A_526 = tpu.sem_alloc : memref<!tpu.dma_semaphore, #tpu.memory_space<semaphore_mem>>
      %dma_start3A_527 = arith.constant 0 : i32
      %dma_start3A_528 = tpu.memref_slice %arg10[%run_scoped3A_287, %dma_start3A_527] : memref<50x80xi32, #tpu.memory_space<vmem>> -> memref<1x80xi32, #tpu.memory_space<vmem>>
      %dma_start3A_529 = tpu.memref_squeeze %dma_start3A_528 : memref<1x80xi32, #tpu.memory_space<vmem>> -> memref<80xi32, #tpu.memory_space<vmem>>
      %dma_start3A_530 = arith.constant 0 : i32
      %dma_start3A_531 = arith.constant 0 : i32
      %dma_start3A_532 = tpu.memref_slice %arg14[%dma_start3A_530, %dma_start3A_531] : memref<10112x128xf32, #tpu.memory_space<vmem_shared>> -> memref<10112x128xf32, #tpu.memory_space<vmem_shared>>
      tpu.enqueue_indirect_dma source(%arg13 : memref<80x128xf32, #tpu.memory_space<vmem>>) target(%dma_start3A_532 : memref<10112x128xf32, #tpu.memory_space<vmem_shared>>) offsets(%dma_start3A_529 : memref<80xi32, #tpu.memory_space<vmem>>) semaphore(%run_scoped3A_526 : memref<!tpu.dma_semaphore, #tpu.memory_space<semaphore_mem>>) {add = true}
      %dma_wait3A_533 = arith.constant 0 : i32
      %dma_wait3A_534 = tpu.memref_slice %arg10[%run_scoped3A_287, %dma_wait3A_533] : memref<50x80xi32, #tpu.memory_space<vmem>> -> memref<1x80xi32, #tpu.memory_space<vmem>>
      %dma_wait3A_535 = tpu.memref_squeeze %dma_wait3A_534 : memref<1x80xi32, #tpu.memory_space<vmem>> -> memref<80xi32, #tpu.memory_space<vmem>>
      %dma_wait3A_536 = arith.constant 0 : i32
      %dma_wait3A_537 = arith.constant 0 : i32
      %dma_wait3A_538 = tpu.memref_slice %arg14[%dma_wait3A_536, %dma_wait3A_537] : memref<10112x128xf32, #tpu.memory_space<vmem_shared>> -> memref<10112x128xf32, #tpu.memory_space<vmem_shared>>
      tpu.wait_indirect_dma semaphore(%run_scoped3A_526 : memref<!tpu.dma_semaphore, #tpu.memory_space<semaphore_mem>>) src(%arg13 : memref<80x128xf32, #tpu.memory_space<vmem>>) dst(%dma_wait3A_538 : memref<10112x128xf32, #tpu.memory_space<vmem_shared>>)
      tpu.yield
    }) : () -> ()
    %run_scoped3A_288 = arith.constant 47 : i32
    "tpu.region"() ({
      %run_scoped3A_526 = tpu.sem_alloc : memref<!tpu.dma_semaphore, #tpu.memory_space<semaphore_mem>>
      %dma_start3A_527 = arith.constant 0 : i32
      %dma_start3A_528 = tpu.memref_slice %arg10[%run_scoped3A_288, %dma_start3A_527] : memref<50x80xi32, #tpu.memory_space<vmem>> -> memref<1x80xi32, #tpu.memory_space<vmem>>
      %dma_start3A_529 = tpu.memref_squeeze %dma_start3A_528 : memref<1x80xi32, #tpu.memory_space<vmem>> -> memref<80xi32, #tpu.memory_space<vmem>>
      %dma_start3A_530 = arith.constant 0 : i32
      %dma_start3A_531 = tpu.memref_slice %arg16[%dma_start3A_530] : memref<10240xf32, #tpu.memory_space<vmem_shared>> -> memref<10240xf32, #tpu.memory_space<vmem_shared>>
      tpu.enqueue_indirect_dma source(%arg15 : memref<80xf32, #tpu.memory_space<vmem>>) target(%dma_start3A_531 : memref<10240xf32, #tpu.memory_space<vmem_shared>>) offsets(%dma_start3A_529 : memref<80xi32, #tpu.memory_space<vmem>>) semaphore(%run_scoped3A_526 : memref<!tpu.dma_semaphore, #tpu.memory_space<semaphore_mem>>) {add = true}
      %dma_wait3A_532 = arith.constant 0 : i32
      %dma_wait3A_533 = tpu.memref_slice %arg10[%run_scoped3A_288, %dma_wait3A_532] : memref<50x80xi32, #tpu.memory_space<vmem>> -> memref<1x80xi32, #tpu.memory_space<vmem>>
      %dma_wait3A_534 = tpu.memref_squeeze %dma_wait3A_533 : memref<1x80xi32, #tpu.memory_space<vmem>> -> memref<80xi32, #tpu.memory_space<vmem>>
      %dma_wait3A_535 = arith.constant 0 : i32
      %dma_wait3A_536 = tpu.memref_slice %arg16[%dma_wait3A_535] : memref<10240xf32, #tpu.memory_space<vmem_shared>> -> memref<10240xf32, #tpu.memory_space<vmem_shared>>
      tpu.wait_indirect_dma semaphore(%run_scoped3A_526 : memref<!tpu.dma_semaphore, #tpu.memory_space<semaphore_mem>>) src(%arg15 : memref<80xf32, #tpu.memory_space<vmem>>) dst(%dma_wait3A_536 : memref<10240xf32, #tpu.memory_space<vmem_shared>>)
      tpu.yield
    }) : () -> ()
    %dma_wait3A_289 = arith.constant 48 : i32
    %dma_wait3A_290 = arith.constant 0 : i32
    %dma_wait3A_291 = tpu.memref_slice %arg9[%dma_wait3A_289, %dma_wait3A_290] : memref<50x80xi32, #tpu.memory_space<vmem>> -> memref<1x80xi32, #tpu.memory_space<vmem>>
    %dma_wait3A_292 = tpu.memref_squeeze %dma_wait3A_291 : memref<1x80xi32, #tpu.memory_space<vmem>> -> memref<80xi32, #tpu.memory_space<vmem>>
    %dma_wait3A_293 = arith.constant 0 : i32
    %dma_wait3A_294 = arith.constant 0 : i32
    %dma_wait3A_295 = tpu.memref_slice %arg2[%dma_wait3A_293, %dma_wait3A_294] : memref<10000x128xf32, #tpu.memory_space<hbm>> -> memref<10000x128xf32, #tpu.memory_space<hbm>>
    tpu.wait_indirect_dma semaphore(%arg17 : memref<!tpu.dma_semaphore, #tpu.memory_space<semaphore_mem>>) src(%dma_wait3A_295 : memref<10000x128xf32, #tpu.memory_space<hbm>>) dst(%arg11 : memref<80x128xf32, #tpu.memory_space<vmem>>)
    %run_scoped3A_296 = arith.constant 48 : i32
    "tpu.region"() ({
      %run_scoped3A_526 = tpu.sem_alloc : memref<!tpu.dma_semaphore, #tpu.memory_space<semaphore_mem>>
      %dma_start3A_527 = arith.constant 0 : i32
      %dma_start3A_528 = tpu.memref_slice %arg10[%run_scoped3A_296, %dma_start3A_527] : memref<50x80xi32, #tpu.memory_space<vmem>> -> memref<1x80xi32, #tpu.memory_space<vmem>>
      %dma_start3A_529 = tpu.memref_squeeze %dma_start3A_528 : memref<1x80xi32, #tpu.memory_space<vmem>> -> memref<80xi32, #tpu.memory_space<vmem>>
      %dma_start3A_530 = arith.constant 0 : i32
      %dma_start3A_531 = arith.constant 0 : i32
      %dma_start3A_532 = tpu.memref_slice %arg14[%dma_start3A_530, %dma_start3A_531] : memref<10112x128xf32, #tpu.memory_space<vmem_shared>> -> memref<10112x128xf32, #tpu.memory_space<vmem_shared>>
      tpu.enqueue_indirect_dma source(%arg11 : memref<80x128xf32, #tpu.memory_space<vmem>>) target(%dma_start3A_532 : memref<10112x128xf32, #tpu.memory_space<vmem_shared>>) offsets(%dma_start3A_529 : memref<80xi32, #tpu.memory_space<vmem>>) semaphore(%run_scoped3A_526 : memref<!tpu.dma_semaphore, #tpu.memory_space<semaphore_mem>>) {add = true}
      %dma_wait3A_533 = arith.constant 0 : i32
      %dma_wait3A_534 = tpu.memref_slice %arg10[%run_scoped3A_296, %dma_wait3A_533] : memref<50x80xi32, #tpu.memory_space<vmem>> -> memref<1x80xi32, #tpu.memory_space<vmem>>
      %dma_wait3A_535 = tpu.memref_squeeze %dma_wait3A_534 : memref<1x80xi32, #tpu.memory_space<vmem>> -> memref<80xi32, #tpu.memory_space<vmem>>
      %dma_wait3A_536 = arith.constant 0 : i32
      %dma_wait3A_537 = arith.constant 0 : i32
      %dma_wait3A_538 = tpu.memref_slice %arg14[%dma_wait3A_536, %dma_wait3A_537] : memref<10112x128xf32, #tpu.memory_space<vmem_shared>> -> memref<10112x128xf32, #tpu.memory_space<vmem_shared>>
      tpu.wait_indirect_dma semaphore(%run_scoped3A_526 : memref<!tpu.dma_semaphore, #tpu.memory_space<semaphore_mem>>) src(%arg11 : memref<80x128xf32, #tpu.memory_space<vmem>>) dst(%dma_wait3A_538 : memref<10112x128xf32, #tpu.memory_space<vmem_shared>>)
      tpu.yield
    }) : () -> ()
    %run_scoped3A_297 = arith.constant 48 : i32
    "tpu.region"() ({
      %run_scoped3A_526 = tpu.sem_alloc : memref<!tpu.dma_semaphore, #tpu.memory_space<semaphore_mem>>
      %dma_start3A_527 = arith.constant 0 : i32
      %dma_start3A_528 = tpu.memref_slice %arg10[%run_scoped3A_297, %dma_start3A_527] : memref<50x80xi32, #tpu.memory_space<vmem>> -> memref<1x80xi32, #tpu.memory_space<vmem>>
      %dma_start3A_529 = tpu.memref_squeeze %dma_start3A_528 : memref<1x80xi32, #tpu.memory_space<vmem>> -> memref<80xi32, #tpu.memory_space<vmem>>
      %dma_start3A_530 = arith.constant 0 : i32
      %dma_start3A_531 = tpu.memref_slice %arg16[%dma_start3A_530] : memref<10240xf32, #tpu.memory_space<vmem_shared>> -> memref<10240xf32, #tpu.memory_space<vmem_shared>>
      tpu.enqueue_indirect_dma source(%arg15 : memref<80xf32, #tpu.memory_space<vmem>>) target(%dma_start3A_531 : memref<10240xf32, #tpu.memory_space<vmem_shared>>) offsets(%dma_start3A_529 : memref<80xi32, #tpu.memory_space<vmem>>) semaphore(%run_scoped3A_526 : memref<!tpu.dma_semaphore, #tpu.memory_space<semaphore_mem>>) {add = true}
      %dma_wait3A_532 = arith.constant 0 : i32
      %dma_wait3A_533 = tpu.memref_slice %arg10[%run_scoped3A_297, %dma_wait3A_532] : memref<50x80xi32, #tpu.memory_space<vmem>> -> memref<1x80xi32, #tpu.memory_space<vmem>>
      %dma_wait3A_534 = tpu.memref_squeeze %dma_wait3A_533 : memref<1x80xi32, #tpu.memory_space<vmem>> -> memref<80xi32, #tpu.memory_space<vmem>>
      %dma_wait3A_535 = arith.constant 0 : i32
      %dma_wait3A_536 = tpu.memref_slice %arg16[%dma_wait3A_535] : memref<10240xf32, #tpu.memory_space<vmem_shared>> -> memref<10240xf32, #tpu.memory_space<vmem_shared>>
      tpu.wait_indirect_dma semaphore(%run_scoped3A_526 : memref<!tpu.dma_semaphore, #tpu.memory_space<semaphore_mem>>) src(%arg15 : memref<80xf32, #tpu.memory_space<vmem>>) dst(%dma_wait3A_536 : memref<10240xf32, #tpu.memory_space<vmem_shared>>)
      tpu.yield
    }) : () -> ()
    %dma_wait3A_298 = arith.constant 49 : i32
    %dma_wait3A_299 = arith.constant 0 : i32
    %dma_wait3A_300 = tpu.memref_slice %arg9[%dma_wait3A_298, %dma_wait3A_299] : memref<50x80xi32, #tpu.memory_space<vmem>> -> memref<1x80xi32, #tpu.memory_space<vmem>>
    %dma_wait3A_301 = tpu.memref_squeeze %dma_wait3A_300 : memref<1x80xi32, #tpu.memory_space<vmem>> -> memref<80xi32, #tpu.memory_space<vmem>>
    %dma_wait3A_302 = arith.constant 0 : i32
    %dma_wait3A_303 = arith.constant 0 : i32
    %dma_wait3A_304 = tpu.memref_slice %arg2[%dma_wait3A_302, %dma_wait3A_303] : memref<10000x128xf32, #tpu.memory_space<hbm>> -> memref<10000x128xf32, #tpu.memory_space<hbm>>
    tpu.wait_indirect_dma semaphore(%arg18 : memref<!tpu.dma_semaphore, #tpu.memory_space<semaphore_mem>>) src(%dma_wait3A_304 : memref<10000x128xf32, #tpu.memory_space<hbm>>) dst(%arg12 : memref<80x128xf32, #tpu.memory_space<vmem>>)
    %run_scoped3A_305 = arith.constant 49 : i32
    "tpu.region"() ({
      %run_scoped3A_526 = tpu.sem_alloc : memref<!tpu.dma_semaphore, #tpu.memory_space<semaphore_mem>>
      %dma_start3A_527 = arith.constant 0 : i32
      %dma_start3A_528 = tpu.memref_slice %arg10[%run_scoped3A_305, %dma_start3A_527] : memref<50x80xi32, #tpu.memory_space<vmem>> -> memref<1x80xi32, #tpu.memory_space<vmem>>
      %dma_start3A_529 = tpu.memref_squeeze %dma_start3A_528 : memref<1x80xi32, #tpu.memory_space<vmem>> -> memref<80xi32, #tpu.memory_space<vmem>>
      %dma_start3A_530 = arith.constant 0 : i32
      %dma_start3A_531 = arith.constant 0 : i32
      %dma_start3A_532 = tpu.memref_slice %arg14[%dma_start3A_530, %dma_start3A_531] : memref<10112x128xf32, #tpu.memory_space<vmem_shared>> -> memref<10112x128xf32, #tpu.memory_space<vmem_shared>>
      tpu.enqueue_indirect_dma source(%arg12 : memref<80x128xf32, #tpu.memory_space<vmem>>) target(%dma_start3A_532 : memref<10112x128xf32, #tpu.memory_space<vmem_shared>>) offsets(%dma_start3A_529 : memref<80xi32, #tpu.memory_space<vmem>>) semaphore(%run_scoped3A_526 : memref<!tpu.dma_semaphore, #tpu.memory_space<semaphore_mem>>) {add = true}
      %dma_wait3A_533 = arith.constant 0 : i32
      %dma_wait3A_534 = tpu.memref_slice %arg10[%run_scoped3A_305, %dma_wait3A_533] : memref<50x80xi32, #tpu.memory_space<vmem>> -> memref<1x80xi32, #tpu.memory_space<vmem>>
      %dma_wait3A_535 = tpu.memref_squeeze %dma_wait3A_534 : memref<1x80xi32, #tpu.memory_space<vmem>> -> memref<80xi32, #tpu.memory_space<vmem>>
      %dma_wait3A_536 = arith.constant 0 : i32
      %dma_wait3A_537 = arith.constant 0 : i32
      %dma_wait3A_538 = tpu.memref_slice %arg14[%dma_wait3A_536, %dma_wait3A_537] : memref<10112x128xf32, #tpu.memory_space<vmem_shared>> -> memref<10112x128xf32, #tpu.memory_space<vmem_shared>>
      tpu.wait_indirect_dma semaphore(%run_scoped3A_526 : memref<!tpu.dma_semaphore, #tpu.memory_space<semaphore_mem>>) src(%arg12 : memref<80x128xf32, #tpu.memory_space<vmem>>) dst(%dma_wait3A_538 : memref<10112x128xf32, #tpu.memory_space<vmem_shared>>)
      tpu.yield
    }) : () -> ()
    %run_scoped3A_306 = arith.constant 49 : i32
    "tpu.region"() ({
      %run_scoped3A_526 = tpu.sem_alloc : memref<!tpu.dma_semaphore, #tpu.memory_space<semaphore_mem>>
      %dma_start3A_527 = arith.constant 0 : i32
      %dma_start3A_528 = tpu.memref_slice %arg10[%run_scoped3A_306, %dma_start3A_527] : memref<50x80xi32, #tpu.memory_space<vmem>> -> memref<1x80xi32, #tpu.memory_space<vmem>>
      %dma_start3A_529 = tpu.memref_squeeze %dma_start3A_528 : memref<1x80xi32, #tpu.memory_space<vmem>> -> memref<80xi32, #tpu.memory_space<vmem>>
      %dma_start3A_530 = arith.constant 0 : i32
      %dma_start3A_531 = tpu.memref_slice %arg16[%dma_start3A_530] : memref<10240xf32, #tpu.memory_space<vmem_shared>> -> memref<10240xf32, #tpu.memory_space<vmem_shared>>
      tpu.enqueue_indirect_dma source(%arg15 : memref<80xf32, #tpu.memory_space<vmem>>) target(%dma_start3A_531 : memref<10240xf32, #tpu.memory_space<vmem_shared>>) offsets(%dma_start3A_529 : memref<80xi32, #tpu.memory_space<vmem>>) semaphore(%run_scoped3A_526 : memref<!tpu.dma_semaphore, #tpu.memory_space<semaphore_mem>>) {add = true}
      %dma_wait3A_532 = arith.constant 0 : i32
      %dma_wait3A_533 = tpu.memref_slice %arg10[%run_scoped3A_306, %dma_wait3A_532] : memref<50x80xi32, #tpu.memory_space<vmem>> -> memref<1x80xi32, #tpu.memory_space<vmem>>
      %dma_wait3A_534 = tpu.memref_squeeze %dma_wait3A_533 : memref<1x80xi32, #tpu.memory_space<vmem>> -> memref<80xi32, #tpu.memory_space<vmem>>
      %dma_wait3A_535 = arith.constant 0 : i32
      %dma_wait3A_536 = tpu.memref_slice %arg16[%dma_wait3A_535] : memref<10240xf32, #tpu.memory_space<vmem_shared>> -> memref<10240xf32, #tpu.memory_space<vmem_shared>>
      tpu.wait_indirect_dma semaphore(%run_scoped3A_526 : memref<!tpu.dma_semaphore, #tpu.memory_space<semaphore_mem>>) src(%arg15 : memref<80xf32, #tpu.memory_space<vmem>>) dst(%dma_wait3A_536 : memref<10240xf32, #tpu.memory_space<vmem_shared>>)
      tpu.yield
    }) : () -> ()
    %mul3A_307 = arith.constant 16 : i32
    %mul3A_308 = arith.muli %arg0, %mul3A_307 : i32
    %add3A_309 = arith.addi %mul3A_308, %arg1 : i32
    %mul3A_310 = arith.constant 5 : i32
    %mul3A_311 = arith.muli %add3A_309, %mul3A_310 : i32
    %add3A_312 = arith.constant 3 : i32
    %add3A_313 = arith.addi %mul3A_311, %add3A_312 : i32
    %sub3A_314 = arith.constant 1 : i32
    %sub3A_315 = arith.subi %sub3A_314, %arg0 : i32
    %mul3A_316 = arith.constant 16 : i32
    %mul3A_317 = arith.muli %sub3A_315, %mul3A_316 : i32
    %add3A_318 = arith.addi %mul3A_317, %arg1 : i32
    %mul3A_319 = arith.constant 5 : i32
    %mul3A_320 = arith.muli %add3A_318, %mul3A_319 : i32
    %add3A_321 = arith.constant 3 : i32
    %add3A_322 = arith.addi %mul3A_320, %add3A_321 : i32
    "tpu.region"() ({
      %run_scoped3A_526 = tpu.sem_alloc : memref<!tpu.dma_semaphore, #tpu.memory_space<semaphore_mem>>
      %dma_start3A_527 = arith.constant 0 : i32
      %dma_start3A_528 = arith.constant 0 : i32
      %dma_start3A_529 = tpu.memref_slice %arg3[%add3A_313, %dma_start3A_527, %dma_start3A_528] : memref<160x50x80xi32, #tpu.memory_space<hbm>> -> memref<1x50x80xi32, #tpu.memory_space<hbm>>
      %dma_start3A_530 = tpu.memref_squeeze %dma_start3A_529 : memref<1x50x80xi32, #tpu.memory_space<hbm>> -> memref<50x80xi32, #tpu.memory_space<hbm>>
      %dma_start3A_531 = arith.constant 0 : i32
      %dma_start3A_532 = arith.constant 0 : i32
      %dma_start3A_533 = tpu.memref_slice %arg3[%add3A_313, %dma_start3A_531, %dma_start3A_532] : memref<160x50x80xi32, #tpu.memory_space<hbm>> -> memref<1x50x80xi32, #tpu.memory_space<hbm>>
      %dma_start3A_534 = tpu.memref_squeeze %dma_start3A_533 : memref<1x50x80xi32, #tpu.memory_space<hbm>> -> memref<50x80xi32, #tpu.memory_space<hbm>>
      tpu.enqueue_dma source(%dma_start3A_534 : memref<50x80xi32, #tpu.memory_space<hbm>>) target(%arg9 : memref<50x80xi32, #tpu.memory_space<vmem>>) target_semaphore(%run_scoped3A_526 : memref<!tpu.dma_semaphore, #tpu.memory_space<semaphore_mem>>)
      %dma_wait3A_535 = arith.constant 0 : i32
      %dma_wait3A_536 = arith.constant 0 : i32
      %dma_wait3A_537 = tpu.memref_slice %arg3[%add3A_313, %dma_wait3A_535, %dma_wait3A_536] : memref<160x50x80xi32, #tpu.memory_space<hbm>> -> memref<1x50x80xi32, #tpu.memory_space<hbm>>
      %dma_wait3A_538 = tpu.memref_squeeze %dma_wait3A_537 : memref<1x50x80xi32, #tpu.memory_space<hbm>> -> memref<50x80xi32, #tpu.memory_space<hbm>>
      %dma_wait3A_539 = arith.constant 0 : i32
      %dma_wait3A_540 = arith.constant 0 : i32
      %dma_wait3A_541 = tpu.memref_slice %arg3[%add3A_313, %dma_wait3A_539, %dma_wait3A_540] : memref<160x50x80xi32, #tpu.memory_space<hbm>> -> memref<1x50x80xi32, #tpu.memory_space<hbm>>
      %dma_wait3A_542 = tpu.memref_squeeze %dma_wait3A_541 : memref<1x50x80xi32, #tpu.memory_space<hbm>> -> memref<50x80xi32, #tpu.memory_space<hbm>>
      tpu.wait_dma2 semaphore(%run_scoped3A_526 : memref<!tpu.dma_semaphore, #tpu.memory_space<semaphore_mem>>) src(%dma_wait3A_542 : memref<50x80xi32, #tpu.memory_space<hbm>>) dst(%arg9 : memref<50x80xi32, #tpu.memory_space<vmem>>)
      tpu.yield
    }) : () -> ()
    "tpu.region"() ({
      %run_scoped3A_526 = tpu.sem_alloc : memref<!tpu.dma_semaphore, #tpu.memory_space<semaphore_mem>>
      %dma_start3A_527 = arith.constant 0 : i32
      %dma_start3A_528 = arith.constant 0 : i32
      %dma_start3A_529 = tpu.memref_slice %arg3[%add3A_322, %dma_start3A_527, %dma_start3A_528] : memref<160x50x80xi32, #tpu.memory_space<hbm>> -> memref<1x50x80xi32, #tpu.memory_space<hbm>>
      %dma_start3A_530 = tpu.memref_squeeze %dma_start3A_529 : memref<1x50x80xi32, #tpu.memory_space<hbm>> -> memref<50x80xi32, #tpu.memory_space<hbm>>
      %dma_start3A_531 = arith.constant 0 : i32
      %dma_start3A_532 = arith.constant 0 : i32
      %dma_start3A_533 = tpu.memref_slice %arg3[%add3A_322, %dma_start3A_531, %dma_start3A_532] : memref<160x50x80xi32, #tpu.memory_space<hbm>> -> memref<1x50x80xi32, #tpu.memory_space<hbm>>
      %dma_start3A_534 = tpu.memref_squeeze %dma_start3A_533 : memref<1x50x80xi32, #tpu.memory_space<hbm>> -> memref<50x80xi32, #tpu.memory_space<hbm>>
      tpu.enqueue_dma source(%dma_start3A_534 : memref<50x80xi32, #tpu.memory_space<hbm>>) target(%arg10 : memref<50x80xi32, #tpu.memory_space<vmem>>) target_semaphore(%run_scoped3A_526 : memref<!tpu.dma_semaphore, #tpu.memory_space<semaphore_mem>>)
      %dma_wait3A_535 = arith.constant 0 : i32
      %dma_wait3A_536 = arith.constant 0 : i32
      %dma_wait3A_537 = tpu.memref_slice %arg3[%add3A_322, %dma_wait3A_535, %dma_wait3A_536] : memref<160x50x80xi32, #tpu.memory_space<hbm>> -> memref<1x50x80xi32, #tpu.memory_space<hbm>>
      %dma_wait3A_538 = tpu.memref_squeeze %dma_wait3A_537 : memref<1x50x80xi32, #tpu.memory_space<hbm>> -> memref<50x80xi32, #tpu.memory_space<hbm>>
      %dma_wait3A_539 = arith.constant 0 : i32
      %dma_wait3A_540 = arith.constant 0 : i32
      %dma_wait3A_541 = tpu.memref_slice %arg3[%add3A_322, %dma_wait3A_539, %dma_wait3A_540] : memref<160x50x80xi32, #tpu.memory_space<hbm>> -> memref<1x50x80xi32, #tpu.memory_space<hbm>>
      %dma_wait3A_542 = tpu.memref_squeeze %dma_wait3A_541 : memref<1x50x80xi32, #tpu.memory_space<hbm>> -> memref<50x80xi32, #tpu.memory_space<hbm>>
      tpu.wait_dma2 semaphore(%run_scoped3A_526 : memref<!tpu.dma_semaphore, #tpu.memory_space<semaphore_mem>>) src(%dma_wait3A_542 : memref<50x80xi32, #tpu.memory_space<hbm>>) dst(%arg10 : memref<50x80xi32, #tpu.memory_space<vmem>>)
      tpu.yield
    }) : () -> ()
    %dma_start3A_323 = arith.constant 0 : i32
    %dma_start3A_324 = arith.constant 0 : i32
    %dma_start3A_325 = tpu.memref_slice %arg9[%dma_start3A_323, %dma_start3A_324] : memref<50x80xi32, #tpu.memory_space<vmem>> -> memref<1x80xi32, #tpu.memory_space<vmem>>
    %dma_start3A_326 = tpu.memref_squeeze %dma_start3A_325 : memref<1x80xi32, #tpu.memory_space<vmem>> -> memref<80xi32, #tpu.memory_space<vmem>>
    %dma_start3A_327 = arith.constant 0 : i32
    %dma_start3A_328 = arith.constant 0 : i32
    %dma_start3A_329 = tpu.memref_slice %arg2[%dma_start3A_327, %dma_start3A_328] : memref<10000x128xf32, #tpu.memory_space<hbm>> -> memref<10000x128xf32, #tpu.memory_space<hbm>>
    tpu.enqueue_indirect_dma source(%dma_start3A_329 : memref<10000x128xf32, #tpu.memory_space<hbm>>) target(%arg11 : memref<80x128xf32, #tpu.memory_space<vmem>>) offsets(%dma_start3A_326 : memref<80xi32, #tpu.memory_space<vmem>>) semaphore(%arg17 : memref<!tpu.dma_semaphore, #tpu.memory_space<semaphore_mem>>)
    %dma_start3A_330 = arith.constant 1 : i32
    %dma_start3A_331 = arith.constant 0 : i32
    %dma_start3A_332 = tpu.memref_slice %arg9[%dma_start3A_330, %dma_start3A_331] : memref<50x80xi32, #tpu.memory_space<vmem>> -> memref<1x80xi32, #tpu.memory_space<vmem>>
    %dma_start3A_333 = tpu.memref_squeeze %dma_start3A_332 : memref<1x80xi32, #tpu.memory_space<vmem>> -> memref<80xi32, #tpu.memory_space<vmem>>
    %dma_start3A_334 = arith.constant 0 : i32
    %dma_start3A_335 = arith.constant 0 : i32
    %dma_start3A_336 = tpu.memref_slice %arg2[%dma_start3A_334, %dma_start3A_335] : memref<10000x128xf32, #tpu.memory_space<hbm>> -> memref<10000x128xf32, #tpu.memory_space<hbm>>
    tpu.enqueue_indirect_dma source(%dma_start3A_336 : memref<10000x128xf32, #tpu.memory_space<hbm>>) target(%arg12 : memref<80x128xf32, #tpu.memory_space<vmem>>) offsets(%dma_start3A_333 : memref<80xi32, #tpu.memory_space<vmem>>) semaphore(%arg18 : memref<!tpu.dma_semaphore, #tpu.memory_space<semaphore_mem>>)
    %dma_start3A_337 = arith.constant 2 : i32
    %dma_start3A_338 = arith.constant 0 : i32
    %dma_start3A_339 = tpu.memref_slice %arg9[%dma_start3A_337, %dma_start3A_338] : memref<50x80xi32, #tpu.memory_space<vmem>> -> memref<1x80xi32, #tpu.memory_space<vmem>>
    %dma_start3A_340 = tpu.memref_squeeze %dma_start3A_339 : memref<1x80xi32, #tpu.memory_space<vmem>> -> memref<80xi32, #tpu.memory_space<vmem>>
    %dma_start3A_341 = arith.constant 0 : i32
    %dma_start3A_342 = arith.constant 0 : i32
    %dma_start3A_343 = tpu.memref_slice %arg2[%dma_start3A_341, %dma_start3A_342] : memref<10000x128xf32, #tpu.memory_space<hbm>> -> memref<10000x128xf32, #tpu.memory_space<hbm>>
    tpu.enqueue_indirect_dma source(%dma_start3A_343 : memref<10000x128xf32, #tpu.memory_space<hbm>>) target(%arg13 : memref<80x128xf32, #tpu.memory_space<vmem>>) offsets(%dma_start3A_340 : memref<80xi32, #tpu.memory_space<vmem>>) semaphore(%arg19 : memref<!tpu.dma_semaphore, #tpu.memory_space<semaphore_mem>>)
    %scan3A_344 = arith.constant 0 : i32
    %scan3A_345 = arith.constant 0 : i32
    %scan3A_346 = arith.constant 15 : i32
    %scan3A_347 = arith.addi %scan3A_345, %scan3A_346 : i32
    %scan3A_348 = arith.constant 1 : i32
    scf.for %scan3A_526 = %scan3A_345 to %scan3A_347 step %scan3A_348  : i32 {
      %mul3A_527 = arith.constant 3 : i32
      %mul3A_528 = arith.muli %mul3A_527, %scan3A_526 : i32
      %add3A_529 = arith.constant 0 : i32
      %add3A_530 = arith.addi %mul3A_528, %add3A_529 : i32
      %dma_wait3A_531 = arith.constant 0 : i32
      %dma_wait3A_532 = tpu.memref_slice %arg9[%add3A_530, %dma_wait3A_531] : memref<50x80xi32, #tpu.memory_space<vmem>> -> memref<1x80xi32, #tpu.memory_space<vmem>>
      %dma_wait3A_533 = tpu.memref_squeeze %dma_wait3A_532 : memref<1x80xi32, #tpu.memory_space<vmem>> -> memref<80xi32, #tpu.memory_space<vmem>>
      %dma_wait3A_534 = arith.constant 0 : i32
      %dma_wait3A_535 = arith.constant 0 : i32
      %dma_wait3A_536 = tpu.memref_slice %arg2[%dma_wait3A_534, %dma_wait3A_535] : memref<10000x128xf32, #tpu.memory_space<hbm>> -> memref<10000x128xf32, #tpu.memory_space<hbm>>
      tpu.wait_indirect_dma semaphore(%arg17 : memref<!tpu.dma_semaphore, #tpu.memory_space<semaphore_mem>>) src(%dma_wait3A_536 : memref<10000x128xf32, #tpu.memory_space<hbm>>) dst(%arg11 : memref<80x128xf32, #tpu.memory_space<vmem>>)
      "tpu.region"() ({
        %run_scoped3A_581 = tpu.sem_alloc : memref<!tpu.dma_semaphore, #tpu.memory_space<semaphore_mem>>
        %dma_start3A_582 = arith.constant 0 : i32
        %dma_start3A_583 = tpu.memref_slice %arg10[%add3A_530, %dma_start3A_582] : memref<50x80xi32, #tpu.memory_space<vmem>> -> memref<1x80xi32, #tpu.memory_space<vmem>>
        %dma_start3A_584 = tpu.memref_squeeze %dma_start3A_583 : memref<1x80xi32, #tpu.memory_space<vmem>> -> memref<80xi32, #tpu.memory_space<vmem>>
        %dma_start3A_585 = arith.constant 0 : i32
        %dma_start3A_586 = arith.constant 0 : i32
        %dma_start3A_587 = tpu.memref_slice %arg14[%dma_start3A_585, %dma_start3A_586] : memref<10112x128xf32, #tpu.memory_space<vmem_shared>> -> memref<10112x128xf32, #tpu.memory_space<vmem_shared>>
        tpu.enqueue_indirect_dma source(%arg11 : memref<80x128xf32, #tpu.memory_space<vmem>>) target(%dma_start3A_587 : memref<10112x128xf32, #tpu.memory_space<vmem_shared>>) offsets(%dma_start3A_584 : memref<80xi32, #tpu.memory_space<vmem>>) semaphore(%run_scoped3A_581 : memref<!tpu.dma_semaphore, #tpu.memory_space<semaphore_mem>>) {add = true}
        %dma_wait3A_588 = arith.constant 0 : i32
        %dma_wait3A_589 = tpu.memref_slice %arg10[%add3A_530, %dma_wait3A_588] : memref<50x80xi32, #tpu.memory_space<vmem>> -> memref<1x80xi32, #tpu.memory_space<vmem>>
        %dma_wait3A_590 = tpu.memref_squeeze %dma_wait3A_589 : memref<1x80xi32, #tpu.memory_space<vmem>> -> memref<80xi32, #tpu.memory_space<vmem>>
        %dma_wait3A_591 = arith.constant 0 : i32
        %dma_wait3A_592 = arith.constant 0 : i32
        %dma_wait3A_593 = tpu.memref_slice %arg14[%dma_wait3A_591, %dma_wait3A_592] : memref<10112x128xf32, #tpu.memory_space<vmem_shared>> -> memref<10112x128xf32, #tpu.memory_space<vmem_shared>>
        tpu.wait_indirect_dma semaphore(%run_scoped3A_581 : memref<!tpu.dma_semaphore, #tpu.memory_space<semaphore_mem>>) src(%arg11 : memref<80x128xf32, #tpu.memory_space<vmem>>) dst(%dma_wait3A_593 : memref<10112x128xf32, #tpu.memory_space<vmem_shared>>)
        tpu.yield
      }) : () -> ()
      "tpu.region"() ({
        %run_scoped3A_581 = tpu.sem_alloc : memref<!tpu.dma_semaphore, #tpu.memory_space<semaphore_mem>>
        %dma_start3A_582 = arith.constant 0 : i32
        %dma_start3A_583 = tpu.memref_slice %arg10[%add3A_530, %dma_start3A_582] : memref<50x80xi32, #tpu.memory_space<vmem>> -> memref<1x80xi32, #tpu.memory_space<vmem>>
        %dma_start3A_584 = tpu.memref_squeeze %dma_start3A_583 : memref<1x80xi32, #tpu.memory_space<vmem>> -> memref<80xi32, #tpu.memory_space<vmem>>
        %dma_start3A_585 = arith.constant 0 : i32
        %dma_start3A_586 = tpu.memref_slice %arg16[%dma_start3A_585] : memref<10240xf32, #tpu.memory_space<vmem_shared>> -> memref<10240xf32, #tpu.memory_space<vmem_shared>>
        tpu.enqueue_indirect_dma source(%arg15 : memref<80xf32, #tpu.memory_space<vmem>>) target(%dma_start3A_586 : memref<10240xf32, #tpu.memory_space<vmem_shared>>) offsets(%dma_start3A_584 : memref<80xi32, #tpu.memory_space<vmem>>) semaphore(%run_scoped3A_581 : memref<!tpu.dma_semaphore, #tpu.memory_space<semaphore_mem>>) {add = true}
        %dma_wait3A_587 = arith.constant 0 : i32
        %dma_wait3A_588 = tpu.memref_slice %arg10[%add3A_530, %dma_wait3A_587] : memref<50x80xi32, #tpu.memory_space<vmem>> -> memref<1x80xi32, #tpu.memory_space<vmem>>
        %dma_wait3A_589 = tpu.memref_squeeze %dma_wait3A_588 : memref<1x80xi32, #tpu.memory_space<vmem>> -> memref<80xi32, #tpu.memory_space<vmem>>
        %dma_wait3A_590 = arith.constant 0 : i32
        %dma_wait3A_591 = tpu.memref_slice %arg16[%dma_wait3A_590] : memref<10240xf32, #tpu.memory_space<vmem_shared>> -> memref<10240xf32, #tpu.memory_space<vmem_shared>>
        tpu.wait_indirect_dma semaphore(%run_scoped3A_581 : memref<!tpu.dma_semaphore, #tpu.memory_space<semaphore_mem>>) src(%arg15 : memref<80xf32, #tpu.memory_space<vmem>>) dst(%dma_wait3A_591 : memref<10240xf32, #tpu.memory_space<vmem_shared>>)
        tpu.yield
      }) : () -> ()
      %add3A_537 = arith.constant 3 : i32
      %add3A_538 = arith.addi %add3A_530, %add3A_537 : i32
      %dma_start3A_539 = arith.constant 0 : i32
      %dma_start3A_540 = tpu.memref_slice %arg9[%add3A_538, %dma_start3A_539] : memref<50x80xi32, #tpu.memory_space<vmem>> -> memref<1x80xi32, #tpu.memory_space<vmem>>
      %dma_start3A_541 = tpu.memref_squeeze %dma_start3A_540 : memref<1x80xi32, #tpu.memory_space<vmem>> -> memref<80xi32, #tpu.memory_space<vmem>>
      %dma_start3A_542 = arith.constant 0 : i32
      %dma_start3A_543 = arith.constant 0 : i32
      %dma_start3A_544 = tpu.memref_slice %arg2[%dma_start3A_542, %dma_start3A_543] : memref<10000x128xf32, #tpu.memory_space<hbm>> -> memref<10000x128xf32, #tpu.memory_space<hbm>>
      tpu.enqueue_indirect_dma source(%dma_start3A_544 : memref<10000x128xf32, #tpu.memory_space<hbm>>) target(%arg11 : memref<80x128xf32, #tpu.memory_space<vmem>>) offsets(%dma_start3A_541 : memref<80xi32, #tpu.memory_space<vmem>>) semaphore(%arg17 : memref<!tpu.dma_semaphore, #tpu.memory_space<semaphore_mem>>)
      %mul3A_545 = arith.constant 3 : i32
      %mul3A_546 = arith.muli %mul3A_545, %scan3A_526 : i32
      %add3A_547 = arith.constant 1 : i32
      %add3A_548 = arith.addi %mul3A_546, %add3A_547 : i32
      %dma_wait3A_549 = arith.constant 0 : i32
      %dma_wait3A_550 = tpu.memref_slice %arg9[%add3A_548, %dma_wait3A_549] : memref<50x80xi32, #tpu.memory_space<vmem>> -> memref<1x80xi32, #tpu.memory_space<vmem>>
      %dma_wait3A_551 = tpu.memref_squeeze %dma_wait3A_550 : memref<1x80xi32, #tpu.memory_space<vmem>> -> memref<80xi32, #tpu.memory_space<vmem>>
      %dma_wait3A_552 = arith.constant 0 : i32
      %dma_wait3A_553 = arith.constant 0 : i32
      %dma_wait3A_554 = tpu.memref_slice %arg2[%dma_wait3A_552, %dma_wait3A_553] : memref<10000x128xf32, #tpu.memory_space<hbm>> -> memref<10000x128xf32, #tpu.memory_space<hbm>>
      tpu.wait_indirect_dma semaphore(%arg18 : memref<!tpu.dma_semaphore, #tpu.memory_space<semaphore_mem>>) src(%dma_wait3A_554 : memref<10000x128xf32, #tpu.memory_space<hbm>>) dst(%arg12 : memref<80x128xf32, #tpu.memory_space<vmem>>)
      "tpu.region"() ({
        %run_scoped3A_581 = tpu.sem_alloc : memref<!tpu.dma_semaphore, #tpu.memory_space<semaphore_mem>>
        %dma_start3A_582 = arith.constant 0 : i32
        %dma_start3A_583 = tpu.memref_slice %arg10[%add3A_548, %dma_start3A_582] : memref<50x80xi32, #tpu.memory_space<vmem>> -> memref<1x80xi32, #tpu.memory_space<vmem>>
        %dma_start3A_584 = tpu.memref_squeeze %dma_start3A_583 : memref<1x80xi32, #tpu.memory_space<vmem>> -> memref<80xi32, #tpu.memory_space<vmem>>
        %dma_start3A_585 = arith.constant 0 : i32
        %dma_start3A_586 = arith.constant 0 : i32
        %dma_start3A_587 = tpu.memref_slice %arg14[%dma_start3A_585, %dma_start3A_586] : memref<10112x128xf32, #tpu.memory_space<vmem_shared>> -> memref<10112x128xf32, #tpu.memory_space<vmem_shared>>
        tpu.enqueue_indirect_dma source(%arg12 : memref<80x128xf32, #tpu.memory_space<vmem>>) target(%dma_start3A_587 : memref<10112x128xf32, #tpu.memory_space<vmem_shared>>) offsets(%dma_start3A_584 : memref<80xi32, #tpu.memory_space<vmem>>) semaphore(%run_scoped3A_581 : memref<!tpu.dma_semaphore, #tpu.memory_space<semaphore_mem>>) {add = true}
        %dma_wait3A_588 = arith.constant 0 : i32
        %dma_wait3A_589 = tpu.memref_slice %arg10[%add3A_548, %dma_wait3A_588] : memref<50x80xi32, #tpu.memory_space<vmem>> -> memref<1x80xi32, #tpu.memory_space<vmem>>
        %dma_wait3A_590 = tpu.memref_squeeze %dma_wait3A_589 : memref<1x80xi32, #tpu.memory_space<vmem>> -> memref<80xi32, #tpu.memory_space<vmem>>
        %dma_wait3A_591 = arith.constant 0 : i32
        %dma_wait3A_592 = arith.constant 0 : i32
        %dma_wait3A_593 = tpu.memref_slice %arg14[%dma_wait3A_591, %dma_wait3A_592] : memref<10112x128xf32, #tpu.memory_space<vmem_shared>> -> memref<10112x128xf32, #tpu.memory_space<vmem_shared>>
        tpu.wait_indirect_dma semaphore(%run_scoped3A_581 : memref<!tpu.dma_semaphore, #tpu.memory_space<semaphore_mem>>) src(%arg12 : memref<80x128xf32, #tpu.memory_space<vmem>>) dst(%dma_wait3A_593 : memref<10112x128xf32, #tpu.memory_space<vmem_shared>>)
        tpu.yield
      }) : () -> ()
      "tpu.region"() ({
        %run_scoped3A_581 = tpu.sem_alloc : memref<!tpu.dma_semaphore, #tpu.memory_space<semaphore_mem>>
        %dma_start3A_582 = arith.constant 0 : i32
        %dma_start3A_583 = tpu.memref_slice %arg10[%add3A_548, %dma_start3A_582] : memref<50x80xi32, #tpu.memory_space<vmem>> -> memref<1x80xi32, #tpu.memory_space<vmem>>
        %dma_start3A_584 = tpu.memref_squeeze %dma_start3A_583 : memref<1x80xi32, #tpu.memory_space<vmem>> -> memref<80xi32, #tpu.memory_space<vmem>>
        %dma_start3A_585 = arith.constant 0 : i32
        %dma_start3A_586 = tpu.memref_slice %arg16[%dma_start3A_585] : memref<10240xf32, #tpu.memory_space<vmem_shared>> -> memref<10240xf32, #tpu.memory_space<vmem_shared>>
        tpu.enqueue_indirect_dma source(%arg15 : memref<80xf32, #tpu.memory_space<vmem>>) target(%dma_start3A_586 : memref<10240xf32, #tpu.memory_space<vmem_shared>>) offsets(%dma_start3A_584 : memref<80xi32, #tpu.memory_space<vmem>>) semaphore(%run_scoped3A_581 : memref<!tpu.dma_semaphore, #tpu.memory_space<semaphore_mem>>) {add = true}
        %dma_wait3A_587 = arith.constant 0 : i32
        %dma_wait3A_588 = tpu.memref_slice %arg10[%add3A_548, %dma_wait3A_587] : memref<50x80xi32, #tpu.memory_space<vmem>> -> memref<1x80xi32, #tpu.memory_space<vmem>>
        %dma_wait3A_589 = tpu.memref_squeeze %dma_wait3A_588 : memref<1x80xi32, #tpu.memory_space<vmem>> -> memref<80xi32, #tpu.memory_space<vmem>>
        %dma_wait3A_590 = arith.constant 0 : i32
        %dma_wait3A_591 = tpu.memref_slice %arg16[%dma_wait3A_590] : memref<10240xf32, #tpu.memory_space<vmem_shared>> -> memref<10240xf32, #tpu.memory_space<vmem_shared>>
        tpu.wait_indirect_dma semaphore(%run_scoped3A_581 : memref<!tpu.dma_semaphore, #tpu.memory_space<semaphore_mem>>) src(%arg15 : memref<80xf32, #tpu.memory_space<vmem>>) dst(%dma_wait3A_591 : memref<10240xf32, #tpu.memory_space<vmem_shared>>)
        tpu.yield
      }) : () -> ()
      %add3A_555 = arith.constant 3 : i32
      %add3A_556 = arith.addi %add3A_548, %add3A_555 : i32
      %dma_start3A_557 = arith.constant 0 : i32
      %dma_start3A_558 = tpu.memref_slice %arg9[%add3A_556, %dma_start3A_557] : memref<50x80xi32, #tpu.memory_space<vmem>> -> memref<1x80xi32, #tpu.memory_space<vmem>>
      %dma_start3A_559 = tpu.memref_squeeze %dma_start3A_558 : memref<1x80xi32, #tpu.memory_space<vmem>> -> memref<80xi32, #tpu.memory_space<vmem>>
      %dma_start3A_560 = arith.constant 0 : i32
      %dma_start3A_561 = arith.constant 0 : i32
      %dma_start3A_562 = tpu.memref_slice %arg2[%dma_start3A_560, %dma_start3A_561] : memref<10000x128xf32, #tpu.memory_space<hbm>> -> memref<10000x128xf32, #tpu.memory_space<hbm>>
      tpu.enqueue_indirect_dma source(%dma_start3A_562 : memref<10000x128xf32, #tpu.memory_space<hbm>>) target(%arg12 : memref<80x128xf32, #tpu.memory_space<vmem>>) offsets(%dma_start3A_559 : memref<80xi32, #tpu.memory_space<vmem>>) semaphore(%arg18 : memref<!tpu.dma_semaphore, #tpu.memory_space<semaphore_mem>>)
      %mul3A_563 = arith.constant 3 : i32
      %mul3A_564 = arith.muli %mul3A_563, %scan3A_526 : i32
      %add3A_565 = arith.constant 2 : i32
      %add3A_566 = arith.addi %mul3A_564, %add3A_565 : i32
      %dma_wait3A_567 = arith.constant 0 : i32
      %dma_wait3A_568 = tpu.memref_slice %arg9[%add3A_566, %dma_wait3A_567] : memref<50x80xi32, #tpu.memory_space<vmem>> -> memref<1x80xi32, #tpu.memory_space<vmem>>
      %dma_wait3A_569 = tpu.memref_squeeze %dma_wait3A_568 : memref<1x80xi32, #tpu.memory_space<vmem>> -> memref<80xi32, #tpu.memory_space<vmem>>
      %dma_wait3A_570 = arith.constant 0 : i32
      %dma_wait3A_571 = arith.constant 0 : i32
      %dma_wait3A_572 = tpu.memref_slice %arg2[%dma_wait3A_570, %dma_wait3A_571] : memref<10000x128xf32, #tpu.memory_space<hbm>> -> memref<10000x128xf32, #tpu.memory_space<hbm>>
      tpu.wait_indirect_dma semaphore(%arg19 : memref<!tpu.dma_semaphore, #tpu.memory_space<semaphore_mem>>) src(%dma_wait3A_572 : memref<10000x128xf32, #tpu.memory_space<hbm>>) dst(%arg13 : memref<80x128xf32, #tpu.memory_space<vmem>>)
      "tpu.region"() ({
        %run_scoped3A_581 = tpu.sem_alloc : memref<!tpu.dma_semaphore, #tpu.memory_space<semaphore_mem>>
        %dma_start3A_582 = arith.constant 0 : i32
        %dma_start3A_583 = tpu.memref_slice %arg10[%add3A_566, %dma_start3A_582] : memref<50x80xi32, #tpu.memory_space<vmem>> -> memref<1x80xi32, #tpu.memory_space<vmem>>
        %dma_start3A_584 = tpu.memref_squeeze %dma_start3A_583 : memref<1x80xi32, #tpu.memory_space<vmem>> -> memref<80xi32, #tpu.memory_space<vmem>>
        %dma_start3A_585 = arith.constant 0 : i32
        %dma_start3A_586 = arith.constant 0 : i32
        %dma_start3A_587 = tpu.memref_slice %arg14[%dma_start3A_585, %dma_start3A_586] : memref<10112x128xf32, #tpu.memory_space<vmem_shared>> -> memref<10112x128xf32, #tpu.memory_space<vmem_shared>>
        tpu.enqueue_indirect_dma source(%arg13 : memref<80x128xf32, #tpu.memory_space<vmem>>) target(%dma_start3A_587 : memref<10112x128xf32, #tpu.memory_space<vmem_shared>>) offsets(%dma_start3A_584 : memref<80xi32, #tpu.memory_space<vmem>>) semaphore(%run_scoped3A_581 : memref<!tpu.dma_semaphore, #tpu.memory_space<semaphore_mem>>) {add = true}
        %dma_wait3A_588 = arith.constant 0 : i32
        %dma_wait3A_589 = tpu.memref_slice %arg10[%add3A_566, %dma_wait3A_588] : memref<50x80xi32, #tpu.memory_space<vmem>> -> memref<1x80xi32, #tpu.memory_space<vmem>>
        %dma_wait3A_590 = tpu.memref_squeeze %dma_wait3A_589 : memref<1x80xi32, #tpu.memory_space<vmem>> -> memref<80xi32, #tpu.memory_space<vmem>>
        %dma_wait3A_591 = arith.constant 0 : i32
        %dma_wait3A_592 = arith.constant 0 : i32
        %dma_wait3A_593 = tpu.memref_slice %arg14[%dma_wait3A_591, %dma_wait3A_592] : memref<10112x128xf32, #tpu.memory_space<vmem_shared>> -> memref<10112x128xf32, #tpu.memory_space<vmem_shared>>
        tpu.wait_indirect_dma semaphore(%run_scoped3A_581 : memref<!tpu.dma_semaphore, #tpu.memory_space<semaphore_mem>>) src(%arg13 : memref<80x128xf32, #tpu.memory_space<vmem>>) dst(%dma_wait3A_593 : memref<10112x128xf32, #tpu.memory_space<vmem_shared>>)
        tpu.yield
      }) : () -> ()
      "tpu.region"() ({
        %run_scoped3A_581 = tpu.sem_alloc : memref<!tpu.dma_semaphore, #tpu.memory_space<semaphore_mem>>
        %dma_start3A_582 = arith.constant 0 : i32
        %dma_start3A_583 = tpu.memref_slice %arg10[%add3A_566, %dma_start3A_582] : memref<50x80xi32, #tpu.memory_space<vmem>> -> memref<1x80xi32, #tpu.memory_space<vmem>>
        %dma_start3A_584 = tpu.memref_squeeze %dma_start3A_583 : memref<1x80xi32, #tpu.memory_space<vmem>> -> memref<80xi32, #tpu.memory_space<vmem>>
        %dma_start3A_585 = arith.constant 0 : i32
        %dma_start3A_586 = tpu.memref_slice %arg16[%dma_start3A_585] : memref<10240xf32, #tpu.memory_space<vmem_shared>> -> memref<10240xf32, #tpu.memory_space<vmem_shared>>
        tpu.enqueue_indirect_dma source(%arg15 : memref<80xf32, #tpu.memory_space<vmem>>) target(%dma_start3A_586 : memref<10240xf32, #tpu.memory_space<vmem_shared>>) offsets(%dma_start3A_584 : memref<80xi32, #tpu.memory_space<vmem>>) semaphore(%run_scoped3A_581 : memref<!tpu.dma_semaphore, #tpu.memory_space<semaphore_mem>>) {add = true}
        %dma_wait3A_587 = arith.constant 0 : i32
        %dma_wait3A_588 = tpu.memref_slice %arg10[%add3A_566, %dma_wait3A_587] : memref<50x80xi32, #tpu.memory_space<vmem>> -> memref<1x80xi32, #tpu.memory_space<vmem>>
        %dma_wait3A_589 = tpu.memref_squeeze %dma_wait3A_588 : memref<1x80xi32, #tpu.memory_space<vmem>> -> memref<80xi32, #tpu.memory_space<vmem>>
        %dma_wait3A_590 = arith.constant 0 : i32
        %dma_wait3A_591 = tpu.memref_slice %arg16[%dma_wait3A_590] : memref<10240xf32, #tpu.memory_space<vmem_shared>> -> memref<10240xf32, #tpu.memory_space<vmem_shared>>
        tpu.wait_indirect_dma semaphore(%run_scoped3A_581 : memref<!tpu.dma_semaphore, #tpu.memory_space<semaphore_mem>>) src(%arg15 : memref<80xf32, #tpu.memory_space<vmem>>) dst(%dma_wait3A_591 : memref<10240xf32, #tpu.memory_space<vmem_shared>>)
        tpu.yield
      }) : () -> ()
      %add3A_573 = arith.constant 3 : i32
      %add3A_574 = arith.addi %add3A_566, %add3A_573 : i32
      %dma_start3A_575 = arith.constant 0 : i32
      %dma_start3A_576 = tpu.memref_slice %arg9[%add3A_574, %dma_start3A_575] : memref<50x80xi32, #tpu.memory_space<vmem>> -> memref<1x80xi32, #tpu.memory_space<vmem>>
      %dma_start3A_577 = tpu.memref_squeeze %dma_start3A_576 : memref<1x80xi32, #tpu.memory_space<vmem>> -> memref<80xi32, #tpu.memory_space<vmem>>
      %dma_start3A_578 = arith.constant 0 : i32
      %dma_start3A_579 = arith.constant 0 : i32
      %dma_start3A_580 = tpu.memref_slice %arg2[%dma_start3A_578, %dma_start3A_579] : memref<10000x128xf32, #tpu.memory_space<hbm>> -> memref<10000x128xf32, #tpu.memory_space<hbm>>
      tpu.enqueue_indirect_dma source(%dma_start3A_580 : memref<10000x128xf32, #tpu.memory_space<hbm>>) target(%arg13 : memref<80x128xf32, #tpu.memory_space<vmem>>) offsets(%dma_start3A_577 : memref<80xi32, #tpu.memory_space<vmem>>) semaphore(%arg19 : memref<!tpu.dma_semaphore, #tpu.memory_space<semaphore_mem>>)
    }
    %scan3A_349 = arith.constant 15 : i32
    %dma_wait3A_350 = arith.constant 45 : i32
    %dma_wait3A_351 = arith.constant 0 : i32
    %dma_wait3A_352 = tpu.memref_slice %arg9[%dma_wait3A_350, %dma_wait3A_351] : memref<50x80xi32, #tpu.memory_space<vmem>> -> memref<1x80xi32, #tpu.memory_space<vmem>>
    %dma_wait3A_353 = tpu.memref_squeeze %dma_wait3A_352 : memref<1x80xi32, #tpu.memory_space<vmem>> -> memref<80xi32, #tpu.memory_space<vmem>>
    %dma_wait3A_354 = arith.constant 0 : i32
    %dma_wait3A_355 = arith.constant 0 : i32
    %dma_wait3A_356 = tpu.memref_slice %arg2[%dma_wait3A_354, %dma_wait3A_355] : memref<10000x128xf32, #tpu.memory_space<hbm>> -> memref<10000x128xf32, #tpu.memory_space<hbm>>
    tpu.wait_indirect_dma semaphore(%arg17 : memref<!tpu.dma_semaphore, #tpu.memory_space<semaphore_mem>>) src(%dma_wait3A_356 : memref<10000x128xf32, #tpu.memory_space<hbm>>) dst(%arg11 : memref<80x128xf32, #tpu.memory_space<vmem>>)
    %run_scoped3A_357 = arith.constant 45 : i32
    "tpu.region"() ({
      %run_scoped3A_526 = tpu.sem_alloc : memref<!tpu.dma_semaphore, #tpu.memory_space<semaphore_mem>>
      %dma_start3A_527 = arith.constant 0 : i32
      %dma_start3A_528 = tpu.memref_slice %arg10[%run_scoped3A_357, %dma_start3A_527] : memref<50x80xi32, #tpu.memory_space<vmem>> -> memref<1x80xi32, #tpu.memory_space<vmem>>
      %dma_start3A_529 = tpu.memref_squeeze %dma_start3A_528 : memref<1x80xi32, #tpu.memory_space<vmem>> -> memref<80xi32, #tpu.memory_space<vmem>>
      %dma_start3A_530 = arith.constant 0 : i32
      %dma_start3A_531 = arith.constant 0 : i32
      %dma_start3A_532 = tpu.memref_slice %arg14[%dma_start3A_530, %dma_start3A_531] : memref<10112x128xf32, #tpu.memory_space<vmem_shared>> -> memref<10112x128xf32, #tpu.memory_space<vmem_shared>>
      tpu.enqueue_indirect_dma source(%arg11 : memref<80x128xf32, #tpu.memory_space<vmem>>) target(%dma_start3A_532 : memref<10112x128xf32, #tpu.memory_space<vmem_shared>>) offsets(%dma_start3A_529 : memref<80xi32, #tpu.memory_space<vmem>>) semaphore(%run_scoped3A_526 : memref<!tpu.dma_semaphore, #tpu.memory_space<semaphore_mem>>) {add = true}
      %dma_wait3A_533 = arith.constant 0 : i32
      %dma_wait3A_534 = tpu.memref_slice %arg10[%run_scoped3A_357, %dma_wait3A_533] : memref<50x80xi32, #tpu.memory_space<vmem>> -> memref<1x80xi32, #tpu.memory_space<vmem>>
      %dma_wait3A_535 = tpu.memref_squeeze %dma_wait3A_534 : memref<1x80xi32, #tpu.memory_space<vmem>> -> memref<80xi32, #tpu.memory_space<vmem>>
      %dma_wait3A_536 = arith.constant 0 : i32
      %dma_wait3A_537 = arith.constant 0 : i32
      %dma_wait3A_538 = tpu.memref_slice %arg14[%dma_wait3A_536, %dma_wait3A_537] : memref<10112x128xf32, #tpu.memory_space<vmem_shared>> -> memref<10112x128xf32, #tpu.memory_space<vmem_shared>>
      tpu.wait_indirect_dma semaphore(%run_scoped3A_526 : memref<!tpu.dma_semaphore, #tpu.memory_space<semaphore_mem>>) src(%arg11 : memref<80x128xf32, #tpu.memory_space<vmem>>) dst(%dma_wait3A_538 : memref<10112x128xf32, #tpu.memory_space<vmem_shared>>)
      tpu.yield
    }) : () -> ()
    %run_scoped3A_358 = arith.constant 45 : i32
    "tpu.region"() ({
      %run_scoped3A_526 = tpu.sem_alloc : memref<!tpu.dma_semaphore, #tpu.memory_space<semaphore_mem>>
      %dma_start3A_527 = arith.constant 0 : i32
      %dma_start3A_528 = tpu.memref_slice %arg10[%run_scoped3A_358, %dma_start3A_527] : memref<50x80xi32, #tpu.memory_space<vmem>> -> memref<1x80xi32, #tpu.memory_space<vmem>>
      %dma_start3A_529 = tpu.memref_squeeze %dma_start3A_528 : memref<1x80xi32, #tpu.memory_space<vmem>> -> memref<80xi32, #tpu.memory_space<vmem>>
      %dma_start3A_530 = arith.constant 0 : i32
      %dma_start3A_531 = tpu.memref_slice %arg16[%dma_start3A_530] : memref<10240xf32, #tpu.memory_space<vmem_shared>> -> memref<10240xf32, #tpu.memory_space<vmem_shared>>
      tpu.enqueue_indirect_dma source(%arg15 : memref<80xf32, #tpu.memory_space<vmem>>) target(%dma_start3A_531 : memref<10240xf32, #tpu.memory_space<vmem_shared>>) offsets(%dma_start3A_529 : memref<80xi32, #tpu.memory_space<vmem>>) semaphore(%run_scoped3A_526 : memref<!tpu.dma_semaphore, #tpu.memory_space<semaphore_mem>>) {add = true}
      %dma_wait3A_532 = arith.constant 0 : i32
      %dma_wait3A_533 = tpu.memref_slice %arg10[%run_scoped3A_358, %dma_wait3A_532] : memref<50x80xi32, #tpu.memory_space<vmem>> -> memref<1x80xi32, #tpu.memory_space<vmem>>
      %dma_wait3A_534 = tpu.memref_squeeze %dma_wait3A_533 : memref<1x80xi32, #tpu.memory_space<vmem>> -> memref<80xi32, #tpu.memory_space<vmem>>
      %dma_wait3A_535 = arith.constant 0 : i32
      %dma_wait3A_536 = tpu.memref_slice %arg16[%dma_wait3A_535] : memref<10240xf32, #tpu.memory_space<vmem_shared>> -> memref<10240xf32, #tpu.memory_space<vmem_shared>>
      tpu.wait_indirect_dma semaphore(%run_scoped3A_526 : memref<!tpu.dma_semaphore, #tpu.memory_space<semaphore_mem>>) src(%arg15 : memref<80xf32, #tpu.memory_space<vmem>>) dst(%dma_wait3A_536 : memref<10240xf32, #tpu.memory_space<vmem_shared>>)
      tpu.yield
    }) : () -> ()
    %dma_start3A_359 = arith.constant 48 : i32
    %dma_start3A_360 = arith.constant 0 : i32
    %dma_start3A_361 = tpu.memref_slice %arg9[%dma_start3A_359, %dma_start3A_360] : memref<50x80xi32, #tpu.memory_space<vmem>> -> memref<1x80xi32, #tpu.memory_space<vmem>>
    %dma_start3A_362 = tpu.memref_squeeze %dma_start3A_361 : memref<1x80xi32, #tpu.memory_space<vmem>> -> memref<80xi32, #tpu.memory_space<vmem>>
    %dma_start3A_363 = arith.constant 0 : i32
    %dma_start3A_364 = arith.constant 0 : i32
    %dma_start3A_365 = tpu.memref_slice %arg2[%dma_start3A_363, %dma_start3A_364] : memref<10000x128xf32, #tpu.memory_space<hbm>> -> memref<10000x128xf32, #tpu.memory_space<hbm>>
    tpu.enqueue_indirect_dma source(%dma_start3A_365 : memref<10000x128xf32, #tpu.memory_space<hbm>>) target(%arg11 : memref<80x128xf32, #tpu.memory_space<vmem>>) offsets(%dma_start3A_362 : memref<80xi32, #tpu.memory_space<vmem>>) semaphore(%arg17 : memref<!tpu.dma_semaphore, #tpu.memory_space<semaphore_mem>>)
    %dma_wait3A_366 = arith.constant 46 : i32
    %dma_wait3A_367 = arith.constant 0 : i32
    %dma_wait3A_368 = tpu.memref_slice %arg9[%dma_wait3A_366, %dma_wait3A_367] : memref<50x80xi32, #tpu.memory_space<vmem>> -> memref<1x80xi32, #tpu.memory_space<vmem>>
    %dma_wait3A_369 = tpu.memref_squeeze %dma_wait3A_368 : memref<1x80xi32, #tpu.memory_space<vmem>> -> memref<80xi32, #tpu.memory_space<vmem>>
    %dma_wait3A_370 = arith.constant 0 : i32
    %dma_wait3A_371 = arith.constant 0 : i32
    %dma_wait3A_372 = tpu.memref_slice %arg2[%dma_wait3A_370, %dma_wait3A_371] : memref<10000x128xf32, #tpu.memory_space<hbm>> -> memref<10000x128xf32, #tpu.memory_space<hbm>>
    tpu.wait_indirect_dma semaphore(%arg18 : memref<!tpu.dma_semaphore, #tpu.memory_space<semaphore_mem>>) src(%dma_wait3A_372 : memref<10000x128xf32, #tpu.memory_space<hbm>>) dst(%arg12 : memref<80x128xf32, #tpu.memory_space<vmem>>)
    %run_scoped3A_373 = arith.constant 46 : i32
    "tpu.region"() ({
      %run_scoped3A_526 = tpu.sem_alloc : memref<!tpu.dma_semaphore, #tpu.memory_space<semaphore_mem>>
      %dma_start3A_527 = arith.constant 0 : i32
      %dma_start3A_528 = tpu.memref_slice %arg10[%run_scoped3A_373, %dma_start3A_527] : memref<50x80xi32, #tpu.memory_space<vmem>> -> memref<1x80xi32, #tpu.memory_space<vmem>>
      %dma_start3A_529 = tpu.memref_squeeze %dma_start3A_528 : memref<1x80xi32, #tpu.memory_space<vmem>> -> memref<80xi32, #tpu.memory_space<vmem>>
      %dma_start3A_530 = arith.constant 0 : i32
      %dma_start3A_531 = arith.constant 0 : i32
      %dma_start3A_532 = tpu.memref_slice %arg14[%dma_start3A_530, %dma_start3A_531] : memref<10112x128xf32, #tpu.memory_space<vmem_shared>> -> memref<10112x128xf32, #tpu.memory_space<vmem_shared>>
      tpu.enqueue_indirect_dma source(%arg12 : memref<80x128xf32, #tpu.memory_space<vmem>>) target(%dma_start3A_532 : memref<10112x128xf32, #tpu.memory_space<vmem_shared>>) offsets(%dma_start3A_529 : memref<80xi32, #tpu.memory_space<vmem>>) semaphore(%run_scoped3A_526 : memref<!tpu.dma_semaphore, #tpu.memory_space<semaphore_mem>>) {add = true}
      %dma_wait3A_533 = arith.constant 0 : i32
      %dma_wait3A_534 = tpu.memref_slice %arg10[%run_scoped3A_373, %dma_wait3A_533] : memref<50x80xi32, #tpu.memory_space<vmem>> -> memref<1x80xi32, #tpu.memory_space<vmem>>
      %dma_wait3A_535 = tpu.memref_squeeze %dma_wait3A_534 : memref<1x80xi32, #tpu.memory_space<vmem>> -> memref<80xi32, #tpu.memory_space<vmem>>
      %dma_wait3A_536 = arith.constant 0 : i32
      %dma_wait3A_537 = arith.constant 0 : i32
      %dma_wait3A_538 = tpu.memref_slice %arg14[%dma_wait3A_536, %dma_wait3A_537] : memref<10112x128xf32, #tpu.memory_space<vmem_shared>> -> memref<10112x128xf32, #tpu.memory_space<vmem_shared>>
      tpu.wait_indirect_dma semaphore(%run_scoped3A_526 : memref<!tpu.dma_semaphore, #tpu.memory_space<semaphore_mem>>) src(%arg12 : memref<80x128xf32, #tpu.memory_space<vmem>>) dst(%dma_wait3A_538 : memref<10112x128xf32, #tpu.memory_space<vmem_shared>>)
      tpu.yield
    }) : () -> ()
    %run_scoped3A_374 = arith.constant 46 : i32
    "tpu.region"() ({
      %run_scoped3A_526 = tpu.sem_alloc : memref<!tpu.dma_semaphore, #tpu.memory_space<semaphore_mem>>
      %dma_start3A_527 = arith.constant 0 : i32
      %dma_start3A_528 = tpu.memref_slice %arg10[%run_scoped3A_374, %dma_start3A_527] : memref<50x80xi32, #tpu.memory_space<vmem>> -> memref<1x80xi32, #tpu.memory_space<vmem>>
      %dma_start3A_529 = tpu.memref_squeeze %dma_start3A_528 : memref<1x80xi32, #tpu.memory_space<vmem>> -> memref<80xi32, #tpu.memory_space<vmem>>
      %dma_start3A_530 = arith.constant 0 : i32
      %dma_start3A_531 = tpu.memref_slice %arg16[%dma_start3A_530] : memref<10240xf32, #tpu.memory_space<vmem_shared>> -> memref<10240xf32, #tpu.memory_space<vmem_shared>>
      tpu.enqueue_indirect_dma source(%arg15 : memref<80xf32, #tpu.memory_space<vmem>>) target(%dma_start3A_531 : memref<10240xf32, #tpu.memory_space<vmem_shared>>) offsets(%dma_start3A_529 : memref<80xi32, #tpu.memory_space<vmem>>) semaphore(%run_scoped3A_526 : memref<!tpu.dma_semaphore, #tpu.memory_space<semaphore_mem>>) {add = true}
      %dma_wait3A_532 = arith.constant 0 : i32
      %dma_wait3A_533 = tpu.memref_slice %arg10[%run_scoped3A_374, %dma_wait3A_532] : memref<50x80xi32, #tpu.memory_space<vmem>> -> memref<1x80xi32, #tpu.memory_space<vmem>>
      %dma_wait3A_534 = tpu.memref_squeeze %dma_wait3A_533 : memref<1x80xi32, #tpu.memory_space<vmem>> -> memref<80xi32, #tpu.memory_space<vmem>>
      %dma_wait3A_535 = arith.constant 0 : i32
      %dma_wait3A_536 = tpu.memref_slice %arg16[%dma_wait3A_535] : memref<10240xf32, #tpu.memory_space<vmem_shared>> -> memref<10240xf32, #tpu.memory_space<vmem_shared>>
      tpu.wait_indirect_dma semaphore(%run_scoped3A_526 : memref<!tpu.dma_semaphore, #tpu.memory_space<semaphore_mem>>) src(%arg15 : memref<80xf32, #tpu.memory_space<vmem>>) dst(%dma_wait3A_536 : memref<10240xf32, #tpu.memory_space<vmem_shared>>)
      tpu.yield
    }) : () -> ()
    %dma_start3A_375 = arith.constant 49 : i32
    %dma_start3A_376 = arith.constant 0 : i32
    %dma_start3A_377 = tpu.memref_slice %arg9[%dma_start3A_375, %dma_start3A_376] : memref<50x80xi32, #tpu.memory_space<vmem>> -> memref<1x80xi32, #tpu.memory_space<vmem>>
    %dma_start3A_378 = tpu.memref_squeeze %dma_start3A_377 : memref<1x80xi32, #tpu.memory_space<vmem>> -> memref<80xi32, #tpu.memory_space<vmem>>
    %dma_start3A_379 = arith.constant 0 : i32
    %dma_start3A_380 = arith.constant 0 : i32
    %dma_start3A_381 = tpu.memref_slice %arg2[%dma_start3A_379, %dma_start3A_380] : memref<10000x128xf32, #tpu.memory_space<hbm>> -> memref<10000x128xf32, #tpu.memory_space<hbm>>
    tpu.enqueue_indirect_dma source(%dma_start3A_381 : memref<10000x128xf32, #tpu.memory_space<hbm>>) target(%arg12 : memref<80x128xf32, #tpu.memory_space<vmem>>) offsets(%dma_start3A_378 : memref<80xi32, #tpu.memory_space<vmem>>) semaphore(%arg18 : memref<!tpu.dma_semaphore, #tpu.memory_space<semaphore_mem>>)
    %dma_wait3A_382 = arith.constant 47 : i32
    %dma_wait3A_383 = arith.constant 0 : i32
    %dma_wait3A_384 = tpu.memref_slice %arg9[%dma_wait3A_382, %dma_wait3A_383] : memref<50x80xi32, #tpu.memory_space<vmem>> -> memref<1x80xi32, #tpu.memory_space<vmem>>
    %dma_wait3A_385 = tpu.memref_squeeze %dma_wait3A_384 : memref<1x80xi32, #tpu.memory_space<vmem>> -> memref<80xi32, #tpu.memory_space<vmem>>
    %dma_wait3A_386 = arith.constant 0 : i32
    %dma_wait3A_387 = arith.constant 0 : i32
    %dma_wait3A_388 = tpu.memref_slice %arg2[%dma_wait3A_386, %dma_wait3A_387] : memref<10000x128xf32, #tpu.memory_space<hbm>> -> memref<10000x128xf32, #tpu.memory_space<hbm>>
    tpu.wait_indirect_dma semaphore(%arg19 : memref<!tpu.dma_semaphore, #tpu.memory_space<semaphore_mem>>) src(%dma_wait3A_388 : memref<10000x128xf32, #tpu.memory_space<hbm>>) dst(%arg13 : memref<80x128xf32, #tpu.memory_space<vmem>>)
    %run_scoped3A_389 = arith.constant 47 : i32
    "tpu.region"() ({
      %run_scoped3A_526 = tpu.sem_alloc : memref<!tpu.dma_semaphore, #tpu.memory_space<semaphore_mem>>
      %dma_start3A_527 = arith.constant 0 : i32
      %dma_start3A_528 = tpu.memref_slice %arg10[%run_scoped3A_389, %dma_start3A_527] : memref<50x80xi32, #tpu.memory_space<vmem>> -> memref<1x80xi32, #tpu.memory_space<vmem>>
      %dma_start3A_529 = tpu.memref_squeeze %dma_start3A_528 : memref<1x80xi32, #tpu.memory_space<vmem>> -> memref<80xi32, #tpu.memory_space<vmem>>
      %dma_start3A_530 = arith.constant 0 : i32
      %dma_start3A_531 = arith.constant 0 : i32
      %dma_start3A_532 = tpu.memref_slice %arg14[%dma_start3A_530, %dma_start3A_531] : memref<10112x128xf32, #tpu.memory_space<vmem_shared>> -> memref<10112x128xf32, #tpu.memory_space<vmem_shared>>
      tpu.enqueue_indirect_dma source(%arg13 : memref<80x128xf32, #tpu.memory_space<vmem>>) target(%dma_start3A_532 : memref<10112x128xf32, #tpu.memory_space<vmem_shared>>) offsets(%dma_start3A_529 : memref<80xi32, #tpu.memory_space<vmem>>) semaphore(%run_scoped3A_526 : memref<!tpu.dma_semaphore, #tpu.memory_space<semaphore_mem>>) {add = true}
      %dma_wait3A_533 = arith.constant 0 : i32
      %dma_wait3A_534 = tpu.memref_slice %arg10[%run_scoped3A_389, %dma_wait3A_533] : memref<50x80xi32, #tpu.memory_space<vmem>> -> memref<1x80xi32, #tpu.memory_space<vmem>>
      %dma_wait3A_535 = tpu.memref_squeeze %dma_wait3A_534 : memref<1x80xi32, #tpu.memory_space<vmem>> -> memref<80xi32, #tpu.memory_space<vmem>>
      %dma_wait3A_536 = arith.constant 0 : i32
      %dma_wait3A_537 = arith.constant 0 : i32
      %dma_wait3A_538 = tpu.memref_slice %arg14[%dma_wait3A_536, %dma_wait3A_537] : memref<10112x128xf32, #tpu.memory_space<vmem_shared>> -> memref<10112x128xf32, #tpu.memory_space<vmem_shared>>
      tpu.wait_indirect_dma semaphore(%run_scoped3A_526 : memref<!tpu.dma_semaphore, #tpu.memory_space<semaphore_mem>>) src(%arg13 : memref<80x128xf32, #tpu.memory_space<vmem>>) dst(%dma_wait3A_538 : memref<10112x128xf32, #tpu.memory_space<vmem_shared>>)
      tpu.yield
    }) : () -> ()
    %run_scoped3A_390 = arith.constant 47 : i32
    "tpu.region"() ({
      %run_scoped3A_526 = tpu.sem_alloc : memref<!tpu.dma_semaphore, #tpu.memory_space<semaphore_mem>>
      %dma_start3A_527 = arith.constant 0 : i32
      %dma_start3A_528 = tpu.memref_slice %arg10[%run_scoped3A_390, %dma_start3A_527] : memref<50x80xi32, #tpu.memory_space<vmem>> -> memref<1x80xi32, #tpu.memory_space<vmem>>
      %dma_start3A_529 = tpu.memref_squeeze %dma_start3A_528 : memref<1x80xi32, #tpu.memory_space<vmem>> -> memref<80xi32, #tpu.memory_space<vmem>>
      %dma_start3A_530 = arith.constant 0 : i32
      %dma_start3A_531 = tpu.memref_slice %arg16[%dma_start3A_530] : memref<10240xf32, #tpu.memory_space<vmem_shared>> -> memref<10240xf32, #tpu.memory_space<vmem_shared>>
      tpu.enqueue_indirect_dma source(%arg15 : memref<80xf32, #tpu.memory_space<vmem>>) target(%dma_start3A_531 : memref<10240xf32, #tpu.memory_space<vmem_shared>>) offsets(%dma_start3A_529 : memref<80xi32, #tpu.memory_space<vmem>>) semaphore(%run_scoped3A_526 : memref<!tpu.dma_semaphore, #tpu.memory_space<semaphore_mem>>) {add = true}
      %dma_wait3A_532 = arith.constant 0 : i32
      %dma_wait3A_533 = tpu.memref_slice %arg10[%run_scoped3A_390, %dma_wait3A_532] : memref<50x80xi32, #tpu.memory_space<vmem>> -> memref<1x80xi32, #tpu.memory_space<vmem>>
      %dma_wait3A_534 = tpu.memref_squeeze %dma_wait3A_533 : memref<1x80xi32, #tpu.memory_space<vmem>> -> memref<80xi32, #tpu.memory_space<vmem>>
      %dma_wait3A_535 = arith.constant 0 : i32
      %dma_wait3A_536 = tpu.memref_slice %arg16[%dma_wait3A_535] : memref<10240xf32, #tpu.memory_space<vmem_shared>> -> memref<10240xf32, #tpu.memory_space<vmem_shared>>
      tpu.wait_indirect_dma semaphore(%run_scoped3A_526 : memref<!tpu.dma_semaphore, #tpu.memory_space<semaphore_mem>>) src(%arg15 : memref<80xf32, #tpu.memory_space<vmem>>) dst(%dma_wait3A_536 : memref<10240xf32, #tpu.memory_space<vmem_shared>>)
      tpu.yield
    }) : () -> ()
    %dma_wait3A_391 = arith.constant 48 : i32
    %dma_wait3A_392 = arith.constant 0 : i32
    %dma_wait3A_393 = tpu.memref_slice %arg9[%dma_wait3A_391, %dma_wait3A_392] : memref<50x80xi32, #tpu.memory_space<vmem>> -> memref<1x80xi32, #tpu.memory_space<vmem>>
    %dma_wait3A_394 = tpu.memref_squeeze %dma_wait3A_393 : memref<1x80xi32, #tpu.memory_space<vmem>> -> memref<80xi32, #tpu.memory_space<vmem>>
    %dma_wait3A_395 = arith.constant 0 : i32
    %dma_wait3A_396 = arith.constant 0 : i32
    %dma_wait3A_397 = tpu.memref_slice %arg2[%dma_wait3A_395, %dma_wait3A_396] : memref<10000x128xf32, #tpu.memory_space<hbm>> -> memref<10000x128xf32, #tpu.memory_space<hbm>>
    tpu.wait_indirect_dma semaphore(%arg17 : memref<!tpu.dma_semaphore, #tpu.memory_space<semaphore_mem>>) src(%dma_wait3A_397 : memref<10000x128xf32, #tpu.memory_space<hbm>>) dst(%arg11 : memref<80x128xf32, #tpu.memory_space<vmem>>)
    %run_scoped3A_398 = arith.constant 48 : i32
    "tpu.region"() ({
      %run_scoped3A_526 = tpu.sem_alloc : memref<!tpu.dma_semaphore, #tpu.memory_space<semaphore_mem>>
      %dma_start3A_527 = arith.constant 0 : i32
      %dma_start3A_528 = tpu.memref_slice %arg10[%run_scoped3A_398, %dma_start3A_527] : memref<50x80xi32, #tpu.memory_space<vmem>> -> memref<1x80xi32, #tpu.memory_space<vmem>>
      %dma_start3A_529 = tpu.memref_squeeze %dma_start3A_528 : memref<1x80xi32, #tpu.memory_space<vmem>> -> memref<80xi32, #tpu.memory_space<vmem>>
      %dma_start3A_530 = arith.constant 0 : i32
      %dma_start3A_531 = arith.constant 0 : i32
      %dma_start3A_532 = tpu.memref_slice %arg14[%dma_start3A_530, %dma_start3A_531] : memref<10112x128xf32, #tpu.memory_space<vmem_shared>> -> memref<10112x128xf32, #tpu.memory_space<vmem_shared>>
      tpu.enqueue_indirect_dma source(%arg11 : memref<80x128xf32, #tpu.memory_space<vmem>>) target(%dma_start3A_532 : memref<10112x128xf32, #tpu.memory_space<vmem_shared>>) offsets(%dma_start3A_529 : memref<80xi32, #tpu.memory_space<vmem>>) semaphore(%run_scoped3A_526 : memref<!tpu.dma_semaphore, #tpu.memory_space<semaphore_mem>>) {add = true}
      %dma_wait3A_533 = arith.constant 0 : i32
      %dma_wait3A_534 = tpu.memref_slice %arg10[%run_scoped3A_398, %dma_wait3A_533] : memref<50x80xi32, #tpu.memory_space<vmem>> -> memref<1x80xi32, #tpu.memory_space<vmem>>
      %dma_wait3A_535 = tpu.memref_squeeze %dma_wait3A_534 : memref<1x80xi32, #tpu.memory_space<vmem>> -> memref<80xi32, #tpu.memory_space<vmem>>
      %dma_wait3A_536 = arith.constant 0 : i32
      %dma_wait3A_537 = arith.constant 0 : i32
      %dma_wait3A_538 = tpu.memref_slice %arg14[%dma_wait3A_536, %dma_wait3A_537] : memref<10112x128xf32, #tpu.memory_space<vmem_shared>> -> memref<10112x128xf32, #tpu.memory_space<vmem_shared>>
      tpu.wait_indirect_dma semaphore(%run_scoped3A_526 : memref<!tpu.dma_semaphore, #tpu.memory_space<semaphore_mem>>) src(%arg11 : memref<80x128xf32, #tpu.memory_space<vmem>>) dst(%dma_wait3A_538 : memref<10112x128xf32, #tpu.memory_space<vmem_shared>>)
      tpu.yield
    }) : () -> ()
    %run_scoped3A_399 = arith.constant 48 : i32
    "tpu.region"() ({
      %run_scoped3A_526 = tpu.sem_alloc : memref<!tpu.dma_semaphore, #tpu.memory_space<semaphore_mem>>
      %dma_start3A_527 = arith.constant 0 : i32
      %dma_start3A_528 = tpu.memref_slice %arg10[%run_scoped3A_399, %dma_start3A_527] : memref<50x80xi32, #tpu.memory_space<vmem>> -> memref<1x80xi32, #tpu.memory_space<vmem>>
      %dma_start3A_529 = tpu.memref_squeeze %dma_start3A_528 : memref<1x80xi32, #tpu.memory_space<vmem>> -> memref<80xi32, #tpu.memory_space<vmem>>
      %dma_start3A_530 = arith.constant 0 : i32
      %dma_start3A_531 = tpu.memref_slice %arg16[%dma_start3A_530] : memref<10240xf32, #tpu.memory_space<vmem_shared>> -> memref<10240xf32, #tpu.memory_space<vmem_shared>>
      tpu.enqueue_indirect_dma source(%arg15 : memref<80xf32, #tpu.memory_space<vmem>>) target(%dma_start3A_531 : memref<10240xf32, #tpu.memory_space<vmem_shared>>) offsets(%dma_start3A_529 : memref<80xi32, #tpu.memory_space<vmem>>) semaphore(%run_scoped3A_526 : memref<!tpu.dma_semaphore, #tpu.memory_space<semaphore_mem>>) {add = true}
      %dma_wait3A_532 = arith.constant 0 : i32
      %dma_wait3A_533 = tpu.memref_slice %arg10[%run_scoped3A_399, %dma_wait3A_532] : memref<50x80xi32, #tpu.memory_space<vmem>> -> memref<1x80xi32, #tpu.memory_space<vmem>>
      %dma_wait3A_534 = tpu.memref_squeeze %dma_wait3A_533 : memref<1x80xi32, #tpu.memory_space<vmem>> -> memref<80xi32, #tpu.memory_space<vmem>>
      %dma_wait3A_535 = arith.constant 0 : i32
      %dma_wait3A_536 = tpu.memref_slice %arg16[%dma_wait3A_535] : memref<10240xf32, #tpu.memory_space<vmem_shared>> -> memref<10240xf32, #tpu.memory_space<vmem_shared>>
      tpu.wait_indirect_dma semaphore(%run_scoped3A_526 : memref<!tpu.dma_semaphore, #tpu.memory_space<semaphore_mem>>) src(%arg15 : memref<80xf32, #tpu.memory_space<vmem>>) dst(%dma_wait3A_536 : memref<10240xf32, #tpu.memory_space<vmem_shared>>)
      tpu.yield
    }) : () -> ()
    %dma_wait3A_400 = arith.constant 49 : i32
    %dma_wait3A_401 = arith.constant 0 : i32
    %dma_wait3A_402 = tpu.memref_slice %arg9[%dma_wait3A_400, %dma_wait3A_401] : memref<50x80xi32, #tpu.memory_space<vmem>> -> memref<1x80xi32, #tpu.memory_space<vmem>>
    %dma_wait3A_403 = tpu.memref_squeeze %dma_wait3A_402 : memref<1x80xi32, #tpu.memory_space<vmem>> -> memref<80xi32, #tpu.memory_space<vmem>>
    %dma_wait3A_404 = arith.constant 0 : i32
    %dma_wait3A_405 = arith.constant 0 : i32
    %dma_wait3A_406 = tpu.memref_slice %arg2[%dma_wait3A_404, %dma_wait3A_405] : memref<10000x128xf32, #tpu.memory_space<hbm>> -> memref<10000x128xf32, #tpu.memory_space<hbm>>
    tpu.wait_indirect_dma semaphore(%arg18 : memref<!tpu.dma_semaphore, #tpu.memory_space<semaphore_mem>>) src(%dma_wait3A_406 : memref<10000x128xf32, #tpu.memory_space<hbm>>) dst(%arg12 : memref<80x128xf32, #tpu.memory_space<vmem>>)
    %run_scoped3A_407 = arith.constant 49 : i32
    "tpu.region"() ({
      %run_scoped3A_526 = tpu.sem_alloc : memref<!tpu.dma_semaphore, #tpu.memory_space<semaphore_mem>>
      %dma_start3A_527 = arith.constant 0 : i32
      %dma_start3A_528 = tpu.memref_slice %arg10[%run_scoped3A_407, %dma_start3A_527] : memref<50x80xi32, #tpu.memory_space<vmem>> -> memref<1x80xi32, #tpu.memory_space<vmem>>
      %dma_start3A_529 = tpu.memref_squeeze %dma_start3A_528 : memref<1x80xi32, #tpu.memory_space<vmem>> -> memref<80xi32, #tpu.memory_space<vmem>>
      %dma_start3A_530 = arith.constant 0 : i32
      %dma_start3A_531 = arith.constant 0 : i32
      %dma_start3A_532 = tpu.memref_slice %arg14[%dma_start3A_530, %dma_start3A_531] : memref<10112x128xf32, #tpu.memory_space<vmem_shared>> -> memref<10112x128xf32, #tpu.memory_space<vmem_shared>>
      tpu.enqueue_indirect_dma source(%arg12 : memref<80x128xf32, #tpu.memory_space<vmem>>) target(%dma_start3A_532 : memref<10112x128xf32, #tpu.memory_space<vmem_shared>>) offsets(%dma_start3A_529 : memref<80xi32, #tpu.memory_space<vmem>>) semaphore(%run_scoped3A_526 : memref<!tpu.dma_semaphore, #tpu.memory_space<semaphore_mem>>) {add = true}
      %dma_wait3A_533 = arith.constant 0 : i32
      %dma_wait3A_534 = tpu.memref_slice %arg10[%run_scoped3A_407, %dma_wait3A_533] : memref<50x80xi32, #tpu.memory_space<vmem>> -> memref<1x80xi32, #tpu.memory_space<vmem>>
      %dma_wait3A_535 = tpu.memref_squeeze %dma_wait3A_534 : memref<1x80xi32, #tpu.memory_space<vmem>> -> memref<80xi32, #tpu.memory_space<vmem>>
      %dma_wait3A_536 = arith.constant 0 : i32
      %dma_wait3A_537 = arith.constant 0 : i32
      %dma_wait3A_538 = tpu.memref_slice %arg14[%dma_wait3A_536, %dma_wait3A_537] : memref<10112x128xf32, #tpu.memory_space<vmem_shared>> -> memref<10112x128xf32, #tpu.memory_space<vmem_shared>>
      tpu.wait_indirect_dma semaphore(%run_scoped3A_526 : memref<!tpu.dma_semaphore, #tpu.memory_space<semaphore_mem>>) src(%arg12 : memref<80x128xf32, #tpu.memory_space<vmem>>) dst(%dma_wait3A_538 : memref<10112x128xf32, #tpu.memory_space<vmem_shared>>)
      tpu.yield
    }) : () -> ()
    %run_scoped3A_408 = arith.constant 49 : i32
    "tpu.region"() ({
      %run_scoped3A_526 = tpu.sem_alloc : memref<!tpu.dma_semaphore, #tpu.memory_space<semaphore_mem>>
      %dma_start3A_527 = arith.constant 0 : i32
      %dma_start3A_528 = tpu.memref_slice %arg10[%run_scoped3A_408, %dma_start3A_527] : memref<50x80xi32, #tpu.memory_space<vmem>> -> memref<1x80xi32, #tpu.memory_space<vmem>>
      %dma_start3A_529 = tpu.memref_squeeze %dma_start3A_528 : memref<1x80xi32, #tpu.memory_space<vmem>> -> memref<80xi32, #tpu.memory_space<vmem>>
      %dma_start3A_530 = arith.constant 0 : i32
      %dma_start3A_531 = tpu.memref_slice %arg16[%dma_start3A_530] : memref<10240xf32, #tpu.memory_space<vmem_shared>> -> memref<10240xf32, #tpu.memory_space<vmem_shared>>
      tpu.enqueue_indirect_dma source(%arg15 : memref<80xf32, #tpu.memory_space<vmem>>) target(%dma_start3A_531 : memref<10240xf32, #tpu.memory_space<vmem_shared>>) offsets(%dma_start3A_529 : memref<80xi32, #tpu.memory_space<vmem>>) semaphore(%run_scoped3A_526 : memref<!tpu.dma_semaphore, #tpu.memory_space<semaphore_mem>>) {add = true}
      %dma_wait3A_532 = arith.constant 0 : i32
      %dma_wait3A_533 = tpu.memref_slice %arg10[%run_scoped3A_408, %dma_wait3A_532] : memref<50x80xi32, #tpu.memory_space<vmem>> -> memref<1x80xi32, #tpu.memory_space<vmem>>
      %dma_wait3A_534 = tpu.memref_squeeze %dma_wait3A_533 : memref<1x80xi32, #tpu.memory_space<vmem>> -> memref<80xi32, #tpu.memory_space<vmem>>
      %dma_wait3A_535 = arith.constant 0 : i32
      %dma_wait3A_536 = tpu.memref_slice %arg16[%dma_wait3A_535] : memref<10240xf32, #tpu.memory_space<vmem_shared>> -> memref<10240xf32, #tpu.memory_space<vmem_shared>>
      tpu.wait_indirect_dma semaphore(%run_scoped3A_526 : memref<!tpu.dma_semaphore, #tpu.memory_space<semaphore_mem>>) src(%arg15 : memref<80xf32, #tpu.memory_space<vmem>>) dst(%dma_wait3A_536 : memref<10240xf32, #tpu.memory_space<vmem_shared>>)
      tpu.yield
    }) : () -> ()
    %mul3A_409 = arith.constant 16 : i32
    %mul3A_410 = arith.muli %arg0, %mul3A_409 : i32
    %add3A_411 = arith.addi %mul3A_410, %arg1 : i32
    %mul3A_412 = arith.constant 5 : i32
    %mul3A_413 = arith.muli %add3A_411, %mul3A_412 : i32
    %add3A_414 = arith.constant 4 : i32
    %add3A_415 = arith.addi %mul3A_413, %add3A_414 : i32
    %sub3A_416 = arith.constant 1 : i32
    %sub3A_417 = arith.subi %sub3A_416, %arg0 : i32
    %mul3A_418 = arith.constant 16 : i32
    %mul3A_419 = arith.muli %sub3A_417, %mul3A_418 : i32
    %add3A_420 = arith.addi %mul3A_419, %arg1 : i32
    %mul3A_421 = arith.constant 5 : i32
    %mul3A_422 = arith.muli %add3A_420, %mul3A_421 : i32
    %add3A_423 = arith.constant 4 : i32
    %add3A_424 = arith.addi %mul3A_422, %add3A_423 : i32
    "tpu.region"() ({
      %run_scoped3A_526 = tpu.sem_alloc : memref<!tpu.dma_semaphore, #tpu.memory_space<semaphore_mem>>
      %dma_start3A_527 = arith.constant 0 : i32
      %dma_start3A_528 = arith.constant 0 : i32
      %dma_start3A_529 = tpu.memref_slice %arg3[%add3A_415, %dma_start3A_527, %dma_start3A_528] : memref<160x50x80xi32, #tpu.memory_space<hbm>> -> memref<1x50x80xi32, #tpu.memory_space<hbm>>
      %dma_start3A_530 = tpu.memref_squeeze %dma_start3A_529 : memref<1x50x80xi32, #tpu.memory_space<hbm>> -> memref<50x80xi32, #tpu.memory_space<hbm>>
      %dma_start3A_531 = arith.constant 0 : i32
      %dma_start3A_532 = arith.constant 0 : i32
      %dma_start3A_533 = tpu.memref_slice %arg3[%add3A_415, %dma_start3A_531, %dma_start3A_532] : memref<160x50x80xi32, #tpu.memory_space<hbm>> -> memref<1x50x80xi32, #tpu.memory_space<hbm>>
      %dma_start3A_534 = tpu.memref_squeeze %dma_start3A_533 : memref<1x50x80xi32, #tpu.memory_space<hbm>> -> memref<50x80xi32, #tpu.memory_space<hbm>>
      tpu.enqueue_dma source(%dma_start3A_534 : memref<50x80xi32, #tpu.memory_space<hbm>>) target(%arg9 : memref<50x80xi32, #tpu.memory_space<vmem>>) target_semaphore(%run_scoped3A_526 : memref<!tpu.dma_semaphore, #tpu.memory_space<semaphore_mem>>)
      %dma_wait3A_535 = arith.constant 0 : i32
      %dma_wait3A_536 = arith.constant 0 : i32
      %dma_wait3A_537 = tpu.memref_slice %arg3[%add3A_415, %dma_wait3A_535, %dma_wait3A_536] : memref<160x50x80xi32, #tpu.memory_space<hbm>> -> memref<1x50x80xi32, #tpu.memory_space<hbm>>
      %dma_wait3A_538 = tpu.memref_squeeze %dma_wait3A_537 : memref<1x50x80xi32, #tpu.memory_space<hbm>> -> memref<50x80xi32, #tpu.memory_space<hbm>>
      %dma_wait3A_539 = arith.constant 0 : i32
      %dma_wait3A_540 = arith.constant 0 : i32
      %dma_wait3A_541 = tpu.memref_slice %arg3[%add3A_415, %dma_wait3A_539, %dma_wait3A_540] : memref<160x50x80xi32, #tpu.memory_space<hbm>> -> memref<1x50x80xi32, #tpu.memory_space<hbm>>
      %dma_wait3A_542 = tpu.memref_squeeze %dma_wait3A_541 : memref<1x50x80xi32, #tpu.memory_space<hbm>> -> memref<50x80xi32, #tpu.memory_space<hbm>>
      tpu.wait_dma2 semaphore(%run_scoped3A_526 : memref<!tpu.dma_semaphore, #tpu.memory_space<semaphore_mem>>) src(%dma_wait3A_542 : memref<50x80xi32, #tpu.memory_space<hbm>>) dst(%arg9 : memref<50x80xi32, #tpu.memory_space<vmem>>)
      tpu.yield
    }) : () -> ()
    "tpu.region"() ({
      %run_scoped3A_526 = tpu.sem_alloc : memref<!tpu.dma_semaphore, #tpu.memory_space<semaphore_mem>>
      %dma_start3A_527 = arith.constant 0 : i32
      %dma_start3A_528 = arith.constant 0 : i32
      %dma_start3A_529 = tpu.memref_slice %arg3[%add3A_424, %dma_start3A_527, %dma_start3A_528] : memref<160x50x80xi32, #tpu.memory_space<hbm>> -> memref<1x50x80xi32, #tpu.memory_space<hbm>>
      %dma_start3A_530 = tpu.memref_squeeze %dma_start3A_529 : memref<1x50x80xi32, #tpu.memory_space<hbm>> -> memref<50x80xi32, #tpu.memory_space<hbm>>
      %dma_start3A_531 = arith.constant 0 : i32
      %dma_start3A_532 = arith.constant 0 : i32
      %dma_start3A_533 = tpu.memref_slice %arg3[%add3A_424, %dma_start3A_531, %dma_start3A_532] : memref<160x50x80xi32, #tpu.memory_space<hbm>> -> memref<1x50x80xi32, #tpu.memory_space<hbm>>
      %dma_start3A_534 = tpu.memref_squeeze %dma_start3A_533 : memref<1x50x80xi32, #tpu.memory_space<hbm>> -> memref<50x80xi32, #tpu.memory_space<hbm>>
      tpu.enqueue_dma source(%dma_start3A_534 : memref<50x80xi32, #tpu.memory_space<hbm>>) target(%arg10 : memref<50x80xi32, #tpu.memory_space<vmem>>) target_semaphore(%run_scoped3A_526 : memref<!tpu.dma_semaphore, #tpu.memory_space<semaphore_mem>>)
      %dma_wait3A_535 = arith.constant 0 : i32
      %dma_wait3A_536 = arith.constant 0 : i32
      %dma_wait3A_537 = tpu.memref_slice %arg3[%add3A_424, %dma_wait3A_535, %dma_wait3A_536] : memref<160x50x80xi32, #tpu.memory_space<hbm>> -> memref<1x50x80xi32, #tpu.memory_space<hbm>>
      %dma_wait3A_538 = tpu.memref_squeeze %dma_wait3A_537 : memref<1x50x80xi32, #tpu.memory_space<hbm>> -> memref<50x80xi32, #tpu.memory_space<hbm>>
      %dma_wait3A_539 = arith.constant 0 : i32
      %dma_wait3A_540 = arith.constant 0 : i32
      %dma_wait3A_541 = tpu.memref_slice %arg3[%add3A_424, %dma_wait3A_539, %dma_wait3A_540] : memref<160x50x80xi32, #tpu.memory_space<hbm>> -> memref<1x50x80xi32, #tpu.memory_space<hbm>>
      %dma_wait3A_542 = tpu.memref_squeeze %dma_wait3A_541 : memref<1x50x80xi32, #tpu.memory_space<hbm>> -> memref<50x80xi32, #tpu.memory_space<hbm>>
      tpu.wait_dma2 semaphore(%run_scoped3A_526 : memref<!tpu.dma_semaphore, #tpu.memory_space<semaphore_mem>>) src(%dma_wait3A_542 : memref<50x80xi32, #tpu.memory_space<hbm>>) dst(%arg10 : memref<50x80xi32, #tpu.memory_space<vmem>>)
      tpu.yield
    }) : () -> ()
    %dma_start3A_425 = arith.constant 0 : i32
    %dma_start3A_426 = arith.constant 0 : i32
    %dma_start3A_427 = tpu.memref_slice %arg9[%dma_start3A_425, %dma_start3A_426] : memref<50x80xi32, #tpu.memory_space<vmem>> -> memref<1x80xi32, #tpu.memory_space<vmem>>
    %dma_start3A_428 = tpu.memref_squeeze %dma_start3A_427 : memref<1x80xi32, #tpu.memory_space<vmem>> -> memref<80xi32, #tpu.memory_space<vmem>>
    %dma_start3A_429 = arith.constant 0 : i32
    %dma_start3A_430 = arith.constant 0 : i32
    %dma_start3A_431 = tpu.memref_slice %arg2[%dma_start3A_429, %dma_start3A_430] : memref<10000x128xf32, #tpu.memory_space<hbm>> -> memref<10000x128xf32, #tpu.memory_space<hbm>>
    tpu.enqueue_indirect_dma source(%dma_start3A_431 : memref<10000x128xf32, #tpu.memory_space<hbm>>) target(%arg11 : memref<80x128xf32, #tpu.memory_space<vmem>>) offsets(%dma_start3A_428 : memref<80xi32, #tpu.memory_space<vmem>>) semaphore(%arg17 : memref<!tpu.dma_semaphore, #tpu.memory_space<semaphore_mem>>)
    %dma_start3A_432 = arith.constant 1 : i32
    %dma_start3A_433 = arith.constant 0 : i32
    %dma_start3A_434 = tpu.memref_slice %arg9[%dma_start3A_432, %dma_start3A_433] : memref<50x80xi32, #tpu.memory_space<vmem>> -> memref<1x80xi32, #tpu.memory_space<vmem>>
    %dma_start3A_435 = tpu.memref_squeeze %dma_start3A_434 : memref<1x80xi32, #tpu.memory_space<vmem>> -> memref<80xi32, #tpu.memory_space<vmem>>
    %dma_start3A_436 = arith.constant 0 : i32
    %dma_start3A_437 = arith.constant 0 : i32
    %dma_start3A_438 = tpu.memref_slice %arg2[%dma_start3A_436, %dma_start3A_437] : memref<10000x128xf32, #tpu.memory_space<hbm>> -> memref<10000x128xf32, #tpu.memory_space<hbm>>
    tpu.enqueue_indirect_dma source(%dma_start3A_438 : memref<10000x128xf32, #tpu.memory_space<hbm>>) target(%arg12 : memref<80x128xf32, #tpu.memory_space<vmem>>) offsets(%dma_start3A_435 : memref<80xi32, #tpu.memory_space<vmem>>) semaphore(%arg18 : memref<!tpu.dma_semaphore, #tpu.memory_space<semaphore_mem>>)
    %dma_start3A_439 = arith.constant 2 : i32
    %dma_start3A_440 = arith.constant 0 : i32
    %dma_start3A_441 = tpu.memref_slice %arg9[%dma_start3A_439, %dma_start3A_440] : memref<50x80xi32, #tpu.memory_space<vmem>> -> memref<1x80xi32, #tpu.memory_space<vmem>>
    %dma_start3A_442 = tpu.memref_squeeze %dma_start3A_441 : memref<1x80xi32, #tpu.memory_space<vmem>> -> memref<80xi32, #tpu.memory_space<vmem>>
    %dma_start3A_443 = arith.constant 0 : i32
    %dma_start3A_444 = arith.constant 0 : i32
    %dma_start3A_445 = tpu.memref_slice %arg2[%dma_start3A_443, %dma_start3A_444] : memref<10000x128xf32, #tpu.memory_space<hbm>> -> memref<10000x128xf32, #tpu.memory_space<hbm>>
    tpu.enqueue_indirect_dma source(%dma_start3A_445 : memref<10000x128xf32, #tpu.memory_space<hbm>>) target(%arg13 : memref<80x128xf32, #tpu.memory_space<vmem>>) offsets(%dma_start3A_442 : memref<80xi32, #tpu.memory_space<vmem>>) semaphore(%arg19 : memref<!tpu.dma_semaphore, #tpu.memory_space<semaphore_mem>>)
    %scan3A_446 = arith.constant 0 : i32
    %scan3A_447 = arith.constant 0 : i32
    %scan3A_448 = arith.constant 15 : i32
    %scan3A_449 = arith.addi %scan3A_447, %scan3A_448 : i32
    %scan3A_450 = arith.constant 1 : i32
    scf.for %scan3A_526 = %scan3A_447 to %scan3A_449 step %scan3A_450  : i32 {
      %mul3A_527 = arith.constant 3 : i32
      %mul3A_528 = arith.muli %mul3A_527, %scan3A_526 : i32
      %add3A_529 = arith.constant 0 : i32
      %add3A_530 = arith.addi %mul3A_528, %add3A_529 : i32
      %dma_wait3A_531 = arith.constant 0 : i32
      %dma_wait3A_532 = tpu.memref_slice %arg9[%add3A_530, %dma_wait3A_531] : memref<50x80xi32, #tpu.memory_space<vmem>> -> memref<1x80xi32, #tpu.memory_space<vmem>>
      %dma_wait3A_533 = tpu.memref_squeeze %dma_wait3A_532 : memref<1x80xi32, #tpu.memory_space<vmem>> -> memref<80xi32, #tpu.memory_space<vmem>>
      %dma_wait3A_534 = arith.constant 0 : i32
      %dma_wait3A_535 = arith.constant 0 : i32
      %dma_wait3A_536 = tpu.memref_slice %arg2[%dma_wait3A_534, %dma_wait3A_535] : memref<10000x128xf32, #tpu.memory_space<hbm>> -> memref<10000x128xf32, #tpu.memory_space<hbm>>
      tpu.wait_indirect_dma semaphore(%arg17 : memref<!tpu.dma_semaphore, #tpu.memory_space<semaphore_mem>>) src(%dma_wait3A_536 : memref<10000x128xf32, #tpu.memory_space<hbm>>) dst(%arg11 : memref<80x128xf32, #tpu.memory_space<vmem>>)
      "tpu.region"() ({
        %run_scoped3A_581 = tpu.sem_alloc : memref<!tpu.dma_semaphore, #tpu.memory_space<semaphore_mem>>
        %dma_start3A_582 = arith.constant 0 : i32
        %dma_start3A_583 = tpu.memref_slice %arg10[%add3A_530, %dma_start3A_582] : memref<50x80xi32, #tpu.memory_space<vmem>> -> memref<1x80xi32, #tpu.memory_space<vmem>>
        %dma_start3A_584 = tpu.memref_squeeze %dma_start3A_583 : memref<1x80xi32, #tpu.memory_space<vmem>> -> memref<80xi32, #tpu.memory_space<vmem>>
        %dma_start3A_585 = arith.constant 0 : i32
        %dma_start3A_586 = arith.constant 0 : i32
        %dma_start3A_587 = tpu.memref_slice %arg14[%dma_start3A_585, %dma_start3A_586] : memref<10112x128xf32, #tpu.memory_space<vmem_shared>> -> memref<10112x128xf32, #tpu.memory_space<vmem_shared>>
        tpu.enqueue_indirect_dma source(%arg11 : memref<80x128xf32, #tpu.memory_space<vmem>>) target(%dma_start3A_587 : memref<10112x128xf32, #tpu.memory_space<vmem_shared>>) offsets(%dma_start3A_584 : memref<80xi32, #tpu.memory_space<vmem>>) semaphore(%run_scoped3A_581 : memref<!tpu.dma_semaphore, #tpu.memory_space<semaphore_mem>>) {add = true}
        %dma_wait3A_588 = arith.constant 0 : i32
        %dma_wait3A_589 = tpu.memref_slice %arg10[%add3A_530, %dma_wait3A_588] : memref<50x80xi32, #tpu.memory_space<vmem>> -> memref<1x80xi32, #tpu.memory_space<vmem>>
        %dma_wait3A_590 = tpu.memref_squeeze %dma_wait3A_589 : memref<1x80xi32, #tpu.memory_space<vmem>> -> memref<80xi32, #tpu.memory_space<vmem>>
        %dma_wait3A_591 = arith.constant 0 : i32
        %dma_wait3A_592 = arith.constant 0 : i32
        %dma_wait3A_593 = tpu.memref_slice %arg14[%dma_wait3A_591, %dma_wait3A_592] : memref<10112x128xf32, #tpu.memory_space<vmem_shared>> -> memref<10112x128xf32, #tpu.memory_space<vmem_shared>>
        tpu.wait_indirect_dma semaphore(%run_scoped3A_581 : memref<!tpu.dma_semaphore, #tpu.memory_space<semaphore_mem>>) src(%arg11 : memref<80x128xf32, #tpu.memory_space<vmem>>) dst(%dma_wait3A_593 : memref<10112x128xf32, #tpu.memory_space<vmem_shared>>)
        tpu.yield
      }) : () -> ()
      "tpu.region"() ({
        %run_scoped3A_581 = tpu.sem_alloc : memref<!tpu.dma_semaphore, #tpu.memory_space<semaphore_mem>>
        %dma_start3A_582 = arith.constant 0 : i32
        %dma_start3A_583 = tpu.memref_slice %arg10[%add3A_530, %dma_start3A_582] : memref<50x80xi32, #tpu.memory_space<vmem>> -> memref<1x80xi32, #tpu.memory_space<vmem>>
        %dma_start3A_584 = tpu.memref_squeeze %dma_start3A_583 : memref<1x80xi32, #tpu.memory_space<vmem>> -> memref<80xi32, #tpu.memory_space<vmem>>
        %dma_start3A_585 = arith.constant 0 : i32
        %dma_start3A_586 = tpu.memref_slice %arg16[%dma_start3A_585] : memref<10240xf32, #tpu.memory_space<vmem_shared>> -> memref<10240xf32, #tpu.memory_space<vmem_shared>>
        tpu.enqueue_indirect_dma source(%arg15 : memref<80xf32, #tpu.memory_space<vmem>>) target(%dma_start3A_586 : memref<10240xf32, #tpu.memory_space<vmem_shared>>) offsets(%dma_start3A_584 : memref<80xi32, #tpu.memory_space<vmem>>) semaphore(%run_scoped3A_581 : memref<!tpu.dma_semaphore, #tpu.memory_space<semaphore_mem>>) {add = true}
        %dma_wait3A_587 = arith.constant 0 : i32
        %dma_wait3A_588 = tpu.memref_slice %arg10[%add3A_530, %dma_wait3A_587] : memref<50x80xi32, #tpu.memory_space<vmem>> -> memref<1x80xi32, #tpu.memory_space<vmem>>
        %dma_wait3A_589 = tpu.memref_squeeze %dma_wait3A_588 : memref<1x80xi32, #tpu.memory_space<vmem>> -> memref<80xi32, #tpu.memory_space<vmem>>
        %dma_wait3A_590 = arith.constant 0 : i32
        %dma_wait3A_591 = tpu.memref_slice %arg16[%dma_wait3A_590] : memref<10240xf32, #tpu.memory_space<vmem_shared>> -> memref<10240xf32, #tpu.memory_space<vmem_shared>>
        tpu.wait_indirect_dma semaphore(%run_scoped3A_581 : memref<!tpu.dma_semaphore, #tpu.memory_space<semaphore_mem>>) src(%arg15 : memref<80xf32, #tpu.memory_space<vmem>>) dst(%dma_wait3A_591 : memref<10240xf32, #tpu.memory_space<vmem_shared>>)
        tpu.yield
      }) : () -> ()
      %add3A_537 = arith.constant 3 : i32
      %add3A_538 = arith.addi %add3A_530, %add3A_537 : i32
      %dma_start3A_539 = arith.constant 0 : i32
      %dma_start3A_540 = tpu.memref_slice %arg9[%add3A_538, %dma_start3A_539] : memref<50x80xi32, #tpu.memory_space<vmem>> -> memref<1x80xi32, #tpu.memory_space<vmem>>
      %dma_start3A_541 = tpu.memref_squeeze %dma_start3A_540 : memref<1x80xi32, #tpu.memory_space<vmem>> -> memref<80xi32, #tpu.memory_space<vmem>>
      %dma_start3A_542 = arith.constant 0 : i32
      %dma_start3A_543 = arith.constant 0 : i32
      %dma_start3A_544 = tpu.memref_slice %arg2[%dma_start3A_542, %dma_start3A_543] : memref<10000x128xf32, #tpu.memory_space<hbm>> -> memref<10000x128xf32, #tpu.memory_space<hbm>>
      tpu.enqueue_indirect_dma source(%dma_start3A_544 : memref<10000x128xf32, #tpu.memory_space<hbm>>) target(%arg11 : memref<80x128xf32, #tpu.memory_space<vmem>>) offsets(%dma_start3A_541 : memref<80xi32, #tpu.memory_space<vmem>>) semaphore(%arg17 : memref<!tpu.dma_semaphore, #tpu.memory_space<semaphore_mem>>)
      %mul3A_545 = arith.constant 3 : i32
      %mul3A_546 = arith.muli %mul3A_545, %scan3A_526 : i32
      %add3A_547 = arith.constant 1 : i32
      %add3A_548 = arith.addi %mul3A_546, %add3A_547 : i32
      %dma_wait3A_549 = arith.constant 0 : i32
      %dma_wait3A_550 = tpu.memref_slice %arg9[%add3A_548, %dma_wait3A_549] : memref<50x80xi32, #tpu.memory_space<vmem>> -> memref<1x80xi32, #tpu.memory_space<vmem>>
      %dma_wait3A_551 = tpu.memref_squeeze %dma_wait3A_550 : memref<1x80xi32, #tpu.memory_space<vmem>> -> memref<80xi32, #tpu.memory_space<vmem>>
      %dma_wait3A_552 = arith.constant 0 : i32
      %dma_wait3A_553 = arith.constant 0 : i32
      %dma_wait3A_554 = tpu.memref_slice %arg2[%dma_wait3A_552, %dma_wait3A_553] : memref<10000x128xf32, #tpu.memory_space<hbm>> -> memref<10000x128xf32, #tpu.memory_space<hbm>>
      tpu.wait_indirect_dma semaphore(%arg18 : memref<!tpu.dma_semaphore, #tpu.memory_space<semaphore_mem>>) src(%dma_wait3A_554 : memref<10000x128xf32, #tpu.memory_space<hbm>>) dst(%arg12 : memref<80x128xf32, #tpu.memory_space<vmem>>)
      "tpu.region"() ({
        %run_scoped3A_581 = tpu.sem_alloc : memref<!tpu.dma_semaphore, #tpu.memory_space<semaphore_mem>>
        %dma_start3A_582 = arith.constant 0 : i32
        %dma_start3A_583 = tpu.memref_slice %arg10[%add3A_548, %dma_start3A_582] : memref<50x80xi32, #tpu.memory_space<vmem>> -> memref<1x80xi32, #tpu.memory_space<vmem>>
        %dma_start3A_584 = tpu.memref_squeeze %dma_start3A_583 : memref<1x80xi32, #tpu.memory_space<vmem>> -> memref<80xi32, #tpu.memory_space<vmem>>
        %dma_start3A_585 = arith.constant 0 : i32
        %dma_start3A_586 = arith.constant 0 : i32
        %dma_start3A_587 = tpu.memref_slice %arg14[%dma_start3A_585, %dma_start3A_586] : memref<10112x128xf32, #tpu.memory_space<vmem_shared>> -> memref<10112x128xf32, #tpu.memory_space<vmem_shared>>
        tpu.enqueue_indirect_dma source(%arg12 : memref<80x128xf32, #tpu.memory_space<vmem>>) target(%dma_start3A_587 : memref<10112x128xf32, #tpu.memory_space<vmem_shared>>) offsets(%dma_start3A_584 : memref<80xi32, #tpu.memory_space<vmem>>) semaphore(%run_scoped3A_581 : memref<!tpu.dma_semaphore, #tpu.memory_space<semaphore_mem>>) {add = true}
        %dma_wait3A_588 = arith.constant 0 : i32
        %dma_wait3A_589 = tpu.memref_slice %arg10[%add3A_548, %dma_wait3A_588] : memref<50x80xi32, #tpu.memory_space<vmem>> -> memref<1x80xi32, #tpu.memory_space<vmem>>
        %dma_wait3A_590 = tpu.memref_squeeze %dma_wait3A_589 : memref<1x80xi32, #tpu.memory_space<vmem>> -> memref<80xi32, #tpu.memory_space<vmem>>
        %dma_wait3A_591 = arith.constant 0 : i32
        %dma_wait3A_592 = arith.constant 0 : i32
        %dma_wait3A_593 = tpu.memref_slice %arg14[%dma_wait3A_591, %dma_wait3A_592] : memref<10112x128xf32, #tpu.memory_space<vmem_shared>> -> memref<10112x128xf32, #tpu.memory_space<vmem_shared>>
        tpu.wait_indirect_dma semaphore(%run_scoped3A_581 : memref<!tpu.dma_semaphore, #tpu.memory_space<semaphore_mem>>) src(%arg12 : memref<80x128xf32, #tpu.memory_space<vmem>>) dst(%dma_wait3A_593 : memref<10112x128xf32, #tpu.memory_space<vmem_shared>>)
        tpu.yield
      }) : () -> ()
      "tpu.region"() ({
        %run_scoped3A_581 = tpu.sem_alloc : memref<!tpu.dma_semaphore, #tpu.memory_space<semaphore_mem>>
        %dma_start3A_582 = arith.constant 0 : i32
        %dma_start3A_583 = tpu.memref_slice %arg10[%add3A_548, %dma_start3A_582] : memref<50x80xi32, #tpu.memory_space<vmem>> -> memref<1x80xi32, #tpu.memory_space<vmem>>
        %dma_start3A_584 = tpu.memref_squeeze %dma_start3A_583 : memref<1x80xi32, #tpu.memory_space<vmem>> -> memref<80xi32, #tpu.memory_space<vmem>>
        %dma_start3A_585 = arith.constant 0 : i32
        %dma_start3A_586 = tpu.memref_slice %arg16[%dma_start3A_585] : memref<10240xf32, #tpu.memory_space<vmem_shared>> -> memref<10240xf32, #tpu.memory_space<vmem_shared>>
        tpu.enqueue_indirect_dma source(%arg15 : memref<80xf32, #tpu.memory_space<vmem>>) target(%dma_start3A_586 : memref<10240xf32, #tpu.memory_space<vmem_shared>>) offsets(%dma_start3A_584 : memref<80xi32, #tpu.memory_space<vmem>>) semaphore(%run_scoped3A_581 : memref<!tpu.dma_semaphore, #tpu.memory_space<semaphore_mem>>) {add = true}
        %dma_wait3A_587 = arith.constant 0 : i32
        %dma_wait3A_588 = tpu.memref_slice %arg10[%add3A_548, %dma_wait3A_587] : memref<50x80xi32, #tpu.memory_space<vmem>> -> memref<1x80xi32, #tpu.memory_space<vmem>>
        %dma_wait3A_589 = tpu.memref_squeeze %dma_wait3A_588 : memref<1x80xi32, #tpu.memory_space<vmem>> -> memref<80xi32, #tpu.memory_space<vmem>>
        %dma_wait3A_590 = arith.constant 0 : i32
        %dma_wait3A_591 = tpu.memref_slice %arg16[%dma_wait3A_590] : memref<10240xf32, #tpu.memory_space<vmem_shared>> -> memref<10240xf32, #tpu.memory_space<vmem_shared>>
        tpu.wait_indirect_dma semaphore(%run_scoped3A_581 : memref<!tpu.dma_semaphore, #tpu.memory_space<semaphore_mem>>) src(%arg15 : memref<80xf32, #tpu.memory_space<vmem>>) dst(%dma_wait3A_591 : memref<10240xf32, #tpu.memory_space<vmem_shared>>)
        tpu.yield
      }) : () -> ()
      %add3A_555 = arith.constant 3 : i32
      %add3A_556 = arith.addi %add3A_548, %add3A_555 : i32
      %dma_start3A_557 = arith.constant 0 : i32
      %dma_start3A_558 = tpu.memref_slice %arg9[%add3A_556, %dma_start3A_557] : memref<50x80xi32, #tpu.memory_space<vmem>> -> memref<1x80xi32, #tpu.memory_space<vmem>>
      %dma_start3A_559 = tpu.memref_squeeze %dma_start3A_558 : memref<1x80xi32, #tpu.memory_space<vmem>> -> memref<80xi32, #tpu.memory_space<vmem>>
      %dma_start3A_560 = arith.constant 0 : i32
      %dma_start3A_561 = arith.constant 0 : i32
      %dma_start3A_562 = tpu.memref_slice %arg2[%dma_start3A_560, %dma_start3A_561] : memref<10000x128xf32, #tpu.memory_space<hbm>> -> memref<10000x128xf32, #tpu.memory_space<hbm>>
      tpu.enqueue_indirect_dma source(%dma_start3A_562 : memref<10000x128xf32, #tpu.memory_space<hbm>>) target(%arg12 : memref<80x128xf32, #tpu.memory_space<vmem>>) offsets(%dma_start3A_559 : memref<80xi32, #tpu.memory_space<vmem>>) semaphore(%arg18 : memref<!tpu.dma_semaphore, #tpu.memory_space<semaphore_mem>>)
      %mul3A_563 = arith.constant 3 : i32
      %mul3A_564 = arith.muli %mul3A_563, %scan3A_526 : i32
      %add3A_565 = arith.constant 2 : i32
      %add3A_566 = arith.addi %mul3A_564, %add3A_565 : i32
      %dma_wait3A_567 = arith.constant 0 : i32
      %dma_wait3A_568 = tpu.memref_slice %arg9[%add3A_566, %dma_wait3A_567] : memref<50x80xi32, #tpu.memory_space<vmem>> -> memref<1x80xi32, #tpu.memory_space<vmem>>
      %dma_wait3A_569 = tpu.memref_squeeze %dma_wait3A_568 : memref<1x80xi32, #tpu.memory_space<vmem>> -> memref<80xi32, #tpu.memory_space<vmem>>
      %dma_wait3A_570 = arith.constant 0 : i32
      %dma_wait3A_571 = arith.constant 0 : i32
      %dma_wait3A_572 = tpu.memref_slice %arg2[%dma_wait3A_570, %dma_wait3A_571] : memref<10000x128xf32, #tpu.memory_space<hbm>> -> memref<10000x128xf32, #tpu.memory_space<hbm>>
      tpu.wait_indirect_dma semaphore(%arg19 : memref<!tpu.dma_semaphore, #tpu.memory_space<semaphore_mem>>) src(%dma_wait3A_572 : memref<10000x128xf32, #tpu.memory_space<hbm>>) dst(%arg13 : memref<80x128xf32, #tpu.memory_space<vmem>>)
      "tpu.region"() ({
        %run_scoped3A_581 = tpu.sem_alloc : memref<!tpu.dma_semaphore, #tpu.memory_space<semaphore_mem>>
        %dma_start3A_582 = arith.constant 0 : i32
        %dma_start3A_583 = tpu.memref_slice %arg10[%add3A_566, %dma_start3A_582] : memref<50x80xi32, #tpu.memory_space<vmem>> -> memref<1x80xi32, #tpu.memory_space<vmem>>
        %dma_start3A_584 = tpu.memref_squeeze %dma_start3A_583 : memref<1x80xi32, #tpu.memory_space<vmem>> -> memref<80xi32, #tpu.memory_space<vmem>>
        %dma_start3A_585 = arith.constant 0 : i32
        %dma_start3A_586 = arith.constant 0 : i32
        %dma_start3A_587 = tpu.memref_slice %arg14[%dma_start3A_585, %dma_start3A_586] : memref<10112x128xf32, #tpu.memory_space<vmem_shared>> -> memref<10112x128xf32, #tpu.memory_space<vmem_shared>>
        tpu.enqueue_indirect_dma source(%arg13 : memref<80x128xf32, #tpu.memory_space<vmem>>) target(%dma_start3A_587 : memref<10112x128xf32, #tpu.memory_space<vmem_shared>>) offsets(%dma_start3A_584 : memref<80xi32, #tpu.memory_space<vmem>>) semaphore(%run_scoped3A_581 : memref<!tpu.dma_semaphore, #tpu.memory_space<semaphore_mem>>) {add = true}
        %dma_wait3A_588 = arith.constant 0 : i32
        %dma_wait3A_589 = tpu.memref_slice %arg10[%add3A_566, %dma_wait3A_588] : memref<50x80xi32, #tpu.memory_space<vmem>> -> memref<1x80xi32, #tpu.memory_space<vmem>>
        %dma_wait3A_590 = tpu.memref_squeeze %dma_wait3A_589 : memref<1x80xi32, #tpu.memory_space<vmem>> -> memref<80xi32, #tpu.memory_space<vmem>>
        %dma_wait3A_591 = arith.constant 0 : i32
        %dma_wait3A_592 = arith.constant 0 : i32
        %dma_wait3A_593 = tpu.memref_slice %arg14[%dma_wait3A_591, %dma_wait3A_592] : memref<10112x128xf32, #tpu.memory_space<vmem_shared>> -> memref<10112x128xf32, #tpu.memory_space<vmem_shared>>
        tpu.wait_indirect_dma semaphore(%run_scoped3A_581 : memref<!tpu.dma_semaphore, #tpu.memory_space<semaphore_mem>>) src(%arg13 : memref<80x128xf32, #tpu.memory_space<vmem>>) dst(%dma_wait3A_593 : memref<10112x128xf32, #tpu.memory_space<vmem_shared>>)
        tpu.yield
      }) : () -> ()
      "tpu.region"() ({
        %run_scoped3A_581 = tpu.sem_alloc : memref<!tpu.dma_semaphore, #tpu.memory_space<semaphore_mem>>
        %dma_start3A_582 = arith.constant 0 : i32
        %dma_start3A_583 = tpu.memref_slice %arg10[%add3A_566, %dma_start3A_582] : memref<50x80xi32, #tpu.memory_space<vmem>> -> memref<1x80xi32, #tpu.memory_space<vmem>>
        %dma_start3A_584 = tpu.memref_squeeze %dma_start3A_583 : memref<1x80xi32, #tpu.memory_space<vmem>> -> memref<80xi32, #tpu.memory_space<vmem>>
        %dma_start3A_585 = arith.constant 0 : i32
        %dma_start3A_586 = tpu.memref_slice %arg16[%dma_start3A_585] : memref<10240xf32, #tpu.memory_space<vmem_shared>> -> memref<10240xf32, #tpu.memory_space<vmem_shared>>
        tpu.enqueue_indirect_dma source(%arg15 : memref<80xf32, #tpu.memory_space<vmem>>) target(%dma_start3A_586 : memref<10240xf32, #tpu.memory_space<vmem_shared>>) offsets(%dma_start3A_584 : memref<80xi32, #tpu.memory_space<vmem>>) semaphore(%run_scoped3A_581 : memref<!tpu.dma_semaphore, #tpu.memory_space<semaphore_mem>>) {add = true}
        %dma_wait3A_587 = arith.constant 0 : i32
        %dma_wait3A_588 = tpu.memref_slice %arg10[%add3A_566, %dma_wait3A_587] : memref<50x80xi32, #tpu.memory_space<vmem>> -> memref<1x80xi32, #tpu.memory_space<vmem>>
        %dma_wait3A_589 = tpu.memref_squeeze %dma_wait3A_588 : memref<1x80xi32, #tpu.memory_space<vmem>> -> memref<80xi32, #tpu.memory_space<vmem>>
        %dma_wait3A_590 = arith.constant 0 : i32
        %dma_wait3A_591 = tpu.memref_slice %arg16[%dma_wait3A_590] : memref<10240xf32, #tpu.memory_space<vmem_shared>> -> memref<10240xf32, #tpu.memory_space<vmem_shared>>
        tpu.wait_indirect_dma semaphore(%run_scoped3A_581 : memref<!tpu.dma_semaphore, #tpu.memory_space<semaphore_mem>>) src(%arg15 : memref<80xf32, #tpu.memory_space<vmem>>) dst(%dma_wait3A_591 : memref<10240xf32, #tpu.memory_space<vmem_shared>>)
        tpu.yield
      }) : () -> ()
      %add3A_573 = arith.constant 3 : i32
      %add3A_574 = arith.addi %add3A_566, %add3A_573 : i32
      %dma_start3A_575 = arith.constant 0 : i32
      %dma_start3A_576 = tpu.memref_slice %arg9[%add3A_574, %dma_start3A_575] : memref<50x80xi32, #tpu.memory_space<vmem>> -> memref<1x80xi32, #tpu.memory_space<vmem>>
      %dma_start3A_577 = tpu.memref_squeeze %dma_start3A_576 : memref<1x80xi32, #tpu.memory_space<vmem>> -> memref<80xi32, #tpu.memory_space<vmem>>
      %dma_start3A_578 = arith.constant 0 : i32
      %dma_start3A_579 = arith.constant 0 : i32
      %dma_start3A_580 = tpu.memref_slice %arg2[%dma_start3A_578, %dma_start3A_579] : memref<10000x128xf32, #tpu.memory_space<hbm>> -> memref<10000x128xf32, #tpu.memory_space<hbm>>
      tpu.enqueue_indirect_dma source(%dma_start3A_580 : memref<10000x128xf32, #tpu.memory_space<hbm>>) target(%arg13 : memref<80x128xf32, #tpu.memory_space<vmem>>) offsets(%dma_start3A_577 : memref<80xi32, #tpu.memory_space<vmem>>) semaphore(%arg19 : memref<!tpu.dma_semaphore, #tpu.memory_space<semaphore_mem>>)
    }
    %scan3A_451 = arith.constant 15 : i32
    %dma_wait3A_452 = arith.constant 45 : i32
    %dma_wait3A_453 = arith.constant 0 : i32
    %dma_wait3A_454 = tpu.memref_slice %arg9[%dma_wait3A_452, %dma_wait3A_453] : memref<50x80xi32, #tpu.memory_space<vmem>> -> memref<1x80xi32, #tpu.memory_space<vmem>>
    %dma_wait3A_455 = tpu.memref_squeeze %dma_wait3A_454 : memref<1x80xi32, #tpu.memory_space<vmem>> -> memref<80xi32, #tpu.memory_space<vmem>>
    %dma_wait3A_456 = arith.constant 0 : i32
    %dma_wait3A_457 = arith.constant 0 : i32
    %dma_wait3A_458 = tpu.memref_slice %arg2[%dma_wait3A_456, %dma_wait3A_457] : memref<10000x128xf32, #tpu.memory_space<hbm>> -> memref<10000x128xf32, #tpu.memory_space<hbm>>
    tpu.wait_indirect_dma semaphore(%arg17 : memref<!tpu.dma_semaphore, #tpu.memory_space<semaphore_mem>>) src(%dma_wait3A_458 : memref<10000x128xf32, #tpu.memory_space<hbm>>) dst(%arg11 : memref<80x128xf32, #tpu.memory_space<vmem>>)
    %run_scoped3A_459 = arith.constant 45 : i32
    "tpu.region"() ({
      %run_scoped3A_526 = tpu.sem_alloc : memref<!tpu.dma_semaphore, #tpu.memory_space<semaphore_mem>>
      %dma_start3A_527 = arith.constant 0 : i32
      %dma_start3A_528 = tpu.memref_slice %arg10[%run_scoped3A_459, %dma_start3A_527] : memref<50x80xi32, #tpu.memory_space<vmem>> -> memref<1x80xi32, #tpu.memory_space<vmem>>
      %dma_start3A_529 = tpu.memref_squeeze %dma_start3A_528 : memref<1x80xi32, #tpu.memory_space<vmem>> -> memref<80xi32, #tpu.memory_space<vmem>>
      %dma_start3A_530 = arith.constant 0 : i32
      %dma_start3A_531 = arith.constant 0 : i32
      %dma_start3A_532 = tpu.memref_slice %arg14[%dma_start3A_530, %dma_start3A_531] : memref<10112x128xf32, #tpu.memory_space<vmem_shared>> -> memref<10112x128xf32, #tpu.memory_space<vmem_shared>>
      tpu.enqueue_indirect_dma source(%arg11 : memref<80x128xf32, #tpu.memory_space<vmem>>) target(%dma_start3A_532 : memref<10112x128xf32, #tpu.memory_space<vmem_shared>>) offsets(%dma_start3A_529 : memref<80xi32, #tpu.memory_space<vmem>>) semaphore(%run_scoped3A_526 : memref<!tpu.dma_semaphore, #tpu.memory_space<semaphore_mem>>) {add = true}
      %dma_wait3A_533 = arith.constant 0 : i32
      %dma_wait3A_534 = tpu.memref_slice %arg10[%run_scoped3A_459, %dma_wait3A_533] : memref<50x80xi32, #tpu.memory_space<vmem>> -> memref<1x80xi32, #tpu.memory_space<vmem>>
      %dma_wait3A_535 = tpu.memref_squeeze %dma_wait3A_534 : memref<1x80xi32, #tpu.memory_space<vmem>> -> memref<80xi32, #tpu.memory_space<vmem>>
      %dma_wait3A_536 = arith.constant 0 : i32
      %dma_wait3A_537 = arith.constant 0 : i32
      %dma_wait3A_538 = tpu.memref_slice %arg14[%dma_wait3A_536, %dma_wait3A_537] : memref<10112x128xf32, #tpu.memory_space<vmem_shared>> -> memref<10112x128xf32, #tpu.memory_space<vmem_shared>>
      tpu.wait_indirect_dma semaphore(%run_scoped3A_526 : memref<!tpu.dma_semaphore, #tpu.memory_space<semaphore_mem>>) src(%arg11 : memref<80x128xf32, #tpu.memory_space<vmem>>) dst(%dma_wait3A_538 : memref<10112x128xf32, #tpu.memory_space<vmem_shared>>)
      tpu.yield
    }) : () -> ()
    %run_scoped3A_460 = arith.constant 45 : i32
    "tpu.region"() ({
      %run_scoped3A_526 = tpu.sem_alloc : memref<!tpu.dma_semaphore, #tpu.memory_space<semaphore_mem>>
      %dma_start3A_527 = arith.constant 0 : i32
      %dma_start3A_528 = tpu.memref_slice %arg10[%run_scoped3A_460, %dma_start3A_527] : memref<50x80xi32, #tpu.memory_space<vmem>> -> memref<1x80xi32, #tpu.memory_space<vmem>>
      %dma_start3A_529 = tpu.memref_squeeze %dma_start3A_528 : memref<1x80xi32, #tpu.memory_space<vmem>> -> memref<80xi32, #tpu.memory_space<vmem>>
      %dma_start3A_530 = arith.constant 0 : i32
      %dma_start3A_531 = tpu.memref_slice %arg16[%dma_start3A_530] : memref<10240xf32, #tpu.memory_space<vmem_shared>> -> memref<10240xf32, #tpu.memory_space<vmem_shared>>
      tpu.enqueue_indirect_dma source(%arg15 : memref<80xf32, #tpu.memory_space<vmem>>) target(%dma_start3A_531 : memref<10240xf32, #tpu.memory_space<vmem_shared>>) offsets(%dma_start3A_529 : memref<80xi32, #tpu.memory_space<vmem>>) semaphore(%run_scoped3A_526 : memref<!tpu.dma_semaphore, #tpu.memory_space<semaphore_mem>>) {add = true}
      %dma_wait3A_532 = arith.constant 0 : i32
      %dma_wait3A_533 = tpu.memref_slice %arg10[%run_scoped3A_460, %dma_wait3A_532] : memref<50x80xi32, #tpu.memory_space<vmem>> -> memref<1x80xi32, #tpu.memory_space<vmem>>
      %dma_wait3A_534 = tpu.memref_squeeze %dma_wait3A_533 : memref<1x80xi32, #tpu.memory_space<vmem>> -> memref<80xi32, #tpu.memory_space<vmem>>
      %dma_wait3A_535 = arith.constant 0 : i32
      %dma_wait3A_536 = tpu.memref_slice %arg16[%dma_wait3A_535] : memref<10240xf32, #tpu.memory_space<vmem_shared>> -> memref<10240xf32, #tpu.memory_space<vmem_shared>>
      tpu.wait_indirect_dma semaphore(%run_scoped3A_526 : memref<!tpu.dma_semaphore, #tpu.memory_space<semaphore_mem>>) src(%arg15 : memref<80xf32, #tpu.memory_space<vmem>>) dst(%dma_wait3A_536 : memref<10240xf32, #tpu.memory_space<vmem_shared>>)
      tpu.yield
    }) : () -> ()
    %dma_start3A_461 = arith.constant 48 : i32
    %dma_start3A_462 = arith.constant 0 : i32
    %dma_start3A_463 = tpu.memref_slice %arg9[%dma_start3A_461, %dma_start3A_462] : memref<50x80xi32, #tpu.memory_space<vmem>> -> memref<1x80xi32, #tpu.memory_space<vmem>>
    %dma_start3A_464 = tpu.memref_squeeze %dma_start3A_463 : memref<1x80xi32, #tpu.memory_space<vmem>> -> memref<80xi32, #tpu.memory_space<vmem>>
    %dma_start3A_465 = arith.constant 0 : i32
    %dma_start3A_466 = arith.constant 0 : i32
    %dma_start3A_467 = tpu.memref_slice %arg2[%dma_start3A_465, %dma_start3A_466] : memref<10000x128xf32, #tpu.memory_space<hbm>> -> memref<10000x128xf32, #tpu.memory_space<hbm>>
    tpu.enqueue_indirect_dma source(%dma_start3A_467 : memref<10000x128xf32, #tpu.memory_space<hbm>>) target(%arg11 : memref<80x128xf32, #tpu.memory_space<vmem>>) offsets(%dma_start3A_464 : memref<80xi32, #tpu.memory_space<vmem>>) semaphore(%arg17 : memref<!tpu.dma_semaphore, #tpu.memory_space<semaphore_mem>>)
    %dma_wait3A_468 = arith.constant 46 : i32
    %dma_wait3A_469 = arith.constant 0 : i32
    %dma_wait3A_470 = tpu.memref_slice %arg9[%dma_wait3A_468, %dma_wait3A_469] : memref<50x80xi32, #tpu.memory_space<vmem>> -> memref<1x80xi32, #tpu.memory_space<vmem>>
    %dma_wait3A_471 = tpu.memref_squeeze %dma_wait3A_470 : memref<1x80xi32, #tpu.memory_space<vmem>> -> memref<80xi32, #tpu.memory_space<vmem>>
    %dma_wait3A_472 = arith.constant 0 : i32
    %dma_wait3A_473 = arith.constant 0 : i32
    %dma_wait3A_474 = tpu.memref_slice %arg2[%dma_wait3A_472, %dma_wait3A_473] : memref<10000x128xf32, #tpu.memory_space<hbm>> -> memref<10000x128xf32, #tpu.memory_space<hbm>>
    tpu.wait_indirect_dma semaphore(%arg18 : memref<!tpu.dma_semaphore, #tpu.memory_space<semaphore_mem>>) src(%dma_wait3A_474 : memref<10000x128xf32, #tpu.memory_space<hbm>>) dst(%arg12 : memref<80x128xf32, #tpu.memory_space<vmem>>)
    %run_scoped3A_475 = arith.constant 46 : i32
    "tpu.region"() ({
      %run_scoped3A_526 = tpu.sem_alloc : memref<!tpu.dma_semaphore, #tpu.memory_space<semaphore_mem>>
      %dma_start3A_527 = arith.constant 0 : i32
      %dma_start3A_528 = tpu.memref_slice %arg10[%run_scoped3A_475, %dma_start3A_527] : memref<50x80xi32, #tpu.memory_space<vmem>> -> memref<1x80xi32, #tpu.memory_space<vmem>>
      %dma_start3A_529 = tpu.memref_squeeze %dma_start3A_528 : memref<1x80xi32, #tpu.memory_space<vmem>> -> memref<80xi32, #tpu.memory_space<vmem>>
      %dma_start3A_530 = arith.constant 0 : i32
      %dma_start3A_531 = arith.constant 0 : i32
      %dma_start3A_532 = tpu.memref_slice %arg14[%dma_start3A_530, %dma_start3A_531] : memref<10112x128xf32, #tpu.memory_space<vmem_shared>> -> memref<10112x128xf32, #tpu.memory_space<vmem_shared>>
      tpu.enqueue_indirect_dma source(%arg12 : memref<80x128xf32, #tpu.memory_space<vmem>>) target(%dma_start3A_532 : memref<10112x128xf32, #tpu.memory_space<vmem_shared>>) offsets(%dma_start3A_529 : memref<80xi32, #tpu.memory_space<vmem>>) semaphore(%run_scoped3A_526 : memref<!tpu.dma_semaphore, #tpu.memory_space<semaphore_mem>>) {add = true}
      %dma_wait3A_533 = arith.constant 0 : i32
      %dma_wait3A_534 = tpu.memref_slice %arg10[%run_scoped3A_475, %dma_wait3A_533] : memref<50x80xi32, #tpu.memory_space<vmem>> -> memref<1x80xi32, #tpu.memory_space<vmem>>
      %dma_wait3A_535 = tpu.memref_squeeze %dma_wait3A_534 : memref<1x80xi32, #tpu.memory_space<vmem>> -> memref<80xi32, #tpu.memory_space<vmem>>
      %dma_wait3A_536 = arith.constant 0 : i32
      %dma_wait3A_537 = arith.constant 0 : i32
      %dma_wait3A_538 = tpu.memref_slice %arg14[%dma_wait3A_536, %dma_wait3A_537] : memref<10112x128xf32, #tpu.memory_space<vmem_shared>> -> memref<10112x128xf32, #tpu.memory_space<vmem_shared>>
      tpu.wait_indirect_dma semaphore(%run_scoped3A_526 : memref<!tpu.dma_semaphore, #tpu.memory_space<semaphore_mem>>) src(%arg12 : memref<80x128xf32, #tpu.memory_space<vmem>>) dst(%dma_wait3A_538 : memref<10112x128xf32, #tpu.memory_space<vmem_shared>>)
      tpu.yield
    }) : () -> ()
    %run_scoped3A_476 = arith.constant 46 : i32
    "tpu.region"() ({
      %run_scoped3A_526 = tpu.sem_alloc : memref<!tpu.dma_semaphore, #tpu.memory_space<semaphore_mem>>
      %dma_start3A_527 = arith.constant 0 : i32
      %dma_start3A_528 = tpu.memref_slice %arg10[%run_scoped3A_476, %dma_start3A_527] : memref<50x80xi32, #tpu.memory_space<vmem>> -> memref<1x80xi32, #tpu.memory_space<vmem>>
      %dma_start3A_529 = tpu.memref_squeeze %dma_start3A_528 : memref<1x80xi32, #tpu.memory_space<vmem>> -> memref<80xi32, #tpu.memory_space<vmem>>
      %dma_start3A_530 = arith.constant 0 : i32
      %dma_start3A_531 = tpu.memref_slice %arg16[%dma_start3A_530] : memref<10240xf32, #tpu.memory_space<vmem_shared>> -> memref<10240xf32, #tpu.memory_space<vmem_shared>>
      tpu.enqueue_indirect_dma source(%arg15 : memref<80xf32, #tpu.memory_space<vmem>>) target(%dma_start3A_531 : memref<10240xf32, #tpu.memory_space<vmem_shared>>) offsets(%dma_start3A_529 : memref<80xi32, #tpu.memory_space<vmem>>) semaphore(%run_scoped3A_526 : memref<!tpu.dma_semaphore, #tpu.memory_space<semaphore_mem>>) {add = true}
      %dma_wait3A_532 = arith.constant 0 : i32
      %dma_wait3A_533 = tpu.memref_slice %arg10[%run_scoped3A_476, %dma_wait3A_532] : memref<50x80xi32, #tpu.memory_space<vmem>> -> memref<1x80xi32, #tpu.memory_space<vmem>>
      %dma_wait3A_534 = tpu.memref_squeeze %dma_wait3A_533 : memref<1x80xi32, #tpu.memory_space<vmem>> -> memref<80xi32, #tpu.memory_space<vmem>>
      %dma_wait3A_535 = arith.constant 0 : i32
      %dma_wait3A_536 = tpu.memref_slice %arg16[%dma_wait3A_535] : memref<10240xf32, #tpu.memory_space<vmem_shared>> -> memref<10240xf32, #tpu.memory_space<vmem_shared>>
      tpu.wait_indirect_dma semaphore(%run_scoped3A_526 : memref<!tpu.dma_semaphore, #tpu.memory_space<semaphore_mem>>) src(%arg15 : memref<80xf32, #tpu.memory_space<vmem>>) dst(%dma_wait3A_536 : memref<10240xf32, #tpu.memory_space<vmem_shared>>)
      tpu.yield
    }) : () -> ()
    %dma_start3A_477 = arith.constant 49 : i32
    %dma_start3A_478 = arith.constant 0 : i32
    %dma_start3A_479 = tpu.memref_slice %arg9[%dma_start3A_477, %dma_start3A_478] : memref<50x80xi32, #tpu.memory_space<vmem>> -> memref<1x80xi32, #tpu.memory_space<vmem>>
    %dma_start3A_480 = tpu.memref_squeeze %dma_start3A_479 : memref<1x80xi32, #tpu.memory_space<vmem>> -> memref<80xi32, #tpu.memory_space<vmem>>
    %dma_start3A_481 = arith.constant 0 : i32
    %dma_start3A_482 = arith.constant 0 : i32
    %dma_start3A_483 = tpu.memref_slice %arg2[%dma_start3A_481, %dma_start3A_482] : memref<10000x128xf32, #tpu.memory_space<hbm>> -> memref<10000x128xf32, #tpu.memory_space<hbm>>
    tpu.enqueue_indirect_dma source(%dma_start3A_483 : memref<10000x128xf32, #tpu.memory_space<hbm>>) target(%arg12 : memref<80x128xf32, #tpu.memory_space<vmem>>) offsets(%dma_start3A_480 : memref<80xi32, #tpu.memory_space<vmem>>) semaphore(%arg18 : memref<!tpu.dma_semaphore, #tpu.memory_space<semaphore_mem>>)
    %dma_wait3A_484 = arith.constant 47 : i32
    %dma_wait3A_485 = arith.constant 0 : i32
    %dma_wait3A_486 = tpu.memref_slice %arg9[%dma_wait3A_484, %dma_wait3A_485] : memref<50x80xi32, #tpu.memory_space<vmem>> -> memref<1x80xi32, #tpu.memory_space<vmem>>
    %dma_wait3A_487 = tpu.memref_squeeze %dma_wait3A_486 : memref<1x80xi32, #tpu.memory_space<vmem>> -> memref<80xi32, #tpu.memory_space<vmem>>
    %dma_wait3A_488 = arith.constant 0 : i32
    %dma_wait3A_489 = arith.constant 0 : i32
    %dma_wait3A_490 = tpu.memref_slice %arg2[%dma_wait3A_488, %dma_wait3A_489] : memref<10000x128xf32, #tpu.memory_space<hbm>> -> memref<10000x128xf32, #tpu.memory_space<hbm>>
    tpu.wait_indirect_dma semaphore(%arg19 : memref<!tpu.dma_semaphore, #tpu.memory_space<semaphore_mem>>) src(%dma_wait3A_490 : memref<10000x128xf32, #tpu.memory_space<hbm>>) dst(%arg13 : memref<80x128xf32, #tpu.memory_space<vmem>>)
    %run_scoped3A_491 = arith.constant 47 : i32
    "tpu.region"() ({
      %run_scoped3A_526 = tpu.sem_alloc : memref<!tpu.dma_semaphore, #tpu.memory_space<semaphore_mem>>
      %dma_start3A_527 = arith.constant 0 : i32
      %dma_start3A_528 = tpu.memref_slice %arg10[%run_scoped3A_491, %dma_start3A_527] : memref<50x80xi32, #tpu.memory_space<vmem>> -> memref<1x80xi32, #tpu.memory_space<vmem>>
      %dma_start3A_529 = tpu.memref_squeeze %dma_start3A_528 : memref<1x80xi32, #tpu.memory_space<vmem>> -> memref<80xi32, #tpu.memory_space<vmem>>
      %dma_start3A_530 = arith.constant 0 : i32
      %dma_start3A_531 = arith.constant 0 : i32
      %dma_start3A_532 = tpu.memref_slice %arg14[%dma_start3A_530, %dma_start3A_531] : memref<10112x128xf32, #tpu.memory_space<vmem_shared>> -> memref<10112x128xf32, #tpu.memory_space<vmem_shared>>
      tpu.enqueue_indirect_dma source(%arg13 : memref<80x128xf32, #tpu.memory_space<vmem>>) target(%dma_start3A_532 : memref<10112x128xf32, #tpu.memory_space<vmem_shared>>) offsets(%dma_start3A_529 : memref<80xi32, #tpu.memory_space<vmem>>) semaphore(%run_scoped3A_526 : memref<!tpu.dma_semaphore, #tpu.memory_space<semaphore_mem>>) {add = true}
      %dma_wait3A_533 = arith.constant 0 : i32
      %dma_wait3A_534 = tpu.memref_slice %arg10[%run_scoped3A_491, %dma_wait3A_533] : memref<50x80xi32, #tpu.memory_space<vmem>> -> memref<1x80xi32, #tpu.memory_space<vmem>>
      %dma_wait3A_535 = tpu.memref_squeeze %dma_wait3A_534 : memref<1x80xi32, #tpu.memory_space<vmem>> -> memref<80xi32, #tpu.memory_space<vmem>>
      %dma_wait3A_536 = arith.constant 0 : i32
      %dma_wait3A_537 = arith.constant 0 : i32
      %dma_wait3A_538 = tpu.memref_slice %arg14[%dma_wait3A_536, %dma_wait3A_537] : memref<10112x128xf32, #tpu.memory_space<vmem_shared>> -> memref<10112x128xf32, #tpu.memory_space<vmem_shared>>
      tpu.wait_indirect_dma semaphore(%run_scoped3A_526 : memref<!tpu.dma_semaphore, #tpu.memory_space<semaphore_mem>>) src(%arg13 : memref<80x128xf32, #tpu.memory_space<vmem>>) dst(%dma_wait3A_538 : memref<10112x128xf32, #tpu.memory_space<vmem_shared>>)
      tpu.yield
    }) : () -> ()
    %run_scoped3A_492 = arith.constant 47 : i32
    "tpu.region"() ({
      %run_scoped3A_526 = tpu.sem_alloc : memref<!tpu.dma_semaphore, #tpu.memory_space<semaphore_mem>>
      %dma_start3A_527 = arith.constant 0 : i32
      %dma_start3A_528 = tpu.memref_slice %arg10[%run_scoped3A_492, %dma_start3A_527] : memref<50x80xi32, #tpu.memory_space<vmem>> -> memref<1x80xi32, #tpu.memory_space<vmem>>
      %dma_start3A_529 = tpu.memref_squeeze %dma_start3A_528 : memref<1x80xi32, #tpu.memory_space<vmem>> -> memref<80xi32, #tpu.memory_space<vmem>>
      %dma_start3A_530 = arith.constant 0 : i32
      %dma_start3A_531 = tpu.memref_slice %arg16[%dma_start3A_530] : memref<10240xf32, #tpu.memory_space<vmem_shared>> -> memref<10240xf32, #tpu.memory_space<vmem_shared>>
      tpu.enqueue_indirect_dma source(%arg15 : memref<80xf32, #tpu.memory_space<vmem>>) target(%dma_start3A_531 : memref<10240xf32, #tpu.memory_space<vmem_shared>>) offsets(%dma_start3A_529 : memref<80xi32, #tpu.memory_space<vmem>>) semaphore(%run_scoped3A_526 : memref<!tpu.dma_semaphore, #tpu.memory_space<semaphore_mem>>) {add = true}
      %dma_wait3A_532 = arith.constant 0 : i32
      %dma_wait3A_533 = tpu.memref_slice %arg10[%run_scoped3A_492, %dma_wait3A_532] : memref<50x80xi32, #tpu.memory_space<vmem>> -> memref<1x80xi32, #tpu.memory_space<vmem>>
      %dma_wait3A_534 = tpu.memref_squeeze %dma_wait3A_533 : memref<1x80xi32, #tpu.memory_space<vmem>> -> memref<80xi32, #tpu.memory_space<vmem>>
      %dma_wait3A_535 = arith.constant 0 : i32
      %dma_wait3A_536 = tpu.memref_slice %arg16[%dma_wait3A_535] : memref<10240xf32, #tpu.memory_space<vmem_shared>> -> memref<10240xf32, #tpu.memory_space<vmem_shared>>
      tpu.wait_indirect_dma semaphore(%run_scoped3A_526 : memref<!tpu.dma_semaphore, #tpu.memory_space<semaphore_mem>>) src(%arg15 : memref<80xf32, #tpu.memory_space<vmem>>) dst(%dma_wait3A_536 : memref<10240xf32, #tpu.memory_space<vmem_shared>>)
      tpu.yield
    }) : () -> ()
    %dma_wait3A_493 = arith.constant 48 : i32
    %dma_wait3A_494 = arith.constant 0 : i32
    %dma_wait3A_495 = tpu.memref_slice %arg9[%dma_wait3A_493, %dma_wait3A_494] : memref<50x80xi32, #tpu.memory_space<vmem>> -> memref<1x80xi32, #tpu.memory_space<vmem>>
    %dma_wait3A_496 = tpu.memref_squeeze %dma_wait3A_495 : memref<1x80xi32, #tpu.memory_space<vmem>> -> memref<80xi32, #tpu.memory_space<vmem>>
    %dma_wait3A_497 = arith.constant 0 : i32
    %dma_wait3A_498 = arith.constant 0 : i32
    %dma_wait3A_499 = tpu.memref_slice %arg2[%dma_wait3A_497, %dma_wait3A_498] : memref<10000x128xf32, #tpu.memory_space<hbm>> -> memref<10000x128xf32, #tpu.memory_space<hbm>>
    tpu.wait_indirect_dma semaphore(%arg17 : memref<!tpu.dma_semaphore, #tpu.memory_space<semaphore_mem>>) src(%dma_wait3A_499 : memref<10000x128xf32, #tpu.memory_space<hbm>>) dst(%arg11 : memref<80x128xf32, #tpu.memory_space<vmem>>)
    %run_scoped3A_500 = arith.constant 48 : i32
    "tpu.region"() ({
      %run_scoped3A_526 = tpu.sem_alloc : memref<!tpu.dma_semaphore, #tpu.memory_space<semaphore_mem>>
      %dma_start3A_527 = arith.constant 0 : i32
      %dma_start3A_528 = tpu.memref_slice %arg10[%run_scoped3A_500, %dma_start3A_527] : memref<50x80xi32, #tpu.memory_space<vmem>> -> memref<1x80xi32, #tpu.memory_space<vmem>>
      %dma_start3A_529 = tpu.memref_squeeze %dma_start3A_528 : memref<1x80xi32, #tpu.memory_space<vmem>> -> memref<80xi32, #tpu.memory_space<vmem>>
      %dma_start3A_530 = arith.constant 0 : i32
      %dma_start3A_531 = arith.constant 0 : i32
      %dma_start3A_532 = tpu.memref_slice %arg14[%dma_start3A_530, %dma_start3A_531] : memref<10112x128xf32, #tpu.memory_space<vmem_shared>> -> memref<10112x128xf32, #tpu.memory_space<vmem_shared>>
      tpu.enqueue_indirect_dma source(%arg11 : memref<80x128xf32, #tpu.memory_space<vmem>>) target(%dma_start3A_532 : memref<10112x128xf32, #tpu.memory_space<vmem_shared>>) offsets(%dma_start3A_529 : memref<80xi32, #tpu.memory_space<vmem>>) semaphore(%run_scoped3A_526 : memref<!tpu.dma_semaphore, #tpu.memory_space<semaphore_mem>>) {add = true}
      %dma_wait3A_533 = arith.constant 0 : i32
      %dma_wait3A_534 = tpu.memref_slice %arg10[%run_scoped3A_500, %dma_wait3A_533] : memref<50x80xi32, #tpu.memory_space<vmem>> -> memref<1x80xi32, #tpu.memory_space<vmem>>
      %dma_wait3A_535 = tpu.memref_squeeze %dma_wait3A_534 : memref<1x80xi32, #tpu.memory_space<vmem>> -> memref<80xi32, #tpu.memory_space<vmem>>
      %dma_wait3A_536 = arith.constant 0 : i32
      %dma_wait3A_537 = arith.constant 0 : i32
      %dma_wait3A_538 = tpu.memref_slice %arg14[%dma_wait3A_536, %dma_wait3A_537] : memref<10112x128xf32, #tpu.memory_space<vmem_shared>> -> memref<10112x128xf32, #tpu.memory_space<vmem_shared>>
      tpu.wait_indirect_dma semaphore(%run_scoped3A_526 : memref<!tpu.dma_semaphore, #tpu.memory_space<semaphore_mem>>) src(%arg11 : memref<80x128xf32, #tpu.memory_space<vmem>>) dst(%dma_wait3A_538 : memref<10112x128xf32, #tpu.memory_space<vmem_shared>>)
      tpu.yield
    }) : () -> ()
    %run_scoped3A_501 = arith.constant 48 : i32
    "tpu.region"() ({
      %run_scoped3A_526 = tpu.sem_alloc : memref<!tpu.dma_semaphore, #tpu.memory_space<semaphore_mem>>
      %dma_start3A_527 = arith.constant 0 : i32
      %dma_start3A_528 = tpu.memref_slice %arg10[%run_scoped3A_501, %dma_start3A_527] : memref<50x80xi32, #tpu.memory_space<vmem>> -> memref<1x80xi32, #tpu.memory_space<vmem>>
      %dma_start3A_529 = tpu.memref_squeeze %dma_start3A_528 : memref<1x80xi32, #tpu.memory_space<vmem>> -> memref<80xi32, #tpu.memory_space<vmem>>
      %dma_start3A_530 = arith.constant 0 : i32
      %dma_start3A_531 = tpu.memref_slice %arg16[%dma_start3A_530] : memref<10240xf32, #tpu.memory_space<vmem_shared>> -> memref<10240xf32, #tpu.memory_space<vmem_shared>>
      tpu.enqueue_indirect_dma source(%arg15 : memref<80xf32, #tpu.memory_space<vmem>>) target(%dma_start3A_531 : memref<10240xf32, #tpu.memory_space<vmem_shared>>) offsets(%dma_start3A_529 : memref<80xi32, #tpu.memory_space<vmem>>) semaphore(%run_scoped3A_526 : memref<!tpu.dma_semaphore, #tpu.memory_space<semaphore_mem>>) {add = true}
      %dma_wait3A_532 = arith.constant 0 : i32
      %dma_wait3A_533 = tpu.memref_slice %arg10[%run_scoped3A_501, %dma_wait3A_532] : memref<50x80xi32, #tpu.memory_space<vmem>> -> memref<1x80xi32, #tpu.memory_space<vmem>>
      %dma_wait3A_534 = tpu.memref_squeeze %dma_wait3A_533 : memref<1x80xi32, #tpu.memory_space<vmem>> -> memref<80xi32, #tpu.memory_space<vmem>>
      %dma_wait3A_535 = arith.constant 0 : i32
      %dma_wait3A_536 = tpu.memref_slice %arg16[%dma_wait3A_535] : memref<10240xf32, #tpu.memory_space<vmem_shared>> -> memref<10240xf32, #tpu.memory_space<vmem_shared>>
      tpu.wait_indirect_dma semaphore(%run_scoped3A_526 : memref<!tpu.dma_semaphore, #tpu.memory_space<semaphore_mem>>) src(%arg15 : memref<80xf32, #tpu.memory_space<vmem>>) dst(%dma_wait3A_536 : memref<10240xf32, #tpu.memory_space<vmem_shared>>)
      tpu.yield
    }) : () -> ()
    %dma_wait3A_502 = arith.constant 49 : i32
    %dma_wait3A_503 = arith.constant 0 : i32
    %dma_wait3A_504 = tpu.memref_slice %arg9[%dma_wait3A_502, %dma_wait3A_503] : memref<50x80xi32, #tpu.memory_space<vmem>> -> memref<1x80xi32, #tpu.memory_space<vmem>>
    %dma_wait3A_505 = tpu.memref_squeeze %dma_wait3A_504 : memref<1x80xi32, #tpu.memory_space<vmem>> -> memref<80xi32, #tpu.memory_space<vmem>>
    %dma_wait3A_506 = arith.constant 0 : i32
    %dma_wait3A_507 = arith.constant 0 : i32
    %dma_wait3A_508 = tpu.memref_slice %arg2[%dma_wait3A_506, %dma_wait3A_507] : memref<10000x128xf32, #tpu.memory_space<hbm>> -> memref<10000x128xf32, #tpu.memory_space<hbm>>
    tpu.wait_indirect_dma semaphore(%arg18 : memref<!tpu.dma_semaphore, #tpu.memory_space<semaphore_mem>>) src(%dma_wait3A_508 : memref<10000x128xf32, #tpu.memory_space<hbm>>) dst(%arg12 : memref<80x128xf32, #tpu.memory_space<vmem>>)
    %run_scoped3A_509 = arith.constant 49 : i32
    "tpu.region"() ({
      %run_scoped3A_526 = tpu.sem_alloc : memref<!tpu.dma_semaphore, #tpu.memory_space<semaphore_mem>>
      %dma_start3A_527 = arith.constant 0 : i32
      %dma_start3A_528 = tpu.memref_slice %arg10[%run_scoped3A_509, %dma_start3A_527] : memref<50x80xi32, #tpu.memory_space<vmem>> -> memref<1x80xi32, #tpu.memory_space<vmem>>
      %dma_start3A_529 = tpu.memref_squeeze %dma_start3A_528 : memref<1x80xi32, #tpu.memory_space<vmem>> -> memref<80xi32, #tpu.memory_space<vmem>>
      %dma_start3A_530 = arith.constant 0 : i32
      %dma_start3A_531 = arith.constant 0 : i32
      %dma_start3A_532 = tpu.memref_slice %arg14[%dma_start3A_530, %dma_start3A_531] : memref<10112x128xf32, #tpu.memory_space<vmem_shared>> -> memref<10112x128xf32, #tpu.memory_space<vmem_shared>>
      tpu.enqueue_indirect_dma source(%arg12 : memref<80x128xf32, #tpu.memory_space<vmem>>) target(%dma_start3A_532 : memref<10112x128xf32, #tpu.memory_space<vmem_shared>>) offsets(%dma_start3A_529 : memref<80xi32, #tpu.memory_space<vmem>>) semaphore(%run_scoped3A_526 : memref<!tpu.dma_semaphore, #tpu.memory_space<semaphore_mem>>) {add = true}
      %dma_wait3A_533 = arith.constant 0 : i32
      %dma_wait3A_534 = tpu.memref_slice %arg10[%run_scoped3A_509, %dma_wait3A_533] : memref<50x80xi32, #tpu.memory_space<vmem>> -> memref<1x80xi32, #tpu.memory_space<vmem>>
      %dma_wait3A_535 = tpu.memref_squeeze %dma_wait3A_534 : memref<1x80xi32, #tpu.memory_space<vmem>> -> memref<80xi32, #tpu.memory_space<vmem>>
      %dma_wait3A_536 = arith.constant 0 : i32
      %dma_wait3A_537 = arith.constant 0 : i32
      %dma_wait3A_538 = tpu.memref_slice %arg14[%dma_wait3A_536, %dma_wait3A_537] : memref<10112x128xf32, #tpu.memory_space<vmem_shared>> -> memref<10112x128xf32, #tpu.memory_space<vmem_shared>>
      tpu.wait_indirect_dma semaphore(%run_scoped3A_526 : memref<!tpu.dma_semaphore, #tpu.memory_space<semaphore_mem>>) src(%arg12 : memref<80x128xf32, #tpu.memory_space<vmem>>) dst(%dma_wait3A_538 : memref<10112x128xf32, #tpu.memory_space<vmem_shared>>)
      tpu.yield
    }) : () -> ()
    %run_scoped3A_510 = arith.constant 49 : i32
    "tpu.region"() ({
      %run_scoped3A_526 = tpu.sem_alloc : memref<!tpu.dma_semaphore, #tpu.memory_space<semaphore_mem>>
      %dma_start3A_527 = arith.constant 0 : i32
      %dma_start3A_528 = tpu.memref_slice %arg10[%run_scoped3A_510, %dma_start3A_527] : memref<50x80xi32, #tpu.memory_space<vmem>> -> memref<1x80xi32, #tpu.memory_space<vmem>>
      %dma_start3A_529 = tpu.memref_squeeze %dma_start3A_528 : memref<1x80xi32, #tpu.memory_space<vmem>> -> memref<80xi32, #tpu.memory_space<vmem>>
      %dma_start3A_530 = arith.constant 0 : i32
      %dma_start3A_531 = tpu.memref_slice %arg16[%dma_start3A_530] : memref<10240xf32, #tpu.memory_space<vmem_shared>> -> memref<10240xf32, #tpu.memory_space<vmem_shared>>
      tpu.enqueue_indirect_dma source(%arg15 : memref<80xf32, #tpu.memory_space<vmem>>) target(%dma_start3A_531 : memref<10240xf32, #tpu.memory_space<vmem_shared>>) offsets(%dma_start3A_529 : memref<80xi32, #tpu.memory_space<vmem>>) semaphore(%run_scoped3A_526 : memref<!tpu.dma_semaphore, #tpu.memory_space<semaphore_mem>>) {add = true}
      %dma_wait3A_532 = arith.constant 0 : i32
      %dma_wait3A_533 = tpu.memref_slice %arg10[%run_scoped3A_510, %dma_wait3A_532] : memref<50x80xi32, #tpu.memory_space<vmem>> -> memref<1x80xi32, #tpu.memory_space<vmem>>
      %dma_wait3A_534 = tpu.memref_squeeze %dma_wait3A_533 : memref<1x80xi32, #tpu.memory_space<vmem>> -> memref<80xi32, #tpu.memory_space<vmem>>
      %dma_wait3A_535 = arith.constant 0 : i32
      %dma_wait3A_536 = tpu.memref_slice %arg16[%dma_wait3A_535] : memref<10240xf32, #tpu.memory_space<vmem_shared>> -> memref<10240xf32, #tpu.memory_space<vmem_shared>>
      tpu.wait_indirect_dma semaphore(%run_scoped3A_526 : memref<!tpu.dma_semaphore, #tpu.memory_space<semaphore_mem>>) src(%arg15 : memref<80xf32, #tpu.memory_space<vmem>>) dst(%dma_wait3A_536 : memref<10240xf32, #tpu.memory_space<vmem_shared>>)
      tpu.yield
    }) : () -> ()
    %barrier3A_511 = arith.constant 0 : index
    tpu.barrier barrier_id(%barrier3A_511)
    %mul3A_512 = arith.constant 632 : i32
    %mul3A_513 = arith.muli %arg1, %mul3A_512 : i32
    %mul3A_514 = arith.constant 10112 : i32
    %mul3A_515 = arith.muli %arg0, %mul3A_514 : i32
    %mul3A_516 = arith.constant 632 : i32
    %mul3A_517 = arith.muli %arg1, %mul3A_516 : i32
    %add3A_518 = arith.addi %mul3A_515, %mul3A_517 : i32
    "tpu.region"() ({
      %run_scoped3A_526 = tpu.sem_alloc : memref<!tpu.dma_semaphore, #tpu.memory_space<semaphore_mem>>
      %dma_start3A_527 = arith.constant 0 : i32
      %dma_start3A_528 = tpu.memref_slice %arg7[%add3A_518, %dma_start3A_527] : memref<20224x128xf32, #tpu.memory_space<hbm>> -> memref<632x128xf32, #tpu.memory_space<hbm>>
      %dma_start3A_529 = arith.constant 0 : i32
      %dma_start3A_530 = tpu.memref_slice %arg14[%mul3A_513, %dma_start3A_529] : memref<10112x128xf32, #tpu.memory_space<vmem_shared>> -> memref<632x128xf32, #tpu.memory_space<vmem_shared>>
      tpu.enqueue_dma source(%dma_start3A_530 : memref<632x128xf32, #tpu.memory_space<vmem_shared>>) target(%dma_start3A_528 : memref<632x128xf32, #tpu.memory_space<hbm>>) target_semaphore(%run_scoped3A_526 : memref<!tpu.dma_semaphore, #tpu.memory_space<semaphore_mem>>)
      %dma_wait3A_531 = arith.constant 0 : i32
      %dma_wait3A_532 = tpu.memref_slice %arg7[%add3A_518, %dma_wait3A_531] : memref<20224x128xf32, #tpu.memory_space<hbm>> -> memref<632x128xf32, #tpu.memory_space<hbm>>
      %dma_wait3A_533 = arith.constant 0 : i32
      %dma_wait3A_534 = tpu.memref_slice %arg14[%mul3A_513, %dma_wait3A_533] : memref<10112x128xf32, #tpu.memory_space<vmem_shared>> -> memref<632x128xf32, #tpu.memory_space<vmem_shared>>
      tpu.wait_dma2 semaphore(%run_scoped3A_526 : memref<!tpu.dma_semaphore, #tpu.memory_space<semaphore_mem>>) src(%dma_wait3A_534 : memref<632x128xf32, #tpu.memory_space<vmem_shared>>) dst(%dma_wait3A_532 : memref<632x128xf32, #tpu.memory_space<hbm>>)
      tpu.yield
    }) : () -> ()
    %mul3A_519 = arith.constant 640 : i32
    %mul3A_520 = arith.muli %arg1, %mul3A_519 : i32
    %mul3A_521 = arith.constant 10240 : i32
    %mul3A_522 = arith.muli %arg0, %mul3A_521 : i32
    %mul3A_523 = arith.constant 640 : i32
    %mul3A_524 = arith.muli %arg1, %mul3A_523 : i32
    %add3A_525 = arith.addi %mul3A_522, %mul3A_524 : i32
    "tpu.region"() ({
      %run_scoped3A_526 = tpu.sem_alloc : memref<!tpu.dma_semaphore, #tpu.memory_space<semaphore_mem>>
      %dma_start3A_527 = tpu.memref_slice %arg8[%add3A_525] : memref<20480xf32, #tpu.memory_space<hbm>> -> memref<640xf32, #tpu.memory_space<hbm>>
      %dma_start3A_528 = tpu.memref_slice %arg16[%mul3A_520] : memref<10240xf32, #tpu.memory_space<vmem_shared>> -> memref<640xf32, #tpu.memory_space<vmem_shared>>
      tpu.enqueue_dma source(%dma_start3A_528 : memref<640xf32, #tpu.memory_space<vmem_shared>>) target(%dma_start3A_527 : memref<640xf32, #tpu.memory_space<hbm>>) target_semaphore(%run_scoped3A_526 : memref<!tpu.dma_semaphore, #tpu.memory_space<semaphore_mem>>)
      %dma_wait3A_529 = tpu.memref_slice %arg8[%add3A_525] : memref<20480xf32, #tpu.memory_space<hbm>> -> memref<640xf32, #tpu.memory_space<hbm>>
      %dma_wait3A_530 = tpu.memref_slice %arg16[%mul3A_520] : memref<10240xf32, #tpu.memory_space<vmem_shared>> -> memref<640xf32, #tpu.memory_space<vmem_shared>>
      tpu.wait_dma2 semaphore(%run_scoped3A_526 : memref<!tpu.dma_semaphore, #tpu.memory_space<semaphore_mem>>) src(%dma_wait3A_530 : memref<640xf32, #tpu.memory_space<vmem_shared>>) dst(%dma_wait3A_529 : memref<640xf32, #tpu.memory_space<hbm>>)
      tpu.yield
    }) : () -> ()
    return
  }
}

</mosaic_0001>

<sc_bundles>
// kernel: _sc_agg.3.cloned.1.call-start
scs
__scs_entry_jumppad:
0x0: {  	(pc) =	sbr.rel $0x88, $3  }
0x1: {  	(tag) =	ssettag $0x0;
	lr =	simm.s32 $0x1  }
0x2: {  	[smem:$0x3F9F] =	sst lr;
	_ =	strace $0xD0000000  }
0x3: {  	_ = 	snop  }
0x4: {  	_ = 	snop  }
0x5: {  	_ = 	snop  }
0x6: {  	_ = 	snop  }
0x7: {  	_ = 	snop  }
__scs_overlays_trampoline_lowered:
0x8: {  	[smem:$0x3FAE] =	sst s0  }
0x9: {  	[smem:$0x3FAF] =	sst s1  }
0xa: {  	[smem:$0x3FB0] =	sst s2  }
0xb: {  	[smem:$0x3FB1] =	sst s3  }
0xc: {  	[smem:$0x3FB2] =	sst s4  }
0xd: {  	[smem:$0x3FB3] =	sst s5  }
0xe: {  	[smem:$0x3FB4] =	sst s6  }
0xf: {  	[smem:$0x3FB5] =	sst s7  }
0x10: {  	[smem:$0x3FB6] =	sst s8  }
0x11: {  	[smem:$0x3FB7] =	sst s9;
	s0 =	simm.s32 @!p0 $0x0  }
0x12: {  	s1 =	sld [smem:$0x3F9D];
	s0 =	simm.s32 @p0 $0x1  }
0x13: {  	[smem:$0x3FB8] =	sst s0;
	s0 =	simm.s32 @!p1 $0x0  }
0x14: {  	s2 =	sld [smem:$0x3F9C];
	s0 =	simm.s32 @p1 $0x1  }
0x15: {  	[smem:$0x3FB9] =	sst s0;
	s0 =	simm.s32 @!p2 $0x0  }
0x16: {  	s3 =	sld [smem:$0x3FDB];
	s0 =	simm.s32 @p2 $0x1  }
0x17: {  	s4 =	simm.s32 $0x1BF5;
	[smem:$0x3FBB] =	sst s0  }
0x18: {  	s0 =	sld [smem:$0x3F9E];
	_ =	swait.ge [sflag:s4], $0x0  }
0x19: {  	s7 =	sld [smem:$0x3F9F]  }
0x1a: {  	s8 =	sadd.s32 $0xFFFFE003, lr  }
0x1b: {  	s9 =	sadd.s32 $0xFFFFFEF7, lr;
	s5 =	simm.s32 $0xFFFFFFFF;
	p2 =	slt.u32 s8, $0xFFFFF086  }
0x1c: {  	p1 =	slt.u32 s9, $0xF7A;
	s5 =	simm.s32 @!p2 $0x0  }
0x1d: {  	s5 =	simm.s32 @p1 $0x1;
	p0 =	seq.s32 s7, s2  }
0x1e: {  	s7 =	smul.u32 @!p0 $0xF7A, s2;
	p2 =	seq.s32 @!p0 s5, $0x0  }
0x1f: {  	s9 =	smul.u32 $0xF7A, s1;
	s8 =	simm.s32 @!p0 $0x1BF5;
	p2 =	por !p2, p0  }
0x20: {  	[sflag:s8] =	ssyncset.s32 @!p0 $0xFFFFF086;
	s6 =	sadd.s32 @!p0 s3, s7;
	s7 =	simm.s32 @!p0 $0x108  }
0x21: {  	s3 =	sadd.s32 s3, s9;
	s6 =	sadd.s32 @!p0 $0x88, s6;
	s7 =	simm.s32 @p2 $0x1082  }
0x22: {  	[simem:s7], [sflag:s8] =	dma.local @!p0 [hbm:s6], $0xF7A  }
0x23: {  	s9 =	sor.u32 $0xD0000000, s2;
	s6 =	simm.s32 $0x108;
	_ =	swait.ge @!p0 [sflag:s8], $0x0  }
0x24: {  	s3 =	sadd.s32 $0x88, s3;
	s6 =	simm.s32 @!p1 $0x1082;
	[sflag:s4] =	ssyncset.s32 $0xFFFFF086  }
0x25: {  	[simem:s6], [sflag:s4] =	dma.local [hbm:s3], $0xF7A  }
0x26: {  	[smem:$0x3F9F] =	sst s1;
	(tag) =	ssettag s2;
	_ =	strace s9  }
0x27: {  	s1 =	sld [smem:$0x3FAF]  }
0x28: {  	s2 =	sld [smem:$0x3FB0]  }
0x29: {  	s4 =	sld [smem:$0x3FB2]  }
0x2a: {  	p0 =	seq.s32 s5, $0x0;
	s5 =	sld [smem:$0x3FB3]  }
0x2b: {  	s6 =	sld [smem:$0x3FB4]  }
0x2c: {  	s7 =	sld [smem:$0x3FB5]  }
0x2d: {  	s3 =	simm.s32 $0x108;
	s8 =	sld [smem:$0x3FB6]  }
0x2e: {  	s3 =	simm.s32 @!p0 $0x1082;
	s9 =	sld [smem:$0x3FB7]  }
0x2f: {  	lr =	sadd.s32 s0, s3;
	s0 =	sld [smem:$0x3FAE]  }
0x30: {  	s3 =	sld [smem:$0x3FB1]  }
0x31: {  	[smem:$0x3FBA] =	sst s10  }
0x32: {  	s10 =	sld [smem:$0x3FB8];
	_ =	sdelay $0x3  }
0x33: {  	p0 =	seq.s32 s10, $0x1;
	s10 =	sld [smem:$0x3FBA];
	_ =	sdelay $0x3  }
0x34: {  	[smem:$0x3FBA] =	sst s10  }
0x35: {  	s10 =	sld [smem:$0x3FB9];
	_ =	sdelay $0x3  }
0x36: {  	p1 =	seq.s32 s10, $0x1;
	s10 =	sld [smem:$0x3FBA];
	_ =	sdelay $0x3  }
0x37: {  	[smem:$0x3FBA] =	sst s10  }
0x38: {  	s10 =	sld [smem:$0x3FBB]  }
0x39: {  	_ = 	snop;
	(pc) =	sbr.ind lr, $3  }
0x3a: {  	_ = 	snop  }
0x3b: {  	_ = 	snop  }
0x3c: {  	p2 =	seq.s32 s10, $0x1;
	s10 =	sld [smem:$0x3FBA]  }
0x3d: {  	_ =	shalt  }
0x3e: {  	_ =	shalt  }
0x3f: {  	_ =	shalt  }
0x40: {  	_ =	shalt  }
0x41: {  	_ =	shalt  }
0x42: {  	_ =	shalt  }
0x43: {  	_ =	shalt  }
0x44: {  	_ =	shalt  }
0x45: {  	_ =	shalt  }
0x46: {  	_ =	shalt  }
0x47: {  	_ =	shalt  }
0x48: {  	_ =	shalt  }
0x49: {  	_ =	shalt  }
0x4a: {  	_ =	shalt  }
0x4b: {  	_ =	shalt  }
0x4c: {  	_ =	shalt  }
0x4d: {  	_ =	shalt  }
0x4e: {  	_ =	shalt  }
0x4f: {  	_ =	shalt  }
0x50: {  	_ =	shalt  }
0x51: {  	_ =	shalt  }
0x52: {  	_ =	shalt  }
0x53: {  	_ =	shalt  }
0x54: {  	_ =	shalt  }
0x55: {  	_ =	shalt  }
0x56: {  	_ =	shalt  }
0x57: {  	_ =	shalt  }
0x58: {  	_ =	shalt  }
0x59: {  	_ =	shalt  }
0x5a: {  	_ =	shalt  }
0x5b: {  	_ =	shalt  }
0x5c: {  	_ =	shalt  }
0x5d: {  	_ =	shalt  }
0x5e: {  	_ =	shalt  }
0x5f: {  	_ =	shalt  }
0x60: {  	_ =	shalt  }
0x61: {  	_ =	shalt  }
0x62: {  	_ =	shalt  }
0x63: {  	_ =	shalt  }
0x64: {  	_ =	shalt  }
0x65: {  	_ =	shalt  }
0x66: {  	_ =	shalt  }
0x67: {  	_ =	shalt  }
0x68: {  	_ =	shalt  }
0x69: {  	_ =	shalt  }
0x6a: {  	_ =	shalt  }
0x6b: {  	_ =	shalt  }
0x6c: {  	_ =	shalt  }
0x6d: {  	_ =	shalt  }
0x6e: {  	_ =	shalt  }
0x6f: {  	_ =	shalt  }
0x70: {  	_ =	shalt  }
0x71: {  	_ =	shalt  }
0x72: {  	_ =	shalt  }
0x73: {  	_ =	shalt  }
0x74: {  	_ =	shalt  }
0x75: {  	_ =	shalt  }
0x76: {  	_ =	shalt  }
0x77: {  	_ =	shalt  }
0x78: {  	_ =	shalt  }
0x79: {  	_ =	shalt  }
0x7a: {  	_ =	shalt  }
0x7b: {  	_ =	shalt  }
0x7c: {  	_ =	shalt  }
0x7d: {  	_ =	shalt  }
0x7e: {  	_ =	shalt  }
0x7f: {  	_ =	shalt  }
0x80: {  	_ =	shalt  }
0x81: {  	_ =	shalt  }
0x82: {  	_ =	shalt  }
0x83: {  	_ =	shalt  }
0x84: {  	_ =	shalt  }
0x85: {  	_ =	shalt  }
0x86: {  	_ =	shalt  }
0x87: {  	_ =	shalt  }
.Lfunc_end0:
.L_simem_size_0:
called_computation_lowered:
.L_overlay_start_0:
0x88: {  	s2 =	sld [smem:$0x3FD9]  }
0x89: {  	s3 =	sld [smem:$0x3FFE];
	_ =	sdelay $0x1  }
0x8a: {  	s1 =	srdreg.scid  }
0x8b: {  	s0 =	sand.u32 $0x1, s1  }
0x8c: {  	s14 =	sshll.u32 s0, $0xA;
	s2 =	sadd.s32 s3, s2  }
0x8d: {  	s2 =	sadd.s32 s2, s14  }
0x8e: {  	[smem:$0x3FC6] =	sst s2  }
0x8f: {  	_ = 	snop  }
0x90: {  	s2 =	sld [smem:$0x3FD0];
	_ =	sdelay $0x2  }
0x91: {  	s4 =	simm.s32 $0xA;
	s5 =	simm.s32 $0x10;
	s15 =	sld [smem:$0x3FC9]  }
0x92: {  	[smem:s5], [sflag:s4] =	dma.local [hbm:s2], $0x1  }
0x93: {  	_ =	swait.eq [sflag:s4], $0x1  }
0x94: {  	[sflag:s4] =	ssyncset.done $0x0  }
0x95: {  	s16 =	sld [smem:$0x10];
	[sflag:s4] =	ssyncadd.s32 $0xFFFFFFFF  }
0x96: {  	s17 =	sld [smem:$0x11];
	(tm) =	ssettm $0x1  }
0x97: {  	s18 =	sld [smem:$0x3FFB];
	_ =	sdelay $0x3  }
0x98: {  	_ =	strace s18  }
0x99: {  	s5 =	sld [smem:$0x3FFC];
	_ =	sdelay $0x3  }
0x9a: {  	_ =	strace s5  }
0x9b: {  	s5 =	sld [smem:$0x3FFD];
	_ =	sdelay $0x3  }
0x9c: {  	_ =	strace s5  }
0x9d: {  	_ =	strace $0x8FFFFFFF  }
0x9e: {  	s19 =	sld [smem:$0x3FDB];
	_ =	sdelay $0x1  }
0x9f: {  	s6 =	simm.s32 $_scs_section_size  }
0xa0: {  	s7 =	simm.s32 $_size__tile_overlayer_lowered;
	s8 =	simm.s32 $_tile_overlayer_lowered  }
0xa1: {  	s22 =	simm.s32 $0x1BFF;
	s21 =	sshll.u32 s8, $0x1;
	s5 =	sadd.s32 s6, s19  }
0xa2: {  	s9 =	simm.s32 $0x0;
	s20 =	sshll.u32 s7, $0x1;
	s7 =	sadd.s32 s21, s5  }
0xa3: {  	[timem:s9], [sflag:s22] =	dma.local [hbm:s7], s20  }
0xa4: {  	_ =	swait.ge [sflag:s22], s20  }
0xa5: {  	s6 =	ssub.s32 $0x0, s20;
	[sflag:s22] =	ssyncset.done $0x0  }
0xa6: {  	[sflag:s22] =	ssyncadd.s32 s6;
	_ =	sdelay $0x1  }
0xa7: {  	s23 =	simm.s32 $0x1B8B  }
0xa8: {  	_ =	swait.ge [sflag:s23], $0x1  }
0xa9: {  	[sflag:s23] =	ssyncset.done $0x0  }
0xaa: {  	s25 =	simm.s32 $0x1B8E;
	s24 =	sld [smem:$0x3FFE];
	[sflag:s23] =	ssyncadd.s32 $0xFFFFFFFF  }
0xab: {  	s26 =	simm.s32 $execute0_lowered;
	[smem:$0x3FD2] =	sst s25  }
0xac: {  	s7 =	sshll.u32 s26, $0x1;
	_ =	strace $0x80000046;
	[dreg:$0x1] =	wrdreg $0xFFFFFFFF  }
0xad: {  	s28 =	simm.s32 $_size_execute0_lowered;
	s5 =	sadd.s32 s5, s7;
	[dreg:$0x0] =	wrdreg $0x0  }
0xae: {  	s7 =	sshll.u32 s28, $0x1;
	[dreg:$0x2] =	wrdreg s5  }
0xaf: {  	[dreg:$0x3] =	wrdreg s7  }
0xb0: {  	[dreg:$0x4] =	wrdreg $0xC0  }
0xb1: {  	_ =	task [dreg:s9], $0x5FFFF  }
0xb2: {  	[dreg:$0x1] =	wrdreg $0xFFFFFFFF  }
0xb3: {  	[dreg:$0x0] =	wrdreg $0x60  }
0xb4: {  	[dreg:$0x2] =	wrdreg s15  }
0xb5: {  	[dreg:$0x3] =	wrdreg s24  }
0xb6: {  	[dreg:$0x4] =	wrdreg s16  }
0xb7: {  	[dreg:$0x5] =	wrdreg s17  }
0xb8: {  	[dreg:$0x6] =	wrdreg $0xB0000  }
0xb9: {  	[dreg:$0x7] =	wrdreg $0x1EC800  }
0xba: {  	[dreg:$0x8] =	wrdreg $0x9  }
0xbb: {  	_ =	task.clear_ibuf [dreg:s9], $0x9FFFF;
	_ =	strace $0x90000046  }
0xbc: {  	s29 =	simm.s32 $0x9;
	_ =	strace $0x80000048  }
0xbd: {  	_ =	swait.ge [sflag:s29], $0x1  }
0xbe: {  	[sflag:s29] =	ssyncadd.s32 $0xFFFFFFFF  }
0xbf: {  	_ =	strace $0x90000048  }
0xc0: {  	_ =	sfence  }
0xc1: {  	s30 =	sld [smem:$0x0];
	_ =	sdelay $0x2  }
0xc2: {  	s31 =	sshll.u32 s1, $0xD;
	s1 =	sshrl.u32 s1, $0x2  }
0xc3: {  	s3 =	sand.u32 $0x4000, s31;
	s1 =	sadd.s32 s1, s30  }
0xc4: {  	s0 =	sor.u32 s3, s0;
	s1 =	sshll.u32 s1, $0x11  }
0xc5: {  	s0 =	sor.u32 s1, s0  }
0xc6: {  	s0 =	sadd.s32 $0x8F2B, s0  }
0xc7: {  	[sflag:s0] =	ssyncadd.remote.s32 $0x1  }
0xc8: {  	_ =	sfence.sel $0xFFFF  }
0xc9: {  	[dreg:$0x0] =	wrdreg $0xFFFFFFFF;
	(pc) =	sbr.abs _section_cstart, $3  }
0xca: {  	[dreg:$0x1] =	wrdreg $0xFFFFFFFF  }
0xcb: {  	_ =	task.clear_ibuf [dreg:s9], $0x2FFFF;
	_ =	strace $0x9FFFFFFF  }
0xcc: {  	(tm) =	ssettm $0x7FFFFFFF  }
0xcd: {  	_ =	shalt  }
tec
execute0_lowered:
.L_overlay_start_1:
0x0: {  	(tag) =	ssettag $0x1  }
0x1: {  	s0 =	rddreg [dreg:$0x0]  }
0x2: {  	s1 =	rddreg [dreg:$0x1]  }
0x3: {  	s2 =	rddreg [dreg:$0x2]  }
0x4: {  	s6 =	rddreg [dreg:$0x3]  }
0x5: {  	s3 =	rddreg [dreg:$0x4]  }
0x6: {  	s4 =	rddreg [dreg:$0x5];
	s17 =	stileid.u32  }
0x7: {  	s5 =	simm.s32 $0x0;
	s9 =	srdreg.scid;
	s28 =	simm.s32 $0x1C00  }
0x8: {  	s29 =	simm.s32 $0x50;
	s30 =	simm.s32 $0x3800;
	s7 =	smul.u32 $0x2780, s17  }
0x9: {  	s31 =	simm.s32 $0x80;
	[smem:$0x7FF] =	sst s5;
	s8 =	smul.u32 $0x280, s17  }
0xa: {  	s10 =	sadd.s32 $0x600, s1;
	s13 =	sand.u32 $0x1, s9;
	s25 =	smul.u32 $0x4F000, s17  }
0xb: {  	s21 =	sshll.u32 s17, $0x6;
	_ =	strace $0x80000047;
	s14 =	sshll.u32 s13, $0x4  }
0xc: {  	s26 =	ssub.s32 $0x2, s13;
	s11 =	sadd.s32 s7, s1;
	s15 =	ssub.s32 s17, s14  }
0xd: {  	s12 =	sshrl.u32 s8, $0x3;
	s18 =	sor.u32 s17, s14;
	s15 =	smul.u32 $0x8C00, s15  }
0xe: {  	s16 =	sshrl.u32 s26, $0x1;
	s9 =	sshrl.u32 s25, $0x2;
	s19 =	smul.u32 $0x1180, s18  }
0xf: {  	s12 =	sadd.s32 s12, s1;
	s1 =	sadd.s32 $0x23600, s1;
	s22 =	smul.u32 $0x8C00, s18  }
0x10: {  	s9 =	sadd.s32 s9, s3;
	s18 =	smul.u32 $0x27800, s13;
	[dreg:$0x7] =	wrdreg s1  }
0x11: {  	s11 =	sadd.s32 $0x23E00, s11;
	s13 =	smul.u32 $0x2800, s13;
	[dreg:$0x8] =	wrdreg s9  }
0x12: {  	s1 =	ssub.s32 s26, s16;
	[dreg:$0x9] =	wrdreg s11;
	s9 =	sor.u32 $0x1C04, s21  }
0x13: {  	s21 =	sadd.s32 $0x23800, s12;
	s12 =	simm.s32 $0x1800;
	s20 =	sadd.s32 $0x8C000, s15  }
0x14: {  	s11 =	sadd.s32 s10, s19;
	s24 =	sshrl.u32 s22, $0x3;
	s25 =	sadd.s32 $0x8DC00, s15  }
0x15: {  	s26 =	sadd.s32 $0x8F800, s15;
	s17 =	sadd.s32 $0x91400, s15;
	s15 =	sadd.s32 $0x93000, s15  }
0x16: {  	[dreg:$0x11] =	wrdreg s21;
	s7 =	sadd.s32 s7, s18;
	s18 =	simm.s32 $0x0  }
0x17: {  	s14 =	sshrl.u32 s20, $0x3;
	[dreg:$0xa] =	wrdreg s11;
	s11 =	sadd.s32 s10, s24  }
0x18: {  	s16 =	sshrl.u32 s26, $0x3;
	s19 =	sshrl.u32 s15, $0x3;
	s20 =	sadd.s32 s8, s4  }
0x19: {  	s8 =	sadd.s32 s8, s13;
	s2 =	sadd.s32 s2, s7;
	s7 =	simm.s32 $0x1  }
0x1a: {  	s13 =	simm.s32 $0x3300;
	s15 =	simm.s32 $0x3380;
	[dreg:$0x10] =	wrdreg s20  }
0x1b: {  	s23 =	sadd.s32 s10, s14;
	s14 =	sshrl.u32 s25, $0x3;
	[dreg:$0x14] =	wrdreg s2  }
0x1c: {  	s16 =	sadd.s32 s10, s16;
	s22 =	sadd.s32 $0x380, s11;
	[dreg:$0xb] =	wrdreg s23  }
0x1d: {  	s24 =	sshrl.u32 s8, $0x3;
	s25 =	sadd.s32 $0xA80, s11;
	[dreg:$0xd] =	wrdreg s16  }
0x1e: {  	s26 =	sadd.s32 $0xE00, s11;
	s8 =	simm.s32 $0x2;
	[dreg:$0x12] =	wrdreg s22  }
0x1f: {  	s14 =	sadd.s32 s10, s14;
	s23 =	sadd.s32 $0x700, s11;
	[dreg:$0x15] =	wrdreg s25  }
0x20: {  	[dreg:$0x16] =	wrdreg s26;
	s2 =	sadd.s32 s6, s24;
	s24 =	smax.u32 s1, $0x1  }
0x21: {  	s25 =	simm.s32 $0x4;
	s26 =	simm.s32 $0x1EC00;
	s1 =	simm.s32 $0x6000  }
0x22: {  	s6 =	simm.s32 $0x8800;
	s11 =	simm.s32 $0x3280;
	[dreg:$0xc] =	wrdreg s14  }
0x23: {  	s16 =	simm.s32 $0x3400;
	s14 =	sshrl.u32 s17, $0x3;
	[dreg:$0x13] =	wrdreg s23  }
0x24: {  	[dreg:$0x17] =	wrdreg s2;
	s2 =	simm.s32 $0x100;
	s14 =	sadd.s32 s10, s14  }
0x25: {  	s17 =	simm.s32 $0x3480;
	s10 =	sadd.s32 s10, s19;
	[dreg:$0xe] =	wrdreg s14  }
0x26: {  	[dreg:$0xf] =	wrdreg s10;
	s10 =	simm.s32 $0x3;
	s14 =	simm.s32 $0x1880  }
.LBB2_1:
0x27: {  	s19 =	rddreg [dreg:$0x8]  }
0x28: {  	s20 =	rddreg [dreg:$0x9];
	s19 =	sshrl.u32 s19, $0x3  }
0x29: {  	[spmem:s19], [sflag:s9] =	dma.local [hbm:s20], $0x2780  }
0x2a: {  	_ =	swait.ge [sflag:s25], $0x2780  }
0x2b: {  	[sflag:s25] =	ssyncset.done $0x0;
	s21 =	rddreg [dreg:$0x10]  }
0x2c: {  	[sflag:s25] =	ssyncadd.s32 $0xFFFFD880;
	s20 =	sshrl.u32 s21, $0x3;
	s21 =	rddreg [dreg:$0x11]  }
0x2d: {  	[spmem:s20], [sflag:s9] =	dma.local [hbm:s21], $0x50  }
0x2e: {  	_ =	swait.ge [sflag:s25], $0x50  }
0x2f: {  	[sflag:s25] =	ssyncset.done $0x0  }
0x30: {  	s22 =	rddreg [dreg:$0x7];
	[sflag:s25] =	ssyncadd.s32 $0xFFFFFFB0  }
0x31: {  	[tilespmem:s26], [sflag:$0x4] =	stream.linear.gather [hbm4b:s22+s5], $0x80, $0x38;
	[tilespmem:$0x1EF00] =	vst v63  }
0x32: {  	_ =	swait.ge [sflag:s25], $0x80  }
0x33: {  	[sflag:s25] =	ssyncset.done $0x0  }
0x34: {  	[sflag:s25] =	ssyncadd.s32 $0xFFFFFF80  }
0x35: {  	[bflag:$0x0] =	sbarrier.arrive $0xFFFF  }
0x36: {  	s23 =	rddreg [dreg:$0xa]  }
0x37: {  	[tilespmem:s5], [sflag:$0x4] =	stream.linear.gather [hbm4b:s23+s5], $0x1900, $0x38;
	[tilespmem:$0x1EF00] =	vst v63  }
0x38: {  	_ =	swait.ge [sflag:s25], $0x1900  }
0x39: {  	[sflag:s25] =	ssyncset.done $0x0  }
0x3a: {  	s22 =	rddreg [dreg:$0xb];
	[sflag:s25] =	ssyncadd.s32 $0xFFFFE700  }
0x3b: {  	[tilespmem:s28], [sflag:$0x4] =	stream.linear.gather [hbm4b:s22+s5], $0x1900, $0x38;
	[tilespmem:$0x1EF00] =	vst v63  }
0x3c: {  	_ =	swait.ge [sflag:s25], $0x1900  }
0x3d: {  	[sflag:s25] =	ssyncset.done $0x0  }
0x3e: {  	[sflag:s25] =	ssyncadd.s32 $0xFFFFE700  }
0x3f: {  	[tilespmem:s30], [sflag:$0x1] =	stream.indirect.gather [hbm4b:s0+s29], $0x80, s5, s29, $0xb8;
	[tilespmem:$0x1EF00] =	vst v63  }
0x40: {  	_ = 	snop  }
0x41: {  	[tilespmem:s1], [sflag:$0x2] =	stream.indirect.gather [hbm4b:s0+s29], $0x80, s31, s29, $0xb8;
	[tilespmem:$0x1EF00] =	vst v63  }
0x42: {  	_ = 	snop  }
0x43: {  	[tilespmem:s6], [sflag:$0x3] =	stream.indirect.gather [hbm4b:s0+s29], $0x80, s2, s29, $0xb8;
	[tilespmem:$0x1EF00] =	vst v63  }
0x44: {  	_ =	swait.ge [sflag:s7], $0x2800  }
0x45: {  	[sflag:s7] =	ssyncset.done $0x0  }
0x46: {  	s23 =	simm.s32 $0x1C00;
	[sflag:s7] =	ssyncadd.s32 $0xFFFFD800  }
0x47: {  	[spmem:s3] =	stream.indirect.scatter.add.f32 [tilespmem:s30], [sflag:$0x4], $0x80, s23, s29, $0xb8;
	[tilespmem:$0x1EF00] =	vst v63  }
0x48: {  	_ =	swait.ge [sflag:s25], $0x2800  }
0x49: {  	[sflag:s25] =	ssyncset.done $0x0  }
0x4a: {  	[sflag:s25] =	ssyncadd.s32 $0xFFFFD800  }
0x4b: {  	[spmem:s4] =	stream.indirect.scatter.add.f32 [tilespmem:s26], [sflag:$0x4], $0x1, s23, s29, $0xb8;
	[tilespmem:$0x1EF00] =	vst v63  }
0x4c: {  	_ =	swait.ge [sflag:s25], $0x50  }
0x4d: {  	[sflag:s25] =	ssyncset.done $0x0  }
0x4e: {  	s22 =	simm.s32 $0x180;
	[sflag:s25] =	ssyncadd.s32 $0xFFFFFFB0  }
0x4f: {  	[tilespmem:s30], [sflag:$0x1] =	stream.indirect.gather [hbm4b:s0+s29], $0x80, s22, s29, $0xb8;
	[tilespmem:$0x1EF00] =	vst v63  }
0x50: {  	_ =	swait.ge [sflag:s8], $0x2800  }
0x51: {  	[sflag:s8] =	ssyncset.done $0x0  }
0x52: {  	s23 =	simm.s32 $0x1C80;
	[sflag:s8] =	ssyncadd.s32 $0xFFFFD800  }
0x53: {  	[spmem:s3] =	stream.indirect.scatter.add.f32 [tilespmem:s1], [sflag:$0x4], $0x80, s23, s29, $0xb8;
	[tilespmem:$0x1EF00] =	vst v63  }
0x54: {  	_ =	swait.ge [sflag:s25], $0x2800  }
0x55: {  	[sflag:s25] =	ssyncset.done $0x0  }
0x56: {  	[sflag:s25] =	ssyncadd.s32 $0xFFFFD800  }
0x57: {  	[spmem:s4] =	stream.indirect.scatter.add.f32 [tilespmem:s26], [sflag:$0x4], $0x1, s23, s29, $0xb8;
	[tilespmem:$0x1EF00] =	vst v63  }
0x58: {  	_ =	swait.ge [sflag:s25], $0x50  }
0x59: {  	[sflag:s25] =	ssyncset.done $0x0  }
0x5a: {  	s22 =	simm.s32 $0x200;
	[sflag:s25] =	ssyncadd.s32 $0xFFFFFFB0  }
0x5b: {  	[tilespmem:s1], [sflag:$0x2] =	stream.indirect.gather [hbm4b:s0+s29], $0x80, s22, s29, $0xb8;
	[tilespmem:$0x1EF00] =	vst v63  }
0x5c: {  	_ =	swait.ge [sflag:s10], $0x2800  }
0x5d: {  	[sflag:s10] =	ssyncset.done $0x0  }
0x5e: {  	s23 =	simm.s32 $0x1D00;
	[sflag:s10] =	ssyncadd.s32 $0xFFFFD800  }
0x5f: {  	[spmem:s3] =	stream.indirect.scatter.add.f32 [tilespmem:s6], [sflag:$0x4], $0x80, s23, s29, $0xb8;
	[tilespmem:$0x1EF00] =	vst v63  }
0x60: {  	_ =	swait.ge [sflag:s25], $0x2800  }
0x61: {  	[sflag:s25] =	ssyncset.done $0x0  }
0x62: {  	[sflag:s25] =	ssyncadd.s32 $0xFFFFD800  }
0x63: {  	[spmem:s4] =	stream.indirect.scatter.add.f32 [tilespmem:s26], [sflag:$0x4], $0x1, s23, s29, $0xb8;
	[tilespmem:$0x1EF00] =	vst v63  }
0x64: {  	_ =	swait.ge [sflag:s25], $0x50  }
0x65: {  	[sflag:s25] =	ssyncset.done $0x0  }
0x66: {  	s21 =	simm.s32 $0x600;
	s22 =	simm.s32 $0x280;
	[sflag:s25] =	ssyncadd.s32 $0xFFFFFFB0  }
.LBB2_2:
0x67: {  	[tilespmem:s6], [sflag:$0x3] =	stream.indirect.gather [hbm4b:s0+s29], $0x80, s22, s29, $0xb8;
	[tilespmem:$0x1EF00] =	vst v63  }
0x68: {  	s22 =	smov.u32 s21  }
0x69: {  	p0 =	sne.s32 s21, $0x5400;
	s21 =	sadd.s32 $0x600, s21;
	_ =	swait.ge [sflag:s7], $0x2800  }
0x6a: {  	s22 =	sshra.s32 s22, $0x2;
	[sflag:s7] =	ssyncset.done $0x0  }
0x6b: {  	s23 =	sadd.s32 $0x1C00, s22;
	[sflag:s7] =	ssyncadd.s32 $0xFFFFD800  }
0x6c: {  	[spmem:s3] =	stream.indirect.scatter.add.f32 [tilespmem:s30], [sflag:$0x4], $0x80, s23, s29, $0xb8;
	[tilespmem:$0x1EF00] =	vst v63  }
0x6d: {  	_ =	swait.ge [sflag:s25], $0x2800  }
0x6e: {  	[sflag:s25] =	ssyncset.done $0x0  }
0x6f: {  	[sflag:s25] =	ssyncadd.s32 $0xFFFFD800  }
0x70: {  	[spmem:s4] =	stream.indirect.scatter.add.f32 [tilespmem:s26], [sflag:$0x4], $0x1, s23, s29, $0xb8;
	[tilespmem:$0x1EF00] =	vst v63  }
0x71: {  	_ =	swait.ge [sflag:s25], $0x50  }
0x72: {  	[sflag:s25] =	ssyncset.done $0x0  }
0x73: {  	s23 =	sadd.s32 $0x180, s22;
	[sflag:s25] =	ssyncadd.s32 $0xFFFFFFB0  }
0x74: {  	[tilespmem:s30], [sflag:$0x1] =	stream.indirect.gather [hbm4b:s0+s29], $0x80, s23, s29, $0xb8;
	[tilespmem:$0x1EF00] =	vst v63  }
0x75: {  	_ =	swait.ge [sflag:s8], $0x2800  }
0x76: {  	[sflag:s8] =	ssyncset.done $0x0  }
0x77: {  	s23 =	sadd.s32 $0x1C80, s22;
	[sflag:s8] =	ssyncadd.s32 $0xFFFFD800  }
0x78: {  	[spmem:s3] =	stream.indirect.scatter.add.f32 [tilespmem:s1], [sflag:$0x4], $0x80, s23, s29, $0xb8;
	[tilespmem:$0x1EF00] =	vst v63  }
0x79: {  	_ =	swait.ge [sflag:s25], $0x2800  }
0x7a: {  	[sflag:s25] =	ssyncset.done $0x0  }
0x7b: {  	[sflag:s25] =	ssyncadd.s32 $0xFFFFD800  }
0x7c: {  	[spmem:s4] =	stream.indirect.scatter.add.f32 [tilespmem:s26], [sflag:$0x4], $0x1, s23, s29, $0xb8;
	[tilespmem:$0x1EF00] =	vst v63  }
0x7d: {  	_ =	swait.ge [sflag:s25], $0x50  }
0x7e: {  	[sflag:s25] =	ssyncset.done $0x0  }
0x7f: {  	s23 =	sadd.s32 $0x200, s22;
	[sflag:s25] =	ssyncadd.s32 $0xFFFFFFB0  }
0x80: {  	[tilespmem:s1], [sflag:$0x2] =	stream.indirect.gather [hbm4b:s0+s29], $0x80, s23, s29, $0xb8;
	[tilespmem:$0x1EF00] =	vst v63  }
0x81: {  	_ =	swait.ge [sflag:s10], $0x2800  }
0x82: {  	[sflag:s10] =	ssyncset.done $0x0  }
0x83: {  	s23 =	sadd.s32 $0x1D00, s22;
	[sflag:s10] =	ssyncadd.s32 $0xFFFFD800  }
0x84: {  	[spmem:s3] =	stream.indirect.scatter.add.f32 [tilespmem:s6], [sflag:$0x4], $0x80, s23, s29, $0xb8;
	[tilespmem:$0x1EF00] =	vst v63  }
0x85: {  	_ =	swait.ge [sflag:s25], $0x2800  }
0x86: {  	[sflag:s25] =	ssyncset.done $0x0  }
.Ltmp0:
0x87: {  	[sflag:s25] =	ssyncadd.s32 $0xFFFFD800;
	(pc) =	sbr.rel @p0 .LBB2_2-.Ltmp0, $4  }
0x88: {  	[spmem:s4] =	stream.indirect.scatter.add.f32 [tilespmem:s26], [sflag:$0x4], $0x1, s23, s29, $0xb8;
	[tilespmem:$0x1EF00] =	vst v63  }
0x89: {  	_ =	swait.ge [sflag:s25], $0x50  }
0x8a: {  	[sflag:s25] =	ssyncset.done $0x0  }
0x8b: {  	s22 =	sadd.s32 $0x280, s22;
	[sflag:s25] =	ssyncadd.s32 $0xFFFFFFB0  }
0x8c: {  	[tilespmem:s6], [sflag:$0x3] =	stream.indirect.gather [hbm4b:s0+s29], $0x80, s22, s29, $0xb8;
	[tilespmem:$0x1EF00] =	vst v63  }
0x8d: {  	_ =	swait.ge [sflag:s7], $0x2800  }
0x8e: {  	[sflag:s7] =	ssyncset.done $0x0  }
0x8f: {  	[sflag:s7] =	ssyncadd.s32 $0xFFFFD800  }
0x90: {  	[spmem:s3] =	stream.indirect.scatter.add.f32 [tilespmem:s30], [sflag:$0x4], $0x80, s11, s29, $0xb8;
	[tilespmem:$0x1EF00] =	vst v63  }
0x91: {  	_ =	swait.ge [sflag:s25], $0x2800  }
0x92: {  	[sflag:s25] =	ssyncset.done $0x0  }
0x93: {  	[sflag:s25] =	ssyncadd.s32 $0xFFFFD800  }
0x94: {  	[spmem:s4] =	stream.indirect.scatter.add.f32 [tilespmem:s26], [sflag:$0x4], $0x1, s11, s29, $0xb8;
	[tilespmem:$0x1EF00] =	vst v63  }
0x95: {  	_ =	swait.ge [sflag:s25], $0x50  }
0x96: {  	[sflag:s25] =	ssyncset.done $0x0  }
0x97: {  	[sflag:s25] =	ssyncadd.s32 $0xFFFFFFB0  }
0x98: {  	[tilespmem:s30], [sflag:$0x1] =	stream.indirect.gather [hbm4b:s0+s29], $0x80, s12, s29, $0xb8;
	[tilespmem:$0x1EF00] =	vst v63  }
0x99: {  	_ =	swait.ge [sflag:s8], $0x2800  }
0x9a: {  	[sflag:s8] =	ssyncset.done $0x0  }
0x9b: {  	[sflag:s8] =	ssyncadd.s32 $0xFFFFD800  }
0x9c: {  	[spmem:s3] =	stream.indirect.scatter.add.f32 [tilespmem:s1], [sflag:$0x4], $0x80, s13, s29, $0xb8;
	[tilespmem:$0x1EF00] =	vst v63  }
0x9d: {  	_ =	swait.ge [sflag:s25], $0x2800  }
0x9e: {  	[sflag:s25] =	ssyncset.done $0x0  }
0x9f: {  	[sflag:s25] =	ssyncadd.s32 $0xFFFFD800  }
0xa0: {  	[spmem:s4] =	stream.indirect.scatter.add.f32 [tilespmem:s26], [sflag:$0x4], $0x1, s13, s29, $0xb8;
	[tilespmem:$0x1EF00] =	vst v63  }
0xa1: {  	_ =	swait.ge [sflag:s25], $0x50  }
0xa2: {  	[sflag:s25] =	ssyncset.done $0x0  }
0xa3: {  	[sflag:s25] =	ssyncadd.s32 $0xFFFFFFB0  }
0xa4: {  	[tilespmem:s1], [sflag:$0x2] =	stream.indirect.gather [hbm4b:s0+s29], $0x80, s14, s29, $0xb8;
	[tilespmem:$0x1EF00] =	vst v63  }
0xa5: {  	_ =	swait.ge [sflag:s10], $0x2800  }
0xa6: {  	[sflag:s10] =	ssyncset.done $0x0  }
0xa7: {  	[sflag:s10] =	ssyncadd.s32 $0xFFFFD800  }
0xa8: {  	[spmem:s3] =	stream.indirect.scatter.add.f32 [tilespmem:s6], [sflag:$0x4], $0x80, s15, s29, $0xb8;
	[tilespmem:$0x1EF00] =	vst v63  }
0xa9: {  	_ =	swait.ge [sflag:s25], $0x2800  }
0xaa: {  	[sflag:s25] =	ssyncset.done $0x0  }
0xab: {  	[sflag:s25] =	ssyncadd.s32 $0xFFFFD800  }
0xac: {  	[spmem:s4] =	stream.indirect.scatter.add.f32 [tilespmem:s26], [sflag:$0x4], $0x1, s15, s29, $0xb8;
	[tilespmem:$0x1EF00] =	vst v63  }
0xad: {  	_ =	swait.ge [sflag:s25], $0x50  }
0xae: {  	[sflag:s25] =	ssyncset.done $0x0  }
0xaf: {  	[sflag:s25] =	ssyncadd.s32 $0xFFFFFFB0  }
0xb0: {  	_ =	swait.ge [sflag:s7], $0x2800  }
0xb1: {  	[sflag:s7] =	ssyncset.done $0x0  }
0xb2: {  	[sflag:s7] =	ssyncadd.s32 $0xFFFFD800  }
0xb3: {  	[spmem:s3] =	stream.indirect.scatter.add.f32 [tilespmem:s30], [sflag:$0x4], $0x80, s16, s29, $0xb8;
	[tilespmem:$0x1EF00] =	vst v63  }
0xb4: {  	_ =	swait.ge [sflag:s25], $0x2800  }
0xb5: {  	[sflag:s25] =	ssyncset.done $0x0  }
0xb6: {  	[sflag:s25] =	ssyncadd.s32 $0xFFFFD800  }
0xb7: {  	[spmem:s4] =	stream.indirect.scatter.add.f32 [tilespmem:s26], [sflag:$0x4], $0x1, s16, s29, $0xb8;
	[tilespmem:$0x1EF00] =	vst v63  }
0xb8: {  	_ =	swait.ge [sflag:s25], $0x50  }
0xb9: {  	[sflag:s25] =	ssyncset.done $0x0  }
0xba: {  	[sflag:s25] =	ssyncadd.s32 $0xFFFFFFB0  }
0xbb: {  	_ =	swait.ge [sflag:s8], $0x2800  }
0xbc: {  	[sflag:s8] =	ssyncset.done $0x0  }
0xbd: {  	[sflag:s8] =	ssyncadd.s32 $0xFFFFD800  }
0xbe: {  	[spmem:s3] =	stream.indirect.scatter.add.f32 [tilespmem:s1], [sflag:$0x4], $0x80, s17, s29, $0xb8;
	[tilespmem:$0x1EF00] =	vst v63  }
0xbf: {  	_ =	swait.ge [sflag:s25], $0x2800  }
0xc0: {  	[sflag:s25] =	ssyncset.done $0x0  }
0xc1: {  	[sflag:s25] =	ssyncadd.s32 $0xFFFFD800  }
0xc2: {  	[spmem:s4] =	stream.indirect.scatter.add.f32 [tilespmem:s26], [sflag:$0x4], $0x1, s17, s29, $0xb8;
	[tilespmem:$0x1EF00] =	vst v63  }
0xc3: {  	_ =	swait.ge [sflag:s25], $0x50  }
0xc4: {  	[sflag:s25] =	ssyncset.done $0x0  }
0xc5: {  	s21 =	simm.s32 $0x0;
	s23 =	rddreg [dreg:$0x12];
	[sflag:s25] =	ssyncadd.s32 $0xFFFFFFB0  }
0xc6: {  	[tilespmem:s21], [sflag:$0x4] =	stream.linear.gather [hbm4b:s23+s21], $0x1900, $0x38;
	[tilespmem:$0x1EF00] =	vst v63  }
0xc7: {  	_ =	swait.ge [sflag:s25], $0x1900  }
0xc8: {  	[sflag:s25] =	ssyncset.done $0x0  }
0xc9: {  	s23 =	rddreg [dreg:$0xc];
	[sflag:s25] =	ssyncadd.s32 $0xFFFFE700  }
0xca: {  	[tilespmem:s28], [sflag:$0x4] =	stream.linear.gather [hbm4b:s23+s21], $0x1900, $0x38;
	[tilespmem:$0x1EF00] =	vst v63  }
0xcb: {  	_ =	swait.ge [sflag:s25], $0x1900  }
0xcc: {  	[sflag:s25] =	ssyncset.done $0x0  }
0xcd: {  	[sflag:s25] =	ssyncadd.s32 $0xFFFFE700  }
0xce: {  	[tilespmem:s30], [sflag:$0x1] =	stream.indirect.gather [hbm4b:s0+s29], $0x80, s21, s29, $0xb8;
	[tilespmem:$0x1EF00] =	vst v63  }
0xcf: {  	_ = 	snop  }
0xd0: {  	[tilespmem:s1], [sflag:$0x2] =	stream.indirect.gather [hbm4b:s0+s29], $0x80, s31, s29, $0xb8;
	[tilespmem:$0x1EF00] =	vst v63  }
0xd1: {  	_ = 	snop  }
0xd2: {  	[tilespmem:s6], [sflag:$0x3] =	stream.indirect.gather [hbm4b:s0+s29], $0x80, s2, s29, $0xb8;
	[tilespmem:$0x1EF00] =	vst v63  }
0xd3: {  	_ =	swait.ge [sflag:s7], $0x2800  }
0xd4: {  	[sflag:s7] =	ssyncset.done $0x0  }
0xd5: {  	s23 =	simm.s32 $0x1C00;
	[sflag:s7] =	ssyncadd.s32 $0xFFFFD800  }
0xd6: {  	[spmem:s3] =	stream.indirect.scatter.add.f32 [tilespmem:s30], [sflag:$0x4], $0x80, s23, s29, $0xb8;
	[tilespmem:$0x1EF00] =	vst v63  }
0xd7: {  	_ =	swait.ge [sflag:s25], $0x2800  }
0xd8: {  	[sflag:s25] =	ssyncset.done $0x0  }
0xd9: {  	[sflag:s25] =	ssyncadd.s32 $0xFFFFD800  }
0xda: {  	[spmem:s4] =	stream.indirect.scatter.add.f32 [tilespmem:s26], [sflag:$0x4], $0x1, s23, s29, $0xb8;
	[tilespmem:$0x1EF00] =	vst v63  }
0xdb: {  	_ =	swait.ge [sflag:s25], $0x50  }
0xdc: {  	[sflag:s25] =	ssyncset.done $0x0  }
0xdd: {  	s22 =	simm.s32 $0x180;
	[sflag:s25] =	ssyncadd.s32 $0xFFFFFFB0  }
0xde: {  	[tilespmem:s30], [sflag:$0x1] =	stream.indirect.gather [hbm4b:s0+s29], $0x80, s22, s29, $0xb8;
	[tilespmem:$0x1EF00] =	vst v63  }
0xdf: {  	_ =	swait.ge [sflag:s8], $0x2800  }
0xe0: {  	[sflag:s8] =	ssyncset.done $0x0  }
0xe1: {  	s23 =	simm.s32 $0x1C80;
	[sflag:s8] =	ssyncadd.s32 $0xFFFFD800  }
0xe2: {  	[spmem:s3] =	stream.indirect.scatter.add.f32 [tilespmem:s1], [sflag:$0x4], $0x80, s23, s29, $0xb8;
	[tilespmem:$0x1EF00] =	vst v63  }
0xe3: {  	_ =	swait.ge [sflag:s25], $0x2800  }
0xe4: {  	[sflag:s25] =	ssyncset.done $0x0  }
0xe5: {  	[sflag:s25] =	ssyncadd.s32 $0xFFFFD800  }
0xe6: {  	[spmem:s4] =	stream.indirect.scatter.add.f32 [tilespmem:s26], [sflag:$0x4], $0x1, s23, s29, $0xb8;
	[tilespmem:$0x1EF00] =	vst v63  }
0xe7: {  	_ =	swait.ge [sflag:s25], $0x50  }
0xe8: {  	[sflag:s25] =	ssyncset.done $0x0  }
0xe9: {  	s22 =	simm.s32 $0x200;
	[sflag:s25] =	ssyncadd.s32 $0xFFFFFFB0  }
0xea: {  	[tilespmem:s1], [sflag:$0x2] =	stream.indirect.gather [hbm4b:s0+s29], $0x80, s22, s29, $0xb8;
	[tilespmem:$0x1EF00] =	vst v63  }
0xeb: {  	_ =	swait.ge [sflag:s10], $0x2800  }
0xec: {  	[sflag:s10] =	ssyncset.done $0x0  }
0xed: {  	s23 =	simm.s32 $0x1D00;
	[sflag:s10] =	ssyncadd.s32 $0xFFFFD800  }
0xee: {  	[spmem:s3] =	stream.indirect.scatter.add.f32 [tilespmem:s6], [sflag:$0x4], $0x80, s23, s29, $0xb8;
	[tilespmem:$0x1EF00] =	vst v63  }
0xef: {  	_ =	swait.ge [sflag:s25], $0x2800  }
0xf0: {  	[sflag:s25] =	ssyncset.done $0x0  }
0xf1: {  	[sflag:s25] =	ssyncadd.s32 $0xFFFFD800  }
0xf2: {  	[spmem:s4] =	stream.indirect.scatter.add.f32 [tilespmem:s26], [sflag:$0x4], $0x1, s23, s29, $0xb8;
	[tilespmem:$0x1EF00] =	vst v63  }
0xf3: {  	_ =	swait.ge [sflag:s25], $0x50  }
0xf4: {  	[sflag:s25] =	ssyncset.done $0x0  }
0xf5: {  	s21 =	simm.s32 $0x600;
	s22 =	simm.s32 $0x280;
	[sflag:s25] =	ssyncadd.s32 $0xFFFFFFB0  }
.LBB2_4:
0xf6: {  	[tilespmem:s6], [sflag:$0x3] =	stream.indirect.gather [hbm4b:s0+s29], $0x80, s22, s29, $0xb8;
	[tilespmem:$0x1EF00] =	vst v63  }
0xf7: {  	s22 =	smov.u32 s21  }
0xf8: {  	p0 =	sne.s32 s21, $0x5400;
	s21 =	sadd.s32 $0x600, s21;
	_ =	swait.ge [sflag:s7], $0x2800  }
0xf9: {  	s22 =	sshra.s32 s22, $0x2;
	[sflag:s7] =	ssyncset.done $0x0  }
0xfa: {  	s23 =	sadd.s32 $0x1C00, s22;
	[sflag:s7] =	ssyncadd.s32 $0xFFFFD800  }
0xfb: {  	[spmem:s3] =	stream.indirect.scatter.add.f32 [tilespmem:s30], [sflag:$0x4], $0x80, s23, s29, $0xb8;
	[tilespmem:$0x1EF00] =	vst v63  }
0xfc: {  	_ =	swait.ge [sflag:s25], $0x2800  }
0xfd: {  	[sflag:s25] =	ssyncset.done $0x0  }
0xfe: {  	[sflag:s25] =	ssyncadd.s32 $0xFFFFD800  }
0xff: {  	[spmem:s4] =	stream.indirect.scatter.add.f32 [tilespmem:s26], [sflag:$0x4], $0x1, s23, s29, $0xb8;
	[tilespmem:$0x1EF00] =	vst v63  }
0x100: {  	_ =	swait.ge [sflag:s25], $0x50  }
0x101: {  	[sflag:s25] =	ssyncset.done $0x0  }
0x102: {  	s23 =	sadd.s32 $0x180, s22;
	[sflag:s25] =	ssyncadd.s32 $0xFFFFFFB0  }
0x103: {  	[tilespmem:s30], [sflag:$0x1] =	stream.indirect.gather [hbm4b:s0+s29], $0x80, s23, s29, $0xb8;
	[tilespmem:$0x1EF00] =	vst v63  }
0x104: {  	_ =	swait.ge [sflag:s8], $0x2800  }
0x105: {  	[sflag:s8] =	ssyncset.done $0x0  }
0x106: {  	s23 =	sadd.s32 $0x1C80, s22;
	[sflag:s8] =	ssyncadd.s32 $0xFFFFD800  }
0x107: {  	[spmem:s3] =	stream.indirect.scatter.add.f32 [tilespmem:s1], [sflag:$0x4], $0x80, s23, s29, $0xb8;
	[tilespmem:$0x1EF00] =	vst v63  }
0x108: {  	_ =	swait.ge [sflag:s25], $0x2800  }
0x109: {  	[sflag:s25] =	ssyncset.done $0x0  }
0x10a: {  	[sflag:s25] =	ssyncadd.s32 $0xFFFFD800  }
0x10b: {  	[spmem:s4] =	stream.indirect.scatter.add.f32 [tilespmem:s26], [sflag:$0x4], $0x1, s23, s29, $0xb8;
	[tilespmem:$0x1EF00] =	vst v63  }
0x10c: {  	_ =	swait.ge [sflag:s25], $0x50  }
0x10d: {  	[sflag:s25] =	ssyncset.done $0x0  }
0x10e: {  	s23 =	sadd.s32 $0x200, s22;
	[sflag:s25] =	ssyncadd.s32 $0xFFFFFFB0  }
0x10f: {  	[tilespmem:s1], [sflag:$0x2] =	stream.indirect.gather [hbm4b:s0+s29], $0x80, s23, s29, $0xb8;
	[tilespmem:$0x1EF00] =	vst v63  }
0x110: {  	_ =	swait.ge [sflag:s10], $0x2800  }
0x111: {  	[sflag:s10] =	ssyncset.done $0x0  }
0x112: {  	s23 =	sadd.s32 $0x1D00, s22;
	[sflag:s10] =	ssyncadd.s32 $0xFFFFD800  }
0x113: {  	[spmem:s3] =	stream.indirect.scatter.add.f32 [tilespmem:s6], [sflag:$0x4], $0x80, s23, s29, $0xb8;
	[tilespmem:$0x1EF00] =	vst v63  }
0x114: {  	_ =	swait.ge [sflag:s25], $0x2800  }
0x115: {  	[sflag:s25] =	ssyncset.done $0x0  }
.Ltmp1:
0x116: {  	[sflag:s25] =	ssyncadd.s32 $0xFFFFD800;
	(pc) =	sbr.rel @p0 .LBB2_4-.Ltmp1, $4  }
0x117: {  	[spmem:s4] =	stream.indirect.scatter.add.f32 [tilespmem:s26], [sflag:$0x4], $0x1, s23, s29, $0xb8;
	[tilespmem:$0x1EF00] =	vst v63  }
0x118: {  	_ =	swait.ge [sflag:s25], $0x50  }
0x119: {  	[sflag:s25] =	ssyncset.done $0x0  }
0x11a: {  	s22 =	sadd.s32 $0x280, s22;
	[sflag:s25] =	ssyncadd.s32 $0xFFFFFFB0  }
0x11b: {  	[tilespmem:s6], [sflag:$0x3] =	stream.indirect.gather [hbm4b:s0+s29], $0x80, s22, s29, $0xb8;
	[tilespmem:$0x1EF00] =	vst v63  }
0x11c: {  	_ =	swait.ge [sflag:s7], $0x2800  }
0x11d: {  	[sflag:s7] =	ssyncset.done $0x0  }
0x11e: {  	[sflag:s7] =	ssyncadd.s32 $0xFFFFD800  }
0x11f: {  	[spmem:s3] =	stream.indirect.scatter.add.f32 [tilespmem:s30], [sflag:$0x4], $0x80, s11, s29, $0xb8;
	[tilespmem:$0x1EF00] =	vst v63  }
0x120: {  	_ =	swait.ge [sflag:s25], $0x2800  }
0x121: {  	[sflag:s25] =	ssyncset.done $0x0  }
0x122: {  	[sflag:s25] =	ssyncadd.s32 $0xFFFFD800  }
0x123: {  	[spmem:s4] =	stream.indirect.scatter.add.f32 [tilespmem:s26], [sflag:$0x4], $0x1, s11, s29, $0xb8;
	[tilespmem:$0x1EF00] =	vst v63  }
0x124: {  	_ =	swait.ge [sflag:s25], $0x50  }
0x125: {  	[sflag:s25] =	ssyncset.done $0x0  }
0x126: {  	[sflag:s25] =	ssyncadd.s32 $0xFFFFFFB0  }
0x127: {  	[tilespmem:s30], [sflag:$0x1] =	stream.indirect.gather [hbm4b:s0+s29], $0x80, s12, s29, $0xb8;
	[tilespmem:$0x1EF00] =	vst v63  }
0x128: {  	_ =	swait.ge [sflag:s8], $0x2800  }
0x129: {  	[sflag:s8] =	ssyncset.done $0x0  }
0x12a: {  	[sflag:s8] =	ssyncadd.s32 $0xFFFFD800  }
0x12b: {  	[spmem:s3] =	stream.indirect.scatter.add.f32 [tilespmem:s1], [sflag:$0x4], $0x80, s13, s29, $0xb8;
	[tilespmem:$0x1EF00] =	vst v63  }
0x12c: {  	_ =	swait.ge [sflag:s25], $0x2800  }
0x12d: {  	[sflag:s25] =	ssyncset.done $0x0  }
0x12e: {  	[sflag:s25] =	ssyncadd.s32 $0xFFFFD800  }
0x12f: {  	[spmem:s4] =	stream.indirect.scatter.add.f32 [tilespmem:s26], [sflag:$0x4], $0x1, s13, s29, $0xb8;
	[tilespmem:$0x1EF00] =	vst v63  }
0x130: {  	_ =	swait.ge [sflag:s25], $0x50  }
0x131: {  	[sflag:s25] =	ssyncset.done $0x0  }
0x132: {  	[sflag:s25] =	ssyncadd.s32 $0xFFFFFFB0  }
0x133: {  	[tilespmem:s1], [sflag:$0x2] =	stream.indirect.gather [hbm4b:s0+s29], $0x80, s14, s29, $0xb8;
	[tilespmem:$0x1EF00] =	vst v63  }
0x134: {  	_ =	swait.ge [sflag:s10], $0x2800  }
0x135: {  	[sflag:s10] =	ssyncset.done $0x0  }
0x136: {  	[sflag:s10] =	ssyncadd.s32 $0xFFFFD800  }
0x137: {  	[spmem:s3] =	stream.indirect.scatter.add.f32 [tilespmem:s6], [sflag:$0x4], $0x80, s15, s29, $0xb8;
	[tilespmem:$0x1EF00] =	vst v63  }
0x138: {  	_ =	swait.ge [sflag:s25], $0x2800  }
0x139: {  	[sflag:s25] =	ssyncset.done $0x0  }
0x13a: {  	[sflag:s25] =	ssyncadd.s32 $0xFFFFD800  }
0x13b: {  	[spmem:s4] =	stream.indirect.scatter.add.f32 [tilespmem:s26], [sflag:$0x4], $0x1, s15, s29, $0xb8;
	[tilespmem:$0x1EF00] =	vst v63  }
0x13c: {  	_ =	swait.ge [sflag:s25], $0x50  }
0x13d: {  	[sflag:s25] =	ssyncset.done $0x0  }
0x13e: {  	[sflag:s25] =	ssyncadd.s32 $0xFFFFFFB0  }
0x13f: {  	_ =	swait.ge [sflag:s7], $0x2800  }
0x140: {  	[sflag:s7] =	ssyncset.done $0x0  }
0x141: {  	[sflag:s7] =	ssyncadd.s32 $0xFFFFD800  }
0x142: {  	[spmem:s3] =	stream.indirect.scatter.add.f32 [tilespmem:s30], [sflag:$0x4], $0x80, s16, s29, $0xb8;
	[tilespmem:$0x1EF00] =	vst v63  }
0x143: {  	_ =	swait.ge [sflag:s25], $0x2800  }
0x144: {  	[sflag:s25] =	ssyncset.done $0x0  }
0x145: {  	[sflag:s25] =	ssyncadd.s32 $0xFFFFD800  }
0x146: {  	[spmem:s4] =	stream.indirect.scatter.add.f32 [tilespmem:s26], [sflag:$0x4], $0x1, s16, s29, $0xb8;
	[tilespmem:$0x1EF00] =	vst v63  }
0x147: {  	_ =	swait.ge [sflag:s25], $0x50  }
0x148: {  	[sflag:s25] =	ssyncset.done $0x0  }
0x149: {  	[sflag:s25] =	ssyncadd.s32 $0xFFFFFFB0  }
0x14a: {  	_ =	swait.ge [sflag:s8], $0x2800  }
0x14b: {  	[sflag:s8] =	ssyncset.done $0x0  }
0x14c: {  	[sflag:s8] =	ssyncadd.s32 $0xFFFFD800  }
0x14d: {  	[spmem:s3] =	stream.indirect.scatter.add.f32 [tilespmem:s1], [sflag:$0x4], $0x80, s17, s29, $0xb8;
	[tilespmem:$0x1EF00] =	vst v63  }
0x14e: {  	_ =	swait.ge [sflag:s25], $0x2800  }
0x14f: {  	[sflag:s25] =	ssyncset.done $0x0  }
0x150: {  	[sflag:s25] =	ssyncadd.s32 $0xFFFFD800  }
0x151: {  	[spmem:s4] =	stream.indirect.scatter.add.f32 [tilespmem:s26], [sflag:$0x4], $0x1, s17, s29, $0xb8;
	[tilespmem:$0x1EF00] =	vst v63  }
0x152: {  	_ =	swait.ge [sflag:s25], $0x50  }
0x153: {  	[sflag:s25] =	ssyncset.done $0x0  }
0x154: {  	s21 =	simm.s32 $0x0;
	s23 =	rddreg [dreg:$0x13];
	[sflag:s25] =	ssyncadd.s32 $0xFFFFFFB0  }
0x155: {  	[tilespmem:s21], [sflag:$0x4] =	stream.linear.gather [hbm4b:s23+s21], $0x1900, $0x38;
	[tilespmem:$0x1EF00] =	vst v63  }
0x156: {  	_ =	swait.ge [sflag:s25], $0x1900  }
0x157: {  	[sflag:s25] =	ssyncset.done $0x0  }
0x158: {  	s23 =	rddreg [dreg:$0xd];
	[sflag:s25] =	ssyncadd.s32 $0xFFFFE700  }
0x159: {  	[tilespmem:s28], [sflag:$0x4] =	stream.linear.gather [hbm4b:s23+s21], $0x1900, $0x38;
	[tilespmem:$0x1EF00] =	vst v63  }
0x15a: {  	_ =	swait.ge [sflag:s25], $0x1900  }
0x15b: {  	[sflag:s25] =	ssyncset.done $0x0  }
0x15c: {  	[sflag:s25] =	ssyncadd.s32 $0xFFFFE700  }
0x15d: {  	[tilespmem:s30], [sflag:$0x1] =	stream.indirect.gather [hbm4b:s0+s29], $0x80, s21, s29, $0xb8;
	[tilespmem:$0x1EF00] =	vst v63  }
0x15e: {  	_ = 	snop  }
0x15f: {  	[tilespmem:s1], [sflag:$0x2] =	stream.indirect.gather [hbm4b:s0+s29], $0x80, s31, s29, $0xb8;
	[tilespmem:$0x1EF00] =	vst v63  }
0x160: {  	_ = 	snop  }
0x161: {  	[tilespmem:s6], [sflag:$0x3] =	stream.indirect.gather [hbm4b:s0+s29], $0x80, s2, s29, $0xb8;
	[tilespmem:$0x1EF00] =	vst v63  }
0x162: {  	_ =	swait.ge [sflag:s7], $0x2800  }
0x163: {  	[sflag:s7] =	ssyncset.done $0x0  }
0x164: {  	s23 =	simm.s32 $0x1C00;
	[sflag:s7] =	ssyncadd.s32 $0xFFFFD800  }
0x165: {  	[spmem:s3] =	stream.indirect.scatter.add.f32 [tilespmem:s30], [sflag:$0x4], $0x80, s23, s29, $0xb8;
	[tilespmem:$0x1EF00] =	vst v63  }
0x166: {  	_ =	swait.ge [sflag:s25], $0x2800  }
0x167: {  	[sflag:s25] =	ssyncset.done $0x0  }
0x168: {  	[sflag:s25] =	ssyncadd.s32 $0xFFFFD800  }
0x169: {  	[spmem:s4] =	stream.indirect.scatter.add.f32 [tilespmem:s26], [sflag:$0x4], $0x1, s23, s29, $0xb8;
	[tilespmem:$0x1EF00] =	vst v63  }
0x16a: {  	_ =	swait.ge [sflag:s25], $0x50  }
0x16b: {  	[sflag:s25] =	ssyncset.done $0x0  }
0x16c: {  	s22 =	simm.s32 $0x180;
	[sflag:s25] =	ssyncadd.s32 $0xFFFFFFB0  }
0x16d: {  	[tilespmem:s30], [sflag:$0x1] =	stream.indirect.gather [hbm4b:s0+s29], $0x80, s22, s29, $0xb8;
	[tilespmem:$0x1EF00] =	vst v63  }
0x16e: {  	_ =	swait.ge [sflag:s8], $0x2800  }
0x16f: {  	[sflag:s8] =	ssyncset.done $0x0  }
0x170: {  	s23 =	simm.s32 $0x1C80;
	[sflag:s8] =	ssyncadd.s32 $0xFFFFD800  }
0x171: {  	[spmem:s3] =	stream.indirect.scatter.add.f32 [tilespmem:s1], [sflag:$0x4], $0x80, s23, s29, $0xb8;
	[tilespmem:$0x1EF00] =	vst v63  }
0x172: {  	_ =	swait.ge [sflag:s25], $0x2800  }
0x173: {  	[sflag:s25] =	ssyncset.done $0x0  }
0x174: {  	[sflag:s25] =	ssyncadd.s32 $0xFFFFD800  }
0x175: {  	[spmem:s4] =	stream.indirect.scatter.add.f32 [tilespmem:s26], [sflag:$0x4], $0x1, s23, s29, $0xb8;
	[tilespmem:$0x1EF00] =	vst v63  }
0x176: {  	_ =	swait.ge [sflag:s25], $0x50  }
0x177: {  	[sflag:s25] =	ssyncset.done $0x0  }
0x178: {  	s22 =	simm.s32 $0x200;
	[sflag:s25] =	ssyncadd.s32 $0xFFFFFFB0  }
0x179: {  	[tilespmem:s1], [sflag:$0x2] =	stream.indirect.gather [hbm4b:s0+s29], $0x80, s22, s29, $0xb8;
	[tilespmem:$0x1EF00] =	vst v63  }
0x17a: {  	_ =	swait.ge [sflag:s10], $0x2800  }
0x17b: {  	[sflag:s10] =	ssyncset.done $0x0  }
0x17c: {  	s23 =	simm.s32 $0x1D00;
	[sflag:s10] =	ssyncadd.s32 $0xFFFFD800  }
0x17d: {  	[spmem:s3] =	stream.indirect.scatter.add.f32 [tilespmem:s6], [sflag:$0x4], $0x80, s23, s29, $0xb8;
	[tilespmem:$0x1EF00] =	vst v63  }
0x17e: {  	_ =	swait.ge [sflag:s25], $0x2800  }
0x17f: {  	[sflag:s25] =	ssyncset.done $0x0  }
0x180: {  	[sflag:s25] =	ssyncadd.s32 $0xFFFFD800  }
0x181: {  	[spmem:s4] =	stream.indirect.scatter.add.f32 [tilespmem:s26], [sflag:$0x4], $0x1, s23, s29, $0xb8;
	[tilespmem:$0x1EF00] =	vst v63  }
0x182: {  	_ =	swait.ge [sflag:s25], $0x50  }
0x183: {  	[sflag:s25] =	ssyncset.done $0x0  }
0x184: {  	s21 =	simm.s32 $0x600;
	s22 =	simm.s32 $0x280;
	[sflag:s25] =	ssyncadd.s32 $0xFFFFFFB0  }
.LBB2_6:
0x185: {  	[tilespmem:s6], [sflag:$0x3] =	stream.indirect.gather [hbm4b:s0+s29], $0x80, s22, s29, $0xb8;
	[tilespmem:$0x1EF00] =	vst v63  }
0x186: {  	s22 =	smov.u32 s21  }
0x187: {  	p0 =	sne.s32 s21, $0x5400;
	s21 =	sadd.s32 $0x600, s21;
	_ =	swait.ge [sflag:s7], $0x2800  }
0x188: {  	s22 =	sshra.s32 s22, $0x2;
	[sflag:s7] =	ssyncset.done $0x0  }
0x189: {  	s23 =	sadd.s32 $0x1C00, s22;
	[sflag:s7] =	ssyncadd.s32 $0xFFFFD800  }
0x18a: {  	[spmem:s3] =	stream.indirect.scatter.add.f32 [tilespmem:s30], [sflag:$0x4], $0x80, s23, s29, $0xb8;
	[tilespmem:$0x1EF00] =	vst v63  }
0x18b: {  	_ =	swait.ge [sflag:s25], $0x2800  }
0x18c: {  	[sflag:s25] =	ssyncset.done $0x0  }
0x18d: {  	[sflag:s25] =	ssyncadd.s32 $0xFFFFD800  }
0x18e: {  	[spmem:s4] =	stream.indirect.scatter.add.f32 [tilespmem:s26], [sflag:$0x4], $0x1, s23, s29, $0xb8;
	[tilespmem:$0x1EF00] =	vst v63  }
0x18f: {  	_ =	swait.ge [sflag:s25], $0x50  }
0x190: {  	[sflag:s25] =	ssyncset.done $0x0  }
0x191: {  	s23 =	sadd.s32 $0x180, s22;
	[sflag:s25] =	ssyncadd.s32 $0xFFFFFFB0  }
0x192: {  	[tilespmem:s30], [sflag:$0x1] =	stream.indirect.gather [hbm4b:s0+s29], $0x80, s23, s29, $0xb8;
	[tilespmem:$0x1EF00] =	vst v63  }
0x193: {  	_ =	swait.ge [sflag:s8], $0x2800  }
0x194: {  	[sflag:s8] =	ssyncset.done $0x0  }
0x195: {  	s23 =	sadd.s32 $0x1C80, s22;
	[sflag:s8] =	ssyncadd.s32 $0xFFFFD800  }
0x196: {  	[spmem:s3] =	stream.indirect.scatter.add.f32 [tilespmem:s1], [sflag:$0x4], $0x80, s23, s29, $0xb8;
	[tilespmem:$0x1EF00] =	vst v63  }
0x197: {  	_ =	swait.ge [sflag:s25], $0x2800  }
0x198: {  	[sflag:s25] =	ssyncset.done $0x0  }
0x199: {  	[sflag:s25] =	ssyncadd.s32 $0xFFFFD800  }
0x19a: {  	[spmem:s4] =	stream.indirect.scatter.add.f32 [tilespmem:s26], [sflag:$0x4], $0x1, s23, s29, $0xb8;
	[tilespmem:$0x1EF00] =	vst v63  }
0x19b: {  	_ =	swait.ge [sflag:s25], $0x50  }
0x19c: {  	[sflag:s25] =	ssyncset.done $0x0  }
0x19d: {  	s23 =	sadd.s32 $0x200, s22;
	[sflag:s25] =	ssyncadd.s32 $0xFFFFFFB0  }
0x19e: {  	[tilespmem:s1], [sflag:$0x2] =	stream.indirect.gather [hbm4b:s0+s29], $0x80, s23, s29, $0xb8;
	[tilespmem:$0x1EF00] =	vst v63  }
0x19f: {  	_ =	swait.ge [sflag:s10], $0x2800  }
0x1a0: {  	[sflag:s10] =	ssyncset.done $0x0  }
0x1a1: {  	s23 =	sadd.s32 $0x1D00, s22;
	[sflag:s10] =	ssyncadd.s32 $0xFFFFD800  }
0x1a2: {  	[spmem:s3] =	stream.indirect.scatter.add.f32 [tilespmem:s6], [sflag:$0x4], $0x80, s23, s29, $0xb8;
	[tilespmem:$0x1EF00] =	vst v63  }
0x1a3: {  	_ =	swait.ge [sflag:s25], $0x2800  }
0x1a4: {  	[sflag:s25] =	ssyncset.done $0x0  }
.Ltmp2:
0x1a5: {  	[sflag:s25] =	ssyncadd.s32 $0xFFFFD800;
	(pc) =	sbr.rel @p0 .LBB2_6-.Ltmp2, $4  }
0x1a6: {  	[spmem:s4] =	stream.indirect.scatter.add.f32 [tilespmem:s26], [sflag:$0x4], $0x1, s23, s29, $0xb8;
	[tilespmem:$0x1EF00] =	vst v63  }
0x1a7: {  	_ =	swait.ge [sflag:s25], $0x50  }
0x1a8: {  	[sflag:s25] =	ssyncset.done $0x0  }
0x1a9: {  	s22 =	sadd.s32 $0x280, s22;
	[sflag:s25] =	ssyncadd.s32 $0xFFFFFFB0  }
0x1aa: {  	[tilespmem:s6], [sflag:$0x3] =	stream.indirect.gather [hbm4b:s0+s29], $0x80, s22, s29, $0xb8;
	[tilespmem:$0x1EF00] =	vst v63  }
0x1ab: {  	_ =	swait.ge [sflag:s7], $0x2800  }
0x1ac: {  	[sflag:s7] =	ssyncset.done $0x0  }
0x1ad: {  	[sflag:s7] =	ssyncadd.s32 $0xFFFFD800  }
0x1ae: {  	[spmem:s3] =	stream.indirect.scatter.add.f32 [tilespmem:s30], [sflag:$0x4], $0x80, s11, s29, $0xb8;
	[tilespmem:$0x1EF00] =	vst v63  }
0x1af: {  	_ =	swait.ge [sflag:s25], $0x2800  }
0x1b0: {  	[sflag:s25] =	ssyncset.done $0x0  }
0x1b1: {  	[sflag:s25] =	ssyncadd.s32 $0xFFFFD800  }
0x1b2: {  	[spmem:s4] =	stream.indirect.scatter.add.f32 [tilespmem:s26], [sflag:$0x4], $0x1, s11, s29, $0xb8;
	[tilespmem:$0x1EF00] =	vst v63  }
0x1b3: {  	_ =	swait.ge [sflag:s25], $0x50  }
0x1b4: {  	[sflag:s25] =	ssyncset.done $0x0  }
0x1b5: {  	[sflag:s25] =	ssyncadd.s32 $0xFFFFFFB0  }
0x1b6: {  	[tilespmem:s30], [sflag:$0x1] =	stream.indirect.gather [hbm4b:s0+s29], $0x80, s12, s29, $0xb8;
	[tilespmem:$0x1EF00] =	vst v63  }
0x1b7: {  	_ =	swait.ge [sflag:s8], $0x2800  }
0x1b8: {  	[sflag:s8] =	ssyncset.done $0x0  }
0x1b9: {  	[sflag:s8] =	ssyncadd.s32 $0xFFFFD800  }
0x1ba: {  	[spmem:s3] =	stream.indirect.scatter.add.f32 [tilespmem:s1], [sflag:$0x4], $0x80, s13, s29, $0xb8;
	[tilespmem:$0x1EF00] =	vst v63  }
0x1bb: {  	_ =	swait.ge [sflag:s25], $0x2800  }
0x1bc: {  	[sflag:s25] =	ssyncset.done $0x0  }
0x1bd: {  	[sflag:s25] =	ssyncadd.s32 $0xFFFFD800  }
0x1be: {  	[spmem:s4] =	stream.indirect.scatter.add.f32 [tilespmem:s26], [sflag:$0x4], $0x1, s13, s29, $0xb8;
	[tilespmem:$0x1EF00] =	vst v63  }
0x1bf: {  	_ =	swait.ge [sflag:s25], $0x50  }
0x1c0: {  	[sflag:s25] =	ssyncset.done $0x0  }
0x1c1: {  	[sflag:s25] =	ssyncadd.s32 $0xFFFFFFB0  }
0x1c2: {  	[tilespmem:s1], [sflag:$0x2] =	stream.indirect.gather [hbm4b:s0+s29], $0x80, s14, s29, $0xb8;
	[tilespmem:$0x1EF00] =	vst v63  }
0x1c3: {  	_ =	swait.ge [sflag:s10], $0x2800  }
0x1c4: {  	[sflag:s10] =	ssyncset.done $0x0  }
0x1c5: {  	[sflag:s10] =	ssyncadd.s32 $0xFFFFD800  }
0x1c6: {  	[spmem:s3] =	stream.indirect.scatter.add.f32 [tilespmem:s6], [sflag:$0x4], $0x80, s15, s29, $0xb8;
	[tilespmem:$0x1EF00] =	vst v63  }
0x1c7: {  	_ =	swait.ge [sflag:s25], $0x2800  }
0x1c8: {  	[sflag:s25] =	ssyncset.done $0x0  }
0x1c9: {  	[sflag:s25] =	ssyncadd.s32 $0xFFFFD800  }
0x1ca: {  	[spmem:s4] =	stream.indirect.scatter.add.f32 [tilespmem:s26], [sflag:$0x4], $0x1, s15, s29, $0xb8;
	[tilespmem:$0x1EF00] =	vst v63  }
0x1cb: {  	_ =	swait.ge [sflag:s25], $0x50  }
0x1cc: {  	[sflag:s25] =	ssyncset.done $0x0  }
0x1cd: {  	[sflag:s25] =	ssyncadd.s32 $0xFFFFFFB0  }
0x1ce: {  	_ =	swait.ge [sflag:s7], $0x2800  }
0x1cf: {  	[sflag:s7] =	ssyncset.done $0x0  }
0x1d0: {  	[sflag:s7] =	ssyncadd.s32 $0xFFFFD800  }
0x1d1: {  	[spmem:s3] =	stream.indirect.scatter.add.f32 [tilespmem:s30], [sflag:$0x4], $0x80, s16, s29, $0xb8;
	[tilespmem:$0x1EF00] =	vst v63  }
0x1d2: {  	_ =	swait.ge [sflag:s25], $0x2800  }
0x1d3: {  	[sflag:s25] =	ssyncset.done $0x0  }
0x1d4: {  	[sflag:s25] =	ssyncadd.s32 $0xFFFFD800  }
0x1d5: {  	[spmem:s4] =	stream.indirect.scatter.add.f32 [tilespmem:s26], [sflag:$0x4], $0x1, s16, s29, $0xb8;
	[tilespmem:$0x1EF00] =	vst v63  }
0x1d6: {  	_ =	swait.ge [sflag:s25], $0x50  }
0x1d7: {  	[sflag:s25] =	ssyncset.done $0x0  }
0x1d8: {  	[sflag:s25] =	ssyncadd.s32 $0xFFFFFFB0  }
0x1d9: {  	_ =	swait.ge [sflag:s8], $0x2800  }
0x1da: {  	[sflag:s8] =	ssyncset.done $0x0  }
0x1db: {  	[sflag:s8] =	ssyncadd.s32 $0xFFFFD800  }
0x1dc: {  	[spmem:s3] =	stream.indirect.scatter.add.f32 [tilespmem:s1], [sflag:$0x4], $0x80, s17, s29, $0xb8;
	[tilespmem:$0x1EF00] =	vst v63  }
0x1dd: {  	_ =	swait.ge [sflag:s25], $0x2800  }
0x1de: {  	[sflag:s25] =	ssyncset.done $0x0  }
0x1df: {  	[sflag:s25] =	ssyncadd.s32 $0xFFFFD800  }
0x1e0: {  	[spmem:s4] =	stream.indirect.scatter.add.f32 [tilespmem:s26], [sflag:$0x4], $0x1, s17, s29, $0xb8;
	[tilespmem:$0x1EF00] =	vst v63  }
0x1e1: {  	_ =	swait.ge [sflag:s25], $0x50  }
0x1e2: {  	[sflag:s25] =	ssyncset.done $0x0  }
0x1e3: {  	s21 =	simm.s32 $0x0;
	s23 =	rddreg [dreg:$0x15];
	[sflag:s25] =	ssyncadd.s32 $0xFFFFFFB0  }
0x1e4: {  	[tilespmem:s21], [sflag:$0x4] =	stream.linear.gather [hbm4b:s23+s21], $0x1900, $0x38;
	[tilespmem:$0x1EF00] =	vst v63  }
0x1e5: {  	_ =	swait.ge [sflag:s25], $0x1900  }
0x1e6: {  	[sflag:s25] =	ssyncset.done $0x0  }
0x1e7: {  	s23 =	rddreg [dreg:$0xe];
	[sflag:s25] =	ssyncadd.s32 $0xFFFFE700  }
0x1e8: {  	[tilespmem:s28], [sflag:$0x4] =	stream.linear.gather [hbm4b:s23+s21], $0x1900, $0x38;
	[tilespmem:$0x1EF00] =	vst v63  }
0x1e9: {  	_ =	swait.ge [sflag:s25], $0x1900  }
0x1ea: {  	[sflag:s25] =	ssyncset.done $0x0  }
0x1eb: {  	[sflag:s25] =	ssyncadd.s32 $0xFFFFE700  }
0x1ec: {  	[tilespmem:s30], [sflag:$0x1] =	stream.indirect.gather [hbm4b:s0+s29], $0x80, s21, s29, $0xb8;
	[tilespmem:$0x1EF00] =	vst v63  }
0x1ed: {  	_ = 	snop  }
0x1ee: {  	[tilespmem:s1], [sflag:$0x2] =	stream.indirect.gather [hbm4b:s0+s29], $0x80, s31, s29, $0xb8;
	[tilespmem:$0x1EF00] =	vst v63  }
0x1ef: {  	_ = 	snop  }
0x1f0: {  	[tilespmem:s6], [sflag:$0x3] =	stream.indirect.gather [hbm4b:s0+s29], $0x80, s2, s29, $0xb8;
	[tilespmem:$0x1EF00] =	vst v63  }
0x1f1: {  	_ =	swait.ge [sflag:s7], $0x2800  }
0x1f2: {  	[sflag:s7] =	ssyncset.done $0x0  }
0x1f3: {  	s23 =	simm.s32 $0x1C00;
	[sflag:s7] =	ssyncadd.s32 $0xFFFFD800  }
0x1f4: {  	[spmem:s3] =	stream.indirect.scatter.add.f32 [tilespmem:s30], [sflag:$0x4], $0x80, s23, s29, $0xb8;
	[tilespmem:$0x1EF00] =	vst v63  }
0x1f5: {  	_ =	swait.ge [sflag:s25], $0x2800  }
0x1f6: {  	[sflag:s25] =	ssyncset.done $0x0  }
0x1f7: {  	[sflag:s25] =	ssyncadd.s32 $0xFFFFD800  }
0x1f8: {  	[spmem:s4] =	stream.indirect.scatter.add.f32 [tilespmem:s26], [sflag:$0x4], $0x1, s23, s29, $0xb8;
	[tilespmem:$0x1EF00] =	vst v63  }
0x1f9: {  	_ =	swait.ge [sflag:s25], $0x50  }
0x1fa: {  	[sflag:s25] =	ssyncset.done $0x0  }
0x1fb: {  	s22 =	simm.s32 $0x180;
	[sflag:s25] =	ssyncadd.s32 $0xFFFFFFB0  }
0x1fc: {  	[tilespmem:s30], [sflag:$0x1] =	stream.indirect.gather [hbm4b:s0+s29], $0x80, s22, s29, $0xb8;
	[tilespmem:$0x1EF00] =	vst v63  }
0x1fd: {  	_ =	swait.ge [sflag:s8], $0x2800  }
0x1fe: {  	[sflag:s8] =	ssyncset.done $0x0  }
0x1ff: {  	s23 =	simm.s32 $0x1C80;
	[sflag:s8] =	ssyncadd.s32 $0xFFFFD800  }
0x200: {  	[spmem:s3] =	stream.indirect.scatter.add.f32 [tilespmem:s1], [sflag:$0x4], $0x80, s23, s29, $0xb8;
	[tilespmem:$0x1EF00] =	vst v63  }
0x201: {  	_ =	swait.ge [sflag:s25], $0x2800  }
0x202: {  	[sflag:s25] =	ssyncset.done $0x0  }
0x203: {  	[sflag:s25] =	ssyncadd.s32 $0xFFFFD800  }
0x204: {  	[spmem:s4] =	stream.indirect.scatter.add.f32 [tilespmem:s26], [sflag:$0x4], $0x1, s23, s29, $0xb8;
	[tilespmem:$0x1EF00] =	vst v63  }
0x205: {  	_ =	swait.ge [sflag:s25], $0x50  }
0x206: {  	[sflag:s25] =	ssyncset.done $0x0  }
0x207: {  	s22 =	simm.s32 $0x200;
	[sflag:s25] =	ssyncadd.s32 $0xFFFFFFB0  }
0x208: {  	[tilespmem:s1], [sflag:$0x2] =	stream.indirect.gather [hbm4b:s0+s29], $0x80, s22, s29, $0xb8;
	[tilespmem:$0x1EF00] =	vst v63  }
0x209: {  	_ =	swait.ge [sflag:s10], $0x2800  }
0x20a: {  	[sflag:s10] =	ssyncset.done $0x0  }
0x20b: {  	s23 =	simm.s32 $0x1D00;
	[sflag:s10] =	ssyncadd.s32 $0xFFFFD800  }
0x20c: {  	[spmem:s3] =	stream.indirect.scatter.add.f32 [tilespmem:s6], [sflag:$0x4], $0x80, s23, s29, $0xb8;
	[tilespmem:$0x1EF00] =	vst v63  }
0x20d: {  	_ =	swait.ge [sflag:s25], $0x2800  }
0x20e: {  	[sflag:s25] =	ssyncset.done $0x0  }
0x20f: {  	[sflag:s25] =	ssyncadd.s32 $0xFFFFD800  }
0x210: {  	[spmem:s4] =	stream.indirect.scatter.add.f32 [tilespmem:s26], [sflag:$0x4], $0x1, s23, s29, $0xb8;
	[tilespmem:$0x1EF00] =	vst v63  }
0x211: {  	_ =	swait.ge [sflag:s25], $0x50  }
0x212: {  	[sflag:s25] =	ssyncset.done $0x0  }
0x213: {  	s21 =	simm.s32 $0x600;
	s22 =	simm.s32 $0x280;
	[sflag:s25] =	ssyncadd.s32 $0xFFFFFFB0  }
.LBB2_8:
0x214: {  	[tilespmem:s6], [sflag:$0x3] =	stream.indirect.gather [hbm4b:s0+s29], $0x80, s22, s29, $0xb8;
	[tilespmem:$0x1EF00] =	vst v63  }
0x215: {  	s22 =	smov.u32 s21  }
0x216: {  	p0 =	sne.s32 s21, $0x5400;
	s21 =	sadd.s32 $0x600, s21;
	_ =	swait.ge [sflag:s7], $0x2800  }
0x217: {  	s22 =	sshra.s32 s22, $0x2;
	[sflag:s7] =	ssyncset.done $0x0  }
0x218: {  	s23 =	sadd.s32 $0x1C00, s22;
	[sflag:s7] =	ssyncadd.s32 $0xFFFFD800  }
0x219: {  	[spmem:s3] =	stream.indirect.scatter.add.f32 [tilespmem:s30], [sflag:$0x4], $0x80, s23, s29, $0xb8;
	[tilespmem:$0x1EF00] =	vst v63  }
0x21a: {  	_ =	swait.ge [sflag:s25], $0x2800  }
0x21b: {  	[sflag:s25] =	ssyncset.done $0x0  }
0x21c: {  	[sflag:s25] =	ssyncadd.s32 $0xFFFFD800  }
0x21d: {  	[spmem:s4] =	stream.indirect.scatter.add.f32 [tilespmem:s26], [sflag:$0x4], $0x1, s23, s29, $0xb8;
	[tilespmem:$0x1EF00] =	vst v63  }
0x21e: {  	_ =	swait.ge [sflag:s25], $0x50  }
0x21f: {  	[sflag:s25] =	ssyncset.done $0x0  }
0x220: {  	s23 =	sadd.s32 $0x180, s22;
	[sflag:s25] =	ssyncadd.s32 $0xFFFFFFB0  }
0x221: {  	[tilespmem:s30], [sflag:$0x1] =	stream.indirect.gather [hbm4b:s0+s29], $0x80, s23, s29, $0xb8;
	[tilespmem:$0x1EF00] =	vst v63  }
0x222: {  	_ =	swait.ge [sflag:s8], $0x2800  }
0x223: {  	[sflag:s8] =	ssyncset.done $0x0  }
0x224: {  	s23 =	sadd.s32 $0x1C80, s22;
	[sflag:s8] =	ssyncadd.s32 $0xFFFFD800  }
0x225: {  	[spmem:s3] =	stream.indirect.scatter.add.f32 [tilespmem:s1], [sflag:$0x4], $0x80, s23, s29, $0xb8;
	[tilespmem:$0x1EF00] =	vst v63  }
0x226: {  	_ =	swait.ge [sflag:s25], $0x2800  }
0x227: {  	[sflag:s25] =	ssyncset.done $0x0  }
0x228: {  	[sflag:s25] =	ssyncadd.s32 $0xFFFFD800  }
0x229: {  	[spmem:s4] =	stream.indirect.scatter.add.f32 [tilespmem:s26], [sflag:$0x4], $0x1, s23, s29, $0xb8;
	[tilespmem:$0x1EF00] =	vst v63  }
0x22a: {  	_ =	swait.ge [sflag:s25], $0x50  }
0x22b: {  	[sflag:s25] =	ssyncset.done $0x0  }
0x22c: {  	s23 =	sadd.s32 $0x200, s22;
	[sflag:s25] =	ssyncadd.s32 $0xFFFFFFB0  }
0x22d: {  	[tilespmem:s1], [sflag:$0x2] =	stream.indirect.gather [hbm4b:s0+s29], $0x80, s23, s29, $0xb8;
	[tilespmem:$0x1EF00] =	vst v63  }
0x22e: {  	_ =	swait.ge [sflag:s10], $0x2800  }
0x22f: {  	[sflag:s10] =	ssyncset.done $0x0  }
0x230: {  	s23 =	sadd.s32 $0x1D00, s22;
	[sflag:s10] =	ssyncadd.s32 $0xFFFFD800  }
0x231: {  	[spmem:s3] =	stream.indirect.scatter.add.f32 [tilespmem:s6], [sflag:$0x4], $0x80, s23, s29, $0xb8;
	[tilespmem:$0x1EF00] =	vst v63  }
0x232: {  	_ =	swait.ge [sflag:s25], $0x2800  }
0x233: {  	[sflag:s25] =	ssyncset.done $0x0  }
.Ltmp3:
0x234: {  	[sflag:s25] =	ssyncadd.s32 $0xFFFFD800;
	(pc) =	sbr.rel @p0 .LBB2_8-.Ltmp3, $4  }
0x235: {  	[spmem:s4] =	stream.indirect.scatter.add.f32 [tilespmem:s26], [sflag:$0x4], $0x1, s23, s29, $0xb8;
	[tilespmem:$0x1EF00] =	vst v63  }
0x236: {  	_ =	swait.ge [sflag:s25], $0x50  }
0x237: {  	[sflag:s25] =	ssyncset.done $0x0  }
0x238: {  	s22 =	sadd.s32 $0x280, s22;
	[sflag:s25] =	ssyncadd.s32 $0xFFFFFFB0  }
0x239: {  	[tilespmem:s6], [sflag:$0x3] =	stream.indirect.gather [hbm4b:s0+s29], $0x80, s22, s29, $0xb8;
	[tilespmem:$0x1EF00] =	vst v63  }
0x23a: {  	_ =	swait.ge [sflag:s7], $0x2800  }
0x23b: {  	[sflag:s7] =	ssyncset.done $0x0  }
0x23c: {  	[sflag:s7] =	ssyncadd.s32 $0xFFFFD800  }
0x23d: {  	[spmem:s3] =	stream.indirect.scatter.add.f32 [tilespmem:s30], [sflag:$0x4], $0x80, s11, s29, $0xb8;
	[tilespmem:$0x1EF00] =	vst v63  }
0x23e: {  	_ =	swait.ge [sflag:s25], $0x2800  }
0x23f: {  	[sflag:s25] =	ssyncset.done $0x0  }
0x240: {  	[sflag:s25] =	ssyncadd.s32 $0xFFFFD800  }
0x241: {  	[spmem:s4] =	stream.indirect.scatter.add.f32 [tilespmem:s26], [sflag:$0x4], $0x1, s11, s29, $0xb8;
	[tilespmem:$0x1EF00] =	vst v63  }
0x242: {  	_ =	swait.ge [sflag:s25], $0x50  }
0x243: {  	[sflag:s25] =	ssyncset.done $0x0  }
0x244: {  	[sflag:s25] =	ssyncadd.s32 $0xFFFFFFB0  }
0x245: {  	[tilespmem:s30], [sflag:$0x1] =	stream.indirect.gather [hbm4b:s0+s29], $0x80, s12, s29, $0xb8;
	[tilespmem:$0x1EF00] =	vst v63  }
0x246: {  	_ =	swait.ge [sflag:s8], $0x2800  }
0x247: {  	[sflag:s8] =	ssyncset.done $0x0  }
0x248: {  	[sflag:s8] =	ssyncadd.s32 $0xFFFFD800  }
0x249: {  	[spmem:s3] =	stream.indirect.scatter.add.f32 [tilespmem:s1], [sflag:$0x4], $0x80, s13, s29, $0xb8;
	[tilespmem:$0x1EF00] =	vst v63  }
0x24a: {  	_ =	swait.ge [sflag:s25], $0x2800  }
0x24b: {  	[sflag:s25] =	ssyncset.done $0x0  }
0x24c: {  	[sflag:s25] =	ssyncadd.s32 $0xFFFFD800  }
0x24d: {  	[spmem:s4] =	stream.indirect.scatter.add.f32 [tilespmem:s26], [sflag:$0x4], $0x1, s13, s29, $0xb8;
	[tilespmem:$0x1EF00] =	vst v63  }
0x24e: {  	_ =	swait.ge [sflag:s25], $0x50  }
0x24f: {  	[sflag:s25] =	ssyncset.done $0x0  }
0x250: {  	[sflag:s25] =	ssyncadd.s32 $0xFFFFFFB0  }
0x251: {  	[tilespmem:s1], [sflag:$0x2] =	stream.indirect.gather [hbm4b:s0+s29], $0x80, s14, s29, $0xb8;
	[tilespmem:$0x1EF00] =	vst v63  }
0x252: {  	_ =	swait.ge [sflag:s10], $0x2800  }
0x253: {  	[sflag:s10] =	ssyncset.done $0x0  }
0x254: {  	[sflag:s10] =	ssyncadd.s32 $0xFFFFD800  }
0x255: {  	[spmem:s3] =	stream.indirect.scatter.add.f32 [tilespmem:s6], [sflag:$0x4], $0x80, s15, s29, $0xb8;
	[tilespmem:$0x1EF00] =	vst v63  }
0x256: {  	_ =	swait.ge [sflag:s25], $0x2800  }
0x257: {  	[sflag:s25] =	ssyncset.done $0x0  }
0x258: {  	[sflag:s25] =	ssyncadd.s32 $0xFFFFD800  }
0x259: {  	[spmem:s4] =	stream.indirect.scatter.add.f32 [tilespmem:s26], [sflag:$0x4], $0x1, s15, s29, $0xb8;
	[tilespmem:$0x1EF00] =	vst v63  }
0x25a: {  	_ =	swait.ge [sflag:s25], $0x50  }
0x25b: {  	[sflag:s25] =	ssyncset.done $0x0  }
0x25c: {  	[sflag:s25] =	ssyncadd.s32 $0xFFFFFFB0  }
0x25d: {  	_ =	swait.ge [sflag:s7], $0x2800  }
0x25e: {  	[sflag:s7] =	ssyncset.done $0x0  }
0x25f: {  	[sflag:s7] =	ssyncadd.s32 $0xFFFFD800  }
0x260: {  	[spmem:s3] =	stream.indirect.scatter.add.f32 [tilespmem:s30], [sflag:$0x4], $0x80, s16, s29, $0xb8;
	[tilespmem:$0x1EF00] =	vst v63  }
0x261: {  	_ =	swait.ge [sflag:s25], $0x2800  }
0x262: {  	[sflag:s25] =	ssyncset.done $0x0  }
0x263: {  	[sflag:s25] =	ssyncadd.s32 $0xFFFFD800  }
0x264: {  	[spmem:s4] =	stream.indirect.scatter.add.f32 [tilespmem:s26], [sflag:$0x4], $0x1, s16, s29, $0xb8;
	[tilespmem:$0x1EF00] =	vst v63  }
0x265: {  	_ =	swait.ge [sflag:s25], $0x50  }
0x266: {  	[sflag:s25] =	ssyncset.done $0x0  }
0x267: {  	[sflag:s25] =	ssyncadd.s32 $0xFFFFFFB0  }
0x268: {  	_ =	swait.ge [sflag:s8], $0x2800  }
0x269: {  	[sflag:s8] =	ssyncset.done $0x0  }
0x26a: {  	[sflag:s8] =	ssyncadd.s32 $0xFFFFD800  }
0x26b: {  	[spmem:s3] =	stream.indirect.scatter.add.f32 [tilespmem:s1], [sflag:$0x4], $0x80, s17, s29, $0xb8;
	[tilespmem:$0x1EF00] =	vst v63  }
0x26c: {  	_ =	swait.ge [sflag:s25], $0x2800  }
0x26d: {  	[sflag:s25] =	ssyncset.done $0x0  }
0x26e: {  	[sflag:s25] =	ssyncadd.s32 $0xFFFFD800  }
0x26f: {  	[spmem:s4] =	stream.indirect.scatter.add.f32 [tilespmem:s26], [sflag:$0x4], $0x1, s17, s29, $0xb8;
	[tilespmem:$0x1EF00] =	vst v63  }
0x270: {  	_ =	swait.ge [sflag:s25], $0x50  }
0x271: {  	[sflag:s25] =	ssyncset.done $0x0  }
0x272: {  	s21 =	simm.s32 $0x0;
	s23 =	rddreg [dreg:$0x16];
	[sflag:s25] =	ssyncadd.s32 $0xFFFFFFB0  }
0x273: {  	[tilespmem:s21], [sflag:$0x4] =	stream.linear.gather [hbm4b:s23+s21], $0x1900, $0x38;
	[tilespmem:$0x1EF00] =	vst v63  }
0x274: {  	_ =	swait.ge [sflag:s25], $0x1900  }
0x275: {  	[sflag:s25] =	ssyncset.done $0x0  }
0x276: {  	s23 =	rddreg [dreg:$0xf];
	[sflag:s25] =	ssyncadd.s32 $0xFFFFE700  }
0x277: {  	[tilespmem:s28], [sflag:$0x4] =	stream.linear.gather [hbm4b:s23+s21], $0x1900, $0x38;
	[tilespmem:$0x1EF00] =	vst v63  }
0x278: {  	_ =	swait.ge [sflag:s25], $0x1900  }
0x279: {  	[sflag:s25] =	ssyncset.done $0x0  }
0x27a: {  	[sflag:s25] =	ssyncadd.s32 $0xFFFFE700  }
0x27b: {  	[tilespmem:s30], [sflag:$0x1] =	stream.indirect.gather [hbm4b:s0+s29], $0x80, s21, s29, $0xb8;
	[tilespmem:$0x1EF00] =	vst v63  }
0x27c: {  	_ = 	snop  }
0x27d: {  	[tilespmem:s1], [sflag:$0x2] =	stream.indirect.gather [hbm4b:s0+s29], $0x80, s31, s29, $0xb8;
	[tilespmem:$0x1EF00] =	vst v63  }
0x27e: {  	_ = 	snop  }
0x27f: {  	[tilespmem:s6], [sflag:$0x3] =	stream.indirect.gather [hbm4b:s0+s29], $0x80, s2, s29, $0xb8;
	[tilespmem:$0x1EF00] =	vst v63  }
0x280: {  	_ =	swait.ge [sflag:s7], $0x2800  }
0x281: {  	[sflag:s7] =	ssyncset.done $0x0  }
0x282: {  	s23 =	simm.s32 $0x1C00;
	[sflag:s7] =	ssyncadd.s32 $0xFFFFD800  }
0x283: {  	[spmem:s3] =	stream.indirect.scatter.add.f32 [tilespmem:s30], [sflag:$0x4], $0x80, s23, s29, $0xb8;
	[tilespmem:$0x1EF00] =	vst v63  }
0x284: {  	_ =	swait.ge [sflag:s25], $0x2800  }
0x285: {  	[sflag:s25] =	ssyncset.done $0x0  }
0x286: {  	[sflag:s25] =	ssyncadd.s32 $0xFFFFD800  }
0x287: {  	[spmem:s4] =	stream.indirect.scatter.add.f32 [tilespmem:s26], [sflag:$0x4], $0x1, s23, s29, $0xb8;
	[tilespmem:$0x1EF00] =	vst v63  }
0x288: {  	_ =	swait.ge [sflag:s25], $0x50  }
0x289: {  	[sflag:s25] =	ssyncset.done $0x0  }
0x28a: {  	s22 =	simm.s32 $0x180;
	[sflag:s25] =	ssyncadd.s32 $0xFFFFFFB0  }
0x28b: {  	[tilespmem:s30], [sflag:$0x1] =	stream.indirect.gather [hbm4b:s0+s29], $0x80, s22, s29, $0xb8;
	[tilespmem:$0x1EF00] =	vst v63  }
0x28c: {  	_ =	swait.ge [sflag:s8], $0x2800  }
0x28d: {  	[sflag:s8] =	ssyncset.done $0x0  }
0x28e: {  	s23 =	simm.s32 $0x1C80;
	[sflag:s8] =	ssyncadd.s32 $0xFFFFD800  }
0x28f: {  	[spmem:s3] =	stream.indirect.scatter.add.f32 [tilespmem:s1], [sflag:$0x4], $0x80, s23, s29, $0xb8;
	[tilespmem:$0x1EF00] =	vst v63  }
0x290: {  	_ =	swait.ge [sflag:s25], $0x2800  }
0x291: {  	[sflag:s25] =	ssyncset.done $0x0  }
0x292: {  	[sflag:s25] =	ssyncadd.s32 $0xFFFFD800  }
0x293: {  	[spmem:s4] =	stream.indirect.scatter.add.f32 [tilespmem:s26], [sflag:$0x4], $0x1, s23, s29, $0xb8;
	[tilespmem:$0x1EF00] =	vst v63  }
0x294: {  	_ =	swait.ge [sflag:s25], $0x50  }
0x295: {  	[sflag:s25] =	ssyncset.done $0x0  }
0x296: {  	s22 =	simm.s32 $0x200;
	[sflag:s25] =	ssyncadd.s32 $0xFFFFFFB0  }
0x297: {  	[tilespmem:s1], [sflag:$0x2] =	stream.indirect.gather [hbm4b:s0+s29], $0x80, s22, s29, $0xb8;
	[tilespmem:$0x1EF00] =	vst v63  }
0x298: {  	_ =	swait.ge [sflag:s10], $0x2800  }
0x299: {  	[sflag:s10] =	ssyncset.done $0x0  }
0x29a: {  	s23 =	simm.s32 $0x1D00;
	[sflag:s10] =	ssyncadd.s32 $0xFFFFD800  }
0x29b: {  	[spmem:s3] =	stream.indirect.scatter.add.f32 [tilespmem:s6], [sflag:$0x4], $0x80, s23, s29, $0xb8;
	[tilespmem:$0x1EF00] =	vst v63  }
0x29c: {  	_ =	swait.ge [sflag:s25], $0x2800  }
0x29d: {  	[sflag:s25] =	ssyncset.done $0x0  }
0x29e: {  	[sflag:s25] =	ssyncadd.s32 $0xFFFFD800  }
0x29f: {  	[spmem:s4] =	stream.indirect.scatter.add.f32 [tilespmem:s26], [sflag:$0x4], $0x1, s23, s29, $0xb8;
	[tilespmem:$0x1EF00] =	vst v63  }
0x2a0: {  	_ =	swait.ge [sflag:s25], $0x50  }
0x2a1: {  	[sflag:s25] =	ssyncset.done $0x0  }
0x2a2: {  	s21 =	simm.s32 $0x600;
	s22 =	simm.s32 $0x280;
	[sflag:s25] =	ssyncadd.s32 $0xFFFFFFB0  }
.LBB2_10:
0x2a3: {  	[tilespmem:s6], [sflag:$0x3] =	stream.indirect.gather [hbm4b:s0+s29], $0x80, s22, s29, $0xb8;
	[tilespmem:$0x1EF00] =	vst v63  }
0x2a4: {  	s22 =	smov.u32 s21  }
0x2a5: {  	p0 =	sne.s32 s21, $0x5400;
	s21 =	sadd.s32 $0x600, s21;
	_ =	swait.ge [sflag:s7], $0x2800  }
0x2a6: {  	s22 =	sshra.s32 s22, $0x2;
	[sflag:s7] =	ssyncset.done $0x0  }
0x2a7: {  	s23 =	sadd.s32 $0x1C00, s22;
	[sflag:s7] =	ssyncadd.s32 $0xFFFFD800  }
0x2a8: {  	[spmem:s3] =	stream.indirect.scatter.add.f32 [tilespmem:s30], [sflag:$0x4], $0x80, s23, s29, $0xb8;
	[tilespmem:$0x1EF00] =	vst v63  }
0x2a9: {  	_ =	swait.ge [sflag:s25], $0x2800  }
0x2aa: {  	[sflag:s25] =	ssyncset.done $0x0  }
0x2ab: {  	[sflag:s25] =	ssyncadd.s32 $0xFFFFD800  }
0x2ac: {  	[spmem:s4] =	stream.indirect.scatter.add.f32 [tilespmem:s26], [sflag:$0x4], $0x1, s23, s29, $0xb8;
	[tilespmem:$0x1EF00] =	vst v63  }
0x2ad: {  	_ =	swait.ge [sflag:s25], $0x50  }
0x2ae: {  	[sflag:s25] =	ssyncset.done $0x0  }
0x2af: {  	s23 =	sadd.s32 $0x180, s22;
	[sflag:s25] =	ssyncadd.s32 $0xFFFFFFB0  }
0x2b0: {  	[tilespmem:s30], [sflag:$0x1] =	stream.indirect.gather [hbm4b:s0+s29], $0x80, s23, s29, $0xb8;
	[tilespmem:$0x1EF00] =	vst v63  }
0x2b1: {  	_ =	swait.ge [sflag:s8], $0x2800  }
0x2b2: {  	[sflag:s8] =	ssyncset.done $0x0  }
0x2b3: {  	s23 =	sadd.s32 $0x1C80, s22;
	[sflag:s8] =	ssyncadd.s32 $0xFFFFD800  }
0x2b4: {  	[spmem:s3] =	stream.indirect.scatter.add.f32 [tilespmem:s1], [sflag:$0x4], $0x80, s23, s29, $0xb8;
	[tilespmem:$0x1EF00] =	vst v63  }
0x2b5: {  	_ =	swait.ge [sflag:s25], $0x2800  }
0x2b6: {  	[sflag:s25] =	ssyncset.done $0x0  }
0x2b7: {  	[sflag:s25] =	ssyncadd.s32 $0xFFFFD800  }
0x2b8: {  	[spmem:s4] =	stream.indirect.scatter.add.f32 [tilespmem:s26], [sflag:$0x4], $0x1, s23, s29, $0xb8;
	[tilespmem:$0x1EF00] =	vst v63  }
0x2b9: {  	_ =	swait.ge [sflag:s25], $0x50  }
0x2ba: {  	[sflag:s25] =	ssyncset.done $0x0  }
0x2bb: {  	s23 =	sadd.s32 $0x200, s22;
	[sflag:s25] =	ssyncadd.s32 $0xFFFFFFB0  }
0x2bc: {  	[tilespmem:s1], [sflag:$0x2] =	stream.indirect.gather [hbm4b:s0+s29], $0x80, s23, s29, $0xb8;
	[tilespmem:$0x1EF00] =	vst v63  }
0x2bd: {  	_ =	swait.ge [sflag:s10], $0x2800  }
0x2be: {  	[sflag:s10] =	ssyncset.done $0x0  }
0x2bf: {  	s23 =	sadd.s32 $0x1D00, s22;
	[sflag:s10] =	ssyncadd.s32 $0xFFFFD800  }
0x2c0: {  	[spmem:s3] =	stream.indirect.scatter.add.f32 [tilespmem:s6], [sflag:$0x4], $0x80, s23, s29, $0xb8;
	[tilespmem:$0x1EF00] =	vst v63  }
0x2c1: {  	_ =	swait.ge [sflag:s25], $0x2800  }
0x2c2: {  	[sflag:s25] =	ssyncset.done $0x0  }
.Ltmp4:
0x2c3: {  	[sflag:s25] =	ssyncadd.s32 $0xFFFFD800;
	(pc) =	sbr.rel @p0 .LBB2_10-.Ltmp4, $4  }
0x2c4: {  	[spmem:s4] =	stream.indirect.scatter.add.f32 [tilespmem:s26], [sflag:$0x4], $0x1, s23, s29, $0xb8;
	[tilespmem:$0x1EF00] =	vst v63  }
0x2c5: {  	_ =	swait.ge [sflag:s25], $0x50  }
0x2c6: {  	[sflag:s25] =	ssyncset.done $0x0  }
0x2c7: {  	s22 =	sadd.s32 $0x280, s22;
	[sflag:s25] =	ssyncadd.s32 $0xFFFFFFB0  }
0x2c8: {  	[tilespmem:s6], [sflag:$0x3] =	stream.indirect.gather [hbm4b:s0+s29], $0x80, s22, s29, $0xb8;
	[tilespmem:$0x1EF00] =	vst v63  }
0x2c9: {  	_ =	swait.ge [sflag:s7], $0x2800  }
0x2ca: {  	[sflag:s7] =	ssyncset.done $0x0  }
0x2cb: {  	[sflag:s7] =	ssyncadd.s32 $0xFFFFD800  }
0x2cc: {  	[spmem:s3] =	stream.indirect.scatter.add.f32 [tilespmem:s30], [sflag:$0x4], $0x80, s11, s29, $0xb8;
	[tilespmem:$0x1EF00] =	vst v63  }
0x2cd: {  	_ =	swait.ge [sflag:s25], $0x2800  }
0x2ce: {  	[sflag:s25] =	ssyncset.done $0x0  }
0x2cf: {  	[sflag:s25] =	ssyncadd.s32 $0xFFFFD800  }
0x2d0: {  	[spmem:s4] =	stream.indirect.scatter.add.f32 [tilespmem:s26], [sflag:$0x4], $0x1, s11, s29, $0xb8;
	[tilespmem:$0x1EF00] =	vst v63  }
0x2d1: {  	_ =	swait.ge [sflag:s25], $0x50  }
0x2d2: {  	[sflag:s25] =	ssyncset.done $0x0  }
0x2d3: {  	[sflag:s25] =	ssyncadd.s32 $0xFFFFFFB0  }
0x2d4: {  	[tilespmem:s30], [sflag:$0x1] =	stream.indirect.gather [hbm4b:s0+s29], $0x80, s12, s29, $0xb8;
	[tilespmem:$0x1EF00] =	vst v63  }
0x2d5: {  	_ =	swait.ge [sflag:s8], $0x2800  }
0x2d6: {  	[sflag:s8] =	ssyncset.done $0x0  }
0x2d7: {  	[sflag:s8] =	ssyncadd.s32 $0xFFFFD800  }
0x2d8: {  	[spmem:s3] =	stream.indirect.scatter.add.f32 [tilespmem:s1], [sflag:$0x4], $0x80, s13, s29, $0xb8;
	[tilespmem:$0x1EF00] =	vst v63  }
0x2d9: {  	_ =	swait.ge [sflag:s25], $0x2800  }
0x2da: {  	[sflag:s25] =	ssyncset.done $0x0  }
0x2db: {  	[sflag:s25] =	ssyncadd.s32 $0xFFFFD800  }
0x2dc: {  	[spmem:s4] =	stream.indirect.scatter.add.f32 [tilespmem:s26], [sflag:$0x4], $0x1, s13, s29, $0xb8;
	[tilespmem:$0x1EF00] =	vst v63  }
0x2dd: {  	_ =	swait.ge [sflag:s25], $0x50  }
0x2de: {  	[sflag:s25] =	ssyncset.done $0x0  }
0x2df: {  	[sflag:s25] =	ssyncadd.s32 $0xFFFFFFB0  }
0x2e0: {  	[tilespmem:s1], [sflag:$0x2] =	stream.indirect.gather [hbm4b:s0+s29], $0x80, s14, s29, $0xb8;
	[tilespmem:$0x1EF00] =	vst v63  }
0x2e1: {  	_ =	swait.ge [sflag:s10], $0x2800  }
0x2e2: {  	[sflag:s10] =	ssyncset.done $0x0  }
0x2e3: {  	[sflag:s10] =	ssyncadd.s32 $0xFFFFD800  }
0x2e4: {  	[spmem:s3] =	stream.indirect.scatter.add.f32 [tilespmem:s6], [sflag:$0x4], $0x80, s15, s29, $0xb8;
	[tilespmem:$0x1EF00] =	vst v63  }
0x2e5: {  	_ =	swait.ge [sflag:s25], $0x2800  }
0x2e6: {  	[sflag:s25] =	ssyncset.done $0x0  }
0x2e7: {  	[sflag:s25] =	ssyncadd.s32 $0xFFFFD800  }
0x2e8: {  	[spmem:s4] =	stream.indirect.scatter.add.f32 [tilespmem:s26], [sflag:$0x4], $0x1, s15, s29, $0xb8;
	[tilespmem:$0x1EF00] =	vst v63  }
0x2e9: {  	_ =	swait.ge [sflag:s25], $0x50  }
0x2ea: {  	[sflag:s25] =	ssyncset.done $0x0  }
0x2eb: {  	[sflag:s25] =	ssyncadd.s32 $0xFFFFFFB0  }
0x2ec: {  	_ =	swait.ge [sflag:s7], $0x2800  }
0x2ed: {  	[sflag:s7] =	ssyncset.done $0x0  }
0x2ee: {  	[sflag:s7] =	ssyncadd.s32 $0xFFFFD800  }
0x2ef: {  	[spmem:s3] =	stream.indirect.scatter.add.f32 [tilespmem:s30], [sflag:$0x4], $0x80, s16, s29, $0xb8;
	[tilespmem:$0x1EF00] =	vst v63  }
0x2f0: {  	_ =	swait.ge [sflag:s25], $0x2800  }
0x2f1: {  	[sflag:s25] =	ssyncset.done $0x0  }
0x2f2: {  	[sflag:s25] =	ssyncadd.s32 $0xFFFFD800  }
0x2f3: {  	[spmem:s4] =	stream.indirect.scatter.add.f32 [tilespmem:s26], [sflag:$0x4], $0x1, s16, s29, $0xb8;
	[tilespmem:$0x1EF00] =	vst v63  }
0x2f4: {  	_ =	swait.ge [sflag:s25], $0x50  }
0x2f5: {  	[sflag:s25] =	ssyncset.done $0x0  }
0x2f6: {  	[sflag:s25] =	ssyncadd.s32 $0xFFFFFFB0  }
0x2f7: {  	_ =	swait.ge [sflag:s8], $0x2800  }
0x2f8: {  	[sflag:s8] =	ssyncset.done $0x0  }
0x2f9: {  	[sflag:s8] =	ssyncadd.s32 $0xFFFFD800  }
0x2fa: {  	[spmem:s3] =	stream.indirect.scatter.add.f32 [tilespmem:s1], [sflag:$0x4], $0x80, s17, s29, $0xb8;
	[tilespmem:$0x1EF00] =	vst v63  }
0x2fb: {  	_ =	swait.ge [sflag:s25], $0x2800  }
0x2fc: {  	[sflag:s25] =	ssyncset.done $0x0  }
0x2fd: {  	[sflag:s25] =	ssyncadd.s32 $0xFFFFD800  }
0x2fe: {  	[spmem:s4] =	stream.indirect.scatter.add.f32 [tilespmem:s26], [sflag:$0x4], $0x1, s17, s29, $0xb8;
	[tilespmem:$0x1EF00] =	vst v63  }
0x2ff: {  	_ =	swait.ge [sflag:s25], $0x50  }
0x300: {  	[sflag:s25] =	ssyncset.done $0x0  }
0x301: {  	[sflag:s25] =	ssyncadd.s32 $0xFFFFFFB0  }
0x302: {  	[bflag:$0x0] =	sbarrier.arrive $0xFFFF  }
0x303: {  	s21 =	rddreg [dreg:$0x14]  }
0x304: {  	[hbm:s21], [sflag:s9] =	dma.local [spmem:s19], $0x2780  }
0x305: {  	s18 =	sadd.s32 $0x1, s18;
	_ =	swait.ge [sflag:s25], $0x2780  }
0x306: {  	p0 =	sne.s32 s18, s24;
	[sflag:s25] =	ssyncset.done $0x0  }
.Ltmp5:
0x307: {  	s23 =	rddreg [dreg:$0x17];
	[sflag:s25] =	ssyncadd.s32 $0xFFFFD880;
	(pc) =	sbr.rel @p0 .LBB2_1-.Ltmp5, $4  }
0x308: {  	[hbm:s23], [sflag:s9] =	dma.local [spmem:s20], $0x50  }
0x309: {  	_ =	swait.ge [sflag:s25], $0x50  }
0x30a: {  	[sflag:s25] =	ssyncset.done $0x0  }
0x30b: {  	[sflag:s25] =	ssyncadd.s32 $0xFFFFFFB0  }
0x30c: {  	_ =	sfence.sel $0x180000  }
0x30d: {  	[bflag:$0x0] =	sbarrier.arrive $0xFFFF  }
0x30e: {  	_ =	strace $0x90000047  }
0x30f: {  	s0 =	stileid.u32;
	[bflag:$0x2] =	sbarrier.arrive $0xFFFF  }
0x310: {  	p0 =	sne.s32 s0, $0x0;
	s0 =	rddreg [dreg:$0x6]  }
0x311: {  	s0 =	sadd.s32 @!p0 $0x100000, s0  }
0x312: {  	[sflag:s0] =	ssyncadd.tile.s32 @!p0 $0x1;
	_ =	shalt  }
.Lfunc_end2:
_tile_overlayer_lowered:
.L_overlay_start_2:
0x313: {  	(tag) =	ssettag $0x2  }
0x314: {  	s0 =	rddreg [dreg:$0x0];
	s2 =	stileid.u32  }
0x315: {  	s1 =	rddreg [dreg:$0x1];
	p0 =	sne.s32 s2, $0x0  }
0x316: {  	s3 =	rddreg [dreg:$0x2];
	[bflag:$0x3] =	sbarrier.arrive $0xFFFF;
	s2 =	simm.s32 @!p0 $0x1C04  }
0x317: {  	[timem:s3], [sflag:s2] =	dma.local @!p0 [hbm:s0], s1  }
0x318: {  	s0 =	simm.s32 @!p0 $0x4  }
0x319: {  	_ =	swait.ge @!p0 [sflag:s0], s1  }
0x31a: {  	s1 =	ssub.s32 @!p0 $0x0, s1;
	[sflag:s0] =	ssyncset.done @!p0 $0x0  }
0x31b: {  	[sflag:s0] =	ssyncadd.s32 @!p0 s1  }
0x31c: {  	[bflag:$0x3] =	sbarrier.arrive $0xFFFF  }
0x31d: {  	_ =	shalt  }

</sc_bundles>
